<compile_context>
chip_gen: v7x
topology: tpu7x:2x2x1
jax: 0.10.2.dev20260603
libtpu: 0.0.44.dev20260713+nightly
codegen_flags: <defaults>
</compile_context>

<pallas_src>
import functools
import jax
import jax.numpy as jnp
from jax import lax
from jax.experimental import pallas as pl
from jax.experimental.pallas import tpu as pltpu
from jax.experimental.pallas import tpu_sc as plsc

EPS = 1e-6
B = 16384
C = 24
NW = 32
TB = B // NW
L = 16
CHUNKS = TB // L
NPV = 7

_mesh = plsc.VectorSubcoreMesh(core_axis_name="c", subcore_axis_name="s")




@functools.partial(
    pl.kernel,
    mesh=_mesh,
    out_type=jax.ShapeDtypeStruct((NW, C, TB), jnp.float32),
    scratch_types=[
        pltpu.VMEM((C, TB), jnp.float32),
        pltpu.VMEM((C, TB), jnp.float32),
        pltpu.VMEM((NPV, L), jnp.float32),
        pltpu.SemaphoreType.DMA,
        pltpu.SemaphoreType.DMA,
    ],
)
def _bayes_fwd(ev_hbm, par_hbm, out_hbm, ev_v, out_v, par_v, sem_in, sem_out):
    wid = lax.axis_index("s") * 2 + lax.axis_index("c")

    H = TB // 2
    in0 = pltpu.async_copy(
        ev_hbm.at[wid, :, pl.ds(0, H)], ev_v.at[:, pl.ds(0, H)], sem_in)
    in1 = pltpu.async_copy(
        ev_hbm.at[wid, :, pl.ds(H, H)], ev_v.at[:, pl.ds(H, H)], sem_in)
    pltpu.sync_copy(par_hbm, par_v)

    def apply_ev(ev, m):
        return jnp.where(ev >= 0.0, jnp.minimum(ev, 1.0) + EPS, m)

    def clip01(x):
        return jnp.minimum(jnp.maximum(x, EPS), 1.0 - EPS)

    def chunk_body(i, carry):
        sl = pl.ds(i * L, L)
        pk = [par_v[t] for t in range(NPV)]

        def P(k):
            idx = jnp.broadcast_to(jnp.int32(k % L), (L,))
            return jnp.take_along_axis(pk[k // L], idx, axis=0)

        p = [apply_ev(ev_v[j, sl], P(j)) for j in range(8)]
        a = [clip01(x) for x in p]

        q = []
        for n in range(8):
            c0, c1, c2, c3 = (P(8 + 4 * n + t) for t in range(4))
            x, y = a[n], a[(n + 1) % 8]
            m = c0 + c1 * x + c2 * y + c3 * (x * y)
            q.append(apply_ev(ev_v[8 + n, sl], m))
        b = [clip01(x) for x in q]

        r = []
        for n in range(8):
            d = [P(40 + 8 * n + t) for t in range(8)]
            x, y, z = b[n], b[(n + 1) % 8], b[(n + 2) % 8]
            xy = x * y
            u = d[0] + d[1] * x + d[2] * y + d[4] * xy
            v = d[3] + d[5] * x + d[6] * y + d[7] * xy
            r.append(apply_ev(ev_v[16 + n, sl], u + v * z))

        for j, col in enumerate(p + q + r):
            out_v[j, sl] = col
        return carry

    in0.wait()
    lax.fori_loop(0, CHUNKS // 2, chunk_body, 0)
    out0 = pltpu.async_copy(
        out_v.at[:, pl.ds(0, H)], out_hbm.at[wid, :, pl.ds(0, H)], sem_out)
    in1.wait()
    lax.fori_loop(CHUNKS // 2, CHUNKS, chunk_body, 0)
    out1 = pltpu.async_copy(
        out_v.at[:, pl.ds(H, H)], out_hbm.at[wid, :, pl.ds(H, H)], sem_out)
    out0.wait()
    out1.wait()


def _coefficients(logits_roots, logits_l2, logits_l3):
    pr = jax.nn.sigmoid(logits_roots.astype(jnp.float32))[:, 0]
    s2 = jax.nn.sigmoid(logits_l2.astype(jnp.float32))
    s3 = jax.nn.sigmoid(logits_l3.astype(jnp.float32))
    c = jnp.stack([
        s2[:, 0],
        s2[:, 2] - s2[:, 0],
        s2[:, 1] - s2[:, 0],
        s2[:, 3] - s2[:, 2] - s2[:, 1] + s2[:, 0],
    ], axis=1)
    d = jnp.stack([
        s3[:, 0],
        s3[:, 4] - s3[:, 0],
        s3[:, 2] - s3[:, 0],
        s3[:, 1] - s3[:, 0],
        s3[:, 6] - s3[:, 4] - s3[:, 2] + s3[:, 0],
        s3[:, 5] - s3[:, 4] - s3[:, 1] + s3[:, 0],
        s3[:, 3] - s3[:, 2] - s3[:, 1] + s3[:, 0],
        s3[:, 7] - s3[:, 6] - s3[:, 5] - s3[:, 3]
        + s3[:, 4] + s3[:, 2] + s3[:, 1] - s3[:, 0],
    ], axis=1)
    flat = jnp.concatenate([pr, c.reshape(-1), d.reshape(-1)])
    return jnp.pad(flat, (0, NPV * L - flat.shape[0])).reshape(NPV, L)


def kernel(evidence, logits_roots, logits_l2, logits_l3):
    par = _coefficients(logits_roots, logits_l2, logits_l3)
    ev_tiled = evidence.reshape(NW, TB, C).transpose(0, 2, 1)
    out = _bayes_fwd(ev_tiled, par)
    return out.transpose(0, 2, 1).reshape(B, C)

# --- scband reference (transcript-rebuilt; emitter-appended) ---
"""Pipeline reference for scband-bayesian-torch-model-37022618092111 (READ-ONLY COPY).

The authoritative reference and input builder live on the scoring server;
editing this copy changes nothing except your own understanding.
"""

import jax, jax.numpy as jnp
import numpy as np
from jax.scipy.special import logsumexp

EPS = 1e-6
PARENTS_L2 = [[i, (i + 1) % 8] for i in range(8)]
PARENTS_L3 = [[8 + i, 8 + (i + 1) % 8, 8 + (i + 2) % 8] for i in range(8)]


def configs_matrix(k):
    ints = jnp.arange(1 << k)
    return ((ints[:, None] >> jnp.arange(k - 1, -1, -1)[None, :]) & 1).astype(jnp.float32)


def _apply_evidence(lm, ev_col):
    mask = ev_col >= 0.0
    vals = jnp.clip(ev_col, 0.0, 1.0)
    return jnp.where(mask, jnp.log(vals + EPS), lm)


def _node_marginal(cols, pidx, logit):
    min_val = jnp.log(jnp.float32(EPS))
    max_val = jnp.log(jnp.float32(1.0 - EPS))
    plp = jnp.stack([cols[p] for p in pidx], axis=1)
    plp = jnp.clip(plp, min_val, max_val)
    configs = configs_matrix(len(pidx))
    log1m = jnp.log1p(-jnp.clip(jnp.exp(plp), None, 1.0 - EPS))
    lg = configs[None, :, :] * plp[:, None, :] + (1.0 - configs[None, :, :]) * log1m[:, None, :]
    log_prod = jnp.sum(lg, axis=2)
    log_p_cpt = jax.nn.log_sigmoid(logit)
    return logsumexp(log_prod + log_p_cpt[None, :], axis=1)


def _forward(evidence, logits_roots, logits_l2, logits_l3):
    B = evidence.shape[0]
    cols = []
    for i in range(8):
        log_p = jax.nn.log_sigmoid(logits_roots[i])
        lm = jnp.broadcast_to(log_p[0], (B,))
        cols.append(_apply_evidence(lm, evidence[:, i]))
    for i in range(8):
        lm = _node_marginal(cols, PARENTS_L2[i], logits_l2[i])
        cols.append(_apply_evidence(lm, evidence[:, 8 + i]))
    for i in range(8):
        lm = _node_marginal(cols, PARENTS_L3[i], logits_l3[i])
        cols.append(_apply_evidence(lm, evidence[:, 16 + i]))
    return jnp.exp(jnp.stack(cols, axis=1))


def setup_inputs(seed: int = 0) -> dict:
    key = jax.random.key(seed)
    k1, k2, k3, k4 = jax.random.split(key, 4)
    p_r = jax.random.uniform(k1, (8, 1)) * 0.8 + 0.1
    p_2 = jax.random.uniform(k2, (8, 4)) * 0.8 + 0.1
    p_3 = jax.random.uniform(k3, (8, 8)) * 0.8 + 0.1
    return {
        "evidence": jax.random.normal(k4, (16384, 24), dtype=jnp.float32),
        "logits_roots": jnp.log(p_r / (1.0 - p_r)),
        "logits_l2": jnp.log(p_2 / (1.0 - p_2)),
        "logits_l3": jnp.log(p_3 / (1.0 - p_3)),
    }


def reference(evidence, logits_roots, logits_l2, logits_l3):
    return _forward(evidence, logits_roots, logits_l2, logits_l3)

if __name__ == "__main__":
    import jax
    _d = setup_inputs()
    print(jax.jit(kernel)(*tuple(_d.values())))

</pallas_src>

<mosaic_0001>
#map = affine_map<(d0, d1) -> (0, 0, 0)>
#map1 = affine_map<(d0, d1) -> (0, 0)>
module attributes {stable_mosaic.version = 14 : i64} {
  func.func @_bayes_fwd(%arg0: i32, %arg1: i32, %arg2: memref<32x24x512xf32, #tpu.memory_space<hbm>>, %arg3: memref<7x16xf32, #tpu.memory_space<hbm>>, %arg4: memref<32x24x512xf32, #tpu.memory_space<hbm>>, %arg5: memref<24x512xf32, #tpu.memory_space<vmem>>, %arg6: memref<24x512xf32, #tpu.memory_space<vmem>>, %arg7: memref<7x16xf32, #tpu.memory_space<vmem>>, %arg8: memref<!tpu.dma_semaphore, #tpu.memory_space<semaphore_mem>>, %arg9: memref<!tpu.dma_semaphore, #tpu.memory_space<semaphore_mem>>) attributes {dimension_semantics = [#tpu.dimension_semantics<core_parallel>, #tpu.dimension_semantics<subcore_parallel>], iteration_bounds = array<i64: 2, 16>, scalar_prefetch = 0 : i64, scratch_operands = 5 : i64, tpu.core_type = #tpu.core_type<sc_vector_subcore>, window_params = [{transform_indices = #map}, {transform_indices = #map1}, {transform_indices = #map}]} {
    %mul3A = arith.constant 2 : i32
    %mul3A_0 = arith.muli %arg1, %mul3A : i32
    %add3A = arith.addi %mul3A_0, %arg0 : i32
    %dma_start3A = arith.constant 0 : i32
    %dma_start3A_1 = arith.constant 0 : i32
    %dma_start3A_2 = tpu.memref_slice %arg5[%dma_start3A, %dma_start3A_1] : memref<24x512xf32, #tpu.memory_space<vmem>> -> memref<24x256xf32, #tpu.memory_space<vmem>>
    %dma_start3A_3 = arith.constant 0 : i32
    %dma_start3A_4 = arith.constant 0 : i32
    %dma_start3A_5 = tpu.memref_slice %arg2[%add3A, %dma_start3A_3, %dma_start3A_4] : memref<32x24x512xf32, #tpu.memory_space<hbm>> -> memref<1x24x256xf32, #tpu.memory_space<hbm>>
    %dma_start3A_6 = tpu.memref_squeeze %dma_start3A_5 : memref<1x24x256xf32, #tpu.memory_space<hbm>> -> memref<24x256xf32, #tpu.memory_space<hbm>>
    %dma_start3A_7 = arith.constant 0 : i32
    %dma_start3A_8 = arith.constant 0 : i32
    %dma_start3A_9 = tpu.memref_slice %arg5[%dma_start3A_7, %dma_start3A_8] : memref<24x512xf32, #tpu.memory_space<vmem>> -> memref<24x256xf32, #tpu.memory_space<vmem>>
    %dma_start3A_10 = arith.constant 0 : i32
    %dma_start3A_11 = arith.constant 0 : i32
    %dma_start3A_12 = tpu.memref_slice %arg2[%add3A, %dma_start3A_10, %dma_start3A_11] : memref<32x24x512xf32, #tpu.memory_space<hbm>> -> memref<1x24x256xf32, #tpu.memory_space<hbm>>
    %dma_start3A_13 = tpu.memref_squeeze %dma_start3A_12 : memref<1x24x256xf32, #tpu.memory_space<hbm>> -> memref<24x256xf32, #tpu.memory_space<hbm>>
    tpu.enqueue_dma source(%dma_start3A_13 : memref<24x256xf32, #tpu.memory_space<hbm>>) target(%dma_start3A_9 : memref<24x256xf32, #tpu.memory_space<vmem>>) target_semaphore(%arg8 : memref<!tpu.dma_semaphore, #tpu.memory_space<semaphore_mem>>)
    %dma_start3A_14 = arith.constant 0 : i32
    %dma_start3A_15 = arith.constant 256 : i32
    %dma_start3A_16 = tpu.memref_slice %arg5[%dma_start3A_14, %dma_start3A_15] : memref<24x512xf32, #tpu.memory_space<vmem>> -> memref<24x256xf32, #tpu.memory_space<vmem>>
    %dma_start3A_17 = arith.constant 0 : i32
    %dma_start3A_18 = arith.constant 256 : i32
    %dma_start3A_19 = tpu.memref_slice %arg2[%add3A, %dma_start3A_17, %dma_start3A_18] : memref<32x24x512xf32, #tpu.memory_space<hbm>> -> memref<1x24x256xf32, #tpu.memory_space<hbm>>
    %dma_start3A_20 = tpu.memref_squeeze %dma_start3A_19 : memref<1x24x256xf32, #tpu.memory_space<hbm>> -> memref<24x256xf32, #tpu.memory_space<hbm>>
    %dma_start3A_21 = arith.constant 0 : i32
    %dma_start3A_22 = arith.constant 256 : i32
    %dma_start3A_23 = tpu.memref_slice %arg5[%dma_start3A_21, %dma_start3A_22] : memref<24x512xf32, #tpu.memory_space<vmem>> -> memref<24x256xf32, #tpu.memory_space<vmem>>
    %dma_start3A_24 = arith.constant 0 : i32
    %dma_start3A_25 = arith.constant 256 : i32
    %dma_start3A_26 = tpu.memref_slice %arg2[%add3A, %dma_start3A_24, %dma_start3A_25] : memref<32x24x512xf32, #tpu.memory_space<hbm>> -> memref<1x24x256xf32, #tpu.memory_space<hbm>>
    %dma_start3A_27 = tpu.memref_squeeze %dma_start3A_26 : memref<1x24x256xf32, #tpu.memory_space<hbm>> -> memref<24x256xf32, #tpu.memory_space<hbm>>
    tpu.enqueue_dma source(%dma_start3A_27 : memref<24x256xf32, #tpu.memory_space<hbm>>) target(%dma_start3A_23 : memref<24x256xf32, #tpu.memory_space<vmem>>) target_semaphore(%arg8 : memref<!tpu.dma_semaphore, #tpu.memory_space<semaphore_mem>>)
    "tpu.region"() ({
      %run_scoped3A = tpu.sem_alloc : memref<!tpu.dma_semaphore, #tpu.memory_space<semaphore_mem>>
      tpu.enqueue_dma source(%arg3 : memref<7x16xf32, #tpu.memory_space<hbm>>) target(%arg7 : memref<7x16xf32, #tpu.memory_space<vmem>>) target_semaphore(%run_scoped3A : memref<!tpu.dma_semaphore, #tpu.memory_space<semaphore_mem>>)
      tpu.wait_dma2 semaphore(%run_scoped3A : memref<!tpu.dma_semaphore, #tpu.memory_space<semaphore_mem>>) src(%arg3 : memref<7x16xf32, #tpu.memory_space<hbm>>) dst(%arg7 : memref<7x16xf32, #tpu.memory_space<vmem>>)
      tpu.yield
    }) : () -> ()
    %dma_wait3A = arith.constant 0 : i32
    %dma_wait3A_28 = arith.constant 0 : i32
    %dma_wait3A_29 = tpu.memref_slice %arg5[%dma_wait3A, %dma_wait3A_28] : memref<24x512xf32, #tpu.memory_space<vmem>> -> memref<24x256xf32, #tpu.memory_space<vmem>>
    %dma_wait3A_30 = arith.constant 0 : i32
    %dma_wait3A_31 = arith.constant 0 : i32
    %dma_wait3A_32 = tpu.memref_slice %arg2[%add3A, %dma_wait3A_30, %dma_wait3A_31] : memref<32x24x512xf32, #tpu.memory_space<hbm>> -> memref<1x24x256xf32, #tpu.memory_space<hbm>>
    %dma_wait3A_33 = tpu.memref_squeeze %dma_wait3A_32 : memref<1x24x256xf32, #tpu.memory_space<hbm>> -> memref<24x256xf32, #tpu.memory_space<hbm>>
    %dma_wait3A_34 = arith.constant 0 : i32
    %dma_wait3A_35 = arith.constant 0 : i32
    %dma_wait3A_36 = tpu.memref_slice %arg5[%dma_wait3A_34, %dma_wait3A_35] : memref<24x512xf32, #tpu.memory_space<vmem>> -> memref<24x256xf32, #tpu.memory_space<vmem>>
    %dma_wait3A_37 = arith.constant 0 : i32
    %dma_wait3A_38 = arith.constant 0 : i32
    %dma_wait3A_39 = tpu.memref_slice %arg2[%add3A, %dma_wait3A_37, %dma_wait3A_38] : memref<32x24x512xf32, #tpu.memory_space<hbm>> -> memref<1x24x256xf32, #tpu.memory_space<hbm>>
    %dma_wait3A_40 = tpu.memref_squeeze %dma_wait3A_39 : memref<1x24x256xf32, #tpu.memory_space<hbm>> -> memref<24x256xf32, #tpu.memory_space<hbm>>
    tpu.wait_dma2 semaphore(%arg8 : memref<!tpu.dma_semaphore, #tpu.memory_space<semaphore_mem>>) src(%dma_wait3A_40 : memref<24x256xf32, #tpu.memory_space<hbm>>) dst(%dma_wait3A_36 : memref<24x256xf32, #tpu.memory_space<vmem>>)
    %scan3A = arith.constant 0 : i32
    %scan3A_41 = arith.constant 0 : i32
    %scan3A_42 = arith.constant 16 : i32
    %scan3A_43 = arith.addi %scan3A_41, %scan3A_42 : i32
    %scan3A_44 = arith.constant 1 : i32
    scf.for %scan3A_122 = %scan3A_41 to %scan3A_43 step %scan3A_44  : i32 {
      %mul3A_123 = arith.constant 16 : i32
      %mul3A_124 = arith.muli %scan3A_122, %mul3A_123 : i32
      %get3A = arith.constant 0 : i32
      %get3A_125 = arith.index_cast %get3A : i32 to index
      %get3A_126 = arith.constant 0 : index
      %get3A_127 = tpu.vector_load %arg7[%get3A_125, %get3A_126] {strides = array<i32>} : memref<7x16xf32, #tpu.memory_space<vmem>>, vector<1x16xf32>,
      %get3A_128 = vector.shape_cast %get3A_127 : vector<1x16xf32> to vector<16xf32>
      %get3A_129 = arith.constant 1 : i32
      %get3A_130 = arith.index_cast %get3A_129 : i32 to index
      %get3A_131 = arith.constant 0 : index
      %get3A_132 = tpu.vector_load %arg7[%get3A_130, %get3A_131] {strides = array<i32>} : memref<7x16xf32, #tpu.memory_space<vmem>>, vector<1x16xf32>,
      %get3A_133 = vector.shape_cast %get3A_132 : vector<1x16xf32> to vector<16xf32>
      %get3A_134 = arith.constant 2 : i32
      %get3A_135 = arith.index_cast %get3A_134 : i32 to index
      %get3A_136 = arith.constant 0 : index
      %get3A_137 = tpu.vector_load %arg7[%get3A_135, %get3A_136] {strides = array<i32>} : memref<7x16xf32, #tpu.memory_space<vmem>>, vector<1x16xf32>,
      %get3A_138 = vector.shape_cast %get3A_137 : vector<1x16xf32> to vector<16xf32>
      %get3A_139 = arith.constant 3 : i32
      %get3A_140 = arith.index_cast %get3A_139 : i32 to index
      %get3A_141 = arith.constant 0 : index
      %get3A_142 = tpu.vector_load %arg7[%get3A_140, %get3A_141] {strides = array<i32>} : memref<7x16xf32, #tpu.memory_space<vmem>>, vector<1x16xf32>,
      %get3A_143 = vector.shape_cast %get3A_142 : vector<1x16xf32> to vector<16xf32>
      %get3A_144 = arith.constant 4 : i32
      %get3A_145 = arith.index_cast %get3A_144 : i32 to index
      %get3A_146 = arith.constant 0 : index
      %get3A_147 = tpu.vector_load %arg7[%get3A_145, %get3A_146] {strides = array<i32>} : memref<7x16xf32, #tpu.memory_space<vmem>>, vector<1x16xf32>,
      %get3A_148 = vector.shape_cast %get3A_147 : vector<1x16xf32> to vector<16xf32>
      %get3A_149 = arith.constant 5 : i32
      %get3A_150 = arith.index_cast %get3A_149 : i32 to index
      %get3A_151 = arith.constant 0 : index
      %get3A_152 = tpu.vector_load %arg7[%get3A_150, %get3A_151] {strides = array<i32>} : memref<7x16xf32, #tpu.memory_space<vmem>>, vector<1x16xf32>,
      %get3A_153 = vector.shape_cast %get3A_152 : vector<1x16xf32> to vector<16xf32>
      %get3A_154 = arith.constant 6 : i32
      %get3A_155 = arith.index_cast %get3A_154 : i32 to index
      %get3A_156 = arith.constant 0 : index
      %get3A_157 = tpu.vector_load %arg7[%get3A_155, %get3A_156] {strides = array<i32>} : memref<7x16xf32, #tpu.memory_space<vmem>>, vector<1x16xf32>,
      %get3A_158 = vector.shape_cast %get3A_157 : vector<1x16xf32> to vector<16xf32>
      %get3A_159 = arith.constant 0 : i32
      %get3A_160 = arith.index_cast %get3A_159 : i32 to index
      %get3A_161 = arith.index_cast %mul3A_124 : i32 to index
      %get3A_162 = tpu.vector_load %arg5[%get3A_160, %get3A_161] {strides = array<i32>} : memref<24x512xf32, #tpu.memory_space<vmem>>, vector<1x16xf32>,
      %get3A_163 = vector.shape_cast %get3A_162 : vector<1x16xf32> to vector<16xf32>
      %broadcast_in_dim3A = arith.constant 0 : i32
      %broadcast_in_dim3A_164 = vector.broadcast %broadcast_in_dim3A : i32 to vector<16xi32>
      %lt3A = arith.constant 0 : i32
      %lt3A_165 = vector.broadcast %lt3A : i32 to vector<16xi32>
      %lt3A_166 = arith.cmpi slt, %broadcast_in_dim3A_164, %lt3A_165 : vector<16xi32>
      %add3A_167 = arith.constant 16 : i32
      %add3A_168 = vector.broadcast %add3A_167 : i32 to vector<16xi32>
      %add3A_169 = arith.addi %broadcast_in_dim3A_164, %add3A_168 : vector<16xi32>
      %select_n3A = arith.select %lt3A_166, %add3A_169, %broadcast_in_dim3A_164 : vector<16xi1>, vector<16xi32>
      %reshape3A = vector.shape_cast %select_n3A : vector<16xi32> to vector<16x1xi32>
      %gather3A = vector.shape_cast %reshape3A : vector<16x1xi32> to vector<16xi32>
      %gather3A_170 = tpu.dynamic_gather %get3A_128[%gather3A] in [0] : vector<16xf32>, vector<16xi32> -> vector<16xf32>
      %ge3A = arith.constant 0.000000e+00 : f32
      %ge3A_171 = vector.broadcast %ge3A : f32 to vector<16xf32>
      %ge3A_172 = arith.cmpf oge, %get3A_163, %ge3A_171 : vector<16xf32>
      %min3A = arith.constant 1.000000e+00 : f32
      %min3A_173 = vector.broadcast %min3A : f32 to vector<16xf32>
      %min3A_174 = arith.minimumf %get3A_163, %min3A_173 : vector<16xf32>
      %add3A_175 = arith.constant 9.99999997E-7 : f32
      %add3A_176 = vector.broadcast %add3A_175 : f32 to vector<16xf32>
      %add3A_177 = arith.addf %min3A_174, %add3A_176 : vector<16xf32>
      %select_n3A_178 = arith.select %ge3A_172, %add3A_177, %gather3A_170 : vector<16xi1>, vector<16xf32>
      %get3A_179 = arith.constant 1 : i32
      %get3A_180 = arith.index_cast %get3A_179 : i32 to index
      %get3A_181 = arith.index_cast %mul3A_124 : i32 to index
      %get3A_182 = tpu.vector_load %arg5[%get3A_180, %get3A_181] {strides = array<i32>} : memref<24x512xf32, #tpu.memory_space<vmem>>, vector<1x16xf32>,
      %get3A_183 = vector.shape_cast %get3A_182 : vector<1x16xf32> to vector<16xf32>
      %broadcast_in_dim3A_184 = arith.constant 1 : i32
      %broadcast_in_dim3A_185 = vector.broadcast %broadcast_in_dim3A_184 : i32 to vector<16xi32>
      %lt3A_186 = arith.constant 0 : i32
      %lt3A_187 = vector.broadcast %lt3A_186 : i32 to vector<16xi32>
      %lt3A_188 = arith.cmpi slt, %broadcast_in_dim3A_185, %lt3A_187 : vector<16xi32>
      %add3A_189 = arith.constant 16 : i32
      %add3A_190 = vector.broadcast %add3A_189 : i32 to vector<16xi32>
      %add3A_191 = arith.addi %broadcast_in_dim3A_185, %add3A_190 : vector<16xi32>
      %select_n3A_192 = arith.select %lt3A_188, %add3A_191, %broadcast_in_dim3A_185 : vector<16xi1>, vector<16xi32>
      %reshape3A_193 = vector.shape_cast %select_n3A_192 : vector<16xi32> to vector<16x1xi32>
      %gather3A_194 = vector.shape_cast %reshape3A_193 : vector<16x1xi32> to vector<16xi32>
      %gather3A_195 = tpu.dynamic_gather %get3A_128[%gather3A_194] in [0] : vector<16xf32>, vector<16xi32> -> vector<16xf32>
      %ge3A_196 = arith.constant 0.000000e+00 : f32
      %ge3A_197 = vector.broadcast %ge3A_196 : f32 to vector<16xf32>
      %ge3A_198 = arith.cmpf oge, %get3A_183, %ge3A_197 : vector<16xf32>
      %min3A_199 = arith.constant 1.000000e+00 : f32
      %min3A_200 = vector.broadcast %min3A_199 : f32 to vector<16xf32>
      %min3A_201 = arith.minimumf %get3A_183, %min3A_200 : vector<16xf32>
      %add3A_202 = arith.constant 9.99999997E-7 : f32
      %add3A_203 = vector.broadcast %add3A_202 : f32 to vector<16xf32>
      %add3A_204 = arith.addf %min3A_201, %add3A_203 : vector<16xf32>
      %select_n3A_205 = arith.select %ge3A_198, %add3A_204, %gather3A_195 : vector<16xi1>, vector<16xf32>
      %get3A_206 = arith.constant 2 : i32
      %get3A_207 = arith.index_cast %get3A_206 : i32 to index
      %get3A_208 = arith.index_cast %mul3A_124 : i32 to index
      %get3A_209 = tpu.vector_load %arg5[%get3A_207, %get3A_208] {strides = array<i32>} : memref<24x512xf32, #tpu.memory_space<vmem>>, vector<1x16xf32>,
      %get3A_210 = vector.shape_cast %get3A_209 : vector<1x16xf32> to vector<16xf32>
      %broadcast_in_dim3A_211 = arith.constant 2 : i32
      %broadcast_in_dim3A_212 = vector.broadcast %broadcast_in_dim3A_211 : i32 to vector<16xi32>
      %lt3A_213 = arith.constant 0 : i32
      %lt3A_214 = vector.broadcast %lt3A_213 : i32 to vector<16xi32>
      %lt3A_215 = arith.cmpi slt, %broadcast_in_dim3A_212, %lt3A_214 : vector<16xi32>
      %add3A_216 = arith.constant 16 : i32
      %add3A_217 = vector.broadcast %add3A_216 : i32 to vector<16xi32>
      %add3A_218 = arith.addi %broadcast_in_dim3A_212, %add3A_217 : vector<16xi32>
      %select_n3A_219 = arith.select %lt3A_215, %add3A_218, %broadcast_in_dim3A_212 : vector<16xi1>, vector<16xi32>
      %reshape3A_220 = vector.shape_cast %select_n3A_219 : vector<16xi32> to vector<16x1xi32>
      %gather3A_221 = vector.shape_cast %reshape3A_220 : vector<16x1xi32> to vector<16xi32>
      %gather3A_222 = tpu.dynamic_gather %get3A_128[%gather3A_221] in [0] : vector<16xf32>, vector<16xi32> -> vector<16xf32>
      %ge3A_223 = arith.constant 0.000000e+00 : f32
      %ge3A_224 = vector.broadcast %ge3A_223 : f32 to vector<16xf32>
      %ge3A_225 = arith.cmpf oge, %get3A_210, %ge3A_224 : vector<16xf32>
      %min3A_226 = arith.constant 1.000000e+00 : f32
      %min3A_227 = vector.broadcast %min3A_226 : f32 to vector<16xf32>
      %min3A_228 = arith.minimumf %get3A_210, %min3A_227 : vector<16xf32>
      %add3A_229 = arith.constant 9.99999997E-7 : f32
      %add3A_230 = vector.broadcast %add3A_229 : f32 to vector<16xf32>
      %add3A_231 = arith.addf %min3A_228, %add3A_230 : vector<16xf32>
      %select_n3A_232 = arith.select %ge3A_225, %add3A_231, %gather3A_222 : vector<16xi1>, vector<16xf32>
      %get3A_233 = arith.constant 3 : i32
      %get3A_234 = arith.index_cast %get3A_233 : i32 to index
      %get3A_235 = arith.index_cast %mul3A_124 : i32 to index
      %get3A_236 = tpu.vector_load %arg5[%get3A_234, %get3A_235] {strides = array<i32>} : memref<24x512xf32, #tpu.memory_space<vmem>>, vector<1x16xf32>,
      %get3A_237 = vector.shape_cast %get3A_236 : vector<1x16xf32> to vector<16xf32>
      %broadcast_in_dim3A_238 = arith.constant 3 : i32
      %broadcast_in_dim3A_239 = vector.broadcast %broadcast_in_dim3A_238 : i32 to vector<16xi32>
      %lt3A_240 = arith.constant 0 : i32
      %lt3A_241 = vector.broadcast %lt3A_240 : i32 to vector<16xi32>
      %lt3A_242 = arith.cmpi slt, %broadcast_in_dim3A_239, %lt3A_241 : vector<16xi32>
      %add3A_243 = arith.constant 16 : i32
      %add3A_244 = vector.broadcast %add3A_243 : i32 to vector<16xi32>
      %add3A_245 = arith.addi %broadcast_in_dim3A_239, %add3A_244 : vector<16xi32>
      %select_n3A_246 = arith.select %lt3A_242, %add3A_245, %broadcast_in_dim3A_239 : vector<16xi1>, vector<16xi32>
      %reshape3A_247 = vector.shape_cast %select_n3A_246 : vector<16xi32> to vector<16x1xi32>
      %gather3A_248 = vector.shape_cast %reshape3A_247 : vector<16x1xi32> to vector<16xi32>
      %gather3A_249 = tpu.dynamic_gather %get3A_128[%gather3A_248] in [0] : vector<16xf32>, vector<16xi32> -> vector<16xf32>
      %ge3A_250 = arith.constant 0.000000e+00 : f32
      %ge3A_251 = vector.broadcast %ge3A_250 : f32 to vector<16xf32>
      %ge3A_252 = arith.cmpf oge, %get3A_237, %ge3A_251 : vector<16xf32>
      %min3A_253 = arith.constant 1.000000e+00 : f32
      %min3A_254 = vector.broadcast %min3A_253 : f32 to vector<16xf32>
      %min3A_255 = arith.minimumf %get3A_237, %min3A_254 : vector<16xf32>
      %add3A_256 = arith.constant 9.99999997E-7 : f32
      %add3A_257 = vector.broadcast %add3A_256 : f32 to vector<16xf32>
      %add3A_258 = arith.addf %min3A_255, %add3A_257 : vector<16xf32>
      %select_n3A_259 = arith.select %ge3A_252, %add3A_258, %gather3A_249 : vector<16xi1>, vector<16xf32>
      %get3A_260 = arith.constant 4 : i32
      %get3A_261 = arith.index_cast %get3A_260 : i32 to index
      %get3A_262 = arith.index_cast %mul3A_124 : i32 to index
      %get3A_263 = tpu.vector_load %arg5[%get3A_261, %get3A_262] {strides = array<i32>} : memref<24x512xf32, #tpu.memory_space<vmem>>, vector<1x16xf32>,
      %get3A_264 = vector.shape_cast %get3A_263 : vector<1x16xf32> to vector<16xf32>
      %broadcast_in_dim3A_265 = arith.constant 4 : i32
      %broadcast_in_dim3A_266 = vector.broadcast %broadcast_in_dim3A_265 : i32 to vector<16xi32>
      %lt3A_267 = arith.constant 0 : i32
      %lt3A_268 = vector.broadcast %lt3A_267 : i32 to vector<16xi32>
      %lt3A_269 = arith.cmpi slt, %broadcast_in_dim3A_266, %lt3A_268 : vector<16xi32>
      %add3A_270 = arith.constant 16 : i32
      %add3A_271 = vector.broadcast %add3A_270 : i32 to vector<16xi32>
      %add3A_272 = arith.addi %broadcast_in_dim3A_266, %add3A_271 : vector<16xi32>
      %select_n3A_273 = arith.select %lt3A_269, %add3A_272, %broadcast_in_dim3A_266 : vector<16xi1>, vector<16xi32>
      %reshape3A_274 = vector.shape_cast %select_n3A_273 : vector<16xi32> to vector<16x1xi32>
      %gather3A_275 = vector.shape_cast %reshape3A_274 : vector<16x1xi32> to vector<16xi32>
      %gather3A_276 = tpu.dynamic_gather %get3A_128[%gather3A_275] in [0] : vector<16xf32>, vector<16xi32> -> vector<16xf32>
      %ge3A_277 = arith.constant 0.000000e+00 : f32
      %ge3A_278 = vector.broadcast %ge3A_277 : f32 to vector<16xf32>
      %ge3A_279 = arith.cmpf oge, %get3A_264, %ge3A_278 : vector<16xf32>
      %min3A_280 = arith.constant 1.000000e+00 : f32
      %min3A_281 = vector.broadcast %min3A_280 : f32 to vector<16xf32>
      %min3A_282 = arith.minimumf %get3A_264, %min3A_281 : vector<16xf32>
      %add3A_283 = arith.constant 9.99999997E-7 : f32
      %add3A_284 = vector.broadcast %add3A_283 : f32 to vector<16xf32>
      %add3A_285 = arith.addf %min3A_282, %add3A_284 : vector<16xf32>
      %select_n3A_286 = arith.select %ge3A_279, %add3A_285, %gather3A_276 : vector<16xi1>, vector<16xf32>
      %get3A_287 = arith.constant 5 : i32
      %get3A_288 = arith.index_cast %get3A_287 : i32 to index
      %get3A_289 = arith.index_cast %mul3A_124 : i32 to index
      %get3A_290 = tpu.vector_load %arg5[%get3A_288, %get3A_289] {strides = array<i32>} : memref<24x512xf32, #tpu.memory_space<vmem>>, vector<1x16xf32>,
      %get3A_291 = vector.shape_cast %get3A_290 : vector<1x16xf32> to vector<16xf32>
      %broadcast_in_dim3A_292 = arith.constant 5 : i32
      %broadcast_in_dim3A_293 = vector.broadcast %broadcast_in_dim3A_292 : i32 to vector<16xi32>
      %lt3A_294 = arith.constant 0 : i32
      %lt3A_295 = vector.broadcast %lt3A_294 : i32 to vector<16xi32>
      %lt3A_296 = arith.cmpi slt, %broadcast_in_dim3A_293, %lt3A_295 : vector<16xi32>
      %add3A_297 = arith.constant 16 : i32
      %add3A_298 = vector.broadcast %add3A_297 : i32 to vector<16xi32>
      %add3A_299 = arith.addi %broadcast_in_dim3A_293, %add3A_298 : vector<16xi32>
      %select_n3A_300 = arith.select %lt3A_296, %add3A_299, %broadcast_in_dim3A_293 : vector<16xi1>, vector<16xi32>
      %reshape3A_301 = vector.shape_cast %select_n3A_300 : vector<16xi32> to vector<16x1xi32>
      %gather3A_302 = vector.shape_cast %reshape3A_301 : vector<16x1xi32> to vector<16xi32>
      %gather3A_303 = tpu.dynamic_gather %get3A_128[%gather3A_302] in [0] : vector<16xf32>, vector<16xi32> -> vector<16xf32>
      %ge3A_304 = arith.constant 0.000000e+00 : f32
      %ge3A_305 = vector.broadcast %ge3A_304 : f32 to vector<16xf32>
      %ge3A_306 = arith.cmpf oge, %get3A_291, %ge3A_305 : vector<16xf32>
      %min3A_307 = arith.constant 1.000000e+00 : f32
      %min3A_308 = vector.broadcast %min3A_307 : f32 to vector<16xf32>
      %min3A_309 = arith.minimumf %get3A_291, %min3A_308 : vector<16xf32>
      %add3A_310 = arith.constant 9.99999997E-7 : f32
      %add3A_311 = vector.broadcast %add3A_310 : f32 to vector<16xf32>
      %add3A_312 = arith.addf %min3A_309, %add3A_311 : vector<16xf32>
      %select_n3A_313 = arith.select %ge3A_306, %add3A_312, %gather3A_303 : vector<16xi1>, vector<16xf32>
      %get3A_314 = arith.constant 6 : i32
      %get3A_315 = arith.index_cast %get3A_314 : i32 to index
      %get3A_316 = arith.index_cast %mul3A_124 : i32 to index
      %get3A_317 = tpu.vector_load %arg5[%get3A_315, %get3A_316] {strides = array<i32>} : memref<24x512xf32, #tpu.memory_space<vmem>>, vector<1x16xf32>,
      %get3A_318 = vector.shape_cast %get3A_317 : vector<1x16xf32> to vector<16xf32>
      %broadcast_in_dim3A_319 = arith.constant 6 : i32
      %broadcast_in_dim3A_320 = vector.broadcast %broadcast_in_dim3A_319 : i32 to vector<16xi32>
      %lt3A_321 = arith.constant 0 : i32
      %lt3A_322 = vector.broadcast %lt3A_321 : i32 to vector<16xi32>
      %lt3A_323 = arith.cmpi slt, %broadcast_in_dim3A_320, %lt3A_322 : vector<16xi32>
      %add3A_324 = arith.constant 16 : i32
      %add3A_325 = vector.broadcast %add3A_324 : i32 to vector<16xi32>
      %add3A_326 = arith.addi %broadcast_in_dim3A_320, %add3A_325 : vector<16xi32>
      %select_n3A_327 = arith.select %lt3A_323, %add3A_326, %broadcast_in_dim3A_320 : vector<16xi1>, vector<16xi32>
      %reshape3A_328 = vector.shape_cast %select_n3A_327 : vector<16xi32> to vector<16x1xi32>
      %gather3A_329 = vector.shape_cast %reshape3A_328 : vector<16x1xi32> to vector<16xi32>
      %gather3A_330 = tpu.dynamic_gather %get3A_128[%gather3A_329] in [0] : vector<16xf32>, vector<16xi32> -> vector<16xf32>
      %ge3A_331 = arith.constant 0.000000e+00 : f32
      %ge3A_332 = vector.broadcast %ge3A_331 : f32 to vector<16xf32>
      %ge3A_333 = arith.cmpf oge, %get3A_318, %ge3A_332 : vector<16xf32>
      %min3A_334 = arith.constant 1.000000e+00 : f32
      %min3A_335 = vector.broadcast %min3A_334 : f32 to vector<16xf32>
      %min3A_336 = arith.minimumf %get3A_318, %min3A_335 : vector<16xf32>
      %add3A_337 = arith.constant 9.99999997E-7 : f32
      %add3A_338 = vector.broadcast %add3A_337 : f32 to vector<16xf32>
      %add3A_339 = arith.addf %min3A_336, %add3A_338 : vector<16xf32>
      %select_n3A_340 = arith.select %ge3A_333, %add3A_339, %gather3A_330 : vector<16xi1>, vector<16xf32>
      %get3A_341 = arith.constant 7 : i32
      %get3A_342 = arith.index_cast %get3A_341 : i32 to index
      %get3A_343 = arith.index_cast %mul3A_124 : i32 to index
      %get3A_344 = tpu.vector_load %arg5[%get3A_342, %get3A_343] {strides = array<i32>} : memref<24x512xf32, #tpu.memory_space<vmem>>, vector<1x16xf32>,
      %get3A_345 = vector.shape_cast %get3A_344 : vector<1x16xf32> to vector<16xf32>
      %broadcast_in_dim3A_346 = arith.constant 7 : i32
      %broadcast_in_dim3A_347 = vector.broadcast %broadcast_in_dim3A_346 : i32 to vector<16xi32>
      %lt3A_348 = arith.constant 0 : i32
      %lt3A_349 = vector.broadcast %lt3A_348 : i32 to vector<16xi32>
      %lt3A_350 = arith.cmpi slt, %broadcast_in_dim3A_347, %lt3A_349 : vector<16xi32>
      %add3A_351 = arith.constant 16 : i32
      %add3A_352 = vector.broadcast %add3A_351 : i32 to vector<16xi32>
      %add3A_353 = arith.addi %broadcast_in_dim3A_347, %add3A_352 : vector<16xi32>
      %select_n3A_354 = arith.select %lt3A_350, %add3A_353, %broadcast_in_dim3A_347 : vector<16xi1>, vector<16xi32>
      %reshape3A_355 = vector.shape_cast %select_n3A_354 : vector<16xi32> to vector<16x1xi32>
      %gather3A_356 = vector.shape_cast %reshape3A_355 : vector<16x1xi32> to vector<16xi32>
      %gather3A_357 = tpu.dynamic_gather %get3A_128[%gather3A_356] in [0] : vector<16xf32>, vector<16xi32> -> vector<16xf32>
      %ge3A_358 = arith.constant 0.000000e+00 : f32
      %ge3A_359 = vector.broadcast %ge3A_358 : f32 to vector<16xf32>
      %ge3A_360 = arith.cmpf oge, %get3A_345, %ge3A_359 : vector<16xf32>
      %min3A_361 = arith.constant 1.000000e+00 : f32
      %min3A_362 = vector.broadcast %min3A_361 : f32 to vector<16xf32>
      %min3A_363 = arith.minimumf %get3A_345, %min3A_362 : vector<16xf32>
      %add3A_364 = arith.constant 9.99999997E-7 : f32
      %add3A_365 = vector.broadcast %add3A_364 : f32 to vector<16xf32>
      %add3A_366 = arith.addf %min3A_363, %add3A_365 : vector<16xf32>
      %select_n3A_367 = arith.select %ge3A_360, %add3A_366, %gather3A_357 : vector<16xi1>, vector<16xf32>
      %max3A = arith.constant 9.99999997E-7 : f32
      %max3A_368 = vector.broadcast %max3A : f32 to vector<16xf32>
      %max3A_369 = arith.maximumf %select_n3A_178, %max3A_368 : vector<16xf32>
      %min3A_370 = arith.constant 0.999998986 : f32
      %min3A_371 = vector.broadcast %min3A_370 : f32 to vector<16xf32>
      %min3A_372 = arith.minimumf %max3A_369, %min3A_371 : vector<16xf32>
      %max3A_373 = arith.constant 9.99999997E-7 : f32
      %max3A_374 = vector.broadcast %max3A_373 : f32 to vector<16xf32>
      %max3A_375 = arith.maximumf %select_n3A_205, %max3A_374 : vector<16xf32>
      %min3A_376 = arith.constant 0.999998986 : f32
      %min3A_377 = vector.broadcast %min3A_376 : f32 to vector<16xf32>
      %min3A_378 = arith.minimumf %max3A_375, %min3A_377 : vector<16xf32>
      %max3A_379 = arith.constant 9.99999997E-7 : f32
      %max3A_380 = vector.broadcast %max3A_379 : f32 to vector<16xf32>
      %max3A_381 = arith.maximumf %select_n3A_232, %max3A_380 : vector<16xf32>
      %min3A_382 = arith.constant 0.999998986 : f32
      %min3A_383 = vector.broadcast %min3A_382 : f32 to vector<16xf32>
      %min3A_384 = arith.minimumf %max3A_381, %min3A_383 : vector<16xf32>
      %max3A_385 = arith.constant 9.99999997E-7 : f32
      %max3A_386 = vector.broadcast %max3A_385 : f32 to vector<16xf32>
      %max3A_387 = arith.maximumf %select_n3A_259, %max3A_386 : vector<16xf32>
      %min3A_388 = arith.constant 0.999998986 : f32
      %min3A_389 = vector.broadcast %min3A_388 : f32 to vector<16xf32>
      %min3A_390 = arith.minimumf %max3A_387, %min3A_389 : vector<16xf32>
      %max3A_391 = arith.constant 9.99999997E-7 : f32
      %max3A_392 = vector.broadcast %max3A_391 : f32 to vector<16xf32>
      %max3A_393 = arith.maximumf %select_n3A_286, %max3A_392 : vector<16xf32>
      %min3A_394 = arith.constant 0.999998986 : f32
      %min3A_395 = vector.broadcast %min3A_394 : f32 to vector<16xf32>
      %min3A_396 = arith.minimumf %max3A_393, %min3A_395 : vector<16xf32>
      %max3A_397 = arith.constant 9.99999997E-7 : f32
      %max3A_398 = vector.broadcast %max3A_397 : f32 to vector<16xf32>
      %max3A_399 = arith.maximumf %select_n3A_313, %max3A_398 : vector<16xf32>
      %min3A_400 = arith.constant 0.999998986 : f32
      %min3A_401 = vector.broadcast %min3A_400 : f32 to vector<16xf32>
      %min3A_402 = arith.minimumf %max3A_399, %min3A_401 : vector<16xf32>
      %max3A_403 = arith.constant 9.99999997E-7 : f32
      %max3A_404 = vector.broadcast %max3A_403 : f32 to vector<16xf32>
      %max3A_405 = arith.maximumf %select_n3A_340, %max3A_404 : vector<16xf32>
      %min3A_406 = arith.constant 0.999998986 : f32
      %min3A_407 = vector.broadcast %min3A_406 : f32 to vector<16xf32>
      %min3A_408 = arith.minimumf %max3A_405, %min3A_407 : vector<16xf32>
      %max3A_409 = arith.constant 9.99999997E-7 : f32
      %max3A_410 = vector.broadcast %max3A_409 : f32 to vector<16xf32>
      %max3A_411 = arith.maximumf %select_n3A_367, %max3A_410 : vector<16xf32>
      %min3A_412 = arith.constant 0.999998986 : f32
      %min3A_413 = vector.broadcast %min3A_412 : f32 to vector<16xf32>
      %min3A_414 = arith.minimumf %max3A_411, %min3A_413 : vector<16xf32>
      %broadcast_in_dim3A_415 = arith.constant 8 : i32
      %broadcast_in_dim3A_416 = vector.broadcast %broadcast_in_dim3A_415 : i32 to vector<16xi32>
      %lt3A_417 = arith.constant 0 : i32
      %lt3A_418 = vector.broadcast %lt3A_417 : i32 to vector<16xi32>
      %lt3A_419 = arith.cmpi slt, %broadcast_in_dim3A_416, %lt3A_418 : vector<16xi32>
      %add3A_420 = arith.constant 16 : i32
      %add3A_421 = vector.broadcast %add3A_420 : i32 to vector<16xi32>
      %add3A_422 = arith.addi %broadcast_in_dim3A_416, %add3A_421 : vector<16xi32>
      %select_n3A_423 = arith.select %lt3A_419, %add3A_422, %broadcast_in_dim3A_416 : vector<16xi1>, vector<16xi32>
      %reshape3A_424 = vector.shape_cast %select_n3A_423 : vector<16xi32> to vector<16x1xi32>
      %gather3A_425 = vector.shape_cast %reshape3A_424 : vector<16x1xi32> to vector<16xi32>
      %gather3A_426 = tpu.dynamic_gather %get3A_128[%gather3A_425] in [0] : vector<16xf32>, vector<16xi32> -> vector<16xf32>
      %broadcast_in_dim3A_427 = arith.constant 9 : i32
      %broadcast_in_dim3A_428 = vector.broadcast %broadcast_in_dim3A_427 : i32 to vector<16xi32>
      %lt3A_429 = arith.constant 0 : i32
      %lt3A_430 = vector.broadcast %lt3A_429 : i32 to vector<16xi32>
      %lt3A_431 = arith.cmpi slt, %broadcast_in_dim3A_428, %lt3A_430 : vector<16xi32>
      %add3A_432 = arith.constant 16 : i32
      %add3A_433 = vector.broadcast %add3A_432 : i32 to vector<16xi32>
      %add3A_434 = arith.addi %broadcast_in_dim3A_428, %add3A_433 : vector<16xi32>
      %select_n3A_435 = arith.select %lt3A_431, %add3A_434, %broadcast_in_dim3A_428 : vector<16xi1>, vector<16xi32>
      %reshape3A_436 = vector.shape_cast %select_n3A_435 : vector<16xi32> to vector<16x1xi32>
      %gather3A_437 = vector.shape_cast %reshape3A_436 : vector<16x1xi32> to vector<16xi32>
      %gather3A_438 = tpu.dynamic_gather %get3A_128[%gather3A_437] in [0] : vector<16xf32>, vector<16xi32> -> vector<16xf32>
      %broadcast_in_dim3A_439 = arith.constant 10 : i32
      %broadcast_in_dim3A_440 = vector.broadcast %broadcast_in_dim3A_439 : i32 to vector<16xi32>
      %lt3A_441 = arith.constant 0 : i32
      %lt3A_442 = vector.broadcast %lt3A_441 : i32 to vector<16xi32>
      %lt3A_443 = arith.cmpi slt, %broadcast_in_dim3A_440, %lt3A_442 : vector<16xi32>
      %add3A_444 = arith.constant 16 : i32
      %add3A_445 = vector.broadcast %add3A_444 : i32 to vector<16xi32>
      %add3A_446 = arith.addi %broadcast_in_dim3A_440, %add3A_445 : vector<16xi32>
      %select_n3A_447 = arith.select %lt3A_443, %add3A_446, %broadcast_in_dim3A_440 : vector<16xi1>, vector<16xi32>
      %reshape3A_448 = vector.shape_cast %select_n3A_447 : vector<16xi32> to vector<16x1xi32>
      %gather3A_449 = vector.shape_cast %reshape3A_448 : vector<16x1xi32> to vector<16xi32>
      %gather3A_450 = tpu.dynamic_gather %get3A_128[%gather3A_449] in [0] : vector<16xf32>, vector<16xi32> -> vector<16xf32>
      %broadcast_in_dim3A_451 = arith.constant 11 : i32
      %broadcast_in_dim3A_452 = vector.broadcast %broadcast_in_dim3A_451 : i32 to vector<16xi32>
      %lt3A_453 = arith.constant 0 : i32
      %lt3A_454 = vector.broadcast %lt3A_453 : i32 to vector<16xi32>
      %lt3A_455 = arith.cmpi slt, %broadcast_in_dim3A_452, %lt3A_454 : vector<16xi32>
      %add3A_456 = arith.constant 16 : i32
      %add3A_457 = vector.broadcast %add3A_456 : i32 to vector<16xi32>
      %add3A_458 = arith.addi %broadcast_in_dim3A_452, %add3A_457 : vector<16xi32>
      %select_n3A_459 = arith.select %lt3A_455, %add3A_458, %broadcast_in_dim3A_452 : vector<16xi1>, vector<16xi32>
      %reshape3A_460 = vector.shape_cast %select_n3A_459 : vector<16xi32> to vector<16x1xi32>
      %gather3A_461 = vector.shape_cast %reshape3A_460 : vector<16x1xi32> to vector<16xi32>
      %gather3A_462 = tpu.dynamic_gather %get3A_128[%gather3A_461] in [0] : vector<16xf32>, vector<16xi32> -> vector<16xf32>
      %mul3A_463 = arith.mulf %gather3A_438, %min3A_372 : vector<16xf32>
      %add3A_464 = arith.addf %gather3A_426, %mul3A_463 : vector<16xf32>
      %mul3A_465 = arith.mulf %gather3A_450, %min3A_378 : vector<16xf32>
      %add3A_466 = arith.addf %add3A_464, %mul3A_465 : vector<16xf32>
      %mul3A_467 = arith.mulf %min3A_372, %min3A_378 : vector<16xf32>
      %mul3A_468 = arith.mulf %gather3A_462, %mul3A_467 : vector<16xf32>
      %add3A_469 = arith.addf %add3A_466, %mul3A_468 : vector<16xf32>
      %get3A_470 = arith.constant 8 : i32
      %get3A_471 = arith.index_cast %get3A_470 : i32 to index
      %get3A_472 = arith.index_cast %mul3A_124 : i32 to index
      %get3A_473 = tpu.vector_load %arg5[%get3A_471, %get3A_472] {strides = array<i32>} : memref<24x512xf32, #tpu.memory_space<vmem>>, vector<1x16xf32>,
      %get3A_474 = vector.shape_cast %get3A_473 : vector<1x16xf32> to vector<16xf32>
      %ge3A_475 = arith.constant 0.000000e+00 : f32
      %ge3A_476 = vector.broadcast %ge3A_475 : f32 to vector<16xf32>
      %ge3A_477 = arith.cmpf oge, %get3A_474, %ge3A_476 : vector<16xf32>
      %min3A_478 = arith.constant 1.000000e+00 : f32
      %min3A_479 = vector.broadcast %min3A_478 : f32 to vector<16xf32>
      %min3A_480 = arith.minimumf %get3A_474, %min3A_479 : vector<16xf32>
      %add3A_481 = arith.constant 9.99999997E-7 : f32
      %add3A_482 = vector.broadcast %add3A_481 : f32 to vector<16xf32>
      %add3A_483 = arith.addf %min3A_480, %add3A_482 : vector<16xf32>
      %select_n3A_484 = arith.select %ge3A_477, %add3A_483, %add3A_469 : vector<16xi1>, vector<16xf32>
      %broadcast_in_dim3A_485 = arith.constant 12 : i32
      %broadcast_in_dim3A_486 = vector.broadcast %broadcast_in_dim3A_485 : i32 to vector<16xi32>
      %lt3A_487 = arith.constant 0 : i32
      %lt3A_488 = vector.broadcast %lt3A_487 : i32 to vector<16xi32>
      %lt3A_489 = arith.cmpi slt, %broadcast_in_dim3A_486, %lt3A_488 : vector<16xi32>
      %add3A_490 = arith.constant 16 : i32
      %add3A_491 = vector.broadcast %add3A_490 : i32 to vector<16xi32>
      %add3A_492 = arith.addi %broadcast_in_dim3A_486, %add3A_491 : vector<16xi32>
      %select_n3A_493 = arith.select %lt3A_489, %add3A_492, %broadcast_in_dim3A_486 : vector<16xi1>, vector<16xi32>
      %reshape3A_494 = vector.shape_cast %select_n3A_493 : vector<16xi32> to vector<16x1xi32>
      %gather3A_495 = vector.shape_cast %reshape3A_494 : vector<16x1xi32> to vector<16xi32>
      %gather3A_496 = tpu.dynamic_gather %get3A_128[%gather3A_495] in [0] : vector<16xf32>, vector<16xi32> -> vector<16xf32>
      %broadcast_in_dim3A_497 = arith.constant 13 : i32
      %broadcast_in_dim3A_498 = vector.broadcast %broadcast_in_dim3A_497 : i32 to vector<16xi32>
      %lt3A_499 = arith.constant 0 : i32
      %lt3A_500 = vector.broadcast %lt3A_499 : i32 to vector<16xi32>
      %lt3A_501 = arith.cmpi slt, %broadcast_in_dim3A_498, %lt3A_500 : vector<16xi32>
      %add3A_502 = arith.constant 16 : i32
      %add3A_503 = vector.broadcast %add3A_502 : i32 to vector<16xi32>
      %add3A_504 = arith.addi %broadcast_in_dim3A_498, %add3A_503 : vector<16xi32>
      %select_n3A_505 = arith.select %lt3A_501, %add3A_504, %broadcast_in_dim3A_498 : vector<16xi1>, vector<16xi32>
      %reshape3A_506 = vector.shape_cast %select_n3A_505 : vector<16xi32> to vector<16x1xi32>
      %gather3A_507 = vector.shape_cast %reshape3A_506 : vector<16x1xi32> to vector<16xi32>
      %gather3A_508 = tpu.dynamic_gather %get3A_128[%gather3A_507] in [0] : vector<16xf32>, vector<16xi32> -> vector<16xf32>
      %broadcast_in_dim3A_509 = arith.constant 14 : i32
      %broadcast_in_dim3A_510 = vector.broadcast %broadcast_in_dim3A_509 : i32 to vector<16xi32>
      %lt3A_511 = arith.constant 0 : i32
      %lt3A_512 = vector.broadcast %lt3A_511 : i32 to vector<16xi32>
      %lt3A_513 = arith.cmpi slt, %broadcast_in_dim3A_510, %lt3A_512 : vector<16xi32>
      %add3A_514 = arith.constant 16 : i32
      %add3A_515 = vector.broadcast %add3A_514 : i32 to vector<16xi32>
      %add3A_516 = arith.addi %broadcast_in_dim3A_510, %add3A_515 : vector<16xi32>
      %select_n3A_517 = arith.select %lt3A_513, %add3A_516, %broadcast_in_dim3A_510 : vector<16xi1>, vector<16xi32>
      %reshape3A_518 = vector.shape_cast %select_n3A_517 : vector<16xi32> to vector<16x1xi32>
      %gather3A_519 = vector.shape_cast %reshape3A_518 : vector<16x1xi32> to vector<16xi32>
      %gather3A_520 = tpu.dynamic_gather %get3A_128[%gather3A_519] in [0] : vector<16xf32>, vector<16xi32> -> vector<16xf32>
      %broadcast_in_dim3A_521 = arith.constant 15 : i32
      %broadcast_in_dim3A_522 = vector.broadcast %broadcast_in_dim3A_521 : i32 to vector<16xi32>
      %lt3A_523 = arith.constant 0 : i32
      %lt3A_524 = vector.broadcast %lt3A_523 : i32 to vector<16xi32>
      %lt3A_525 = arith.cmpi slt, %broadcast_in_dim3A_522, %lt3A_524 : vector<16xi32>
      %add3A_526 = arith.constant 16 : i32
      %add3A_527 = vector.broadcast %add3A_526 : i32 to vector<16xi32>
      %add3A_528 = arith.addi %broadcast_in_dim3A_522, %add3A_527 : vector<16xi32>
      %select_n3A_529 = arith.select %lt3A_525, %add3A_528, %broadcast_in_dim3A_522 : vector<16xi1>, vector<16xi32>
      %reshape3A_530 = vector.shape_cast %select_n3A_529 : vector<16xi32> to vector<16x1xi32>
      %gather3A_531 = vector.shape_cast %reshape3A_530 : vector<16x1xi32> to vector<16xi32>
      %gather3A_532 = tpu.dynamic_gather %get3A_128[%gather3A_531] in [0] : vector<16xf32>, vector<16xi32> -> vector<16xf32>
      %mul3A_533 = arith.mulf %gather3A_508, %min3A_378 : vector<16xf32>
      %add3A_534 = arith.addf %gather3A_496, %mul3A_533 : vector<16xf32>
      %mul3A_535 = arith.mulf %gather3A_520, %min3A_384 : vector<16xf32>
      %add3A_536 = arith.addf %add3A_534, %mul3A_535 : vector<16xf32>
      %mul3A_537 = arith.mulf %min3A_378, %min3A_384 : vector<16xf32>
      %mul3A_538 = arith.mulf %gather3A_532, %mul3A_537 : vector<16xf32>
      %add3A_539 = arith.addf %add3A_536, %mul3A_538 : vector<16xf32>
      %get3A_540 = arith.constant 9 : i32
      %get3A_541 = arith.index_cast %get3A_540 : i32 to index
      %get3A_542 = arith.index_cast %mul3A_124 : i32 to index
      %get3A_543 = tpu.vector_load %arg5[%get3A_541, %get3A_542] {strides = array<i32>} : memref<24x512xf32, #tpu.memory_space<vmem>>, vector<1x16xf32>,
      %get3A_544 = vector.shape_cast %get3A_543 : vector<1x16xf32> to vector<16xf32>
      %ge3A_545 = arith.constant 0.000000e+00 : f32
      %ge3A_546 = vector.broadcast %ge3A_545 : f32 to vector<16xf32>
      %ge3A_547 = arith.cmpf oge, %get3A_544, %ge3A_546 : vector<16xf32>
      %min3A_548 = arith.constant 1.000000e+00 : f32
      %min3A_549 = vector.broadcast %min3A_548 : f32 to vector<16xf32>
      %min3A_550 = arith.minimumf %get3A_544, %min3A_549 : vector<16xf32>
      %add3A_551 = arith.constant 9.99999997E-7 : f32
      %add3A_552 = vector.broadcast %add3A_551 : f32 to vector<16xf32>
      %add3A_553 = arith.addf %min3A_550, %add3A_552 : vector<16xf32>
      %select_n3A_554 = arith.select %ge3A_547, %add3A_553, %add3A_539 : vector<16xi1>, vector<16xf32>
      %broadcast_in_dim3A_555 = arith.constant 0 : i32
      %broadcast_in_dim3A_556 = vector.broadcast %broadcast_in_dim3A_555 : i32 to vector<16xi32>
      %lt3A_557 = arith.constant 0 : i32
      %lt3A_558 = vector.broadcast %lt3A_557 : i32 to vector<16xi32>
      %lt3A_559 = arith.cmpi slt, %broadcast_in_dim3A_556, %lt3A_558 : vector<16xi32>
      %add3A_560 = arith.constant 16 : i32
      %add3A_561 = vector.broadcast %add3A_560 : i32 to vector<16xi32>
      %add3A_562 = arith.addi %broadcast_in_dim3A_556, %add3A_561 : vector<16xi32>
      %select_n3A_563 = arith.select %lt3A_559, %add3A_562, %broadcast_in_dim3A_556 : vector<16xi1>, vector<16xi32>
      %reshape3A_564 = vector.shape_cast %select_n3A_563 : vector<16xi32> to vector<16x1xi32>
      %gather3A_565 = vector.shape_cast %reshape3A_564 : vector<16x1xi32> to vector<16xi32>
      %gather3A_566 = tpu.dynamic_gather %get3A_133[%gather3A_565] in [0] : vector<16xf32>, vector<16xi32> -> vector<16xf32>
      %broadcast_in_dim3A_567 = arith.constant 1 : i32
      %broadcast_in_dim3A_568 = vector.broadcast %broadcast_in_dim3A_567 : i32 to vector<16xi32>
      %lt3A_569 = arith.constant 0 : i32
      %lt3A_570 = vector.broadcast %lt3A_569 : i32 to vector<16xi32>
      %lt3A_571 = arith.cmpi slt, %broadcast_in_dim3A_568, %lt3A_570 : vector<16xi32>
      %add3A_572 = arith.constant 16 : i32
      %add3A_573 = vector.broadcast %add3A_572 : i32 to vector<16xi32>
      %add3A_574 = arith.addi %broadcast_in_dim3A_568, %add3A_573 : vector<16xi32>
      %select_n3A_575 = arith.select %lt3A_571, %add3A_574, %broadcast_in_dim3A_568 : vector<16xi1>, vector<16xi32>
      %reshape3A_576 = vector.shape_cast %select_n3A_575 : vector<16xi32> to vector<16x1xi32>
      %gather3A_577 = vector.shape_cast %reshape3A_576 : vector<16x1xi32> to vector<16xi32>
      %gather3A_578 = tpu.dynamic_gather %get3A_133[%gather3A_577] in [0] : vector<16xf32>, vector<16xi32> -> vector<16xf32>
      %broadcast_in_dim3A_579 = arith.constant 2 : i32
      %broadcast_in_dim3A_580 = vector.broadcast %broadcast_in_dim3A_579 : i32 to vector<16xi32>
      %lt3A_581 = arith.constant 0 : i32
      %lt3A_582 = vector.broadcast %lt3A_581 : i32 to vector<16xi32>
      %lt3A_583 = arith.cmpi slt, %broadcast_in_dim3A_580, %lt3A_582 : vector<16xi32>
      %add3A_584 = arith.constant 16 : i32
      %add3A_585 = vector.broadcast %add3A_584 : i32 to vector<16xi32>
      %add3A_586 = arith.addi %broadcast_in_dim3A_580, %add3A_585 : vector<16xi32>
      %select_n3A_587 = arith.select %lt3A_583, %add3A_586, %broadcast_in_dim3A_580 : vector<16xi1>, vector<16xi32>
      %reshape3A_588 = vector.shape_cast %select_n3A_587 : vector<16xi32> to vector<16x1xi32>
      %gather3A_589 = vector.shape_cast %reshape3A_588 : vector<16x1xi32> to vector<16xi32>
      %gather3A_590 = tpu.dynamic_gather %get3A_133[%gather3A_589] in [0] : vector<16xf32>, vector<16xi32> -> vector<16xf32>
      %broadcast_in_dim3A_591 = arith.constant 3 : i32
      %broadcast_in_dim3A_592 = vector.broadcast %broadcast_in_dim3A_591 : i32 to vector<16xi32>
      %lt3A_593 = arith.constant 0 : i32
      %lt3A_594 = vector.broadcast %lt3A_593 : i32 to vector<16xi32>
      %lt3A_595 = arith.cmpi slt, %broadcast_in_dim3A_592, %lt3A_594 : vector<16xi32>
      %add3A_596 = arith.constant 16 : i32
      %add3A_597 = vector.broadcast %add3A_596 : i32 to vector<16xi32>
      %add3A_598 = arith.addi %broadcast_in_dim3A_592, %add3A_597 : vector<16xi32>
      %select_n3A_599 = arith.select %lt3A_595, %add3A_598, %broadcast_in_dim3A_592 : vector<16xi1>, vector<16xi32>
      %reshape3A_600 = vector.shape_cast %select_n3A_599 : vector<16xi32> to vector<16x1xi32>
      %gather3A_601 = vector.shape_cast %reshape3A_600 : vector<16x1xi32> to vector<16xi32>
      %gather3A_602 = tpu.dynamic_gather %get3A_133[%gather3A_601] in [0] : vector<16xf32>, vector<16xi32> -> vector<16xf32>
      %mul3A_603 = arith.mulf %gather3A_578, %min3A_384 : vector<16xf32>
      %add3A_604 = arith.addf %gather3A_566, %mul3A_603 : vector<16xf32>
      %mul3A_605 = arith.mulf %gather3A_590, %min3A_390 : vector<16xf32>
      %add3A_606 = arith.addf %add3A_604, %mul3A_605 : vector<16xf32>
      %mul3A_607 = arith.mulf %min3A_384, %min3A_390 : vector<16xf32>
      %mul3A_608 = arith.mulf %gather3A_602, %mul3A_607 : vector<16xf32>
      %add3A_609 = arith.addf %add3A_606, %mul3A_608 : vector<16xf32>
      %get3A_610 = arith.constant 10 : i32
      %get3A_611 = arith.index_cast %get3A_610 : i32 to index
      %get3A_612 = arith.index_cast %mul3A_124 : i32 to index
      %get3A_613 = tpu.vector_load %arg5[%get3A_611, %get3A_612] {strides = array<i32>} : memref<24x512xf32, #tpu.memory_space<vmem>>, vector<1x16xf32>,
      %get3A_614 = vector.shape_cast %get3A_613 : vector<1x16xf32> to vector<16xf32>
      %ge3A_615 = arith.constant 0.000000e+00 : f32
      %ge3A_616 = vector.broadcast %ge3A_615 : f32 to vector<16xf32>
      %ge3A_617 = arith.cmpf oge, %get3A_614, %ge3A_616 : vector<16xf32>
      %min3A_618 = arith.constant 1.000000e+00 : f32
      %min3A_619 = vector.broadcast %min3A_618 : f32 to vector<16xf32>
      %min3A_620 = arith.minimumf %get3A_614, %min3A_619 : vector<16xf32>
      %add3A_621 = arith.constant 9.99999997E-7 : f32
      %add3A_622 = vector.broadcast %add3A_621 : f32 to vector<16xf32>
      %add3A_623 = arith.addf %min3A_620, %add3A_622 : vector<16xf32>
      %select_n3A_624 = arith.select %ge3A_617, %add3A_623, %add3A_609 : vector<16xi1>, vector<16xf32>
      %broadcast_in_dim3A_625 = arith.constant 4 : i32
      %broadcast_in_dim3A_626 = vector.broadcast %broadcast_in_dim3A_625 : i32 to vector<16xi32>
      %lt3A_627 = arith.constant 0 : i32
      %lt3A_628 = vector.broadcast %lt3A_627 : i32 to vector<16xi32>
      %lt3A_629 = arith.cmpi slt, %broadcast_in_dim3A_626, %lt3A_628 : vector<16xi32>
      %add3A_630 = arith.constant 16 : i32
      %add3A_631 = vector.broadcast %add3A_630 : i32 to vector<16xi32>
      %add3A_632 = arith.addi %broadcast_in_dim3A_626, %add3A_631 : vector<16xi32>
      %select_n3A_633 = arith.select %lt3A_629, %add3A_632, %broadcast_in_dim3A_626 : vector<16xi1>, vector<16xi32>
      %reshape3A_634 = vector.shape_cast %select_n3A_633 : vector<16xi32> to vector<16x1xi32>
      %gather3A_635 = vector.shape_cast %reshape3A_634 : vector<16x1xi32> to vector<16xi32>
      %gather3A_636 = tpu.dynamic_gather %get3A_133[%gather3A_635] in [0] : vector<16xf32>, vector<16xi32> -> vector<16xf32>
      %broadcast_in_dim3A_637 = arith.constant 5 : i32
      %broadcast_in_dim3A_638 = vector.broadcast %broadcast_in_dim3A_637 : i32 to vector<16xi32>
      %lt3A_639 = arith.constant 0 : i32
      %lt3A_640 = vector.broadcast %lt3A_639 : i32 to vector<16xi32>
      %lt3A_641 = arith.cmpi slt, %broadcast_in_dim3A_638, %lt3A_640 : vector<16xi32>
      %add3A_642 = arith.constant 16 : i32
      %add3A_643 = vector.broadcast %add3A_642 : i32 to vector<16xi32>
      %add3A_644 = arith.addi %broadcast_in_dim3A_638, %add3A_643 : vector<16xi32>
      %select_n3A_645 = arith.select %lt3A_641, %add3A_644, %broadcast_in_dim3A_638 : vector<16xi1>, vector<16xi32>
      %reshape3A_646 = vector.shape_cast %select_n3A_645 : vector<16xi32> to vector<16x1xi32>
      %gather3A_647 = vector.shape_cast %reshape3A_646 : vector<16x1xi32> to vector<16xi32>
      %gather3A_648 = tpu.dynamic_gather %get3A_133[%gather3A_647] in [0] : vector<16xf32>, vector<16xi32> -> vector<16xf32>
      %broadcast_in_dim3A_649 = arith.constant 6 : i32
      %broadcast_in_dim3A_650 = vector.broadcast %broadcast_in_dim3A_649 : i32 to vector<16xi32>
      %lt3A_651 = arith.constant 0 : i32
      %lt3A_652 = vector.broadcast %lt3A_651 : i32 to vector<16xi32>
      %lt3A_653 = arith.cmpi slt, %broadcast_in_dim3A_650, %lt3A_652 : vector<16xi32>
      %add3A_654 = arith.constant 16 : i32
      %add3A_655 = vector.broadcast %add3A_654 : i32 to vector<16xi32>
      %add3A_656 = arith.addi %broadcast_in_dim3A_650, %add3A_655 : vector<16xi32>
      %select_n3A_657 = arith.select %lt3A_653, %add3A_656, %broadcast_in_dim3A_650 : vector<16xi1>, vector<16xi32>
      %reshape3A_658 = vector.shape_cast %select_n3A_657 : vector<16xi32> to vector<16x1xi32>
      %gather3A_659 = vector.shape_cast %reshape3A_658 : vector<16x1xi32> to vector<16xi32>
      %gather3A_660 = tpu.dynamic_gather %get3A_133[%gather3A_659] in [0] : vector<16xf32>, vector<16xi32> -> vector<16xf32>
      %broadcast_in_dim3A_661 = arith.constant 7 : i32
      %broadcast_in_dim3A_662 = vector.broadcast %broadcast_in_dim3A_661 : i32 to vector<16xi32>
      %lt3A_663 = arith.constant 0 : i32
      %lt3A_664 = vector.broadcast %lt3A_663 : i32 to vector<16xi32>
      %lt3A_665 = arith.cmpi slt, %broadcast_in_dim3A_662, %lt3A_664 : vector<16xi32>
      %add3A_666 = arith.constant 16 : i32
      %add3A_667 = vector.broadcast %add3A_666 : i32 to vector<16xi32>
      %add3A_668 = arith.addi %broadcast_in_dim3A_662, %add3A_667 : vector<16xi32>
      %select_n3A_669 = arith.select %lt3A_665, %add3A_668, %broadcast_in_dim3A_662 : vector<16xi1>, vector<16xi32>
      %reshape3A_670 = vector.shape_cast %select_n3A_669 : vector<16xi32> to vector<16x1xi32>
      %gather3A_671 = vector.shape_cast %reshape3A_670 : vector<16x1xi32> to vector<16xi32>
      %gather3A_672 = tpu.dynamic_gather %get3A_133[%gather3A_671] in [0] : vector<16xf32>, vector<16xi32> -> vector<16xf32>
      %mul3A_673 = arith.mulf %gather3A_648, %min3A_390 : vector<16xf32>
      %add3A_674 = arith.addf %gather3A_636, %mul3A_673 : vector<16xf32>
      %mul3A_675 = arith.mulf %gather3A_660, %min3A_396 : vector<16xf32>
      %add3A_676 = arith.addf %add3A_674, %mul3A_675 : vector<16xf32>
      %mul3A_677 = arith.mulf %min3A_390, %min3A_396 : vector<16xf32>
      %mul3A_678 = arith.mulf %gather3A_672, %mul3A_677 : vector<16xf32>
      %add3A_679 = arith.addf %add3A_676, %mul3A_678 : vector<16xf32>
      %get3A_680 = arith.constant 11 : i32
      %get3A_681 = arith.index_cast %get3A_680 : i32 to index
      %get3A_682 = arith.index_cast %mul3A_124 : i32 to index
      %get3A_683 = tpu.vector_load %arg5[%get3A_681, %get3A_682] {strides = array<i32>} : memref<24x512xf32, #tpu.memory_space<vmem>>, vector<1x16xf32>,
      %get3A_684 = vector.shape_cast %get3A_683 : vector<1x16xf32> to vector<16xf32>
      %ge3A_685 = arith.constant 0.000000e+00 : f32
      %ge3A_686 = vector.broadcast %ge3A_685 : f32 to vector<16xf32>
      %ge3A_687 = arith.cmpf oge, %get3A_684, %ge3A_686 : vector<16xf32>
      %min3A_688 = arith.constant 1.000000e+00 : f32
      %min3A_689 = vector.broadcast %min3A_688 : f32 to vector<16xf32>
      %min3A_690 = arith.minimumf %get3A_684, %min3A_689 : vector<16xf32>
      %add3A_691 = arith.constant 9.99999997E-7 : f32
      %add3A_692 = vector.broadcast %add3A_691 : f32 to vector<16xf32>
      %add3A_693 = arith.addf %min3A_690, %add3A_692 : vector<16xf32>
      %select_n3A_694 = arith.select %ge3A_687, %add3A_693, %add3A_679 : vector<16xi1>, vector<16xf32>
      %broadcast_in_dim3A_695 = arith.constant 8 : i32
      %broadcast_in_dim3A_696 = vector.broadcast %broadcast_in_dim3A_695 : i32 to vector<16xi32>
      %lt3A_697 = arith.constant 0 : i32
      %lt3A_698 = vector.broadcast %lt3A_697 : i32 to vector<16xi32>
      %lt3A_699 = arith.cmpi slt, %broadcast_in_dim3A_696, %lt3A_698 : vector<16xi32>
      %add3A_700 = arith.constant 16 : i32
      %add3A_701 = vector.broadcast %add3A_700 : i32 to vector<16xi32>
      %add3A_702 = arith.addi %broadcast_in_dim3A_696, %add3A_701 : vector<16xi32>
      %select_n3A_703 = arith.select %lt3A_699, %add3A_702, %broadcast_in_dim3A_696 : vector<16xi1>, vector<16xi32>
      %reshape3A_704 = vector.shape_cast %select_n3A_703 : vector<16xi32> to vector<16x1xi32>
      %gather3A_705 = vector.shape_cast %reshape3A_704 : vector<16x1xi32> to vector<16xi32>
      %gather3A_706 = tpu.dynamic_gather %get3A_133[%gather3A_705] in [0] : vector<16xf32>, vector<16xi32> -> vector<16xf32>
      %broadcast_in_dim3A_707 = arith.constant 9 : i32
      %broadcast_in_dim3A_708 = vector.broadcast %broadcast_in_dim3A_707 : i32 to vector<16xi32>
      %lt3A_709 = arith.constant 0 : i32
      %lt3A_710 = vector.broadcast %lt3A_709 : i32 to vector<16xi32>
      %lt3A_711 = arith.cmpi slt, %broadcast_in_dim3A_708, %lt3A_710 : vector<16xi32>
      %add3A_712 = arith.constant 16 : i32
      %add3A_713 = vector.broadcast %add3A_712 : i32 to vector<16xi32>
      %add3A_714 = arith.addi %broadcast_in_dim3A_708, %add3A_713 : vector<16xi32>
      %select_n3A_715 = arith.select %lt3A_711, %add3A_714, %broadcast_in_dim3A_708 : vector<16xi1>, vector<16xi32>
      %reshape3A_716 = vector.shape_cast %select_n3A_715 : vector<16xi32> to vector<16x1xi32>
      %gather3A_717 = vector.shape_cast %reshape3A_716 : vector<16x1xi32> to vector<16xi32>
      %gather3A_718 = tpu.dynamic_gather %get3A_133[%gather3A_717] in [0] : vector<16xf32>, vector<16xi32> -> vector<16xf32>
      %broadcast_in_dim3A_719 = arith.constant 10 : i32
      %broadcast_in_dim3A_720 = vector.broadcast %broadcast_in_dim3A_719 : i32 to vector<16xi32>
      %lt3A_721 = arith.constant 0 : i32
      %lt3A_722 = vector.broadcast %lt3A_721 : i32 to vector<16xi32>
      %lt3A_723 = arith.cmpi slt, %broadcast_in_dim3A_720, %lt3A_722 : vector<16xi32>
      %add3A_724 = arith.constant 16 : i32
      %add3A_725 = vector.broadcast %add3A_724 : i32 to vector<16xi32>
      %add3A_726 = arith.addi %broadcast_in_dim3A_720, %add3A_725 : vector<16xi32>
      %select_n3A_727 = arith.select %lt3A_723, %add3A_726, %broadcast_in_dim3A_720 : vector<16xi1>, vector<16xi32>
      %reshape3A_728 = vector.shape_cast %select_n3A_727 : vector<16xi32> to vector<16x1xi32>
      %gather3A_729 = vector.shape_cast %reshape3A_728 : vector<16x1xi32> to vector<16xi32>
      %gather3A_730 = tpu.dynamic_gather %get3A_133[%gather3A_729] in [0] : vector<16xf32>, vector<16xi32> -> vector<16xf32>
      %broadcast_in_dim3A_731 = arith.constant 11 : i32
      %broadcast_in_dim3A_732 = vector.broadcast %broadcast_in_dim3A_731 : i32 to vector<16xi32>
      %lt3A_733 = arith.constant 0 : i32
      %lt3A_734 = vector.broadcast %lt3A_733 : i32 to vector<16xi32>
      %lt3A_735 = arith.cmpi slt, %broadcast_in_dim3A_732, %lt3A_734 : vector<16xi32>
      %add3A_736 = arith.constant 16 : i32
      %add3A_737 = vector.broadcast %add3A_736 : i32 to vector<16xi32>
      %add3A_738 = arith.addi %broadcast_in_dim3A_732, %add3A_737 : vector<16xi32>
      %select_n3A_739 = arith.select %lt3A_735, %add3A_738, %broadcast_in_dim3A_732 : vector<16xi1>, vector<16xi32>
      %reshape3A_740 = vector.shape_cast %select_n3A_739 : vector<16xi32> to vector<16x1xi32>
      %gather3A_741 = vector.shape_cast %reshape3A_740 : vector<16x1xi32> to vector<16xi32>
      %gather3A_742 = tpu.dynamic_gather %get3A_133[%gather3A_741] in [0] : vector<16xf32>, vector<16xi32> -> vector<16xf32>
      %mul3A_743 = arith.mulf %gather3A_718, %min3A_396 : vector<16xf32>
      %add3A_744 = arith.addf %gather3A_706, %mul3A_743 : vector<16xf32>
      %mul3A_745 = arith.mulf %gather3A_730, %min3A_402 : vector<16xf32>
      %add3A_746 = arith.addf %add3A_744, %mul3A_745 : vector<16xf32>
      %mul3A_747 = arith.mulf %min3A_396, %min3A_402 : vector<16xf32>
      %mul3A_748 = arith.mulf %gather3A_742, %mul3A_747 : vector<16xf32>
      %add3A_749 = arith.addf %add3A_746, %mul3A_748 : vector<16xf32>
      %get3A_750 = arith.constant 12 : i32
      %get3A_751 = arith.index_cast %get3A_750 : i32 to index
      %get3A_752 = arith.index_cast %mul3A_124 : i32 to index
      %get3A_753 = tpu.vector_load %arg5[%get3A_751, %get3A_752] {strides = array<i32>} : memref<24x512xf32, #tpu.memory_space<vmem>>, vector<1x16xf32>,
      %get3A_754 = vector.shape_cast %get3A_753 : vector<1x16xf32> to vector<16xf32>
      %ge3A_755 = arith.constant 0.000000e+00 : f32
      %ge3A_756 = vector.broadcast %ge3A_755 : f32 to vector<16xf32>
      %ge3A_757 = arith.cmpf oge, %get3A_754, %ge3A_756 : vector<16xf32>
      %min3A_758 = arith.constant 1.000000e+00 : f32
      %min3A_759 = vector.broadcast %min3A_758 : f32 to vector<16xf32>
      %min3A_760 = arith.minimumf %get3A_754, %min3A_759 : vector<16xf32>
      %add3A_761 = arith.constant 9.99999997E-7 : f32
      %add3A_762 = vector.broadcast %add3A_761 : f32 to vector<16xf32>
      %add3A_763 = arith.addf %min3A_760, %add3A_762 : vector<16xf32>
      %select_n3A_764 = arith.select %ge3A_757, %add3A_763, %add3A_749 : vector<16xi1>, vector<16xf32>
      %broadcast_in_dim3A_765 = arith.constant 12 : i32
      %broadcast_in_dim3A_766 = vector.broadcast %broadcast_in_dim3A_765 : i32 to vector<16xi32>
      %lt3A_767 = arith.constant 0 : i32
      %lt3A_768 = vector.broadcast %lt3A_767 : i32 to vector<16xi32>
      %lt3A_769 = arith.cmpi slt, %broadcast_in_dim3A_766, %lt3A_768 : vector<16xi32>
      %add3A_770 = arith.constant 16 : i32
      %add3A_771 = vector.broadcast %add3A_770 : i32 to vector<16xi32>
      %add3A_772 = arith.addi %broadcast_in_dim3A_766, %add3A_771 : vector<16xi32>
      %select_n3A_773 = arith.select %lt3A_769, %add3A_772, %broadcast_in_dim3A_766 : vector<16xi1>, vector<16xi32>
      %reshape3A_774 = vector.shape_cast %select_n3A_773 : vector<16xi32> to vector<16x1xi32>
      %gather3A_775 = vector.shape_cast %reshape3A_774 : vector<16x1xi32> to vector<16xi32>
      %gather3A_776 = tpu.dynamic_gather %get3A_133[%gather3A_775] in [0] : vector<16xf32>, vector<16xi32> -> vector<16xf32>
      %broadcast_in_dim3A_777 = arith.constant 13 : i32
      %broadcast_in_dim3A_778 = vector.broadcast %broadcast_in_dim3A_777 : i32 to vector<16xi32>
      %lt3A_779 = arith.constant 0 : i32
      %lt3A_780 = vector.broadcast %lt3A_779 : i32 to vector<16xi32>
      %lt3A_781 = arith.cmpi slt, %broadcast_in_dim3A_778, %lt3A_780 : vector<16xi32>
      %add3A_782 = arith.constant 16 : i32
      %add3A_783 = vector.broadcast %add3A_782 : i32 to vector<16xi32>
      %add3A_784 = arith.addi %broadcast_in_dim3A_778, %add3A_783 : vector<16xi32>
      %select_n3A_785 = arith.select %lt3A_781, %add3A_784, %broadcast_in_dim3A_778 : vector<16xi1>, vector<16xi32>
      %reshape3A_786 = vector.shape_cast %select_n3A_785 : vector<16xi32> to vector<16x1xi32>
      %gather3A_787 = vector.shape_cast %reshape3A_786 : vector<16x1xi32> to vector<16xi32>
      %gather3A_788 = tpu.dynamic_gather %get3A_133[%gather3A_787] in [0] : vector<16xf32>, vector<16xi32> -> vector<16xf32>
      %broadcast_in_dim3A_789 = arith.constant 14 : i32
      %broadcast_in_dim3A_790 = vector.broadcast %broadcast_in_dim3A_789 : i32 to vector<16xi32>
      %lt3A_791 = arith.constant 0 : i32
      %lt3A_792 = vector.broadcast %lt3A_791 : i32 to vector<16xi32>
      %lt3A_793 = arith.cmpi slt, %broadcast_in_dim3A_790, %lt3A_792 : vector<16xi32>
      %add3A_794 = arith.constant 16 : i32
      %add3A_795 = vector.broadcast %add3A_794 : i32 to vector<16xi32>
      %add3A_796 = arith.addi %broadcast_in_dim3A_790, %add3A_795 : vector<16xi32>
      %select_n3A_797 = arith.select %lt3A_793, %add3A_796, %broadcast_in_dim3A_790 : vector<16xi1>, vector<16xi32>
      %reshape3A_798 = vector.shape_cast %select_n3A_797 : vector<16xi32> to vector<16x1xi32>
      %gather3A_799 = vector.shape_cast %reshape3A_798 : vector<16x1xi32> to vector<16xi32>
      %gather3A_800 = tpu.dynamic_gather %get3A_133[%gather3A_799] in [0] : vector<16xf32>, vector<16xi32> -> vector<16xf32>
      %broadcast_in_dim3A_801 = arith.constant 15 : i32
      %broadcast_in_dim3A_802 = vector.broadcast %broadcast_in_dim3A_801 : i32 to vector<16xi32>
      %lt3A_803 = arith.constant 0 : i32
      %lt3A_804 = vector.broadcast %lt3A_803 : i32 to vector<16xi32>
      %lt3A_805 = arith.cmpi slt, %broadcast_in_dim3A_802, %lt3A_804 : vector<16xi32>
      %add3A_806 = arith.constant 16 : i32
      %add3A_807 = vector.broadcast %add3A_806 : i32 to vector<16xi32>
      %add3A_808 = arith.addi %broadcast_in_dim3A_802, %add3A_807 : vector<16xi32>
      %select_n3A_809 = arith.select %lt3A_805, %add3A_808, %broadcast_in_dim3A_802 : vector<16xi1>, vector<16xi32>
      %reshape3A_810 = vector.shape_cast %select_n3A_809 : vector<16xi32> to vector<16x1xi32>
      %gather3A_811 = vector.shape_cast %reshape3A_810 : vector<16x1xi32> to vector<16xi32>
      %gather3A_812 = tpu.dynamic_gather %get3A_133[%gather3A_811] in [0] : vector<16xf32>, vector<16xi32> -> vector<16xf32>
      %mul3A_813 = arith.mulf %gather3A_788, %min3A_402 : vector<16xf32>
      %add3A_814 = arith.addf %gather3A_776, %mul3A_813 : vector<16xf32>
      %mul3A_815 = arith.mulf %gather3A_800, %min3A_408 : vector<16xf32>
      %add3A_816 = arith.addf %add3A_814, %mul3A_815 : vector<16xf32>
      %mul3A_817 = arith.mulf %min3A_402, %min3A_408 : vector<16xf32>
      %mul3A_818 = arith.mulf %gather3A_812, %mul3A_817 : vector<16xf32>
      %add3A_819 = arith.addf %add3A_816, %mul3A_818 : vector<16xf32>
      %get3A_820 = arith.constant 13 : i32
      %get3A_821 = arith.index_cast %get3A_820 : i32 to index
      %get3A_822 = arith.index_cast %mul3A_124 : i32 to index
      %get3A_823 = tpu.vector_load %arg5[%get3A_821, %get3A_822] {strides = array<i32>} : memref<24x512xf32, #tpu.memory_space<vmem>>, vector<1x16xf32>,
      %get3A_824 = vector.shape_cast %get3A_823 : vector<1x16xf32> to vector<16xf32>
      %ge3A_825 = arith.constant 0.000000e+00 : f32
      %ge3A_826 = vector.broadcast %ge3A_825 : f32 to vector<16xf32>
      %ge3A_827 = arith.cmpf oge, %get3A_824, %ge3A_826 : vector<16xf32>
      %min3A_828 = arith.constant 1.000000e+00 : f32
      %min3A_829 = vector.broadcast %min3A_828 : f32 to vector<16xf32>
      %min3A_830 = arith.minimumf %get3A_824, %min3A_829 : vector<16xf32>
      %add3A_831 = arith.constant 9.99999997E-7 : f32
      %add3A_832 = vector.broadcast %add3A_831 : f32 to vector<16xf32>
      %add3A_833 = arith.addf %min3A_830, %add3A_832 : vector<16xf32>
      %select_n3A_834 = arith.select %ge3A_827, %add3A_833, %add3A_819 : vector<16xi1>, vector<16xf32>
      %broadcast_in_dim3A_835 = arith.constant 0 : i32
      %broadcast_in_dim3A_836 = vector.broadcast %broadcast_in_dim3A_835 : i32 to vector<16xi32>
      %lt3A_837 = arith.constant 0 : i32
      %lt3A_838 = vector.broadcast %lt3A_837 : i32 to vector<16xi32>
      %lt3A_839 = arith.cmpi slt, %broadcast_in_dim3A_836, %lt3A_838 : vector<16xi32>
      %add3A_840 = arith.constant 16 : i32
      %add3A_841 = vector.broadcast %add3A_840 : i32 to vector<16xi32>
      %add3A_842 = arith.addi %broadcast_in_dim3A_836, %add3A_841 : vector<16xi32>
      %select_n3A_843 = arith.select %lt3A_839, %add3A_842, %broadcast_in_dim3A_836 : vector<16xi1>, vector<16xi32>
      %reshape3A_844 = vector.shape_cast %select_n3A_843 : vector<16xi32> to vector<16x1xi32>
      %gather3A_845 = vector.shape_cast %reshape3A_844 : vector<16x1xi32> to vector<16xi32>
      %gather3A_846 = tpu.dynamic_gather %get3A_138[%gather3A_845] in [0] : vector<16xf32>, vector<16xi32> -> vector<16xf32>
      %broadcast_in_dim3A_847 = arith.constant 1 : i32
      %broadcast_in_dim3A_848 = vector.broadcast %broadcast_in_dim3A_847 : i32 to vector<16xi32>
      %lt3A_849 = arith.constant 0 : i32
      %lt3A_850 = vector.broadcast %lt3A_849 : i32 to vector<16xi32>
      %lt3A_851 = arith.cmpi slt, %broadcast_in_dim3A_848, %lt3A_850 : vector<16xi32>
      %add3A_852 = arith.constant 16 : i32
      %add3A_853 = vector.broadcast %add3A_852 : i32 to vector<16xi32>
      %add3A_854 = arith.addi %broadcast_in_dim3A_848, %add3A_853 : vector<16xi32>
      %select_n3A_855 = arith.select %lt3A_851, %add3A_854, %broadcast_in_dim3A_848 : vector<16xi1>, vector<16xi32>
      %reshape3A_856 = vector.shape_cast %select_n3A_855 : vector<16xi32> to vector<16x1xi32>
      %gather3A_857 = vector.shape_cast %reshape3A_856 : vector<16x1xi32> to vector<16xi32>
      %gather3A_858 = tpu.dynamic_gather %get3A_138[%gather3A_857] in [0] : vector<16xf32>, vector<16xi32> -> vector<16xf32>
      %broadcast_in_dim3A_859 = arith.constant 2 : i32
      %broadcast_in_dim3A_860 = vector.broadcast %broadcast_in_dim3A_859 : i32 to vector<16xi32>
      %lt3A_861 = arith.constant 0 : i32
      %lt3A_862 = vector.broadcast %lt3A_861 : i32 to vector<16xi32>
      %lt3A_863 = arith.cmpi slt, %broadcast_in_dim3A_860, %lt3A_862 : vector<16xi32>
      %add3A_864 = arith.constant 16 : i32
      %add3A_865 = vector.broadcast %add3A_864 : i32 to vector<16xi32>
      %add3A_866 = arith.addi %broadcast_in_dim3A_860, %add3A_865 : vector<16xi32>
      %select_n3A_867 = arith.select %lt3A_863, %add3A_866, %broadcast_in_dim3A_860 : vector<16xi1>, vector<16xi32>
      %reshape3A_868 = vector.shape_cast %select_n3A_867 : vector<16xi32> to vector<16x1xi32>
      %gather3A_869 = vector.shape_cast %reshape3A_868 : vector<16x1xi32> to vector<16xi32>
      %gather3A_870 = tpu.dynamic_gather %get3A_138[%gather3A_869] in [0] : vector<16xf32>, vector<16xi32> -> vector<16xf32>
      %broadcast_in_dim3A_871 = arith.constant 3 : i32
      %broadcast_in_dim3A_872 = vector.broadcast %broadcast_in_dim3A_871 : i32 to vector<16xi32>
      %lt3A_873 = arith.constant 0 : i32
      %lt3A_874 = vector.broadcast %lt3A_873 : i32 to vector<16xi32>
      %lt3A_875 = arith.cmpi slt, %broadcast_in_dim3A_872, %lt3A_874 : vector<16xi32>
      %add3A_876 = arith.constant 16 : i32
      %add3A_877 = vector.broadcast %add3A_876 : i32 to vector<16xi32>
      %add3A_878 = arith.addi %broadcast_in_dim3A_872, %add3A_877 : vector<16xi32>
      %select_n3A_879 = arith.select %lt3A_875, %add3A_878, %broadcast_in_dim3A_872 : vector<16xi1>, vector<16xi32>
      %reshape3A_880 = vector.shape_cast %select_n3A_879 : vector<16xi32> to vector<16x1xi32>
      %gather3A_881 = vector.shape_cast %reshape3A_880 : vector<16x1xi32> to vector<16xi32>
      %gather3A_882 = tpu.dynamic_gather %get3A_138[%gather3A_881] in [0] : vector<16xf32>, vector<16xi32> -> vector<16xf32>
      %mul3A_883 = arith.mulf %gather3A_858, %min3A_408 : vector<16xf32>
      %add3A_884 = arith.addf %gather3A_846, %mul3A_883 : vector<16xf32>
      %mul3A_885 = arith.mulf %gather3A_870, %min3A_414 : vector<16xf32>
      %add3A_886 = arith.addf %add3A_884, %mul3A_885 : vector<16xf32>
      %mul3A_887 = arith.mulf %min3A_408, %min3A_414 : vector<16xf32>
      %mul3A_888 = arith.mulf %gather3A_882, %mul3A_887 : vector<16xf32>
      %add3A_889 = arith.addf %add3A_886, %mul3A_888 : vector<16xf32>
      %get3A_890 = arith.constant 14 : i32
      %get3A_891 = arith.index_cast %get3A_890 : i32 to index
      %get3A_892 = arith.index_cast %mul3A_124 : i32 to index
      %get3A_893 = tpu.vector_load %arg5[%get3A_891, %get3A_892] {strides = array<i32>} : memref<24x512xf32, #tpu.memory_space<vmem>>, vector<1x16xf32>,
      %get3A_894 = vector.shape_cast %get3A_893 : vector<1x16xf32> to vector<16xf32>
      %ge3A_895 = arith.constant 0.000000e+00 : f32
      %ge3A_896 = vector.broadcast %ge3A_895 : f32 to vector<16xf32>
      %ge3A_897 = arith.cmpf oge, %get3A_894, %ge3A_896 : vector<16xf32>
      %min3A_898 = arith.constant 1.000000e+00 : f32
      %min3A_899 = vector.broadcast %min3A_898 : f32 to vector<16xf32>
      %min3A_900 = arith.minimumf %get3A_894, %min3A_899 : vector<16xf32>
      %add3A_901 = arith.constant 9.99999997E-7 : f32
      %add3A_902 = vector.broadcast %add3A_901 : f32 to vector<16xf32>
      %add3A_903 = arith.addf %min3A_900, %add3A_902 : vector<16xf32>
      %select_n3A_904 = arith.select %ge3A_897, %add3A_903, %add3A_889 : vector<16xi1>, vector<16xf32>
      %broadcast_in_dim3A_905 = arith.constant 4 : i32
      %broadcast_in_dim3A_906 = vector.broadcast %broadcast_in_dim3A_905 : i32 to vector<16xi32>
      %lt3A_907 = arith.constant 0 : i32
      %lt3A_908 = vector.broadcast %lt3A_907 : i32 to vector<16xi32>
      %lt3A_909 = arith.cmpi slt, %broadcast_in_dim3A_906, %lt3A_908 : vector<16xi32>
      %add3A_910 = arith.constant 16 : i32
      %add3A_911 = vector.broadcast %add3A_910 : i32 to vector<16xi32>
      %add3A_912 = arith.addi %broadcast_in_dim3A_906, %add3A_911 : vector<16xi32>
      %select_n3A_913 = arith.select %lt3A_909, %add3A_912, %broadcast_in_dim3A_906 : vector<16xi1>, vector<16xi32>
      %reshape3A_914 = vector.shape_cast %select_n3A_913 : vector<16xi32> to vector<16x1xi32>
      %gather3A_915 = vector.shape_cast %reshape3A_914 : vector<16x1xi32> to vector<16xi32>
      %gather3A_916 = tpu.dynamic_gather %get3A_138[%gather3A_915] in [0] : vector<16xf32>, vector<16xi32> -> vector<16xf32>
      %broadcast_in_dim3A_917 = arith.constant 5 : i32
      %broadcast_in_dim3A_918 = vector.broadcast %broadcast_in_dim3A_917 : i32 to vector<16xi32>
      %lt3A_919 = arith.constant 0 : i32
      %lt3A_920 = vector.broadcast %lt3A_919 : i32 to vector<16xi32>
      %lt3A_921 = arith.cmpi slt, %broadcast_in_dim3A_918, %lt3A_920 : vector<16xi32>
      %add3A_922 = arith.constant 16 : i32
      %add3A_923 = vector.broadcast %add3A_922 : i32 to vector<16xi32>
      %add3A_924 = arith.addi %broadcast_in_dim3A_918, %add3A_923 : vector<16xi32>
      %select_n3A_925 = arith.select %lt3A_921, %add3A_924, %broadcast_in_dim3A_918 : vector<16xi1>, vector<16xi32>
      %reshape3A_926 = vector.shape_cast %select_n3A_925 : vector<16xi32> to vector<16x1xi32>
      %gather3A_927 = vector.shape_cast %reshape3A_926 : vector<16x1xi32> to vector<16xi32>
      %gather3A_928 = tpu.dynamic_gather %get3A_138[%gather3A_927] in [0] : vector<16xf32>, vector<16xi32> -> vector<16xf32>
      %broadcast_in_dim3A_929 = arith.constant 6 : i32
      %broadcast_in_dim3A_930 = vector.broadcast %broadcast_in_dim3A_929 : i32 to vector<16xi32>
      %lt3A_931 = arith.constant 0 : i32
      %lt3A_932 = vector.broadcast %lt3A_931 : i32 to vector<16xi32>
      %lt3A_933 = arith.cmpi slt, %broadcast_in_dim3A_930, %lt3A_932 : vector<16xi32>
      %add3A_934 = arith.constant 16 : i32
      %add3A_935 = vector.broadcast %add3A_934 : i32 to vector<16xi32>
      %add3A_936 = arith.addi %broadcast_in_dim3A_930, %add3A_935 : vector<16xi32>
      %select_n3A_937 = arith.select %lt3A_933, %add3A_936, %broadcast_in_dim3A_930 : vector<16xi1>, vector<16xi32>
      %reshape3A_938 = vector.shape_cast %select_n3A_937 : vector<16xi32> to vector<16x1xi32>
      %gather3A_939 = vector.shape_cast %reshape3A_938 : vector<16x1xi32> to vector<16xi32>
      %gather3A_940 = tpu.dynamic_gather %get3A_138[%gather3A_939] in [0] : vector<16xf32>, vector<16xi32> -> vector<16xf32>
      %broadcast_in_dim3A_941 = arith.constant 7 : i32
      %broadcast_in_dim3A_942 = vector.broadcast %broadcast_in_dim3A_941 : i32 to vector<16xi32>
      %lt3A_943 = arith.constant 0 : i32
      %lt3A_944 = vector.broadcast %lt3A_943 : i32 to vector<16xi32>
      %lt3A_945 = arith.cmpi slt, %broadcast_in_dim3A_942, %lt3A_944 : vector<16xi32>
      %add3A_946 = arith.constant 16 : i32
      %add3A_947 = vector.broadcast %add3A_946 : i32 to vector<16xi32>
      %add3A_948 = arith.addi %broadcast_in_dim3A_942, %add3A_947 : vector<16xi32>
      %select_n3A_949 = arith.select %lt3A_945, %add3A_948, %broadcast_in_dim3A_942 : vector<16xi1>, vector<16xi32>
      %reshape3A_950 = vector.shape_cast %select_n3A_949 : vector<16xi32> to vector<16x1xi32>
      %gather3A_951 = vector.shape_cast %reshape3A_950 : vector<16x1xi32> to vector<16xi32>
      %gather3A_952 = tpu.dynamic_gather %get3A_138[%gather3A_951] in [0] : vector<16xf32>, vector<16xi32> -> vector<16xf32>
      %mul3A_953 = arith.mulf %gather3A_928, %min3A_414 : vector<16xf32>
      %add3A_954 = arith.addf %gather3A_916, %mul3A_953 : vector<16xf32>
      %mul3A_955 = arith.mulf %gather3A_940, %min3A_372 : vector<16xf32>
      %add3A_956 = arith.addf %add3A_954, %mul3A_955 : vector<16xf32>
      %mul3A_957 = arith.mulf %min3A_414, %min3A_372 : vector<16xf32>
      %mul3A_958 = arith.mulf %gather3A_952, %mul3A_957 : vector<16xf32>
      %add3A_959 = arith.addf %add3A_956, %mul3A_958 : vector<16xf32>
      %get3A_960 = arith.constant 15 : i32
      %get3A_961 = arith.index_cast %get3A_960 : i32 to index
      %get3A_962 = arith.index_cast %mul3A_124 : i32 to index
      %get3A_963 = tpu.vector_load %arg5[%get3A_961, %get3A_962] {strides = array<i32>} : memref<24x512xf32, #tpu.memory_space<vmem>>, vector<1x16xf32>,
      %get3A_964 = vector.shape_cast %get3A_963 : vector<1x16xf32> to vector<16xf32>
      %ge3A_965 = arith.constant 0.000000e+00 : f32
      %ge3A_966 = vector.broadcast %ge3A_965 : f32 to vector<16xf32>
      %ge3A_967 = arith.cmpf oge, %get3A_964, %ge3A_966 : vector<16xf32>
      %min3A_968 = arith.constant 1.000000e+00 : f32
      %min3A_969 = vector.broadcast %min3A_968 : f32 to vector<16xf32>
      %min3A_970 = arith.minimumf %get3A_964, %min3A_969 : vector<16xf32>
      %add3A_971 = arith.constant 9.99999997E-7 : f32
      %add3A_972 = vector.broadcast %add3A_971 : f32 to vector<16xf32>
      %add3A_973 = arith.addf %min3A_970, %add3A_972 : vector<16xf32>
      %select_n3A_974 = arith.select %ge3A_967, %add3A_973, %add3A_959 : vector<16xi1>, vector<16xf32>
      %max3A_975 = arith.constant 9.99999997E-7 : f32
      %max3A_976 = vector.broadcast %max3A_975 : f32 to vector<16xf32>
      %max3A_977 = arith.maximumf %select_n3A_484, %max3A_976 : vector<16xf32>
      %min3A_978 = arith.constant 0.999998986 : f32
      %min3A_979 = vector.broadcast %min3A_978 : f32 to vector<16xf32>
      %min3A_980 = arith.minimumf %max3A_977, %min3A_979 : vector<16xf32>
      %max3A_981 = arith.constant 9.99999997E-7 : f32
      %max3A_982 = vector.broadcast %max3A_981 : f32 to vector<16xf32>
      %max3A_983 = arith.maximumf %select_n3A_554, %max3A_982 : vector<16xf32>
      %min3A_984 = arith.constant 0.999998986 : f32
      %min3A_985 = vector.broadcast %min3A_984 : f32 to vector<16xf32>
      %min3A_986 = arith.minimumf %max3A_983, %min3A_985 : vector<16xf32>
      %max3A_987 = arith.constant 9.99999997E-7 : f32
      %max3A_988 = vector.broadcast %max3A_987 : f32 to vector<16xf32>
      %max3A_989 = arith.maximumf %select_n3A_624, %max3A_988 : vector<16xf32>
      %min3A_990 = arith.constant 0.999998986 : f32
      %min3A_991 = vector.broadcast %min3A_990 : f32 to vector<16xf32>
      %min3A_992 = arith.minimumf %max3A_989, %min3A_991 : vector<16xf32>
      %max3A_993 = arith.constant 9.99999997E-7 : f32
      %max3A_994 = vector.broadcast %max3A_993 : f32 to vector<16xf32>
      %max3A_995 = arith.maximumf %select_n3A_694, %max3A_994 : vector<16xf32>
      %min3A_996 = arith.constant 0.999998986 : f32
      %min3A_997 = vector.broadcast %min3A_996 : f32 to vector<16xf32>
      %min3A_998 = arith.minimumf %max3A_995, %min3A_997 : vector<16xf32>
      %max3A_999 = arith.constant 9.99999997E-7 : f32
      %max3A_1000 = vector.broadcast %max3A_999 : f32 to vector<16xf32>
      %max3A_1001 = arith.maximumf %select_n3A_764, %max3A_1000 : vector<16xf32>
      %min3A_1002 = arith.constant 0.999998986 : f32
      %min3A_1003 = vector.broadcast %min3A_1002 : f32 to vector<16xf32>
      %min3A_1004 = arith.minimumf %max3A_1001, %min3A_1003 : vector<16xf32>
      %max3A_1005 = arith.constant 9.99999997E-7 : f32
      %max3A_1006 = vector.broadcast %max3A_1005 : f32 to vector<16xf32>
      %max3A_1007 = arith.maximumf %select_n3A_834, %max3A_1006 : vector<16xf32>
      %min3A_1008 = arith.constant 0.999998986 : f32
      %min3A_1009 = vector.broadcast %min3A_1008 : f32 to vector<16xf32>
      %min3A_1010 = arith.minimumf %max3A_1007, %min3A_1009 : vector<16xf32>
      %max3A_1011 = arith.constant 9.99999997E-7 : f32
      %max3A_1012 = vector.broadcast %max3A_1011 : f32 to vector<16xf32>
      %max3A_1013 = arith.maximumf %select_n3A_904, %max3A_1012 : vector<16xf32>
      %min3A_1014 = arith.constant 0.999998986 : f32
      %min3A_1015 = vector.broadcast %min3A_1014 : f32 to vector<16xf32>
      %min3A_1016 = arith.minimumf %max3A_1013, %min3A_1015 : vector<16xf32>
      %max3A_1017 = arith.constant 9.99999997E-7 : f32
      %max3A_1018 = vector.broadcast %max3A_1017 : f32 to vector<16xf32>
      %max3A_1019 = arith.maximumf %select_n3A_974, %max3A_1018 : vector<16xf32>
      %min3A_1020 = arith.constant 0.999998986 : f32
      %min3A_1021 = vector.broadcast %min3A_1020 : f32 to vector<16xf32>
      %min3A_1022 = arith.minimumf %max3A_1019, %min3A_1021 : vector<16xf32>
      %broadcast_in_dim3A_1023 = arith.constant 8 : i32
      %broadcast_in_dim3A_1024 = vector.broadcast %broadcast_in_dim3A_1023 : i32 to vector<16xi32>
      %lt3A_1025 = arith.constant 0 : i32
      %lt3A_1026 = vector.broadcast %lt3A_1025 : i32 to vector<16xi32>
      %lt3A_1027 = arith.cmpi slt, %broadcast_in_dim3A_1024, %lt3A_1026 : vector<16xi32>
      %add3A_1028 = arith.constant 16 : i32
      %add3A_1029 = vector.broadcast %add3A_1028 : i32 to vector<16xi32>
      %add3A_1030 = arith.addi %broadcast_in_dim3A_1024, %add3A_1029 : vector<16xi32>
      %select_n3A_1031 = arith.select %lt3A_1027, %add3A_1030, %broadcast_in_dim3A_1024 : vector<16xi1>, vector<16xi32>
      %reshape3A_1032 = vector.shape_cast %select_n3A_1031 : vector<16xi32> to vector<16x1xi32>
      %gather3A_1033 = vector.shape_cast %reshape3A_1032 : vector<16x1xi32> to vector<16xi32>
      %gather3A_1034 = tpu.dynamic_gather %get3A_138[%gather3A_1033] in [0] : vector<16xf32>, vector<16xi32> -> vector<16xf32>
      %broadcast_in_dim3A_1035 = arith.constant 9 : i32
      %broadcast_in_dim3A_1036 = vector.broadcast %broadcast_in_dim3A_1035 : i32 to vector<16xi32>
      %lt3A_1037 = arith.constant 0 : i32
      %lt3A_1038 = vector.broadcast %lt3A_1037 : i32 to vector<16xi32>
      %lt3A_1039 = arith.cmpi slt, %broadcast_in_dim3A_1036, %lt3A_1038 : vector<16xi32>
      %add3A_1040 = arith.constant 16 : i32
      %add3A_1041 = vector.broadcast %add3A_1040 : i32 to vector<16xi32>
      %add3A_1042 = arith.addi %broadcast_in_dim3A_1036, %add3A_1041 : vector<16xi32>
      %select_n3A_1043 = arith.select %lt3A_1039, %add3A_1042, %broadcast_in_dim3A_1036 : vector<16xi1>, vector<16xi32>
      %reshape3A_1044 = vector.shape_cast %select_n3A_1043 : vector<16xi32> to vector<16x1xi32>
      %gather3A_1045 = vector.shape_cast %reshape3A_1044 : vector<16x1xi32> to vector<16xi32>
      %gather3A_1046 = tpu.dynamic_gather %get3A_138[%gather3A_1045] in [0] : vector<16xf32>, vector<16xi32> -> vector<16xf32>
      %broadcast_in_dim3A_1047 = arith.constant 10 : i32
      %broadcast_in_dim3A_1048 = vector.broadcast %broadcast_in_dim3A_1047 : i32 to vector<16xi32>
      %lt3A_1049 = arith.constant 0 : i32
      %lt3A_1050 = vector.broadcast %lt3A_1049 : i32 to vector<16xi32>
      %lt3A_1051 = arith.cmpi slt, %broadcast_in_dim3A_1048, %lt3A_1050 : vector<16xi32>
      %add3A_1052 = arith.constant 16 : i32
      %add3A_1053 = vector.broadcast %add3A_1052 : i32 to vector<16xi32>
      %add3A_1054 = arith.addi %broadcast_in_dim3A_1048, %add3A_1053 : vector<16xi32>
      %select_n3A_1055 = arith.select %lt3A_1051, %add3A_1054, %broadcast_in_dim3A_1048 : vector<16xi1>, vector<16xi32>
      %reshape3A_1056 = vector.shape_cast %select_n3A_1055 : vector<16xi32> to vector<16x1xi32>
      %gather3A_1057 = vector.shape_cast %reshape3A_1056 : vector<16x1xi32> to vector<16xi32>
      %gather3A_1058 = tpu.dynamic_gather %get3A_138[%gather3A_1057] in [0] : vector<16xf32>, vector<16xi32> -> vector<16xf32>
      %broadcast_in_dim3A_1059 = arith.constant 11 : i32
      %broadcast_in_dim3A_1060 = vector.broadcast %broadcast_in_dim3A_1059 : i32 to vector<16xi32>
      %lt3A_1061 = arith.constant 0 : i32
      %lt3A_1062 = vector.broadcast %lt3A_1061 : i32 to vector<16xi32>
      %lt3A_1063 = arith.cmpi slt, %broadcast_in_dim3A_1060, %lt3A_1062 : vector<16xi32>
      %add3A_1064 = arith.constant 16 : i32
      %add3A_1065 = vector.broadcast %add3A_1064 : i32 to vector<16xi32>
      %add3A_1066 = arith.addi %broadcast_in_dim3A_1060, %add3A_1065 : vector<16xi32>
      %select_n3A_1067 = arith.select %lt3A_1063, %add3A_1066, %broadcast_in_dim3A_1060 : vector<16xi1>, vector<16xi32>
      %reshape3A_1068 = vector.shape_cast %select_n3A_1067 : vector<16xi32> to vector<16x1xi32>
      %gather3A_1069 = vector.shape_cast %reshape3A_1068 : vector<16x1xi32> to vector<16xi32>
      %gather3A_1070 = tpu.dynamic_gather %get3A_138[%gather3A_1069] in [0] : vector<16xf32>, vector<16xi32> -> vector<16xf32>
      %broadcast_in_dim3A_1071 = arith.constant 12 : i32
      %broadcast_in_dim3A_1072 = vector.broadcast %broadcast_in_dim3A_1071 : i32 to vector<16xi32>
      %lt3A_1073 = arith.constant 0 : i32
      %lt3A_1074 = vector.broadcast %lt3A_1073 : i32 to vector<16xi32>
      %lt3A_1075 = arith.cmpi slt, %broadcast_in_dim3A_1072, %lt3A_1074 : vector<16xi32>
      %add3A_1076 = arith.constant 16 : i32
      %add3A_1077 = vector.broadcast %add3A_1076 : i32 to vector<16xi32>
      %add3A_1078 = arith.addi %broadcast_in_dim3A_1072, %add3A_1077 : vector<16xi32>
      %select_n3A_1079 = arith.select %lt3A_1075, %add3A_1078, %broadcast_in_dim3A_1072 : vector<16xi1>, vector<16xi32>
      %reshape3A_1080 = vector.shape_cast %select_n3A_1079 : vector<16xi32> to vector<16x1xi32>
      %gather3A_1081 = vector.shape_cast %reshape3A_1080 : vector<16x1xi32> to vector<16xi32>
      %gather3A_1082 = tpu.dynamic_gather %get3A_138[%gather3A_1081] in [0] : vector<16xf32>, vector<16xi32> -> vector<16xf32>
      %broadcast_in_dim3A_1083 = arith.constant 13 : i32
      %broadcast_in_dim3A_1084 = vector.broadcast %broadcast_in_dim3A_1083 : i32 to vector<16xi32>
      %lt3A_1085 = arith.constant 0 : i32
      %lt3A_1086 = vector.broadcast %lt3A_1085 : i32 to vector<16xi32>
      %lt3A_1087 = arith.cmpi slt, %broadcast_in_dim3A_1084, %lt3A_1086 : vector<16xi32>
      %add3A_1088 = arith.constant 16 : i32
      %add3A_1089 = vector.broadcast %add3A_1088 : i32 to vector<16xi32>
      %add3A_1090 = arith.addi %broadcast_in_dim3A_1084, %add3A_1089 : vector<16xi32>
      %select_n3A_1091 = arith.select %lt3A_1087, %add3A_1090, %broadcast_in_dim3A_1084 : vector<16xi1>, vector<16xi32>
      %reshape3A_1092 = vector.shape_cast %select_n3A_1091 : vector<16xi32> to vector<16x1xi32>
      %gather3A_1093 = vector.shape_cast %reshape3A_1092 : vector<16x1xi32> to vector<16xi32>
      %gather3A_1094 = tpu.dynamic_gather %get3A_138[%gather3A_1093] in [0] : vector<16xf32>, vector<16xi32> -> vector<16xf32>
      %broadcast_in_dim3A_1095 = arith.constant 14 : i32
      %broadcast_in_dim3A_1096 = vector.broadcast %broadcast_in_dim3A_1095 : i32 to vector<16xi32>
      %lt3A_1097 = arith.constant 0 : i32
      %lt3A_1098 = vector.broadcast %lt3A_1097 : i32 to vector<16xi32>
      %lt3A_1099 = arith.cmpi slt, %broadcast_in_dim3A_1096, %lt3A_1098 : vector<16xi32>
      %add3A_1100 = arith.constant 16 : i32
      %add3A_1101 = vector.broadcast %add3A_1100 : i32 to vector<16xi32>
      %add3A_1102 = arith.addi %broadcast_in_dim3A_1096, %add3A_1101 : vector<16xi32>
      %select_n3A_1103 = arith.select %lt3A_1099, %add3A_1102, %broadcast_in_dim3A_1096 : vector<16xi1>, vector<16xi32>
      %reshape3A_1104 = vector.shape_cast %select_n3A_1103 : vector<16xi32> to vector<16x1xi32>
      %gather3A_1105 = vector.shape_cast %reshape3A_1104 : vector<16x1xi32> to vector<16xi32>
      %gather3A_1106 = tpu.dynamic_gather %get3A_138[%gather3A_1105] in [0] : vector<16xf32>, vector<16xi32> -> vector<16xf32>
      %broadcast_in_dim3A_1107 = arith.constant 15 : i32
      %broadcast_in_dim3A_1108 = vector.broadcast %broadcast_in_dim3A_1107 : i32 to vector<16xi32>
      %lt3A_1109 = arith.constant 0 : i32
      %lt3A_1110 = vector.broadcast %lt3A_1109 : i32 to vector<16xi32>
      %lt3A_1111 = arith.cmpi slt, %broadcast_in_dim3A_1108, %lt3A_1110 : vector<16xi32>
      %add3A_1112 = arith.constant 16 : i32
      %add3A_1113 = vector.broadcast %add3A_1112 : i32 to vector<16xi32>
      %add3A_1114 = arith.addi %broadcast_in_dim3A_1108, %add3A_1113 : vector<16xi32>
      %select_n3A_1115 = arith.select %lt3A_1111, %add3A_1114, %broadcast_in_dim3A_1108 : vector<16xi1>, vector<16xi32>
      %reshape3A_1116 = vector.shape_cast %select_n3A_1115 : vector<16xi32> to vector<16x1xi32>
      %gather3A_1117 = vector.shape_cast %reshape3A_1116 : vector<16x1xi32> to vector<16xi32>
      %gather3A_1118 = tpu.dynamic_gather %get3A_138[%gather3A_1117] in [0] : vector<16xf32>, vector<16xi32> -> vector<16xf32>
      %mul3A_1119 = arith.mulf %min3A_980, %min3A_986 : vector<16xf32>
      %mul3A_1120 = arith.mulf %gather3A_1046, %min3A_980 : vector<16xf32>
      %add3A_1121 = arith.addf %gather3A_1034, %mul3A_1120 : vector<16xf32>
      %mul3A_1122 = arith.mulf %gather3A_1058, %min3A_986 : vector<16xf32>
      %add3A_1123 = arith.addf %add3A_1121, %mul3A_1122 : vector<16xf32>
      %mul3A_1124 = arith.mulf %gather3A_1082, %mul3A_1119 : vector<16xf32>
      %add3A_1125 = arith.addf %add3A_1123, %mul3A_1124 : vector<16xf32>
      %mul3A_1126 = arith.mulf %gather3A_1094, %min3A_980 : vector<16xf32>
      %add3A_1127 = arith.addf %gather3A_1070, %mul3A_1126 : vector<16xf32>
      %mul3A_1128 = arith.mulf %gather3A_1106, %min3A_986 : vector<16xf32>
      %add3A_1129 = arith.addf %add3A_1127, %mul3A_1128 : vector<16xf32>
      %mul3A_1130 = arith.mulf %gather3A_1118, %mul3A_1119 : vector<16xf32>
      %add3A_1131 = arith.addf %add3A_1129, %mul3A_1130 : vector<16xf32>
      %get3A_1132 = arith.constant 16 : i32
      %get3A_1133 = arith.index_cast %get3A_1132 : i32 to index
      %get3A_1134 = arith.index_cast %mul3A_124 : i32 to index
      %get3A_1135 = tpu.vector_load %arg5[%get3A_1133, %get3A_1134] {strides = array<i32>} : memref<24x512xf32, #tpu.memory_space<vmem>>, vector<1x16xf32>,
      %get3A_1136 = vector.shape_cast %get3A_1135 : vector<1x16xf32> to vector<16xf32>
      %mul3A_1137 = arith.mulf %add3A_1131, %min3A_992 : vector<16xf32>
      %add3A_1138 = arith.addf %add3A_1125, %mul3A_1137 : vector<16xf32>
      %ge3A_1139 = arith.constant 0.000000e+00 : f32
      %ge3A_1140 = vector.broadcast %ge3A_1139 : f32 to vector<16xf32>
      %ge3A_1141 = arith.cmpf oge, %get3A_1136, %ge3A_1140 : vector<16xf32>
      %min3A_1142 = arith.constant 1.000000e+00 : f32
      %min3A_1143 = vector.broadcast %min3A_1142 : f32 to vector<16xf32>
      %min3A_1144 = arith.minimumf %get3A_1136, %min3A_1143 : vector<16xf32>
      %add3A_1145 = arith.constant 9.99999997E-7 : f32
      %add3A_1146 = vector.broadcast %add3A_1145 : f32 to vector<16xf32>
      %add3A_1147 = arith.addf %min3A_1144, %add3A_1146 : vector<16xf32>
      %select_n3A_1148 = arith.select %ge3A_1141, %add3A_1147, %add3A_1138 : vector<16xi1>, vector<16xf32>
      %broadcast_in_dim3A_1149 = arith.constant 0 : i32
      %broadcast_in_dim3A_1150 = vector.broadcast %broadcast_in_dim3A_1149 : i32 to vector<16xi32>
      %lt3A_1151 = arith.constant 0 : i32
      %lt3A_1152 = vector.broadcast %lt3A_1151 : i32 to vector<16xi32>
      %lt3A_1153 = arith.cmpi slt, %broadcast_in_dim3A_1150, %lt3A_1152 : vector<16xi32>
      %add3A_1154 = arith.constant 16 : i32
      %add3A_1155 = vector.broadcast %add3A_1154 : i32 to vector<16xi32>
      %add3A_1156 = arith.addi %broadcast_in_dim3A_1150, %add3A_1155 : vector<16xi32>
      %select_n3A_1157 = arith.select %lt3A_1153, %add3A_1156, %broadcast_in_dim3A_1150 : vector<16xi1>, vector<16xi32>
      %reshape3A_1158 = vector.shape_cast %select_n3A_1157 : vector<16xi32> to vector<16x1xi32>
      %gather3A_1159 = vector.shape_cast %reshape3A_1158 : vector<16x1xi32> to vector<16xi32>
      %gather3A_1160 = tpu.dynamic_gather %get3A_143[%gather3A_1159] in [0] : vector<16xf32>, vector<16xi32> -> vector<16xf32>
      %broadcast_in_dim3A_1161 = arith.constant 1 : i32
      %broadcast_in_dim3A_1162 = vector.broadcast %broadcast_in_dim3A_1161 : i32 to vector<16xi32>
      %lt3A_1163 = arith.constant 0 : i32
      %lt3A_1164 = vector.broadcast %lt3A_1163 : i32 to vector<16xi32>
      %lt3A_1165 = arith.cmpi slt, %broadcast_in_dim3A_1162, %lt3A_1164 : vector<16xi32>
      %add3A_1166 = arith.constant 16 : i32
      %add3A_1167 = vector.broadcast %add3A_1166 : i32 to vector<16xi32>
      %add3A_1168 = arith.addi %broadcast_in_dim3A_1162, %add3A_1167 : vector<16xi32>
      %select_n3A_1169 = arith.select %lt3A_1165, %add3A_1168, %broadcast_in_dim3A_1162 : vector<16xi1>, vector<16xi32>
      %reshape3A_1170 = vector.shape_cast %select_n3A_1169 : vector<16xi32> to vector<16x1xi32>
      %gather3A_1171 = vector.shape_cast %reshape3A_1170 : vector<16x1xi32> to vector<16xi32>
      %gather3A_1172 = tpu.dynamic_gather %get3A_143[%gather3A_1171] in [0] : vector<16xf32>, vector<16xi32> -> vector<16xf32>
      %broadcast_in_dim3A_1173 = arith.constant 2 : i32
      %broadcast_in_dim3A_1174 = vector.broadcast %broadcast_in_dim3A_1173 : i32 to vector<16xi32>
      %lt3A_1175 = arith.constant 0 : i32
      %lt3A_1176 = vector.broadcast %lt3A_1175 : i32 to vector<16xi32>
      %lt3A_1177 = arith.cmpi slt, %broadcast_in_dim3A_1174, %lt3A_1176 : vector<16xi32>
      %add3A_1178 = arith.constant 16 : i32
      %add3A_1179 = vector.broadcast %add3A_1178 : i32 to vector<16xi32>
      %add3A_1180 = arith.addi %broadcast_in_dim3A_1174, %add3A_1179 : vector<16xi32>
      %select_n3A_1181 = arith.select %lt3A_1177, %add3A_1180, %broadcast_in_dim3A_1174 : vector<16xi1>, vector<16xi32>
      %reshape3A_1182 = vector.shape_cast %select_n3A_1181 : vector<16xi32> to vector<16x1xi32>
      %gather3A_1183 = vector.shape_cast %reshape3A_1182 : vector<16x1xi32> to vector<16xi32>
      %gather3A_1184 = tpu.dynamic_gather %get3A_143[%gather3A_1183] in [0] : vector<16xf32>, vector<16xi32> -> vector<16xf32>
      %broadcast_in_dim3A_1185 = arith.constant 3 : i32
      %broadcast_in_dim3A_1186 = vector.broadcast %broadcast_in_dim3A_1185 : i32 to vector<16xi32>
      %lt3A_1187 = arith.constant 0 : i32
      %lt3A_1188 = vector.broadcast %lt3A_1187 : i32 to vector<16xi32>
      %lt3A_1189 = arith.cmpi slt, %broadcast_in_dim3A_1186, %lt3A_1188 : vector<16xi32>
      %add3A_1190 = arith.constant 16 : i32
      %add3A_1191 = vector.broadcast %add3A_1190 : i32 to vector<16xi32>
      %add3A_1192 = arith.addi %broadcast_in_dim3A_1186, %add3A_1191 : vector<16xi32>
      %select_n3A_1193 = arith.select %lt3A_1189, %add3A_1192, %broadcast_in_dim3A_1186 : vector<16xi1>, vector<16xi32>
      %reshape3A_1194 = vector.shape_cast %select_n3A_1193 : vector<16xi32> to vector<16x1xi32>
      %gather3A_1195 = vector.shape_cast %reshape3A_1194 : vector<16x1xi32> to vector<16xi32>
      %gather3A_1196 = tpu.dynamic_gather %get3A_143[%gather3A_1195] in [0] : vector<16xf32>, vector<16xi32> -> vector<16xf32>
      %broadcast_in_dim3A_1197 = arith.constant 4 : i32
      %broadcast_in_dim3A_1198 = vector.broadcast %broadcast_in_dim3A_1197 : i32 to vector<16xi32>
      %lt3A_1199 = arith.constant 0 : i32
      %lt3A_1200 = vector.broadcast %lt3A_1199 : i32 to vector<16xi32>
      %lt3A_1201 = arith.cmpi slt, %broadcast_in_dim3A_1198, %lt3A_1200 : vector<16xi32>
      %add3A_1202 = arith.constant 16 : i32
      %add3A_1203 = vector.broadcast %add3A_1202 : i32 to vector<16xi32>
      %add3A_1204 = arith.addi %broadcast_in_dim3A_1198, %add3A_1203 : vector<16xi32>
      %select_n3A_1205 = arith.select %lt3A_1201, %add3A_1204, %broadcast_in_dim3A_1198 : vector<16xi1>, vector<16xi32>
      %reshape3A_1206 = vector.shape_cast %select_n3A_1205 : vector<16xi32> to vector<16x1xi32>
      %gather3A_1207 = vector.shape_cast %reshape3A_1206 : vector<16x1xi32> to vector<16xi32>
      %gather3A_1208 = tpu.dynamic_gather %get3A_143[%gather3A_1207] in [0] : vector<16xf32>, vector<16xi32> -> vector<16xf32>
      %broadcast_in_dim3A_1209 = arith.constant 5 : i32
      %broadcast_in_dim3A_1210 = vector.broadcast %broadcast_in_dim3A_1209 : i32 to vector<16xi32>
      %lt3A_1211 = arith.constant 0 : i32
      %lt3A_1212 = vector.broadcast %lt3A_1211 : i32 to vector<16xi32>
      %lt3A_1213 = arith.cmpi slt, %broadcast_in_dim3A_1210, %lt3A_1212 : vector<16xi32>
      %add3A_1214 = arith.constant 16 : i32
      %add3A_1215 = vector.broadcast %add3A_1214 : i32 to vector<16xi32>
      %add3A_1216 = arith.addi %broadcast_in_dim3A_1210, %add3A_1215 : vector<16xi32>
      %select_n3A_1217 = arith.select %lt3A_1213, %add3A_1216, %broadcast_in_dim3A_1210 : vector<16xi1>, vector<16xi32>
      %reshape3A_1218 = vector.shape_cast %select_n3A_1217 : vector<16xi32> to vector<16x1xi32>
      %gather3A_1219 = vector.shape_cast %reshape3A_1218 : vector<16x1xi32> to vector<16xi32>
      %gather3A_1220 = tpu.dynamic_gather %get3A_143[%gather3A_1219] in [0] : vector<16xf32>, vector<16xi32> -> vector<16xf32>
      %broadcast_in_dim3A_1221 = arith.constant 6 : i32
      %broadcast_in_dim3A_1222 = vector.broadcast %broadcast_in_dim3A_1221 : i32 to vector<16xi32>
      %lt3A_1223 = arith.constant 0 : i32
      %lt3A_1224 = vector.broadcast %lt3A_1223 : i32 to vector<16xi32>
      %lt3A_1225 = arith.cmpi slt, %broadcast_in_dim3A_1222, %lt3A_1224 : vector<16xi32>
      %add3A_1226 = arith.constant 16 : i32
      %add3A_1227 = vector.broadcast %add3A_1226 : i32 to vector<16xi32>
      %add3A_1228 = arith.addi %broadcast_in_dim3A_1222, %add3A_1227 : vector<16xi32>
      %select_n3A_1229 = arith.select %lt3A_1225, %add3A_1228, %broadcast_in_dim3A_1222 : vector<16xi1>, vector<16xi32>
      %reshape3A_1230 = vector.shape_cast %select_n3A_1229 : vector<16xi32> to vector<16x1xi32>
      %gather3A_1231 = vector.shape_cast %reshape3A_1230 : vector<16x1xi32> to vector<16xi32>
      %gather3A_1232 = tpu.dynamic_gather %get3A_143[%gather3A_1231] in [0] : vector<16xf32>, vector<16xi32> -> vector<16xf32>
      %broadcast_in_dim3A_1233 = arith.constant 7 : i32
      %broadcast_in_dim3A_1234 = vector.broadcast %broadcast_in_dim3A_1233 : i32 to vector<16xi32>
      %lt3A_1235 = arith.constant 0 : i32
      %lt3A_1236 = vector.broadcast %lt3A_1235 : i32 to vector<16xi32>
      %lt3A_1237 = arith.cmpi slt, %broadcast_in_dim3A_1234, %lt3A_1236 : vector<16xi32>
      %add3A_1238 = arith.constant 16 : i32
      %add3A_1239 = vector.broadcast %add3A_1238 : i32 to vector<16xi32>
      %add3A_1240 = arith.addi %broadcast_in_dim3A_1234, %add3A_1239 : vector<16xi32>
      %select_n3A_1241 = arith.select %lt3A_1237, %add3A_1240, %broadcast_in_dim3A_1234 : vector<16xi1>, vector<16xi32>
      %reshape3A_1242 = vector.shape_cast %select_n3A_1241 : vector<16xi32> to vector<16x1xi32>
      %gather3A_1243 = vector.shape_cast %reshape3A_1242 : vector<16x1xi32> to vector<16xi32>
      %gather3A_1244 = tpu.dynamic_gather %get3A_143[%gather3A_1243] in [0] : vector<16xf32>, vector<16xi32> -> vector<16xf32>
      %mul3A_1245 = arith.mulf %min3A_986, %min3A_992 : vector<16xf32>
      %mul3A_1246 = arith.mulf %gather3A_1172, %min3A_986 : vector<16xf32>
      %add3A_1247 = arith.addf %gather3A_1160, %mul3A_1246 : vector<16xf32>
      %mul3A_1248 = arith.mulf %gather3A_1184, %min3A_992 : vector<16xf32>
      %add3A_1249 = arith.addf %add3A_1247, %mul3A_1248 : vector<16xf32>
      %mul3A_1250 = arith.mulf %gather3A_1208, %mul3A_1245 : vector<16xf32>
      %add3A_1251 = arith.addf %add3A_1249, %mul3A_1250 : vector<16xf32>
      %mul3A_1252 = arith.mulf %gather3A_1220, %min3A_986 : vector<16xf32>
      %add3A_1253 = arith.addf %gather3A_1196, %mul3A_1252 : vector<16xf32>
      %mul3A_1254 = arith.mulf %gather3A_1232, %min3A_992 : vector<16xf32>
      %add3A_1255 = arith.addf %add3A_1253, %mul3A_1254 : vector<16xf32>
      %mul3A_1256 = arith.mulf %gather3A_1244, %mul3A_1245 : vector<16xf32>
      %add3A_1257 = arith.addf %add3A_1255, %mul3A_1256 : vector<16xf32>
      %get3A_1258 = arith.constant 17 : i32
      %get3A_1259 = arith.index_cast %get3A_1258 : i32 to index
      %get3A_1260 = arith.index_cast %mul3A_124 : i32 to index
      %get3A_1261 = tpu.vector_load %arg5[%get3A_1259, %get3A_1260] {strides = array<i32>} : memref<24x512xf32, #tpu.memory_space<vmem>>, vector<1x16xf32>,
      %get3A_1262 = vector.shape_cast %get3A_1261 : vector<1x16xf32> to vector<16xf32>
      %mul3A_1263 = arith.mulf %add3A_1257, %min3A_998 : vector<16xf32>
      %add3A_1264 = arith.addf %add3A_1251, %mul3A_1263 : vector<16xf32>
      %ge3A_1265 = arith.constant 0.000000e+00 : f32
      %ge3A_1266 = vector.broadcast %ge3A_1265 : f32 to vector<16xf32>
      %ge3A_1267 = arith.cmpf oge, %get3A_1262, %ge3A_1266 : vector<16xf32>
      %min3A_1268 = arith.constant 1.000000e+00 : f32
      %min3A_1269 = vector.broadcast %min3A_1268 : f32 to vector<16xf32>
      %min3A_1270 = arith.minimumf %get3A_1262, %min3A_1269 : vector<16xf32>
      %add3A_1271 = arith.constant 9.99999997E-7 : f32
      %add3A_1272 = vector.broadcast %add3A_1271 : f32 to vector<16xf32>
      %add3A_1273 = arith.addf %min3A_1270, %add3A_1272 : vector<16xf32>
      %select_n3A_1274 = arith.select %ge3A_1267, %add3A_1273, %add3A_1264 : vector<16xi1>, vector<16xf32>
      %broadcast_in_dim3A_1275 = arith.constant 8 : i32
      %broadcast_in_dim3A_1276 = vector.broadcast %broadcast_in_dim3A_1275 : i32 to vector<16xi32>
      %lt3A_1277 = arith.constant 0 : i32
      %lt3A_1278 = vector.broadcast %lt3A_1277 : i32 to vector<16xi32>
      %lt3A_1279 = arith.cmpi slt, %broadcast_in_dim3A_1276, %lt3A_1278 : vector<16xi32>
      %add3A_1280 = arith.constant 16 : i32
      %add3A_1281 = vector.broadcast %add3A_1280 : i32 to vector<16xi32>
      %add3A_1282 = arith.addi %broadcast_in_dim3A_1276, %add3A_1281 : vector<16xi32>
      %select_n3A_1283 = arith.select %lt3A_1279, %add3A_1282, %broadcast_in_dim3A_1276 : vector<16xi1>, vector<16xi32>
      %reshape3A_1284 = vector.shape_cast %select_n3A_1283 : vector<16xi32> to vector<16x1xi32>
      %gather3A_1285 = vector.shape_cast %reshape3A_1284 : vector<16x1xi32> to vector<16xi32>
      %gather3A_1286 = tpu.dynamic_gather %get3A_143[%gather3A_1285] in [0] : vector<16xf32>, vector<16xi32> -> vector<16xf32>
      %broadcast_in_dim3A_1287 = arith.constant 9 : i32
      %broadcast_in_dim3A_1288 = vector.broadcast %broadcast_in_dim3A_1287 : i32 to vector<16xi32>
      %lt3A_1289 = arith.constant 0 : i32
      %lt3A_1290 = vector.broadcast %lt3A_1289 : i32 to vector<16xi32>
      %lt3A_1291 = arith.cmpi slt, %broadcast_in_dim3A_1288, %lt3A_1290 : vector<16xi32>
      %add3A_1292 = arith.constant 16 : i32
      %add3A_1293 = vector.broadcast %add3A_1292 : i32 to vector<16xi32>
      %add3A_1294 = arith.addi %broadcast_in_dim3A_1288, %add3A_1293 : vector<16xi32>
      %select_n3A_1295 = arith.select %lt3A_1291, %add3A_1294, %broadcast_in_dim3A_1288 : vector<16xi1>, vector<16xi32>
      %reshape3A_1296 = vector.shape_cast %select_n3A_1295 : vector<16xi32> to vector<16x1xi32>
      %gather3A_1297 = vector.shape_cast %reshape3A_1296 : vector<16x1xi32> to vector<16xi32>
      %gather3A_1298 = tpu.dynamic_gather %get3A_143[%gather3A_1297] in [0] : vector<16xf32>, vector<16xi32> -> vector<16xf32>
      %broadcast_in_dim3A_1299 = arith.constant 10 : i32
      %broadcast_in_dim3A_1300 = vector.broadcast %broadcast_in_dim3A_1299 : i32 to vector<16xi32>
      %lt3A_1301 = arith.constant 0 : i32
      %lt3A_1302 = vector.broadcast %lt3A_1301 : i32 to vector<16xi32>
      %lt3A_1303 = arith.cmpi slt, %broadcast_in_dim3A_1300, %lt3A_1302 : vector<16xi32>
      %add3A_1304 = arith.constant 16 : i32
      %add3A_1305 = vector.broadcast %add3A_1304 : i32 to vector<16xi32>
      %add3A_1306 = arith.addi %broadcast_in_dim3A_1300, %add3A_1305 : vector<16xi32>
      %select_n3A_1307 = arith.select %lt3A_1303, %add3A_1306, %broadcast_in_dim3A_1300 : vector<16xi1>, vector<16xi32>
      %reshape3A_1308 = vector.shape_cast %select_n3A_1307 : vector<16xi32> to vector<16x1xi32>
      %gather3A_1309 = vector.shape_cast %reshape3A_1308 : vector<16x1xi32> to vector<16xi32>
      %gather3A_1310 = tpu.dynamic_gather %get3A_143[%gather3A_1309] in [0] : vector<16xf32>, vector<16xi32> -> vector<16xf32>
      %broadcast_in_dim3A_1311 = arith.constant 11 : i32
      %broadcast_in_dim3A_1312 = vector.broadcast %broadcast_in_dim3A_1311 : i32 to vector<16xi32>
      %lt3A_1313 = arith.constant 0 : i32
      %lt3A_1314 = vector.broadcast %lt3A_1313 : i32 to vector<16xi32>
      %lt3A_1315 = arith.cmpi slt, %broadcast_in_dim3A_1312, %lt3A_1314 : vector<16xi32>
      %add3A_1316 = arith.constant 16 : i32
      %add3A_1317 = vector.broadcast %add3A_1316 : i32 to vector<16xi32>
      %add3A_1318 = arith.addi %broadcast_in_dim3A_1312, %add3A_1317 : vector<16xi32>
      %select_n3A_1319 = arith.select %lt3A_1315, %add3A_1318, %broadcast_in_dim3A_1312 : vector<16xi1>, vector<16xi32>
      %reshape3A_1320 = vector.shape_cast %select_n3A_1319 : vector<16xi32> to vector<16x1xi32>
      %gather3A_1321 = vector.shape_cast %reshape3A_1320 : vector<16x1xi32> to vector<16xi32>
      %gather3A_1322 = tpu.dynamic_gather %get3A_143[%gather3A_1321] in [0] : vector<16xf32>, vector<16xi32> -> vector<16xf32>
      %broadcast_in_dim3A_1323 = arith.constant 12 : i32
      %broadcast_in_dim3A_1324 = vector.broadcast %broadcast_in_dim3A_1323 : i32 to vector<16xi32>
      %lt3A_1325 = arith.constant 0 : i32
      %lt3A_1326 = vector.broadcast %lt3A_1325 : i32 to vector<16xi32>
      %lt3A_1327 = arith.cmpi slt, %broadcast_in_dim3A_1324, %lt3A_1326 : vector<16xi32>
      %add3A_1328 = arith.constant 16 : i32
      %add3A_1329 = vector.broadcast %add3A_1328 : i32 to vector<16xi32>
      %add3A_1330 = arith.addi %broadcast_in_dim3A_1324, %add3A_1329 : vector<16xi32>
      %select_n3A_1331 = arith.select %lt3A_1327, %add3A_1330, %broadcast_in_dim3A_1324 : vector<16xi1>, vector<16xi32>
      %reshape3A_1332 = vector.shape_cast %select_n3A_1331 : vector<16xi32> to vector<16x1xi32>
      %gather3A_1333 = vector.shape_cast %reshape3A_1332 : vector<16x1xi32> to vector<16xi32>
      %gather3A_1334 = tpu.dynamic_gather %get3A_143[%gather3A_1333] in [0] : vector<16xf32>, vector<16xi32> -> vector<16xf32>
      %broadcast_in_dim3A_1335 = arith.constant 13 : i32
      %broadcast_in_dim3A_1336 = vector.broadcast %broadcast_in_dim3A_1335 : i32 to vector<16xi32>
      %lt3A_1337 = arith.constant 0 : i32
      %lt3A_1338 = vector.broadcast %lt3A_1337 : i32 to vector<16xi32>
      %lt3A_1339 = arith.cmpi slt, %broadcast_in_dim3A_1336, %lt3A_1338 : vector<16xi32>
      %add3A_1340 = arith.constant 16 : i32
      %add3A_1341 = vector.broadcast %add3A_1340 : i32 to vector<16xi32>
      %add3A_1342 = arith.addi %broadcast_in_dim3A_1336, %add3A_1341 : vector<16xi32>
      %select_n3A_1343 = arith.select %lt3A_1339, %add3A_1342, %broadcast_in_dim3A_1336 : vector<16xi1>, vector<16xi32>
      %reshape3A_1344 = vector.shape_cast %select_n3A_1343 : vector<16xi32> to vector<16x1xi32>
      %gather3A_1345 = vector.shape_cast %reshape3A_1344 : vector<16x1xi32> to vector<16xi32>
      %gather3A_1346 = tpu.dynamic_gather %get3A_143[%gather3A_1345] in [0] : vector<16xf32>, vector<16xi32> -> vector<16xf32>
      %broadcast_in_dim3A_1347 = arith.constant 14 : i32
      %broadcast_in_dim3A_1348 = vector.broadcast %broadcast_in_dim3A_1347 : i32 to vector<16xi32>
      %lt3A_1349 = arith.constant 0 : i32
      %lt3A_1350 = vector.broadcast %lt3A_1349 : i32 to vector<16xi32>
      %lt3A_1351 = arith.cmpi slt, %broadcast_in_dim3A_1348, %lt3A_1350 : vector<16xi32>
      %add3A_1352 = arith.constant 16 : i32
      %add3A_1353 = vector.broadcast %add3A_1352 : i32 to vector<16xi32>
      %add3A_1354 = arith.addi %broadcast_in_dim3A_1348, %add3A_1353 : vector<16xi32>
      %select_n3A_1355 = arith.select %lt3A_1351, %add3A_1354, %broadcast_in_dim3A_1348 : vector<16xi1>, vector<16xi32>
      %reshape3A_1356 = vector.shape_cast %select_n3A_1355 : vector<16xi32> to vector<16x1xi32>
      %gather3A_1357 = vector.shape_cast %reshape3A_1356 : vector<16x1xi32> to vector<16xi32>
      %gather3A_1358 = tpu.dynamic_gather %get3A_143[%gather3A_1357] in [0] : vector<16xf32>, vector<16xi32> -> vector<16xf32>
      %broadcast_in_dim3A_1359 = arith.constant 15 : i32
      %broadcast_in_dim3A_1360 = vector.broadcast %broadcast_in_dim3A_1359 : i32 to vector<16xi32>
      %lt3A_1361 = arith.constant 0 : i32
      %lt3A_1362 = vector.broadcast %lt3A_1361 : i32 to vector<16xi32>
      %lt3A_1363 = arith.cmpi slt, %broadcast_in_dim3A_1360, %lt3A_1362 : vector<16xi32>
      %add3A_1364 = arith.constant 16 : i32
      %add3A_1365 = vector.broadcast %add3A_1364 : i32 to vector<16xi32>
      %add3A_1366 = arith.addi %broadcast_in_dim3A_1360, %add3A_1365 : vector<16xi32>
      %select_n3A_1367 = arith.select %lt3A_1363, %add3A_1366, %broadcast_in_dim3A_1360 : vector<16xi1>, vector<16xi32>
      %reshape3A_1368 = vector.shape_cast %select_n3A_1367 : vector<16xi32> to vector<16x1xi32>
      %gather3A_1369 = vector.shape_cast %reshape3A_1368 : vector<16x1xi32> to vector<16xi32>
      %gather3A_1370 = tpu.dynamic_gather %get3A_143[%gather3A_1369] in [0] : vector<16xf32>, vector<16xi32> -> vector<16xf32>
      %mul3A_1371 = arith.mulf %min3A_992, %min3A_998 : vector<16xf32>
      %mul3A_1372 = arith.mulf %gather3A_1298, %min3A_992 : vector<16xf32>
      %add3A_1373 = arith.addf %gather3A_1286, %mul3A_1372 : vector<16xf32>
      %mul3A_1374 = arith.mulf %gather3A_1310, %min3A_998 : vector<16xf32>
      %add3A_1375 = arith.addf %add3A_1373, %mul3A_1374 : vector<16xf32>
      %mul3A_1376 = arith.mulf %gather3A_1334, %mul3A_1371 : vector<16xf32>
      %add3A_1377 = arith.addf %add3A_1375, %mul3A_1376 : vector<16xf32>
      %mul3A_1378 = arith.mulf %gather3A_1346, %min3A_992 : vector<16xf32>
      %add3A_1379 = arith.addf %gather3A_1322, %mul3A_1378 : vector<16xf32>
      %mul3A_1380 = arith.mulf %gather3A_1358, %min3A_998 : vector<16xf32>
      %add3A_1381 = arith.addf %add3A_1379, %mul3A_1380 : vector<16xf32>
      %mul3A_1382 = arith.mulf %gather3A_1370, %mul3A_1371 : vector<16xf32>
      %add3A_1383 = arith.addf %add3A_1381, %mul3A_1382 : vector<16xf32>
      %get3A_1384 = arith.constant 18 : i32
      %get3A_1385 = arith.index_cast %get3A_1384 : i32 to index
      %get3A_1386 = arith.index_cast %mul3A_124 : i32 to index
      %get3A_1387 = tpu.vector_load %arg5[%get3A_1385, %get3A_1386] {strides = array<i32>} : memref<24x512xf32, #tpu.memory_space<vmem>>, vector<1x16xf32>,
      %get3A_1388 = vector.shape_cast %get3A_1387 : vector<1x16xf32> to vector<16xf32>
      %mul3A_1389 = arith.mulf %add3A_1383, %min3A_1004 : vector<16xf32>
      %add3A_1390 = arith.addf %add3A_1377, %mul3A_1389 : vector<16xf32>
      %ge3A_1391 = arith.constant 0.000000e+00 : f32
      %ge3A_1392 = vector.broadcast %ge3A_1391 : f32 to vector<16xf32>
      %ge3A_1393 = arith.cmpf oge, %get3A_1388, %ge3A_1392 : vector<16xf32>
      %min3A_1394 = arith.constant 1.000000e+00 : f32
      %min3A_1395 = vector.broadcast %min3A_1394 : f32 to vector<16xf32>
      %min3A_1396 = arith.minimumf %get3A_1388, %min3A_1395 : vector<16xf32>
      %add3A_1397 = arith.constant 9.99999997E-7 : f32
      %add3A_1398 = vector.broadcast %add3A_1397 : f32 to vector<16xf32>
      %add3A_1399 = arith.addf %min3A_1396, %add3A_1398 : vector<16xf32>
      %select_n3A_1400 = arith.select %ge3A_1393, %add3A_1399, %add3A_1390 : vector<16xi1>, vector<16xf32>
      %broadcast_in_dim3A_1401 = arith.constant 0 : i32
      %broadcast_in_dim3A_1402 = vector.broadcast %broadcast_in_dim3A_1401 : i32 to vector<16xi32>
      %lt3A_1403 = arith.constant 0 : i32
      %lt3A_1404 = vector.broadcast %lt3A_1403 : i32 to vector<16xi32>
      %lt3A_1405 = arith.cmpi slt, %broadcast_in_dim3A_1402, %lt3A_1404 : vector<16xi32>
      %add3A_1406 = arith.constant 16 : i32
      %add3A_1407 = vector.broadcast %add3A_1406 : i32 to vector<16xi32>
      %add3A_1408 = arith.addi %broadcast_in_dim3A_1402, %add3A_1407 : vector<16xi32>
      %select_n3A_1409 = arith.select %lt3A_1405, %add3A_1408, %broadcast_in_dim3A_1402 : vector<16xi1>, vector<16xi32>
      %reshape3A_1410 = vector.shape_cast %select_n3A_1409 : vector<16xi32> to vector<16x1xi32>
      %gather3A_1411 = vector.shape_cast %reshape3A_1410 : vector<16x1xi32> to vector<16xi32>
      %gather3A_1412 = tpu.dynamic_gather %get3A_148[%gather3A_1411] in [0] : vector<16xf32>, vector<16xi32> -> vector<16xf32>
      %broadcast_in_dim3A_1413 = arith.constant 1 : i32
      %broadcast_in_dim3A_1414 = vector.broadcast %broadcast_in_dim3A_1413 : i32 to vector<16xi32>
      %lt3A_1415 = arith.constant 0 : i32
      %lt3A_1416 = vector.broadcast %lt3A_1415 : i32 to vector<16xi32>
      %lt3A_1417 = arith.cmpi slt, %broadcast_in_dim3A_1414, %lt3A_1416 : vector<16xi32>
      %add3A_1418 = arith.constant 16 : i32
      %add3A_1419 = vector.broadcast %add3A_1418 : i32 to vector<16xi32>
      %add3A_1420 = arith.addi %broadcast_in_dim3A_1414, %add3A_1419 : vector<16xi32>
      %select_n3A_1421 = arith.select %lt3A_1417, %add3A_1420, %broadcast_in_dim3A_1414 : vector<16xi1>, vector<16xi32>
      %reshape3A_1422 = vector.shape_cast %select_n3A_1421 : vector<16xi32> to vector<16x1xi32>
      %gather3A_1423 = vector.shape_cast %reshape3A_1422 : vector<16x1xi32> to vector<16xi32>
      %gather3A_1424 = tpu.dynamic_gather %get3A_148[%gather3A_1423] in [0] : vector<16xf32>, vector<16xi32> -> vector<16xf32>
      %broadcast_in_dim3A_1425 = arith.constant 2 : i32
      %broadcast_in_dim3A_1426 = vector.broadcast %broadcast_in_dim3A_1425 : i32 to vector<16xi32>
      %lt3A_1427 = arith.constant 0 : i32
      %lt3A_1428 = vector.broadcast %lt3A_1427 : i32 to vector<16xi32>
      %lt3A_1429 = arith.cmpi slt, %broadcast_in_dim3A_1426, %lt3A_1428 : vector<16xi32>
      %add3A_1430 = arith.constant 16 : i32
      %add3A_1431 = vector.broadcast %add3A_1430 : i32 to vector<16xi32>
      %add3A_1432 = arith.addi %broadcast_in_dim3A_1426, %add3A_1431 : vector<16xi32>
      %select_n3A_1433 = arith.select %lt3A_1429, %add3A_1432, %broadcast_in_dim3A_1426 : vector<16xi1>, vector<16xi32>
      %reshape3A_1434 = vector.shape_cast %select_n3A_1433 : vector<16xi32> to vector<16x1xi32>
      %gather3A_1435 = vector.shape_cast %reshape3A_1434 : vector<16x1xi32> to vector<16xi32>
      %gather3A_1436 = tpu.dynamic_gather %get3A_148[%gather3A_1435] in [0] : vector<16xf32>, vector<16xi32> -> vector<16xf32>
      %broadcast_in_dim3A_1437 = arith.constant 3 : i32
      %broadcast_in_dim3A_1438 = vector.broadcast %broadcast_in_dim3A_1437 : i32 to vector<16xi32>
      %lt3A_1439 = arith.constant 0 : i32
      %lt3A_1440 = vector.broadcast %lt3A_1439 : i32 to vector<16xi32>
      %lt3A_1441 = arith.cmpi slt, %broadcast_in_dim3A_1438, %lt3A_1440 : vector<16xi32>
      %add3A_1442 = arith.constant 16 : i32
      %add3A_1443 = vector.broadcast %add3A_1442 : i32 to vector<16xi32>
      %add3A_1444 = arith.addi %broadcast_in_dim3A_1438, %add3A_1443 : vector<16xi32>
      %select_n3A_1445 = arith.select %lt3A_1441, %add3A_1444, %broadcast_in_dim3A_1438 : vector<16xi1>, vector<16xi32>
      %reshape3A_1446 = vector.shape_cast %select_n3A_1445 : vector<16xi32> to vector<16x1xi32>
      %gather3A_1447 = vector.shape_cast %reshape3A_1446 : vector<16x1xi32> to vector<16xi32>
      %gather3A_1448 = tpu.dynamic_gather %get3A_148[%gather3A_1447] in [0] : vector<16xf32>, vector<16xi32> -> vector<16xf32>
      %broadcast_in_dim3A_1449 = arith.constant 4 : i32
      %broadcast_in_dim3A_1450 = vector.broadcast %broadcast_in_dim3A_1449 : i32 to vector<16xi32>
      %lt3A_1451 = arith.constant 0 : i32
      %lt3A_1452 = vector.broadcast %lt3A_1451 : i32 to vector<16xi32>
      %lt3A_1453 = arith.cmpi slt, %broadcast_in_dim3A_1450, %lt3A_1452 : vector<16xi32>
      %add3A_1454 = arith.constant 16 : i32
      %add3A_1455 = vector.broadcast %add3A_1454 : i32 to vector<16xi32>
      %add3A_1456 = arith.addi %broadcast_in_dim3A_1450, %add3A_1455 : vector<16xi32>
      %select_n3A_1457 = arith.select %lt3A_1453, %add3A_1456, %broadcast_in_dim3A_1450 : vector<16xi1>, vector<16xi32>
      %reshape3A_1458 = vector.shape_cast %select_n3A_1457 : vector<16xi32> to vector<16x1xi32>
      %gather3A_1459 = vector.shape_cast %reshape3A_1458 : vector<16x1xi32> to vector<16xi32>
      %gather3A_1460 = tpu.dynamic_gather %get3A_148[%gather3A_1459] in [0] : vector<16xf32>, vector<16xi32> -> vector<16xf32>
      %broadcast_in_dim3A_1461 = arith.constant 5 : i32
      %broadcast_in_dim3A_1462 = vector.broadcast %broadcast_in_dim3A_1461 : i32 to vector<16xi32>
      %lt3A_1463 = arith.constant 0 : i32
      %lt3A_1464 = vector.broadcast %lt3A_1463 : i32 to vector<16xi32>
      %lt3A_1465 = arith.cmpi slt, %broadcast_in_dim3A_1462, %lt3A_1464 : vector<16xi32>
      %add3A_1466 = arith.constant 16 : i32
      %add3A_1467 = vector.broadcast %add3A_1466 : i32 to vector<16xi32>
      %add3A_1468 = arith.addi %broadcast_in_dim3A_1462, %add3A_1467 : vector<16xi32>
      %select_n3A_1469 = arith.select %lt3A_1465, %add3A_1468, %broadcast_in_dim3A_1462 : vector<16xi1>, vector<16xi32>
      %reshape3A_1470 = vector.shape_cast %select_n3A_1469 : vector<16xi32> to vector<16x1xi32>
      %gather3A_1471 = vector.shape_cast %reshape3A_1470 : vector<16x1xi32> to vector<16xi32>
      %gather3A_1472 = tpu.dynamic_gather %get3A_148[%gather3A_1471] in [0] : vector<16xf32>, vector<16xi32> -> vector<16xf32>
      %broadcast_in_dim3A_1473 = arith.constant 6 : i32
      %broadcast_in_dim3A_1474 = vector.broadcast %broadcast_in_dim3A_1473 : i32 to vector<16xi32>
      %lt3A_1475 = arith.constant 0 : i32
      %lt3A_1476 = vector.broadcast %lt3A_1475 : i32 to vector<16xi32>
      %lt3A_1477 = arith.cmpi slt, %broadcast_in_dim3A_1474, %lt3A_1476 : vector<16xi32>
      %add3A_1478 = arith.constant 16 : i32
      %add3A_1479 = vector.broadcast %add3A_1478 : i32 to vector<16xi32>
      %add3A_1480 = arith.addi %broadcast_in_dim3A_1474, %add3A_1479 : vector<16xi32>
      %select_n3A_1481 = arith.select %lt3A_1477, %add3A_1480, %broadcast_in_dim3A_1474 : vector<16xi1>, vector<16xi32>
      %reshape3A_1482 = vector.shape_cast %select_n3A_1481 : vector<16xi32> to vector<16x1xi32>
      %gather3A_1483 = vector.shape_cast %reshape3A_1482 : vector<16x1xi32> to vector<16xi32>
      %gather3A_1484 = tpu.dynamic_gather %get3A_148[%gather3A_1483] in [0] : vector<16xf32>, vector<16xi32> -> vector<16xf32>
      %broadcast_in_dim3A_1485 = arith.constant 7 : i32
      %broadcast_in_dim3A_1486 = vector.broadcast %broadcast_in_dim3A_1485 : i32 to vector<16xi32>
      %lt3A_1487 = arith.constant 0 : i32
      %lt3A_1488 = vector.broadcast %lt3A_1487 : i32 to vector<16xi32>
      %lt3A_1489 = arith.cmpi slt, %broadcast_in_dim3A_1486, %lt3A_1488 : vector<16xi32>
      %add3A_1490 = arith.constant 16 : i32
      %add3A_1491 = vector.broadcast %add3A_1490 : i32 to vector<16xi32>
      %add3A_1492 = arith.addi %broadcast_in_dim3A_1486, %add3A_1491 : vector<16xi32>
      %select_n3A_1493 = arith.select %lt3A_1489, %add3A_1492, %broadcast_in_dim3A_1486 : vector<16xi1>, vector<16xi32>
      %reshape3A_1494 = vector.shape_cast %select_n3A_1493 : vector<16xi32> to vector<16x1xi32>
      %gather3A_1495 = vector.shape_cast %reshape3A_1494 : vector<16x1xi32> to vector<16xi32>
      %gather3A_1496 = tpu.dynamic_gather %get3A_148[%gather3A_1495] in [0] : vector<16xf32>, vector<16xi32> -> vector<16xf32>
      %mul3A_1497 = arith.mulf %min3A_998, %min3A_1004 : vector<16xf32>
      %mul3A_1498 = arith.mulf %gather3A_1424, %min3A_998 : vector<16xf32>
      %add3A_1499 = arith.addf %gather3A_1412, %mul3A_1498 : vector<16xf32>
      %mul3A_1500 = arith.mulf %gather3A_1436, %min3A_1004 : vector<16xf32>
      %add3A_1501 = arith.addf %add3A_1499, %mul3A_1500 : vector<16xf32>
      %mul3A_1502 = arith.mulf %gather3A_1460, %mul3A_1497 : vector<16xf32>
      %add3A_1503 = arith.addf %add3A_1501, %mul3A_1502 : vector<16xf32>
      %mul3A_1504 = arith.mulf %gather3A_1472, %min3A_998 : vector<16xf32>
      %add3A_1505 = arith.addf %gather3A_1448, %mul3A_1504 : vector<16xf32>
      %mul3A_1506 = arith.mulf %gather3A_1484, %min3A_1004 : vector<16xf32>
      %add3A_1507 = arith.addf %add3A_1505, %mul3A_1506 : vector<16xf32>
      %mul3A_1508 = arith.mulf %gather3A_1496, %mul3A_1497 : vector<16xf32>
      %add3A_1509 = arith.addf %add3A_1507, %mul3A_1508 : vector<16xf32>
      %get3A_1510 = arith.constant 19 : i32
      %get3A_1511 = arith.index_cast %get3A_1510 : i32 to index
      %get3A_1512 = arith.index_cast %mul3A_124 : i32 to index
      %get3A_1513 = tpu.vector_load %arg5[%get3A_1511, %get3A_1512] {strides = array<i32>} : memref<24x512xf32, #tpu.memory_space<vmem>>, vector<1x16xf32>,
      %get3A_1514 = vector.shape_cast %get3A_1513 : vector<1x16xf32> to vector<16xf32>
      %mul3A_1515 = arith.mulf %add3A_1509, %min3A_1010 : vector<16xf32>
      %add3A_1516 = arith.addf %add3A_1503, %mul3A_1515 : vector<16xf32>
      %ge3A_1517 = arith.constant 0.000000e+00 : f32
      %ge3A_1518 = vector.broadcast %ge3A_1517 : f32 to vector<16xf32>
      %ge3A_1519 = arith.cmpf oge, %get3A_1514, %ge3A_1518 : vector<16xf32>
      %min3A_1520 = arith.constant 1.000000e+00 : f32
      %min3A_1521 = vector.broadcast %min3A_1520 : f32 to vector<16xf32>
      %min3A_1522 = arith.minimumf %get3A_1514, %min3A_1521 : vector<16xf32>
      %add3A_1523 = arith.constant 9.99999997E-7 : f32
      %add3A_1524 = vector.broadcast %add3A_1523 : f32 to vector<16xf32>
      %add3A_1525 = arith.addf %min3A_1522, %add3A_1524 : vector<16xf32>
      %select_n3A_1526 = arith.select %ge3A_1519, %add3A_1525, %add3A_1516 : vector<16xi1>, vector<16xf32>
      %broadcast_in_dim3A_1527 = arith.constant 8 : i32
      %broadcast_in_dim3A_1528 = vector.broadcast %broadcast_in_dim3A_1527 : i32 to vector<16xi32>
      %lt3A_1529 = arith.constant 0 : i32
      %lt3A_1530 = vector.broadcast %lt3A_1529 : i32 to vector<16xi32>
      %lt3A_1531 = arith.cmpi slt, %broadcast_in_dim3A_1528, %lt3A_1530 : vector<16xi32>
      %add3A_1532 = arith.constant 16 : i32
      %add3A_1533 = vector.broadcast %add3A_1532 : i32 to vector<16xi32>
      %add3A_1534 = arith.addi %broadcast_in_dim3A_1528, %add3A_1533 : vector<16xi32>
      %select_n3A_1535 = arith.select %lt3A_1531, %add3A_1534, %broadcast_in_dim3A_1528 : vector<16xi1>, vector<16xi32>
      %reshape3A_1536 = vector.shape_cast %select_n3A_1535 : vector<16xi32> to vector<16x1xi32>
      %gather3A_1537 = vector.shape_cast %reshape3A_1536 : vector<16x1xi32> to vector<16xi32>
      %gather3A_1538 = tpu.dynamic_gather %get3A_148[%gather3A_1537] in [0] : vector<16xf32>, vector<16xi32> -> vector<16xf32>
      %broadcast_in_dim3A_1539 = arith.constant 9 : i32
      %broadcast_in_dim3A_1540 = vector.broadcast %broadcast_in_dim3A_1539 : i32 to vector<16xi32>
      %lt3A_1541 = arith.constant 0 : i32
      %lt3A_1542 = vector.broadcast %lt3A_1541 : i32 to vector<16xi32>
      %lt3A_1543 = arith.cmpi slt, %broadcast_in_dim3A_1540, %lt3A_1542 : vector<16xi32>
      %add3A_1544 = arith.constant 16 : i32
      %add3A_1545 = vector.broadcast %add3A_1544 : i32 to vector<16xi32>
      %add3A_1546 = arith.addi %broadcast_in_dim3A_1540, %add3A_1545 : vector<16xi32>
      %select_n3A_1547 = arith.select %lt3A_1543, %add3A_1546, %broadcast_in_dim3A_1540 : vector<16xi1>, vector<16xi32>
      %reshape3A_1548 = vector.shape_cast %select_n3A_1547 : vector<16xi32> to vector<16x1xi32>
      %gather3A_1549 = vector.shape_cast %reshape3A_1548 : vector<16x1xi32> to vector<16xi32>
      %gather3A_1550 = tpu.dynamic_gather %get3A_148[%gather3A_1549] in [0] : vector<16xf32>, vector<16xi32> -> vector<16xf32>
      %broadcast_in_dim3A_1551 = arith.constant 10 : i32
      %broadcast_in_dim3A_1552 = vector.broadcast %broadcast_in_dim3A_1551 : i32 to vector<16xi32>
      %lt3A_1553 = arith.constant 0 : i32
      %lt3A_1554 = vector.broadcast %lt3A_1553 : i32 to vector<16xi32>
      %lt3A_1555 = arith.cmpi slt, %broadcast_in_dim3A_1552, %lt3A_1554 : vector<16xi32>
      %add3A_1556 = arith.constant 16 : i32
      %add3A_1557 = vector.broadcast %add3A_1556 : i32 to vector<16xi32>
      %add3A_1558 = arith.addi %broadcast_in_dim3A_1552, %add3A_1557 : vector<16xi32>
      %select_n3A_1559 = arith.select %lt3A_1555, %add3A_1558, %broadcast_in_dim3A_1552 : vector<16xi1>, vector<16xi32>
      %reshape3A_1560 = vector.shape_cast %select_n3A_1559 : vector<16xi32> to vector<16x1xi32>
      %gather3A_1561 = vector.shape_cast %reshape3A_1560 : vector<16x1xi32> to vector<16xi32>
      %gather3A_1562 = tpu.dynamic_gather %get3A_148[%gather3A_1561] in [0] : vector<16xf32>, vector<16xi32> -> vector<16xf32>
      %broadcast_in_dim3A_1563 = arith.constant 11 : i32
      %broadcast_in_dim3A_1564 = vector.broadcast %broadcast_in_dim3A_1563 : i32 to vector<16xi32>
      %lt3A_1565 = arith.constant 0 : i32
      %lt3A_1566 = vector.broadcast %lt3A_1565 : i32 to vector<16xi32>
      %lt3A_1567 = arith.cmpi slt, %broadcast_in_dim3A_1564, %lt3A_1566 : vector<16xi32>
      %add3A_1568 = arith.constant 16 : i32
      %add3A_1569 = vector.broadcast %add3A_1568 : i32 to vector<16xi32>
      %add3A_1570 = arith.addi %broadcast_in_dim3A_1564, %add3A_1569 : vector<16xi32>
      %select_n3A_1571 = arith.select %lt3A_1567, %add3A_1570, %broadcast_in_dim3A_1564 : vector<16xi1>, vector<16xi32>
      %reshape3A_1572 = vector.shape_cast %select_n3A_1571 : vector<16xi32> to vector<16x1xi32>
      %gather3A_1573 = vector.shape_cast %reshape3A_1572 : vector<16x1xi32> to vector<16xi32>
      %gather3A_1574 = tpu.dynamic_gather %get3A_148[%gather3A_1573] in [0] : vector<16xf32>, vector<16xi32> -> vector<16xf32>
      %broadcast_in_dim3A_1575 = arith.constant 12 : i32
      %broadcast_in_dim3A_1576 = vector.broadcast %broadcast_in_dim3A_1575 : i32 to vector<16xi32>
      %lt3A_1577 = arith.constant 0 : i32
      %lt3A_1578 = vector.broadcast %lt3A_1577 : i32 to vector<16xi32>
      %lt3A_1579 = arith.cmpi slt, %broadcast_in_dim3A_1576, %lt3A_1578 : vector<16xi32>
      %add3A_1580 = arith.constant 16 : i32
      %add3A_1581 = vector.broadcast %add3A_1580 : i32 to vector<16xi32>
      %add3A_1582 = arith.addi %broadcast_in_dim3A_1576, %add3A_1581 : vector<16xi32>
      %select_n3A_1583 = arith.select %lt3A_1579, %add3A_1582, %broadcast_in_dim3A_1576 : vector<16xi1>, vector<16xi32>
      %reshape3A_1584 = vector.shape_cast %select_n3A_1583 : vector<16xi32> to vector<16x1xi32>
      %gather3A_1585 = vector.shape_cast %reshape3A_1584 : vector<16x1xi32> to vector<16xi32>
      %gather3A_1586 = tpu.dynamic_gather %get3A_148[%gather3A_1585] in [0] : vector<16xf32>, vector<16xi32> -> vector<16xf32>
      %broadcast_in_dim3A_1587 = arith.constant 13 : i32
      %broadcast_in_dim3A_1588 = vector.broadcast %broadcast_in_dim3A_1587 : i32 to vector<16xi32>
      %lt3A_1589 = arith.constant 0 : i32
      %lt3A_1590 = vector.broadcast %lt3A_1589 : i32 to vector<16xi32>
      %lt3A_1591 = arith.cmpi slt, %broadcast_in_dim3A_1588, %lt3A_1590 : vector<16xi32>
      %add3A_1592 = arith.constant 16 : i32
      %add3A_1593 = vector.broadcast %add3A_1592 : i32 to vector<16xi32>
      %add3A_1594 = arith.addi %broadcast_in_dim3A_1588, %add3A_1593 : vector<16xi32>
      %select_n3A_1595 = arith.select %lt3A_1591, %add3A_1594, %broadcast_in_dim3A_1588 : vector<16xi1>, vector<16xi32>
      %reshape3A_1596 = vector.shape_cast %select_n3A_1595 : vector<16xi32> to vector<16x1xi32>
      %gather3A_1597 = vector.shape_cast %reshape3A_1596 : vector<16x1xi32> to vector<16xi32>
      %gather3A_1598 = tpu.dynamic_gather %get3A_148[%gather3A_1597] in [0] : vector<16xf32>, vector<16xi32> -> vector<16xf32>
      %broadcast_in_dim3A_1599 = arith.constant 14 : i32
      %broadcast_in_dim3A_1600 = vector.broadcast %broadcast_in_dim3A_1599 : i32 to vector<16xi32>
      %lt3A_1601 = arith.constant 0 : i32
      %lt3A_1602 = vector.broadcast %lt3A_1601 : i32 to vector<16xi32>
      %lt3A_1603 = arith.cmpi slt, %broadcast_in_dim3A_1600, %lt3A_1602 : vector<16xi32>
      %add3A_1604 = arith.constant 16 : i32
      %add3A_1605 = vector.broadcast %add3A_1604 : i32 to vector<16xi32>
      %add3A_1606 = arith.addi %broadcast_in_dim3A_1600, %add3A_1605 : vector<16xi32>
      %select_n3A_1607 = arith.select %lt3A_1603, %add3A_1606, %broadcast_in_dim3A_1600 : vector<16xi1>, vector<16xi32>
      %reshape3A_1608 = vector.shape_cast %select_n3A_1607 : vector<16xi32> to vector<16x1xi32>
      %gather3A_1609 = vector.shape_cast %reshape3A_1608 : vector<16x1xi32> to vector<16xi32>
      %gather3A_1610 = tpu.dynamic_gather %get3A_148[%gather3A_1609] in [0] : vector<16xf32>, vector<16xi32> -> vector<16xf32>
      %broadcast_in_dim3A_1611 = arith.constant 15 : i32
      %broadcast_in_dim3A_1612 = vector.broadcast %broadcast_in_dim3A_1611 : i32 to vector<16xi32>
      %lt3A_1613 = arith.constant 0 : i32
      %lt3A_1614 = vector.broadcast %lt3A_1613 : i32 to vector<16xi32>
      %lt3A_1615 = arith.cmpi slt, %broadcast_in_dim3A_1612, %lt3A_1614 : vector<16xi32>
      %add3A_1616 = arith.constant 16 : i32
      %add3A_1617 = vector.broadcast %add3A_1616 : i32 to vector<16xi32>
      %add3A_1618 = arith.addi %broadcast_in_dim3A_1612, %add3A_1617 : vector<16xi32>
      %select_n3A_1619 = arith.select %lt3A_1615, %add3A_1618, %broadcast_in_dim3A_1612 : vector<16xi1>, vector<16xi32>
      %reshape3A_1620 = vector.shape_cast %select_n3A_1619 : vector<16xi32> to vector<16x1xi32>
      %gather3A_1621 = vector.shape_cast %reshape3A_1620 : vector<16x1xi32> to vector<16xi32>
      %gather3A_1622 = tpu.dynamic_gather %get3A_148[%gather3A_1621] in [0] : vector<16xf32>, vector<16xi32> -> vector<16xf32>
      %mul3A_1623 = arith.mulf %min3A_1004, %min3A_1010 : vector<16xf32>
      %mul3A_1624 = arith.mulf %gather3A_1550, %min3A_1004 : vector<16xf32>
      %add3A_1625 = arith.addf %gather3A_1538, %mul3A_1624 : vector<16xf32>
      %mul3A_1626 = arith.mulf %gather3A_1562, %min3A_1010 : vector<16xf32>
      %add3A_1627 = arith.addf %add3A_1625, %mul3A_1626 : vector<16xf32>
      %mul3A_1628 = arith.mulf %gather3A_1586, %mul3A_1623 : vector<16xf32>
      %add3A_1629 = arith.addf %add3A_1627, %mul3A_1628 : vector<16xf32>
      %mul3A_1630 = arith.mulf %gather3A_1598, %min3A_1004 : vector<16xf32>
      %add3A_1631 = arith.addf %gather3A_1574, %mul3A_1630 : vector<16xf32>
      %mul3A_1632 = arith.mulf %gather3A_1610, %min3A_1010 : vector<16xf32>
      %add3A_1633 = arith.addf %add3A_1631, %mul3A_1632 : vector<16xf32>
      %mul3A_1634 = arith.mulf %gather3A_1622, %mul3A_1623 : vector<16xf32>
      %add3A_1635 = arith.addf %add3A_1633, %mul3A_1634 : vector<16xf32>
      %get3A_1636 = arith.constant 20 : i32
      %get3A_1637 = arith.index_cast %get3A_1636 : i32 to index
      %get3A_1638 = arith.index_cast %mul3A_124 : i32 to index
      %get3A_1639 = tpu.vector_load %arg5[%get3A_1637, %get3A_1638] {strides = array<i32>} : memref<24x512xf32, #tpu.memory_space<vmem>>, vector<1x16xf32>,
      %get3A_1640 = vector.shape_cast %get3A_1639 : vector<1x16xf32> to vector<16xf32>
      %mul3A_1641 = arith.mulf %add3A_1635, %min3A_1016 : vector<16xf32>
      %add3A_1642 = arith.addf %add3A_1629, %mul3A_1641 : vector<16xf32>
      %ge3A_1643 = arith.constant 0.000000e+00 : f32
      %ge3A_1644 = vector.broadcast %ge3A_1643 : f32 to vector<16xf32>
      %ge3A_1645 = arith.cmpf oge, %get3A_1640, %ge3A_1644 : vector<16xf32>
      %min3A_1646 = arith.constant 1.000000e+00 : f32
      %min3A_1647 = vector.broadcast %min3A_1646 : f32 to vector<16xf32>
      %min3A_1648 = arith.minimumf %get3A_1640, %min3A_1647 : vector<16xf32>
      %add3A_1649 = arith.constant 9.99999997E-7 : f32
      %add3A_1650 = vector.broadcast %add3A_1649 : f32 to vector<16xf32>
      %add3A_1651 = arith.addf %min3A_1648, %add3A_1650 : vector<16xf32>
      %select_n3A_1652 = arith.select %ge3A_1645, %add3A_1651, %add3A_1642 : vector<16xi1>, vector<16xf32>
      %broadcast_in_dim3A_1653 = arith.constant 0 : i32
      %broadcast_in_dim3A_1654 = vector.broadcast %broadcast_in_dim3A_1653 : i32 to vector<16xi32>
      %lt3A_1655 = arith.constant 0 : i32
      %lt3A_1656 = vector.broadcast %lt3A_1655 : i32 to vector<16xi32>
      %lt3A_1657 = arith.cmpi slt, %broadcast_in_dim3A_1654, %lt3A_1656 : vector<16xi32>
      %add3A_1658 = arith.constant 16 : i32
      %add3A_1659 = vector.broadcast %add3A_1658 : i32 to vector<16xi32>
      %add3A_1660 = arith.addi %broadcast_in_dim3A_1654, %add3A_1659 : vector<16xi32>
      %select_n3A_1661 = arith.select %lt3A_1657, %add3A_1660, %broadcast_in_dim3A_1654 : vector<16xi1>, vector<16xi32>
      %reshape3A_1662 = vector.shape_cast %select_n3A_1661 : vector<16xi32> to vector<16x1xi32>
      %gather3A_1663 = vector.shape_cast %reshape3A_1662 : vector<16x1xi32> to vector<16xi32>
      %gather3A_1664 = tpu.dynamic_gather %get3A_153[%gather3A_1663] in [0] : vector<16xf32>, vector<16xi32> -> vector<16xf32>
      %broadcast_in_dim3A_1665 = arith.constant 1 : i32
      %broadcast_in_dim3A_1666 = vector.broadcast %broadcast_in_dim3A_1665 : i32 to vector<16xi32>
      %lt3A_1667 = arith.constant 0 : i32
      %lt3A_1668 = vector.broadcast %lt3A_1667 : i32 to vector<16xi32>
      %lt3A_1669 = arith.cmpi slt, %broadcast_in_dim3A_1666, %lt3A_1668 : vector<16xi32>
      %add3A_1670 = arith.constant 16 : i32
      %add3A_1671 = vector.broadcast %add3A_1670 : i32 to vector<16xi32>
      %add3A_1672 = arith.addi %broadcast_in_dim3A_1666, %add3A_1671 : vector<16xi32>
      %select_n3A_1673 = arith.select %lt3A_1669, %add3A_1672, %broadcast_in_dim3A_1666 : vector<16xi1>, vector<16xi32>
      %reshape3A_1674 = vector.shape_cast %select_n3A_1673 : vector<16xi32> to vector<16x1xi32>
      %gather3A_1675 = vector.shape_cast %reshape3A_1674 : vector<16x1xi32> to vector<16xi32>
      %gather3A_1676 = tpu.dynamic_gather %get3A_153[%gather3A_1675] in [0] : vector<16xf32>, vector<16xi32> -> vector<16xf32>
      %broadcast_in_dim3A_1677 = arith.constant 2 : i32
      %broadcast_in_dim3A_1678 = vector.broadcast %broadcast_in_dim3A_1677 : i32 to vector<16xi32>
      %lt3A_1679 = arith.constant 0 : i32
      %lt3A_1680 = vector.broadcast %lt3A_1679 : i32 to vector<16xi32>
      %lt3A_1681 = arith.cmpi slt, %broadcast_in_dim3A_1678, %lt3A_1680 : vector<16xi32>
      %add3A_1682 = arith.constant 16 : i32
      %add3A_1683 = vector.broadcast %add3A_1682 : i32 to vector<16xi32>
      %add3A_1684 = arith.addi %broadcast_in_dim3A_1678, %add3A_1683 : vector<16xi32>
      %select_n3A_1685 = arith.select %lt3A_1681, %add3A_1684, %broadcast_in_dim3A_1678 : vector<16xi1>, vector<16xi32>
      %reshape3A_1686 = vector.shape_cast %select_n3A_1685 : vector<16xi32> to vector<16x1xi32>
      %gather3A_1687 = vector.shape_cast %reshape3A_1686 : vector<16x1xi32> to vector<16xi32>
      %gather3A_1688 = tpu.dynamic_gather %get3A_153[%gather3A_1687] in [0] : vector<16xf32>, vector<16xi32> -> vector<16xf32>
      %broadcast_in_dim3A_1689 = arith.constant 3 : i32
      %broadcast_in_dim3A_1690 = vector.broadcast %broadcast_in_dim3A_1689 : i32 to vector<16xi32>
      %lt3A_1691 = arith.constant 0 : i32
      %lt3A_1692 = vector.broadcast %lt3A_1691 : i32 to vector<16xi32>
      %lt3A_1693 = arith.cmpi slt, %broadcast_in_dim3A_1690, %lt3A_1692 : vector<16xi32>
      %add3A_1694 = arith.constant 16 : i32
      %add3A_1695 = vector.broadcast %add3A_1694 : i32 to vector<16xi32>
      %add3A_1696 = arith.addi %broadcast_in_dim3A_1690, %add3A_1695 : vector<16xi32>
      %select_n3A_1697 = arith.select %lt3A_1693, %add3A_1696, %broadcast_in_dim3A_1690 : vector<16xi1>, vector<16xi32>
      %reshape3A_1698 = vector.shape_cast %select_n3A_1697 : vector<16xi32> to vector<16x1xi32>
      %gather3A_1699 = vector.shape_cast %reshape3A_1698 : vector<16x1xi32> to vector<16xi32>
      %gather3A_1700 = tpu.dynamic_gather %get3A_153[%gather3A_1699] in [0] : vector<16xf32>, vector<16xi32> -> vector<16xf32>
      %broadcast_in_dim3A_1701 = arith.constant 4 : i32
      %broadcast_in_dim3A_1702 = vector.broadcast %broadcast_in_dim3A_1701 : i32 to vector<16xi32>
      %lt3A_1703 = arith.constant 0 : i32
      %lt3A_1704 = vector.broadcast %lt3A_1703 : i32 to vector<16xi32>
      %lt3A_1705 = arith.cmpi slt, %broadcast_in_dim3A_1702, %lt3A_1704 : vector<16xi32>
      %add3A_1706 = arith.constant 16 : i32
      %add3A_1707 = vector.broadcast %add3A_1706 : i32 to vector<16xi32>
      %add3A_1708 = arith.addi %broadcast_in_dim3A_1702, %add3A_1707 : vector<16xi32>
      %select_n3A_1709 = arith.select %lt3A_1705, %add3A_1708, %broadcast_in_dim3A_1702 : vector<16xi1>, vector<16xi32>
      %reshape3A_1710 = vector.shape_cast %select_n3A_1709 : vector<16xi32> to vector<16x1xi32>
      %gather3A_1711 = vector.shape_cast %reshape3A_1710 : vector<16x1xi32> to vector<16xi32>
      %gather3A_1712 = tpu.dynamic_gather %get3A_153[%gather3A_1711] in [0] : vector<16xf32>, vector<16xi32> -> vector<16xf32>
      %broadcast_in_dim3A_1713 = arith.constant 5 : i32
      %broadcast_in_dim3A_1714 = vector.broadcast %broadcast_in_dim3A_1713 : i32 to vector<16xi32>
      %lt3A_1715 = arith.constant 0 : i32
      %lt3A_1716 = vector.broadcast %lt3A_1715 : i32 to vector<16xi32>
      %lt3A_1717 = arith.cmpi slt, %broadcast_in_dim3A_1714, %lt3A_1716 : vector<16xi32>
      %add3A_1718 = arith.constant 16 : i32
      %add3A_1719 = vector.broadcast %add3A_1718 : i32 to vector<16xi32>
      %add3A_1720 = arith.addi %broadcast_in_dim3A_1714, %add3A_1719 : vector<16xi32>
      %select_n3A_1721 = arith.select %lt3A_1717, %add3A_1720, %broadcast_in_dim3A_1714 : vector<16xi1>, vector<16xi32>
      %reshape3A_1722 = vector.shape_cast %select_n3A_1721 : vector<16xi32> to vector<16x1xi32>
      %gather3A_1723 = vector.shape_cast %reshape3A_1722 : vector<16x1xi32> to vector<16xi32>
      %gather3A_1724 = tpu.dynamic_gather %get3A_153[%gather3A_1723] in [0] : vector<16xf32>, vector<16xi32> -> vector<16xf32>
      %broadcast_in_dim3A_1725 = arith.constant 6 : i32
      %broadcast_in_dim3A_1726 = vector.broadcast %broadcast_in_dim3A_1725 : i32 to vector<16xi32>
      %lt3A_1727 = arith.constant 0 : i32
      %lt3A_1728 = vector.broadcast %lt3A_1727 : i32 to vector<16xi32>
      %lt3A_1729 = arith.cmpi slt, %broadcast_in_dim3A_1726, %lt3A_1728 : vector<16xi32>
      %add3A_1730 = arith.constant 16 : i32
      %add3A_1731 = vector.broadcast %add3A_1730 : i32 to vector<16xi32>
      %add3A_1732 = arith.addi %broadcast_in_dim3A_1726, %add3A_1731 : vector<16xi32>
      %select_n3A_1733 = arith.select %lt3A_1729, %add3A_1732, %broadcast_in_dim3A_1726 : vector<16xi1>, vector<16xi32>
      %reshape3A_1734 = vector.shape_cast %select_n3A_1733 : vector<16xi32> to vector<16x1xi32>
      %gather3A_1735 = vector.shape_cast %reshape3A_1734 : vector<16x1xi32> to vector<16xi32>
      %gather3A_1736 = tpu.dynamic_gather %get3A_153[%gather3A_1735] in [0] : vector<16xf32>, vector<16xi32> -> vector<16xf32>
      %broadcast_in_dim3A_1737 = arith.constant 7 : i32
      %broadcast_in_dim3A_1738 = vector.broadcast %broadcast_in_dim3A_1737 : i32 to vector<16xi32>
      %lt3A_1739 = arith.constant 0 : i32
      %lt3A_1740 = vector.broadcast %lt3A_1739 : i32 to vector<16xi32>
      %lt3A_1741 = arith.cmpi slt, %broadcast_in_dim3A_1738, %lt3A_1740 : vector<16xi32>
      %add3A_1742 = arith.constant 16 : i32
      %add3A_1743 = vector.broadcast %add3A_1742 : i32 to vector<16xi32>
      %add3A_1744 = arith.addi %broadcast_in_dim3A_1738, %add3A_1743 : vector<16xi32>
      %select_n3A_1745 = arith.select %lt3A_1741, %add3A_1744, %broadcast_in_dim3A_1738 : vector<16xi1>, vector<16xi32>
      %reshape3A_1746 = vector.shape_cast %select_n3A_1745 : vector<16xi32> to vector<16x1xi32>
      %gather3A_1747 = vector.shape_cast %reshape3A_1746 : vector<16x1xi32> to vector<16xi32>
      %gather3A_1748 = tpu.dynamic_gather %get3A_153[%gather3A_1747] in [0] : vector<16xf32>, vector<16xi32> -> vector<16xf32>
      %mul3A_1749 = arith.mulf %min3A_1010, %min3A_1016 : vector<16xf32>
      %mul3A_1750 = arith.mulf %gather3A_1676, %min3A_1010 : vector<16xf32>
      %add3A_1751 = arith.addf %gather3A_1664, %mul3A_1750 : vector<16xf32>
      %mul3A_1752 = arith.mulf %gather3A_1688, %min3A_1016 : vector<16xf32>
      %add3A_1753 = arith.addf %add3A_1751, %mul3A_1752 : vector<16xf32>
      %mul3A_1754 = arith.mulf %gather3A_1712, %mul3A_1749 : vector<16xf32>
      %add3A_1755 = arith.addf %add3A_1753, %mul3A_1754 : vector<16xf32>
      %mul3A_1756 = arith.mulf %gather3A_1724, %min3A_1010 : vector<16xf32>
      %add3A_1757 = arith.addf %gather3A_1700, %mul3A_1756 : vector<16xf32>
      %mul3A_1758 = arith.mulf %gather3A_1736, %min3A_1016 : vector<16xf32>
      %add3A_1759 = arith.addf %add3A_1757, %mul3A_1758 : vector<16xf32>
      %mul3A_1760 = arith.mulf %gather3A_1748, %mul3A_1749 : vector<16xf32>
      %add3A_1761 = arith.addf %add3A_1759, %mul3A_1760 : vector<16xf32>
      %get3A_1762 = arith.constant 21 : i32
      %get3A_1763 = arith.index_cast %get3A_1762 : i32 to index
      %get3A_1764 = arith.index_cast %mul3A_124 : i32 to index
      %get3A_1765 = tpu.vector_load %arg5[%get3A_1763, %get3A_1764] {strides = array<i32>} : memref<24x512xf32, #tpu.memory_space<vmem>>, vector<1x16xf32>,
      %get3A_1766 = vector.shape_cast %get3A_1765 : vector<1x16xf32> to vector<16xf32>
      %mul3A_1767 = arith.mulf %add3A_1761, %min3A_1022 : vector<16xf32>
      %add3A_1768 = arith.addf %add3A_1755, %mul3A_1767 : vector<16xf32>
      %ge3A_1769 = arith.constant 0.000000e+00 : f32
      %ge3A_1770 = vector.broadcast %ge3A_1769 : f32 to vector<16xf32>
      %ge3A_1771 = arith.cmpf oge, %get3A_1766, %ge3A_1770 : vector<16xf32>
      %min3A_1772 = arith.constant 1.000000e+00 : f32
      %min3A_1773 = vector.broadcast %min3A_1772 : f32 to vector<16xf32>
      %min3A_1774 = arith.minimumf %get3A_1766, %min3A_1773 : vector<16xf32>
      %add3A_1775 = arith.constant 9.99999997E-7 : f32
      %add3A_1776 = vector.broadcast %add3A_1775 : f32 to vector<16xf32>
      %add3A_1777 = arith.addf %min3A_1774, %add3A_1776 : vector<16xf32>
      %select_n3A_1778 = arith.select %ge3A_1771, %add3A_1777, %add3A_1768 : vector<16xi1>, vector<16xf32>
      %broadcast_in_dim3A_1779 = arith.constant 8 : i32
      %broadcast_in_dim3A_1780 = vector.broadcast %broadcast_in_dim3A_1779 : i32 to vector<16xi32>
      %lt3A_1781 = arith.constant 0 : i32
      %lt3A_1782 = vector.broadcast %lt3A_1781 : i32 to vector<16xi32>
      %lt3A_1783 = arith.cmpi slt, %broadcast_in_dim3A_1780, %lt3A_1782 : vector<16xi32>
      %add3A_1784 = arith.constant 16 : i32
      %add3A_1785 = vector.broadcast %add3A_1784 : i32 to vector<16xi32>
      %add3A_1786 = arith.addi %broadcast_in_dim3A_1780, %add3A_1785 : vector<16xi32>
      %select_n3A_1787 = arith.select %lt3A_1783, %add3A_1786, %broadcast_in_dim3A_1780 : vector<16xi1>, vector<16xi32>
      %reshape3A_1788 = vector.shape_cast %select_n3A_1787 : vector<16xi32> to vector<16x1xi32>
      %gather3A_1789 = vector.shape_cast %reshape3A_1788 : vector<16x1xi32> to vector<16xi32>
      %gather3A_1790 = tpu.dynamic_gather %get3A_153[%gather3A_1789] in [0] : vector<16xf32>, vector<16xi32> -> vector<16xf32>
      %broadcast_in_dim3A_1791 = arith.constant 9 : i32
      %broadcast_in_dim3A_1792 = vector.broadcast %broadcast_in_dim3A_1791 : i32 to vector<16xi32>
      %lt3A_1793 = arith.constant 0 : i32
      %lt3A_1794 = vector.broadcast %lt3A_1793 : i32 to vector<16xi32>
      %lt3A_1795 = arith.cmpi slt, %broadcast_in_dim3A_1792, %lt3A_1794 : vector<16xi32>
      %add3A_1796 = arith.constant 16 : i32
      %add3A_1797 = vector.broadcast %add3A_1796 : i32 to vector<16xi32>
      %add3A_1798 = arith.addi %broadcast_in_dim3A_1792, %add3A_1797 : vector<16xi32>
      %select_n3A_1799 = arith.select %lt3A_1795, %add3A_1798, %broadcast_in_dim3A_1792 : vector<16xi1>, vector<16xi32>
      %reshape3A_1800 = vector.shape_cast %select_n3A_1799 : vector<16xi32> to vector<16x1xi32>
      %gather3A_1801 = vector.shape_cast %reshape3A_1800 : vector<16x1xi32> to vector<16xi32>
      %gather3A_1802 = tpu.dynamic_gather %get3A_153[%gather3A_1801] in [0] : vector<16xf32>, vector<16xi32> -> vector<16xf32>
      %broadcast_in_dim3A_1803 = arith.constant 10 : i32
      %broadcast_in_dim3A_1804 = vector.broadcast %broadcast_in_dim3A_1803 : i32 to vector<16xi32>
      %lt3A_1805 = arith.constant 0 : i32
      %lt3A_1806 = vector.broadcast %lt3A_1805 : i32 to vector<16xi32>
      %lt3A_1807 = arith.cmpi slt, %broadcast_in_dim3A_1804, %lt3A_1806 : vector<16xi32>
      %add3A_1808 = arith.constant 16 : i32
      %add3A_1809 = vector.broadcast %add3A_1808 : i32 to vector<16xi32>
      %add3A_1810 = arith.addi %broadcast_in_dim3A_1804, %add3A_1809 : vector<16xi32>
      %select_n3A_1811 = arith.select %lt3A_1807, %add3A_1810, %broadcast_in_dim3A_1804 : vector<16xi1>, vector<16xi32>
      %reshape3A_1812 = vector.shape_cast %select_n3A_1811 : vector<16xi32> to vector<16x1xi32>
      %gather3A_1813 = vector.shape_cast %reshape3A_1812 : vector<16x1xi32> to vector<16xi32>
      %gather3A_1814 = tpu.dynamic_gather %get3A_153[%gather3A_1813] in [0] : vector<16xf32>, vector<16xi32> -> vector<16xf32>
      %broadcast_in_dim3A_1815 = arith.constant 11 : i32
      %broadcast_in_dim3A_1816 = vector.broadcast %broadcast_in_dim3A_1815 : i32 to vector<16xi32>
      %lt3A_1817 = arith.constant 0 : i32
      %lt3A_1818 = vector.broadcast %lt3A_1817 : i32 to vector<16xi32>
      %lt3A_1819 = arith.cmpi slt, %broadcast_in_dim3A_1816, %lt3A_1818 : vector<16xi32>
      %add3A_1820 = arith.constant 16 : i32
      %add3A_1821 = vector.broadcast %add3A_1820 : i32 to vector<16xi32>
      %add3A_1822 = arith.addi %broadcast_in_dim3A_1816, %add3A_1821 : vector<16xi32>
      %select_n3A_1823 = arith.select %lt3A_1819, %add3A_1822, %broadcast_in_dim3A_1816 : vector<16xi1>, vector<16xi32>
      %reshape3A_1824 = vector.shape_cast %select_n3A_1823 : vector<16xi32> to vector<16x1xi32>
      %gather3A_1825 = vector.shape_cast %reshape3A_1824 : vector<16x1xi32> to vector<16xi32>
      %gather3A_1826 = tpu.dynamic_gather %get3A_153[%gather3A_1825] in [0] : vector<16xf32>, vector<16xi32> -> vector<16xf32>
      %broadcast_in_dim3A_1827 = arith.constant 12 : i32
      %broadcast_in_dim3A_1828 = vector.broadcast %broadcast_in_dim3A_1827 : i32 to vector<16xi32>
      %lt3A_1829 = arith.constant 0 : i32
      %lt3A_1830 = vector.broadcast %lt3A_1829 : i32 to vector<16xi32>
      %lt3A_1831 = arith.cmpi slt, %broadcast_in_dim3A_1828, %lt3A_1830 : vector<16xi32>
      %add3A_1832 = arith.constant 16 : i32
      %add3A_1833 = vector.broadcast %add3A_1832 : i32 to vector<16xi32>
      %add3A_1834 = arith.addi %broadcast_in_dim3A_1828, %add3A_1833 : vector<16xi32>
      %select_n3A_1835 = arith.select %lt3A_1831, %add3A_1834, %broadcast_in_dim3A_1828 : vector<16xi1>, vector<16xi32>
      %reshape3A_1836 = vector.shape_cast %select_n3A_1835 : vector<16xi32> to vector<16x1xi32>
      %gather3A_1837 = vector.shape_cast %reshape3A_1836 : vector<16x1xi32> to vector<16xi32>
      %gather3A_1838 = tpu.dynamic_gather %get3A_153[%gather3A_1837] in [0] : vector<16xf32>, vector<16xi32> -> vector<16xf32>
      %broadcast_in_dim3A_1839 = arith.constant 13 : i32
      %broadcast_in_dim3A_1840 = vector.broadcast %broadcast_in_dim3A_1839 : i32 to vector<16xi32>
      %lt3A_1841 = arith.constant 0 : i32
      %lt3A_1842 = vector.broadcast %lt3A_1841 : i32 to vector<16xi32>
      %lt3A_1843 = arith.cmpi slt, %broadcast_in_dim3A_1840, %lt3A_1842 : vector<16xi32>
      %add3A_1844 = arith.constant 16 : i32
      %add3A_1845 = vector.broadcast %add3A_1844 : i32 to vector<16xi32>
      %add3A_1846 = arith.addi %broadcast_in_dim3A_1840, %add3A_1845 : vector<16xi32>
      %select_n3A_1847 = arith.select %lt3A_1843, %add3A_1846, %broadcast_in_dim3A_1840 : vector<16xi1>, vector<16xi32>
      %reshape3A_1848 = vector.shape_cast %select_n3A_1847 : vector<16xi32> to vector<16x1xi32>
      %gather3A_1849 = vector.shape_cast %reshape3A_1848 : vector<16x1xi32> to vector<16xi32>
      %gather3A_1850 = tpu.dynamic_gather %get3A_153[%gather3A_1849] in [0] : vector<16xf32>, vector<16xi32> -> vector<16xf32>
      %broadcast_in_dim3A_1851 = arith.constant 14 : i32
      %broadcast_in_dim3A_1852 = vector.broadcast %broadcast_in_dim3A_1851 : i32 to vector<16xi32>
      %lt3A_1853 = arith.constant 0 : i32
      %lt3A_1854 = vector.broadcast %lt3A_1853 : i32 to vector<16xi32>
      %lt3A_1855 = arith.cmpi slt, %broadcast_in_dim3A_1852, %lt3A_1854 : vector<16xi32>
      %add3A_1856 = arith.constant 16 : i32
      %add3A_1857 = vector.broadcast %add3A_1856 : i32 to vector<16xi32>
      %add3A_1858 = arith.addi %broadcast_in_dim3A_1852, %add3A_1857 : vector<16xi32>
      %select_n3A_1859 = arith.select %lt3A_1855, %add3A_1858, %broadcast_in_dim3A_1852 : vector<16xi1>, vector<16xi32>
      %reshape3A_1860 = vector.shape_cast %select_n3A_1859 : vector<16xi32> to vector<16x1xi32>
      %gather3A_1861 = vector.shape_cast %reshape3A_1860 : vector<16x1xi32> to vector<16xi32>
      %gather3A_1862 = tpu.dynamic_gather %get3A_153[%gather3A_1861] in [0] : vector<16xf32>, vector<16xi32> -> vector<16xf32>
      %broadcast_in_dim3A_1863 = arith.constant 15 : i32
      %broadcast_in_dim3A_1864 = vector.broadcast %broadcast_in_dim3A_1863 : i32 to vector<16xi32>
      %lt3A_1865 = arith.constant 0 : i32
      %lt3A_1866 = vector.broadcast %lt3A_1865 : i32 to vector<16xi32>
      %lt3A_1867 = arith.cmpi slt, %broadcast_in_dim3A_1864, %lt3A_1866 : vector<16xi32>
      %add3A_1868 = arith.constant 16 : i32
      %add3A_1869 = vector.broadcast %add3A_1868 : i32 to vector<16xi32>
      %add3A_1870 = arith.addi %broadcast_in_dim3A_1864, %add3A_1869 : vector<16xi32>
      %select_n3A_1871 = arith.select %lt3A_1867, %add3A_1870, %broadcast_in_dim3A_1864 : vector<16xi1>, vector<16xi32>
      %reshape3A_1872 = vector.shape_cast %select_n3A_1871 : vector<16xi32> to vector<16x1xi32>
      %gather3A_1873 = vector.shape_cast %reshape3A_1872 : vector<16x1xi32> to vector<16xi32>
      %gather3A_1874 = tpu.dynamic_gather %get3A_153[%gather3A_1873] in [0] : vector<16xf32>, vector<16xi32> -> vector<16xf32>
      %mul3A_1875 = arith.mulf %min3A_1016, %min3A_1022 : vector<16xf32>
      %mul3A_1876 = arith.mulf %gather3A_1802, %min3A_1016 : vector<16xf32>
      %add3A_1877 = arith.addf %gather3A_1790, %mul3A_1876 : vector<16xf32>
      %mul3A_1878 = arith.mulf %gather3A_1814, %min3A_1022 : vector<16xf32>
      %add3A_1879 = arith.addf %add3A_1877, %mul3A_1878 : vector<16xf32>
      %mul3A_1880 = arith.mulf %gather3A_1838, %mul3A_1875 : vector<16xf32>
      %add3A_1881 = arith.addf %add3A_1879, %mul3A_1880 : vector<16xf32>
      %mul3A_1882 = arith.mulf %gather3A_1850, %min3A_1016 : vector<16xf32>
      %add3A_1883 = arith.addf %gather3A_1826, %mul3A_1882 : vector<16xf32>
      %mul3A_1884 = arith.mulf %gather3A_1862, %min3A_1022 : vector<16xf32>
      %add3A_1885 = arith.addf %add3A_1883, %mul3A_1884 : vector<16xf32>
      %mul3A_1886 = arith.mulf %gather3A_1874, %mul3A_1875 : vector<16xf32>
      %add3A_1887 = arith.addf %add3A_1885, %mul3A_1886 : vector<16xf32>
      %get3A_1888 = arith.constant 22 : i32
      %get3A_1889 = arith.index_cast %get3A_1888 : i32 to index
      %get3A_1890 = arith.index_cast %mul3A_124 : i32 to index
      %get3A_1891 = tpu.vector_load %arg5[%get3A_1889, %get3A_1890] {strides = array<i32>} : memref<24x512xf32, #tpu.memory_space<vmem>>, vector<1x16xf32>,
      %get3A_1892 = vector.shape_cast %get3A_1891 : vector<1x16xf32> to vector<16xf32>
      %mul3A_1893 = arith.mulf %add3A_1887, %min3A_980 : vector<16xf32>
      %add3A_1894 = arith.addf %add3A_1881, %mul3A_1893 : vector<16xf32>
      %ge3A_1895 = arith.constant 0.000000e+00 : f32
      %ge3A_1896 = vector.broadcast %ge3A_1895 : f32 to vector<16xf32>
      %ge3A_1897 = arith.cmpf oge, %get3A_1892, %ge3A_1896 : vector<16xf32>
      %min3A_1898 = arith.constant 1.000000e+00 : f32
      %min3A_1899 = vector.broadcast %min3A_1898 : f32 to vector<16xf32>
      %min3A_1900 = arith.minimumf %get3A_1892, %min3A_1899 : vector<16xf32>
      %add3A_1901 = arith.constant 9.99999997E-7 : f32
      %add3A_1902 = vector.broadcast %add3A_1901 : f32 to vector<16xf32>
      %add3A_1903 = arith.addf %min3A_1900, %add3A_1902 : vector<16xf32>
      %select_n3A_1904 = arith.select %ge3A_1897, %add3A_1903, %add3A_1894 : vector<16xi1>, vector<16xf32>
      %broadcast_in_dim3A_1905 = arith.constant 0 : i32
      %broadcast_in_dim3A_1906 = vector.broadcast %broadcast_in_dim3A_1905 : i32 to vector<16xi32>
      %lt3A_1907 = arith.constant 0 : i32
      %lt3A_1908 = vector.broadcast %lt3A_1907 : i32 to vector<16xi32>
      %lt3A_1909 = arith.cmpi slt, %broadcast_in_dim3A_1906, %lt3A_1908 : vector<16xi32>
      %add3A_1910 = arith.constant 16 : i32
      %add3A_1911 = vector.broadcast %add3A_1910 : i32 to vector<16xi32>
      %add3A_1912 = arith.addi %broadcast_in_dim3A_1906, %add3A_1911 : vector<16xi32>
      %select_n3A_1913 = arith.select %lt3A_1909, %add3A_1912, %broadcast_in_dim3A_1906 : vector<16xi1>, vector<16xi32>
      %reshape3A_1914 = vector.shape_cast %select_n3A_1913 : vector<16xi32> to vector<16x1xi32>
      %gather3A_1915 = vector.shape_cast %reshape3A_1914 : vector<16x1xi32> to vector<16xi32>
      %gather3A_1916 = tpu.dynamic_gather %get3A_158[%gather3A_1915] in [0] : vector<16xf32>, vector<16xi32> -> vector<16xf32>
      %broadcast_in_dim3A_1917 = arith.constant 1 : i32
      %broadcast_in_dim3A_1918 = vector.broadcast %broadcast_in_dim3A_1917 : i32 to vector<16xi32>
      %lt3A_1919 = arith.constant 0 : i32
      %lt3A_1920 = vector.broadcast %lt3A_1919 : i32 to vector<16xi32>
      %lt3A_1921 = arith.cmpi slt, %broadcast_in_dim3A_1918, %lt3A_1920 : vector<16xi32>
      %add3A_1922 = arith.constant 16 : i32
      %add3A_1923 = vector.broadcast %add3A_1922 : i32 to vector<16xi32>
      %add3A_1924 = arith.addi %broadcast_in_dim3A_1918, %add3A_1923 : vector<16xi32>
      %select_n3A_1925 = arith.select %lt3A_1921, %add3A_1924, %broadcast_in_dim3A_1918 : vector<16xi1>, vector<16xi32>
      %reshape3A_1926 = vector.shape_cast %select_n3A_1925 : vector<16xi32> to vector<16x1xi32>
      %gather3A_1927 = vector.shape_cast %reshape3A_1926 : vector<16x1xi32> to vector<16xi32>
      %gather3A_1928 = tpu.dynamic_gather %get3A_158[%gather3A_1927] in [0] : vector<16xf32>, vector<16xi32> -> vector<16xf32>
      %broadcast_in_dim3A_1929 = arith.constant 2 : i32
      %broadcast_in_dim3A_1930 = vector.broadcast %broadcast_in_dim3A_1929 : i32 to vector<16xi32>
      %lt3A_1931 = arith.constant 0 : i32
      %lt3A_1932 = vector.broadcast %lt3A_1931 : i32 to vector<16xi32>
      %lt3A_1933 = arith.cmpi slt, %broadcast_in_dim3A_1930, %lt3A_1932 : vector<16xi32>
      %add3A_1934 = arith.constant 16 : i32
      %add3A_1935 = vector.broadcast %add3A_1934 : i32 to vector<16xi32>
      %add3A_1936 = arith.addi %broadcast_in_dim3A_1930, %add3A_1935 : vector<16xi32>
      %select_n3A_1937 = arith.select %lt3A_1933, %add3A_1936, %broadcast_in_dim3A_1930 : vector<16xi1>, vector<16xi32>
      %reshape3A_1938 = vector.shape_cast %select_n3A_1937 : vector<16xi32> to vector<16x1xi32>
      %gather3A_1939 = vector.shape_cast %reshape3A_1938 : vector<16x1xi32> to vector<16xi32>
      %gather3A_1940 = tpu.dynamic_gather %get3A_158[%gather3A_1939] in [0] : vector<16xf32>, vector<16xi32> -> vector<16xf32>
      %broadcast_in_dim3A_1941 = arith.constant 3 : i32
      %broadcast_in_dim3A_1942 = vector.broadcast %broadcast_in_dim3A_1941 : i32 to vector<16xi32>
      %lt3A_1943 = arith.constant 0 : i32
      %lt3A_1944 = vector.broadcast %lt3A_1943 : i32 to vector<16xi32>
      %lt3A_1945 = arith.cmpi slt, %broadcast_in_dim3A_1942, %lt3A_1944 : vector<16xi32>
      %add3A_1946 = arith.constant 16 : i32
      %add3A_1947 = vector.broadcast %add3A_1946 : i32 to vector<16xi32>
      %add3A_1948 = arith.addi %broadcast_in_dim3A_1942, %add3A_1947 : vector<16xi32>
      %select_n3A_1949 = arith.select %lt3A_1945, %add3A_1948, %broadcast_in_dim3A_1942 : vector<16xi1>, vector<16xi32>
      %reshape3A_1950 = vector.shape_cast %select_n3A_1949 : vector<16xi32> to vector<16x1xi32>
      %gather3A_1951 = vector.shape_cast %reshape3A_1950 : vector<16x1xi32> to vector<16xi32>
      %gather3A_1952 = tpu.dynamic_gather %get3A_158[%gather3A_1951] in [0] : vector<16xf32>, vector<16xi32> -> vector<16xf32>
      %broadcast_in_dim3A_1953 = arith.constant 4 : i32
      %broadcast_in_dim3A_1954 = vector.broadcast %broadcast_in_dim3A_1953 : i32 to vector<16xi32>
      %lt3A_1955 = arith.constant 0 : i32
      %lt3A_1956 = vector.broadcast %lt3A_1955 : i32 to vector<16xi32>
      %lt3A_1957 = arith.cmpi slt, %broadcast_in_dim3A_1954, %lt3A_1956 : vector<16xi32>
      %add3A_1958 = arith.constant 16 : i32
      %add3A_1959 = vector.broadcast %add3A_1958 : i32 to vector<16xi32>
      %add3A_1960 = arith.addi %broadcast_in_dim3A_1954, %add3A_1959 : vector<16xi32>
      %select_n3A_1961 = arith.select %lt3A_1957, %add3A_1960, %broadcast_in_dim3A_1954 : vector<16xi1>, vector<16xi32>
      %reshape3A_1962 = vector.shape_cast %select_n3A_1961 : vector<16xi32> to vector<16x1xi32>
      %gather3A_1963 = vector.shape_cast %reshape3A_1962 : vector<16x1xi32> to vector<16xi32>
      %gather3A_1964 = tpu.dynamic_gather %get3A_158[%gather3A_1963] in [0] : vector<16xf32>, vector<16xi32> -> vector<16xf32>
      %broadcast_in_dim3A_1965 = arith.constant 5 : i32
      %broadcast_in_dim3A_1966 = vector.broadcast %broadcast_in_dim3A_1965 : i32 to vector<16xi32>
      %lt3A_1967 = arith.constant 0 : i32
      %lt3A_1968 = vector.broadcast %lt3A_1967 : i32 to vector<16xi32>
      %lt3A_1969 = arith.cmpi slt, %broadcast_in_dim3A_1966, %lt3A_1968 : vector<16xi32>
      %add3A_1970 = arith.constant 16 : i32
      %add3A_1971 = vector.broadcast %add3A_1970 : i32 to vector<16xi32>
      %add3A_1972 = arith.addi %broadcast_in_dim3A_1966, %add3A_1971 : vector<16xi32>
      %select_n3A_1973 = arith.select %lt3A_1969, %add3A_1972, %broadcast_in_dim3A_1966 : vector<16xi1>, vector<16xi32>
      %reshape3A_1974 = vector.shape_cast %select_n3A_1973 : vector<16xi32> to vector<16x1xi32>
      %gather3A_1975 = vector.shape_cast %reshape3A_1974 : vector<16x1xi32> to vector<16xi32>
      %gather3A_1976 = tpu.dynamic_gather %get3A_158[%gather3A_1975] in [0] : vector<16xf32>, vector<16xi32> -> vector<16xf32>
      %broadcast_in_dim3A_1977 = arith.constant 6 : i32
      %broadcast_in_dim3A_1978 = vector.broadcast %broadcast_in_dim3A_1977 : i32 to vector<16xi32>
      %lt3A_1979 = arith.constant 0 : i32
      %lt3A_1980 = vector.broadcast %lt3A_1979 : i32 to vector<16xi32>
      %lt3A_1981 = arith.cmpi slt, %broadcast_in_dim3A_1978, %lt3A_1980 : vector<16xi32>
      %add3A_1982 = arith.constant 16 : i32
      %add3A_1983 = vector.broadcast %add3A_1982 : i32 to vector<16xi32>
      %add3A_1984 = arith.addi %broadcast_in_dim3A_1978, %add3A_1983 : vector<16xi32>
      %select_n3A_1985 = arith.select %lt3A_1981, %add3A_1984, %broadcast_in_dim3A_1978 : vector<16xi1>, vector<16xi32>
      %reshape3A_1986 = vector.shape_cast %select_n3A_1985 : vector<16xi32> to vector<16x1xi32>
      %gather3A_1987 = vector.shape_cast %reshape3A_1986 : vector<16x1xi32> to vector<16xi32>
      %gather3A_1988 = tpu.dynamic_gather %get3A_158[%gather3A_1987] in [0] : vector<16xf32>, vector<16xi32> -> vector<16xf32>
      %broadcast_in_dim3A_1989 = arith.constant 7 : i32
      %broadcast_in_dim3A_1990 = vector.broadcast %broadcast_in_dim3A_1989 : i32 to vector<16xi32>
      %lt3A_1991 = arith.constant 0 : i32
      %lt3A_1992 = vector.broadcast %lt3A_1991 : i32 to vector<16xi32>
      %lt3A_1993 = arith.cmpi slt, %broadcast_in_dim3A_1990, %lt3A_1992 : vector<16xi32>
      %add3A_1994 = arith.constant 16 : i32
      %add3A_1995 = vector.broadcast %add3A_1994 : i32 to vector<16xi32>
      %add3A_1996 = arith.addi %broadcast_in_dim3A_1990, %add3A_1995 : vector<16xi32>
      %select_n3A_1997 = arith.select %lt3A_1993, %add3A_1996, %broadcast_in_dim3A_1990 : vector<16xi1>, vector<16xi32>
      %reshape3A_1998 = vector.shape_cast %select_n3A_1997 : vector<16xi32> to vector<16x1xi32>
      %gather3A_1999 = vector.shape_cast %reshape3A_1998 : vector<16x1xi32> to vector<16xi32>
      %gather3A_2000 = tpu.dynamic_gather %get3A_158[%gather3A_1999] in [0] : vector<16xf32>, vector<16xi32> -> vector<16xf32>
      %mul3A_2001 = arith.mulf %min3A_1022, %min3A_980 : vector<16xf32>
      %mul3A_2002 = arith.mulf %gather3A_1928, %min3A_1022 : vector<16xf32>
      %add3A_2003 = arith.addf %gather3A_1916, %mul3A_2002 : vector<16xf32>
      %mul3A_2004 = arith.mulf %gather3A_1940, %min3A_980 : vector<16xf32>
      %add3A_2005 = arith.addf %add3A_2003, %mul3A_2004 : vector<16xf32>
      %mul3A_2006 = arith.mulf %gather3A_1964, %mul3A_2001 : vector<16xf32>
      %add3A_2007 = arith.addf %add3A_2005, %mul3A_2006 : vector<16xf32>
      %mul3A_2008 = arith.mulf %gather3A_1976, %min3A_1022 : vector<16xf32>
      %add3A_2009 = arith.addf %gather3A_1952, %mul3A_2008 : vector<16xf32>
      %mul3A_2010 = arith.mulf %gather3A_1988, %min3A_980 : vector<16xf32>
      %add3A_2011 = arith.addf %add3A_2009, %mul3A_2010 : vector<16xf32>
      %mul3A_2012 = arith.mulf %gather3A_2000, %mul3A_2001 : vector<16xf32>
      %add3A_2013 = arith.addf %add3A_2011, %mul3A_2012 : vector<16xf32>
      %get3A_2014 = arith.constant 23 : i32
      %get3A_2015 = arith.index_cast %get3A_2014 : i32 to index
      %get3A_2016 = arith.index_cast %mul3A_124 : i32 to index
      %get3A_2017 = tpu.vector_load %arg5[%get3A_2015, %get3A_2016] {strides = array<i32>} : memref<24x512xf32, #tpu.memory_space<vmem>>, vector<1x16xf32>,
      %get3A_2018 = vector.shape_cast %get3A_2017 : vector<1x16xf32> to vector<16xf32>
      %mul3A_2019 = arith.mulf %add3A_2013, %min3A_986 : vector<16xf32>
      %add3A_2020 = arith.addf %add3A_2007, %mul3A_2019 : vector<16xf32>
      %ge3A_2021 = arith.constant 0.000000e+00 : f32
      %ge3A_2022 = vector.broadcast %ge3A_2021 : f32 to vector<16xf32>
      %ge3A_2023 = arith.cmpf oge, %get3A_2018, %ge3A_2022 : vector<16xf32>
      %min3A_2024 = arith.constant 1.000000e+00 : f32
      %min3A_2025 = vector.broadcast %min3A_2024 : f32 to vector<16xf32>
      %min3A_2026 = arith.minimumf %get3A_2018, %min3A_2025 : vector<16xf32>
      %add3A_2027 = arith.constant 9.99999997E-7 : f32
      %add3A_2028 = vector.broadcast %add3A_2027 : f32 to vector<16xf32>
      %add3A_2029 = arith.addf %min3A_2026, %add3A_2028 : vector<16xf32>
      %select_n3A_2030 = arith.select %ge3A_2023, %add3A_2029, %add3A_2020 : vector<16xi1>, vector<16xf32>
      %swap3A = arith.constant 0 : i32
      %swap3A_2031 = arith.index_cast %swap3A : i32 to index
      %swap3A_2032 = arith.index_cast %mul3A_124 : i32 to index
      %swap3A_2033 = tpu.vector_load %arg6[%swap3A_2031, %swap3A_2032] {strides = array<i32>} : memref<24x512xf32, #tpu.memory_space<vmem>>, vector<1x16xf32>,
      %swap3A_2034 = vector.shape_cast %swap3A_2033 : vector<1x16xf32> to vector<16xf32>
      %swap3A_2035 = vector.shape_cast %select_n3A_178 : vector<16xf32> to vector<1x16xf32>
      tpu.vector_store %arg6[%swap3A_2031, %swap3A_2032], %swap3A_2035 {strides = array<i32>} : memref<24x512xf32, #tpu.memory_space<vmem>>, vector<1x16xf32>,
      %swap3A_2036 = arith.constant 1 : i32
      %swap3A_2037 = arith.index_cast %swap3A_2036 : i32 to index
      %swap3A_2038 = arith.index_cast %mul3A_124 : i32 to index
      %swap3A_2039 = tpu.vector_load %arg6[%swap3A_2037, %swap3A_2038] {strides = array<i32>} : memref<24x512xf32, #tpu.memory_space<vmem>>, vector<1x16xf32>,
      %swap3A_2040 = vector.shape_cast %swap3A_2039 : vector<1x16xf32> to vector<16xf32>
      %swap3A_2041 = vector.shape_cast %select_n3A_205 : vector<16xf32> to vector<1x16xf32>
      tpu.vector_store %arg6[%swap3A_2037, %swap3A_2038], %swap3A_2041 {strides = array<i32>} : memref<24x512xf32, #tpu.memory_space<vmem>>, vector<1x16xf32>,
      %swap3A_2042 = arith.constant 2 : i32
      %swap3A_2043 = arith.index_cast %swap3A_2042 : i32 to index
      %swap3A_2044 = arith.index_cast %mul3A_124 : i32 to index
      %swap3A_2045 = tpu.vector_load %arg6[%swap3A_2043, %swap3A_2044] {strides = array<i32>} : memref<24x512xf32, #tpu.memory_space<vmem>>, vector<1x16xf32>,
      %swap3A_2046 = vector.shape_cast %swap3A_2045 : vector<1x16xf32> to vector<16xf32>
      %swap3A_2047 = vector.shape_cast %select_n3A_232 : vector<16xf32> to vector<1x16xf32>
      tpu.vector_store %arg6[%swap3A_2043, %swap3A_2044], %swap3A_2047 {strides = array<i32>} : memref<24x512xf32, #tpu.memory_space<vmem>>, vector<1x16xf32>,
      %swap3A_2048 = arith.constant 3 : i32
      %swap3A_2049 = arith.index_cast %swap3A_2048 : i32 to index
      %swap3A_2050 = arith.index_cast %mul3A_124 : i32 to index
      %swap3A_2051 = tpu.vector_load %arg6[%swap3A_2049, %swap3A_2050] {strides = array<i32>} : memref<24x512xf32, #tpu.memory_space<vmem>>, vector<1x16xf32>,
      %swap3A_2052 = vector.shape_cast %swap3A_2051 : vector<1x16xf32> to vector<16xf32>
      %swap3A_2053 = vector.shape_cast %select_n3A_259 : vector<16xf32> to vector<1x16xf32>
      tpu.vector_store %arg6[%swap3A_2049, %swap3A_2050], %swap3A_2053 {strides = array<i32>} : memref<24x512xf32, #tpu.memory_space<vmem>>, vector<1x16xf32>,
      %swap3A_2054 = arith.constant 4 : i32
      %swap3A_2055 = arith.index_cast %swap3A_2054 : i32 to index
      %swap3A_2056 = arith.index_cast %mul3A_124 : i32 to index
      %swap3A_2057 = tpu.vector_load %arg6[%swap3A_2055, %swap3A_2056] {strides = array<i32>} : memref<24x512xf32, #tpu.memory_space<vmem>>, vector<1x16xf32>,
      %swap3A_2058 = vector.shape_cast %swap3A_2057 : vector<1x16xf32> to vector<16xf32>
      %swap3A_2059 = vector.shape_cast %select_n3A_286 : vector<16xf32> to vector<1x16xf32>
      tpu.vector_store %arg6[%swap3A_2055, %swap3A_2056], %swap3A_2059 {strides = array<i32>} : memref<24x512xf32, #tpu.memory_space<vmem>>, vector<1x16xf32>,
      %swap3A_2060 = arith.constant 5 : i32
      %swap3A_2061 = arith.index_cast %swap3A_2060 : i32 to index
      %swap3A_2062 = arith.index_cast %mul3A_124 : i32 to index
      %swap3A_2063 = tpu.vector_load %arg6[%swap3A_2061, %swap3A_2062] {strides = array<i32>} : memref<24x512xf32, #tpu.memory_space<vmem>>, vector<1x16xf32>,
      %swap3A_2064 = vector.shape_cast %swap3A_2063 : vector<1x16xf32> to vector<16xf32>
      %swap3A_2065 = vector.shape_cast %select_n3A_313 : vector<16xf32> to vector<1x16xf32>
      tpu.vector_store %arg6[%swap3A_2061, %swap3A_2062], %swap3A_2065 {strides = array<i32>} : memref<24x512xf32, #tpu.memory_space<vmem>>, vector<1x16xf32>,
      %swap3A_2066 = arith.constant 6 : i32
      %swap3A_2067 = arith.index_cast %swap3A_2066 : i32 to index
      %swap3A_2068 = arith.index_cast %mul3A_124 : i32 to index
      %swap3A_2069 = tpu.vector_load %arg6[%swap3A_2067, %swap3A_2068] {strides = array<i32>} : memref<24x512xf32, #tpu.memory_space<vmem>>, vector<1x16xf32>,
      %swap3A_2070 = vector.shape_cast %swap3A_2069 : vector<1x16xf32> to vector<16xf32>
      %swap3A_2071 = vector.shape_cast %select_n3A_340 : vector<16xf32> to vector<1x16xf32>
      tpu.vector_store %arg6[%swap3A_2067, %swap3A_2068], %swap3A_2071 {strides = array<i32>} : memref<24x512xf32, #tpu.memory_space<vmem>>, vector<1x16xf32>,
      %swap3A_2072 = arith.constant 7 : i32
      %swap3A_2073 = arith.index_cast %swap3A_2072 : i32 to index
      %swap3A_2074 = arith.index_cast %mul3A_124 : i32 to index
      %swap3A_2075 = tpu.vector_load %arg6[%swap3A_2073, %swap3A_2074] {strides = array<i32>} : memref<24x512xf32, #tpu.memory_space<vmem>>, vector<1x16xf32>,
      %swap3A_2076 = vector.shape_cast %swap3A_2075 : vector<1x16xf32> to vector<16xf32>
      %swap3A_2077 = vector.shape_cast %select_n3A_367 : vector<16xf32> to vector<1x16xf32>
      tpu.vector_store %arg6[%swap3A_2073, %swap3A_2074], %swap3A_2077 {strides = array<i32>} : memref<24x512xf32, #tpu.memory_space<vmem>>, vector<1x16xf32>,
      %swap3A_2078 = arith.constant 8 : i32
      %swap3A_2079 = arith.index_cast %swap3A_2078 : i32 to index
      %swap3A_2080 = arith.index_cast %mul3A_124 : i32 to index
      %swap3A_2081 = tpu.vector_load %arg6[%swap3A_2079, %swap3A_2080] {strides = array<i32>} : memref<24x512xf32, #tpu.memory_space<vmem>>, vector<1x16xf32>,
      %swap3A_2082 = vector.shape_cast %swap3A_2081 : vector<1x16xf32> to vector<16xf32>
      %swap3A_2083 = vector.shape_cast %select_n3A_484 : vector<16xf32> to vector<1x16xf32>
      tpu.vector_store %arg6[%swap3A_2079, %swap3A_2080], %swap3A_2083 {strides = array<i32>} : memref<24x512xf32, #tpu.memory_space<vmem>>, vector<1x16xf32>,
      %swap3A_2084 = arith.constant 9 : i32
      %swap3A_2085 = arith.index_cast %swap3A_2084 : i32 to index
      %swap3A_2086 = arith.index_cast %mul3A_124 : i32 to index
      %swap3A_2087 = tpu.vector_load %arg6[%swap3A_2085, %swap3A_2086] {strides = array<i32>} : memref<24x512xf32, #tpu.memory_space<vmem>>, vector<1x16xf32>,
      %swap3A_2088 = vector.shape_cast %swap3A_2087 : vector<1x16xf32> to vector<16xf32>
      %swap3A_2089 = vector.shape_cast %select_n3A_554 : vector<16xf32> to vector<1x16xf32>
      tpu.vector_store %arg6[%swap3A_2085, %swap3A_2086], %swap3A_2089 {strides = array<i32>} : memref<24x512xf32, #tpu.memory_space<vmem>>, vector<1x16xf32>,
      %swap3A_2090 = arith.constant 10 : i32
      %swap3A_2091 = arith.index_cast %swap3A_2090 : i32 to index
      %swap3A_2092 = arith.index_cast %mul3A_124 : i32 to index
      %swap3A_2093 = tpu.vector_load %arg6[%swap3A_2091, %swap3A_2092] {strides = array<i32>} : memref<24x512xf32, #tpu.memory_space<vmem>>, vector<1x16xf32>,
      %swap3A_2094 = vector.shape_cast %swap3A_2093 : vector<1x16xf32> to vector<16xf32>
      %swap3A_2095 = vector.shape_cast %select_n3A_624 : vector<16xf32> to vector<1x16xf32>
      tpu.vector_store %arg6[%swap3A_2091, %swap3A_2092], %swap3A_2095 {strides = array<i32>} : memref<24x512xf32, #tpu.memory_space<vmem>>, vector<1x16xf32>,
      %swap3A_2096 = arith.constant 11 : i32
      %swap3A_2097 = arith.index_cast %swap3A_2096 : i32 to index
      %swap3A_2098 = arith.index_cast %mul3A_124 : i32 to index
      %swap3A_2099 = tpu.vector_load %arg6[%swap3A_2097, %swap3A_2098] {strides = array<i32>} : memref<24x512xf32, #tpu.memory_space<vmem>>, vector<1x16xf32>,
      %swap3A_2100 = vector.shape_cast %swap3A_2099 : vector<1x16xf32> to vector<16xf32>
      %swap3A_2101 = vector.shape_cast %select_n3A_694 : vector<16xf32> to vector<1x16xf32>
      tpu.vector_store %arg6[%swap3A_2097, %swap3A_2098], %swap3A_2101 {strides = array<i32>} : memref<24x512xf32, #tpu.memory_space<vmem>>, vector<1x16xf32>,
      %swap3A_2102 = arith.constant 12 : i32
      %swap3A_2103 = arith.index_cast %swap3A_2102 : i32 to index
      %swap3A_2104 = arith.index_cast %mul3A_124 : i32 to index
      %swap3A_2105 = tpu.vector_load %arg6[%swap3A_2103, %swap3A_2104] {strides = array<i32>} : memref<24x512xf32, #tpu.memory_space<vmem>>, vector<1x16xf32>,
      %swap3A_2106 = vector.shape_cast %swap3A_2105 : vector<1x16xf32> to vector<16xf32>
      %swap3A_2107 = vector.shape_cast %select_n3A_764 : vector<16xf32> to vector<1x16xf32>
      tpu.vector_store %arg6[%swap3A_2103, %swap3A_2104], %swap3A_2107 {strides = array<i32>} : memref<24x512xf32, #tpu.memory_space<vmem>>, vector<1x16xf32>,
      %swap3A_2108 = arith.constant 13 : i32
      %swap3A_2109 = arith.index_cast %swap3A_2108 : i32 to index
      %swap3A_2110 = arith.index_cast %mul3A_124 : i32 to index
      %swap3A_2111 = tpu.vector_load %arg6[%swap3A_2109, %swap3A_2110] {strides = array<i32>} : memref<24x512xf32, #tpu.memory_space<vmem>>, vector<1x16xf32>,
      %swap3A_2112 = vector.shape_cast %swap3A_2111 : vector<1x16xf32> to vector<16xf32>
      %swap3A_2113 = vector.shape_cast %select_n3A_834 : vector<16xf32> to vector<1x16xf32>
      tpu.vector_store %arg6[%swap3A_2109, %swap3A_2110], %swap3A_2113 {strides = array<i32>} : memref<24x512xf32, #tpu.memory_space<vmem>>, vector<1x16xf32>,
      %swap3A_2114 = arith.constant 14 : i32
      %swap3A_2115 = arith.index_cast %swap3A_2114 : i32 to index
      %swap3A_2116 = arith.index_cast %mul3A_124 : i32 to index
      %swap3A_2117 = tpu.vector_load %arg6[%swap3A_2115, %swap3A_2116] {strides = array<i32>} : memref<24x512xf32, #tpu.memory_space<vmem>>, vector<1x16xf32>,
      %swap3A_2118 = vector.shape_cast %swap3A_2117 : vector<1x16xf32> to vector<16xf32>
      %swap3A_2119 = vector.shape_cast %select_n3A_904 : vector<16xf32> to vector<1x16xf32>
      tpu.vector_store %arg6[%swap3A_2115, %swap3A_2116], %swap3A_2119 {strides = array<i32>} : memref<24x512xf32, #tpu.memory_space<vmem>>, vector<1x16xf32>,
      %swap3A_2120 = arith.constant 15 : i32
      %swap3A_2121 = arith.index_cast %swap3A_2120 : i32 to index
      %swap3A_2122 = arith.index_cast %mul3A_124 : i32 to index
      %swap3A_2123 = tpu.vector_load %arg6[%swap3A_2121, %swap3A_2122] {strides = array<i32>} : memref<24x512xf32, #tpu.memory_space<vmem>>, vector<1x16xf32>,
      %swap3A_2124 = vector.shape_cast %swap3A_2123 : vector<1x16xf32> to vector<16xf32>
      %swap3A_2125 = vector.shape_cast %select_n3A_974 : vector<16xf32> to vector<1x16xf32>
      tpu.vector_store %arg6[%swap3A_2121, %swap3A_2122], %swap3A_2125 {strides = array<i32>} : memref<24x512xf32, #tpu.memory_space<vmem>>, vector<1x16xf32>,
      %swap3A_2126 = arith.constant 16 : i32
      %swap3A_2127 = arith.index_cast %swap3A_2126 : i32 to index
      %swap3A_2128 = arith.index_cast %mul3A_124 : i32 to index
      %swap3A_2129 = tpu.vector_load %arg6[%swap3A_2127, %swap3A_2128] {strides = array<i32>} : memref<24x512xf32, #tpu.memory_space<vmem>>, vector<1x16xf32>,
      %swap3A_2130 = vector.shape_cast %swap3A_2129 : vector<1x16xf32> to vector<16xf32>
      %swap3A_2131 = vector.shape_cast %select_n3A_1148 : vector<16xf32> to vector<1x16xf32>
      tpu.vector_store %arg6[%swap3A_2127, %swap3A_2128], %swap3A_2131 {strides = array<i32>} : memref<24x512xf32, #tpu.memory_space<vmem>>, vector<1x16xf32>,
      %swap3A_2132 = arith.constant 17 : i32
      %swap3A_2133 = arith.index_cast %swap3A_2132 : i32 to index
      %swap3A_2134 = arith.index_cast %mul3A_124 : i32 to index
      %swap3A_2135 = tpu.vector_load %arg6[%swap3A_2133, %swap3A_2134] {strides = array<i32>} : memref<24x512xf32, #tpu.memory_space<vmem>>, vector<1x16xf32>,
      %swap3A_2136 = vector.shape_cast %swap3A_2135 : vector<1x16xf32> to vector<16xf32>
      %swap3A_2137 = vector.shape_cast %select_n3A_1274 : vector<16xf32> to vector<1x16xf32>
      tpu.vector_store %arg6[%swap3A_2133, %swap3A_2134], %swap3A_2137 {strides = array<i32>} : memref<24x512xf32, #tpu.memory_space<vmem>>, vector<1x16xf32>,
      %swap3A_2138 = arith.constant 18 : i32
      %swap3A_2139 = arith.index_cast %swap3A_2138 : i32 to index
      %swap3A_2140 = arith.index_cast %mul3A_124 : i32 to index
      %swap3A_2141 = tpu.vector_load %arg6[%swap3A_2139, %swap3A_2140] {strides = array<i32>} : memref<24x512xf32, #tpu.memory_space<vmem>>, vector<1x16xf32>,
      %swap3A_2142 = vector.shape_cast %swap3A_2141 : vector<1x16xf32> to vector<16xf32>
      %swap3A_2143 = vector.shape_cast %select_n3A_1400 : vector<16xf32> to vector<1x16xf32>
      tpu.vector_store %arg6[%swap3A_2139, %swap3A_2140], %swap3A_2143 {strides = array<i32>} : memref<24x512xf32, #tpu.memory_space<vmem>>, vector<1x16xf32>,
      %swap3A_2144 = arith.constant 19 : i32
      %swap3A_2145 = arith.index_cast %swap3A_2144 : i32 to index
      %swap3A_2146 = arith.index_cast %mul3A_124 : i32 to index
      %swap3A_2147 = tpu.vector_load %arg6[%swap3A_2145, %swap3A_2146] {strides = array<i32>} : memref<24x512xf32, #tpu.memory_space<vmem>>, vector<1x16xf32>,
      %swap3A_2148 = vector.shape_cast %swap3A_2147 : vector<1x16xf32> to vector<16xf32>
      %swap3A_2149 = vector.shape_cast %select_n3A_1526 : vector<16xf32> to vector<1x16xf32>
      tpu.vector_store %arg6[%swap3A_2145, %swap3A_2146], %swap3A_2149 {strides = array<i32>} : memref<24x512xf32, #tpu.memory_space<vmem>>, vector<1x16xf32>,
      %swap3A_2150 = arith.constant 20 : i32
      %swap3A_2151 = arith.index_cast %swap3A_2150 : i32 to index
      %swap3A_2152 = arith.index_cast %mul3A_124 : i32 to index
      %swap3A_2153 = tpu.vector_load %arg6[%swap3A_2151, %swap3A_2152] {strides = array<i32>} : memref<24x512xf32, #tpu.memory_space<vmem>>, vector<1x16xf32>,
      %swap3A_2154 = vector.shape_cast %swap3A_2153 : vector<1x16xf32> to vector<16xf32>
      %swap3A_2155 = vector.shape_cast %select_n3A_1652 : vector<16xf32> to vector<1x16xf32>
      tpu.vector_store %arg6[%swap3A_2151, %swap3A_2152], %swap3A_2155 {strides = array<i32>} : memref<24x512xf32, #tpu.memory_space<vmem>>, vector<1x16xf32>,
      %swap3A_2156 = arith.constant 21 : i32
      %swap3A_2157 = arith.index_cast %swap3A_2156 : i32 to index
      %swap3A_2158 = arith.index_cast %mul3A_124 : i32 to index
      %swap3A_2159 = tpu.vector_load %arg6[%swap3A_2157, %swap3A_2158] {strides = array<i32>} : memref<24x512xf32, #tpu.memory_space<vmem>>, vector<1x16xf32>,
      %swap3A_2160 = vector.shape_cast %swap3A_2159 : vector<1x16xf32> to vector<16xf32>
      %swap3A_2161 = vector.shape_cast %select_n3A_1778 : vector<16xf32> to vector<1x16xf32>
      tpu.vector_store %arg6[%swap3A_2157, %swap3A_2158], %swap3A_2161 {strides = array<i32>} : memref<24x512xf32, #tpu.memory_space<vmem>>, vector<1x16xf32>,
      %swap3A_2162 = arith.constant 22 : i32
      %swap3A_2163 = arith.index_cast %swap3A_2162 : i32 to index
      %swap3A_2164 = arith.index_cast %mul3A_124 : i32 to index
      %swap3A_2165 = tpu.vector_load %arg6[%swap3A_2163, %swap3A_2164] {strides = array<i32>} : memref<24x512xf32, #tpu.memory_space<vmem>>, vector<1x16xf32>,
      %swap3A_2166 = vector.shape_cast %swap3A_2165 : vector<1x16xf32> to vector<16xf32>
      %swap3A_2167 = vector.shape_cast %select_n3A_1904 : vector<16xf32> to vector<1x16xf32>
      tpu.vector_store %arg6[%swap3A_2163, %swap3A_2164], %swap3A_2167 {strides = array<i32>} : memref<24x512xf32, #tpu.memory_space<vmem>>, vector<1x16xf32>,
      %swap3A_2168 = arith.constant 23 : i32
      %swap3A_2169 = arith.index_cast %swap3A_2168 : i32 to index
      %swap3A_2170 = arith.index_cast %mul3A_124 : i32 to index
      %swap3A_2171 = tpu.vector_load %arg6[%swap3A_2169, %swap3A_2170] {strides = array<i32>} : memref<24x512xf32, #tpu.memory_space<vmem>>, vector<1x16xf32>,
      %swap3A_2172 = vector.shape_cast %swap3A_2171 : vector<1x16xf32> to vector<16xf32>
      %swap3A_2173 = vector.shape_cast %select_n3A_2030 : vector<16xf32> to vector<1x16xf32>
      tpu.vector_store %arg6[%swap3A_2169, %swap3A_2170], %swap3A_2173 {strides = array<i32>} : memref<24x512xf32, #tpu.memory_space<vmem>>, vector<1x16xf32>,
    }
    %scan3A_45 = arith.constant 16 : i32
    %dma_start3A_46 = arith.constant 0 : i32
    %dma_start3A_47 = arith.constant 0 : i32
    %dma_start3A_48 = tpu.memref_slice %arg6[%dma_start3A_46, %dma_start3A_47] : memref<24x512xf32, #tpu.memory_space<vmem>> -> memref<24x256xf32, #tpu.memory_space<vmem>>
    %dma_start3A_49 = arith.constant 0 : i32
    %dma_start3A_50 = arith.constant 0 : i32
    %dma_start3A_51 = tpu.memref_slice %arg4[%add3A, %dma_start3A_49, %dma_start3A_50] : memref<32x24x512xf32, #tpu.memory_space<hbm>> -> memref<1x24x256xf32, #tpu.memory_space<hbm>>
    %dma_start3A_52 = tpu.memref_squeeze %dma_start3A_51 : memref<1x24x256xf32, #tpu.memory_space<hbm>> -> memref<24x256xf32, #tpu.memory_space<hbm>>
    %dma_start3A_53 = arith.constant 0 : i32
    %dma_start3A_54 = arith.constant 0 : i32
    %dma_start3A_55 = tpu.memref_slice %arg4[%add3A, %dma_start3A_53, %dma_start3A_54] : memref<32x24x512xf32, #tpu.memory_space<hbm>> -> memref<1x24x256xf32, #tpu.memory_space<hbm>>
    %dma_start3A_56 = tpu.memref_squeeze %dma_start3A_55 : memref<1x24x256xf32, #tpu.memory_space<hbm>> -> memref<24x256xf32, #tpu.memory_space<hbm>>
    %dma_start3A_57 = arith.constant 0 : i32
    %dma_start3A_58 = arith.constant 0 : i32
    %dma_start3A_59 = tpu.memref_slice %arg6[%dma_start3A_57, %dma_start3A_58] : memref<24x512xf32, #tpu.memory_space<vmem>> -> memref<24x256xf32, #tpu.memory_space<vmem>>
    tpu.enqueue_dma source(%dma_start3A_59 : memref<24x256xf32, #tpu.memory_space<vmem>>) target(%dma_start3A_56 : memref<24x256xf32, #tpu.memory_space<hbm>>) target_semaphore(%arg9 : memref<!tpu.dma_semaphore, #tpu.memory_space<semaphore_mem>>)
    %dma_wait3A_60 = arith.constant 0 : i32
    %dma_wait3A_61 = arith.constant 256 : i32
    %dma_wait3A_62 = tpu.memref_slice %arg5[%dma_wait3A_60, %dma_wait3A_61] : memref<24x512xf32, #tpu.memory_space<vmem>> -> memref<24x256xf32, #tpu.memory_space<vmem>>
    %dma_wait3A_63 = arith.constant 0 : i32
    %dma_wait3A_64 = arith.constant 256 : i32
    %dma_wait3A_65 = tpu.memref_slice %arg2[%add3A, %dma_wait3A_63, %dma_wait3A_64] : memref<32x24x512xf32, #tpu.memory_space<hbm>> -> memref<1x24x256xf32, #tpu.memory_space<hbm>>
    %dma_wait3A_66 = tpu.memref_squeeze %dma_wait3A_65 : memref<1x24x256xf32, #tpu.memory_space<hbm>> -> memref<24x256xf32, #tpu.memory_space<hbm>>
    %dma_wait3A_67 = arith.constant 0 : i32
    %dma_wait3A_68 = arith.constant 256 : i32
    %dma_wait3A_69 = tpu.memref_slice %arg5[%dma_wait3A_67, %dma_wait3A_68] : memref<24x512xf32, #tpu.memory_space<vmem>> -> memref<24x256xf32, #tpu.memory_space<vmem>>
    %dma_wait3A_70 = arith.constant 0 : i32
    %dma_wait3A_71 = arith.constant 256 : i32
    %dma_wait3A_72 = tpu.memref_slice %arg2[%add3A, %dma_wait3A_70, %dma_wait3A_71] : memref<32x24x512xf32, #tpu.memory_space<hbm>> -> memref<1x24x256xf32, #tpu.memory_space<hbm>>
    %dma_wait3A_73 = tpu.memref_squeeze %dma_wait3A_72 : memref<1x24x256xf32, #tpu.memory_space<hbm>> -> memref<24x256xf32, #tpu.memory_space<hbm>>
    tpu.wait_dma2 semaphore(%arg8 : memref<!tpu.dma_semaphore, #tpu.memory_space<semaphore_mem>>) src(%dma_wait3A_73 : memref<24x256xf32, #tpu.memory_space<hbm>>) dst(%dma_wait3A_69 : memref<24x256xf32, #tpu.memory_space<vmem>>)
    %scan3A_74 = arith.constant 0 : i32
    %scan3A_75 = arith.constant 16 : i32
    %scan3A_76 = arith.constant 16 : i32
    %scan3A_77 = arith.addi %scan3A_75, %scan3A_76 : i32
    %scan3A_78 = arith.constant 1 : i32
    scf.for %scan3A_122 = %scan3A_75 to %scan3A_77 step %scan3A_78  : i32 {
      %mul3A_123 = arith.constant 16 : i32
      %mul3A_124 = arith.muli %scan3A_122, %mul3A_123 : i32
      %get3A = arith.constant 0 : i32
      %get3A_125 = arith.index_cast %get3A : i32 to index
      %get3A_126 = arith.constant 0 : index
      %get3A_127 = tpu.vector_load %arg7[%get3A_125, %get3A_126] {strides = array<i32>} : memref<7x16xf32, #tpu.memory_space<vmem>>, vector<1x16xf32>,
      %get3A_128 = vector.shape_cast %get3A_127 : vector<1x16xf32> to vector<16xf32>
      %get3A_129 = arith.constant 1 : i32
      %get3A_130 = arith.index_cast %get3A_129 : i32 to index
      %get3A_131 = arith.constant 0 : index
      %get3A_132 = tpu.vector_load %arg7[%get3A_130, %get3A_131] {strides = array<i32>} : memref<7x16xf32, #tpu.memory_space<vmem>>, vector<1x16xf32>,
      %get3A_133 = vector.shape_cast %get3A_132 : vector<1x16xf32> to vector<16xf32>
      %get3A_134 = arith.constant 2 : i32
      %get3A_135 = arith.index_cast %get3A_134 : i32 to index
      %get3A_136 = arith.constant 0 : index
      %get3A_137 = tpu.vector_load %arg7[%get3A_135, %get3A_136] {strides = array<i32>} : memref<7x16xf32, #tpu.memory_space<vmem>>, vector<1x16xf32>,
      %get3A_138 = vector.shape_cast %get3A_137 : vector<1x16xf32> to vector<16xf32>
      %get3A_139 = arith.constant 3 : i32
      %get3A_140 = arith.index_cast %get3A_139 : i32 to index
      %get3A_141 = arith.constant 0 : index
      %get3A_142 = tpu.vector_load %arg7[%get3A_140, %get3A_141] {strides = array<i32>} : memref<7x16xf32, #tpu.memory_space<vmem>>, vector<1x16xf32>,
      %get3A_143 = vector.shape_cast %get3A_142 : vector<1x16xf32> to vector<16xf32>
      %get3A_144 = arith.constant 4 : i32
      %get3A_145 = arith.index_cast %get3A_144 : i32 to index
      %get3A_146 = arith.constant 0 : index
      %get3A_147 = tpu.vector_load %arg7[%get3A_145, %get3A_146] {strides = array<i32>} : memref<7x16xf32, #tpu.memory_space<vmem>>, vector<1x16xf32>,
      %get3A_148 = vector.shape_cast %get3A_147 : vector<1x16xf32> to vector<16xf32>
      %get3A_149 = arith.constant 5 : i32
      %get3A_150 = arith.index_cast %get3A_149 : i32 to index
      %get3A_151 = arith.constant 0 : index
      %get3A_152 = tpu.vector_load %arg7[%get3A_150, %get3A_151] {strides = array<i32>} : memref<7x16xf32, #tpu.memory_space<vmem>>, vector<1x16xf32>,
      %get3A_153 = vector.shape_cast %get3A_152 : vector<1x16xf32> to vector<16xf32>
      %get3A_154 = arith.constant 6 : i32
      %get3A_155 = arith.index_cast %get3A_154 : i32 to index
      %get3A_156 = arith.constant 0 : index
      %get3A_157 = tpu.vector_load %arg7[%get3A_155, %get3A_156] {strides = array<i32>} : memref<7x16xf32, #tpu.memory_space<vmem>>, vector<1x16xf32>,
      %get3A_158 = vector.shape_cast %get3A_157 : vector<1x16xf32> to vector<16xf32>
      %get3A_159 = arith.constant 0 : i32
      %get3A_160 = arith.index_cast %get3A_159 : i32 to index
      %get3A_161 = arith.index_cast %mul3A_124 : i32 to index
      %get3A_162 = tpu.vector_load %arg5[%get3A_160, %get3A_161] {strides = array<i32>} : memref<24x512xf32, #tpu.memory_space<vmem>>, vector<1x16xf32>,
      %get3A_163 = vector.shape_cast %get3A_162 : vector<1x16xf32> to vector<16xf32>
      %broadcast_in_dim3A = arith.constant 0 : i32
      %broadcast_in_dim3A_164 = vector.broadcast %broadcast_in_dim3A : i32 to vector<16xi32>
      %lt3A = arith.constant 0 : i32
      %lt3A_165 = vector.broadcast %lt3A : i32 to vector<16xi32>
      %lt3A_166 = arith.cmpi slt, %broadcast_in_dim3A_164, %lt3A_165 : vector<16xi32>
      %add3A_167 = arith.constant 16 : i32
      %add3A_168 = vector.broadcast %add3A_167 : i32 to vector<16xi32>
      %add3A_169 = arith.addi %broadcast_in_dim3A_164, %add3A_168 : vector<16xi32>
      %select_n3A = arith.select %lt3A_166, %add3A_169, %broadcast_in_dim3A_164 : vector<16xi1>, vector<16xi32>
      %reshape3A = vector.shape_cast %select_n3A : vector<16xi32> to vector<16x1xi32>
      %gather3A = vector.shape_cast %reshape3A : vector<16x1xi32> to vector<16xi32>
      %gather3A_170 = tpu.dynamic_gather %get3A_128[%gather3A] in [0] : vector<16xf32>, vector<16xi32> -> vector<16xf32>
      %ge3A = arith.constant 0.000000e+00 : f32
      %ge3A_171 = vector.broadcast %ge3A : f32 to vector<16xf32>
      %ge3A_172 = arith.cmpf oge, %get3A_163, %ge3A_171 : vector<16xf32>
      %min3A = arith.constant 1.000000e+00 : f32
      %min3A_173 = vector.broadcast %min3A : f32 to vector<16xf32>
      %min3A_174 = arith.minimumf %get3A_163, %min3A_173 : vector<16xf32>
      %add3A_175 = arith.constant 9.99999997E-7 : f32
      %add3A_176 = vector.broadcast %add3A_175 : f32 to vector<16xf32>
      %add3A_177 = arith.addf %min3A_174, %add3A_176 : vector<16xf32>
      %select_n3A_178 = arith.select %ge3A_172, %add3A_177, %gather3A_170 : vector<16xi1>, vector<16xf32>
      %get3A_179 = arith.constant 1 : i32
      %get3A_180 = arith.index_cast %get3A_179 : i32 to index
      %get3A_181 = arith.index_cast %mul3A_124 : i32 to index
      %get3A_182 = tpu.vector_load %arg5[%get3A_180, %get3A_181] {strides = array<i32>} : memref<24x512xf32, #tpu.memory_space<vmem>>, vector<1x16xf32>,
      %get3A_183 = vector.shape_cast %get3A_182 : vector<1x16xf32> to vector<16xf32>
      %broadcast_in_dim3A_184 = arith.constant 1 : i32
      %broadcast_in_dim3A_185 = vector.broadcast %broadcast_in_dim3A_184 : i32 to vector<16xi32>
      %lt3A_186 = arith.constant 0 : i32
      %lt3A_187 = vector.broadcast %lt3A_186 : i32 to vector<16xi32>
      %lt3A_188 = arith.cmpi slt, %broadcast_in_dim3A_185, %lt3A_187 : vector<16xi32>
      %add3A_189 = arith.constant 16 : i32
      %add3A_190 = vector.broadcast %add3A_189 : i32 to vector<16xi32>
      %add3A_191 = arith.addi %broadcast_in_dim3A_185, %add3A_190 : vector<16xi32>
      %select_n3A_192 = arith.select %lt3A_188, %add3A_191, %broadcast_in_dim3A_185 : vector<16xi1>, vector<16xi32>
      %reshape3A_193 = vector.shape_cast %select_n3A_192 : vector<16xi32> to vector<16x1xi32>
      %gather3A_194 = vector.shape_cast %reshape3A_193 : vector<16x1xi32> to vector<16xi32>
      %gather3A_195 = tpu.dynamic_gather %get3A_128[%gather3A_194] in [0] : vector<16xf32>, vector<16xi32> -> vector<16xf32>
      %ge3A_196 = arith.constant 0.000000e+00 : f32
      %ge3A_197 = vector.broadcast %ge3A_196 : f32 to vector<16xf32>
      %ge3A_198 = arith.cmpf oge, %get3A_183, %ge3A_197 : vector<16xf32>
      %min3A_199 = arith.constant 1.000000e+00 : f32
      %min3A_200 = vector.broadcast %min3A_199 : f32 to vector<16xf32>
      %min3A_201 = arith.minimumf %get3A_183, %min3A_200 : vector<16xf32>
      %add3A_202 = arith.constant 9.99999997E-7 : f32
      %add3A_203 = vector.broadcast %add3A_202 : f32 to vector<16xf32>
      %add3A_204 = arith.addf %min3A_201, %add3A_203 : vector<16xf32>
      %select_n3A_205 = arith.select %ge3A_198, %add3A_204, %gather3A_195 : vector<16xi1>, vector<16xf32>
      %get3A_206 = arith.constant 2 : i32
      %get3A_207 = arith.index_cast %get3A_206 : i32 to index
      %get3A_208 = arith.index_cast %mul3A_124 : i32 to index
      %get3A_209 = tpu.vector_load %arg5[%get3A_207, %get3A_208] {strides = array<i32>} : memref<24x512xf32, #tpu.memory_space<vmem>>, vector<1x16xf32>,
      %get3A_210 = vector.shape_cast %get3A_209 : vector<1x16xf32> to vector<16xf32>
      %broadcast_in_dim3A_211 = arith.constant 2 : i32
      %broadcast_in_dim3A_212 = vector.broadcast %broadcast_in_dim3A_211 : i32 to vector<16xi32>
      %lt3A_213 = arith.constant 0 : i32
      %lt3A_214 = vector.broadcast %lt3A_213 : i32 to vector<16xi32>
      %lt3A_215 = arith.cmpi slt, %broadcast_in_dim3A_212, %lt3A_214 : vector<16xi32>
      %add3A_216 = arith.constant 16 : i32
      %add3A_217 = vector.broadcast %add3A_216 : i32 to vector<16xi32>
      %add3A_218 = arith.addi %broadcast_in_dim3A_212, %add3A_217 : vector<16xi32>
      %select_n3A_219 = arith.select %lt3A_215, %add3A_218, %broadcast_in_dim3A_212 : vector<16xi1>, vector<16xi32>
      %reshape3A_220 = vector.shape_cast %select_n3A_219 : vector<16xi32> to vector<16x1xi32>
      %gather3A_221 = vector.shape_cast %reshape3A_220 : vector<16x1xi32> to vector<16xi32>
      %gather3A_222 = tpu.dynamic_gather %get3A_128[%gather3A_221] in [0] : vector<16xf32>, vector<16xi32> -> vector<16xf32>
      %ge3A_223 = arith.constant 0.000000e+00 : f32
      %ge3A_224 = vector.broadcast %ge3A_223 : f32 to vector<16xf32>
      %ge3A_225 = arith.cmpf oge, %get3A_210, %ge3A_224 : vector<16xf32>
      %min3A_226 = arith.constant 1.000000e+00 : f32
      %min3A_227 = vector.broadcast %min3A_226 : f32 to vector<16xf32>
      %min3A_228 = arith.minimumf %get3A_210, %min3A_227 : vector<16xf32>
      %add3A_229 = arith.constant 9.99999997E-7 : f32
      %add3A_230 = vector.broadcast %add3A_229 : f32 to vector<16xf32>
      %add3A_231 = arith.addf %min3A_228, %add3A_230 : vector<16xf32>
      %select_n3A_232 = arith.select %ge3A_225, %add3A_231, %gather3A_222 : vector<16xi1>, vector<16xf32>
      %get3A_233 = arith.constant 3 : i32
      %get3A_234 = arith.index_cast %get3A_233 : i32 to index
      %get3A_235 = arith.index_cast %mul3A_124 : i32 to index
      %get3A_236 = tpu.vector_load %arg5[%get3A_234, %get3A_235] {strides = array<i32>} : memref<24x512xf32, #tpu.memory_space<vmem>>, vector<1x16xf32>,
      %get3A_237 = vector.shape_cast %get3A_236 : vector<1x16xf32> to vector<16xf32>
      %broadcast_in_dim3A_238 = arith.constant 3 : i32
      %broadcast_in_dim3A_239 = vector.broadcast %broadcast_in_dim3A_238 : i32 to vector<16xi32>
      %lt3A_240 = arith.constant 0 : i32
      %lt3A_241 = vector.broadcast %lt3A_240 : i32 to vector<16xi32>
      %lt3A_242 = arith.cmpi slt, %broadcast_in_dim3A_239, %lt3A_241 : vector<16xi32>
      %add3A_243 = arith.constant 16 : i32
      %add3A_244 = vector.broadcast %add3A_243 : i32 to vector<16xi32>
      %add3A_245 = arith.addi %broadcast_in_dim3A_239, %add3A_244 : vector<16xi32>
      %select_n3A_246 = arith.select %lt3A_242, %add3A_245, %broadcast_in_dim3A_239 : vector<16xi1>, vector<16xi32>
      %reshape3A_247 = vector.shape_cast %select_n3A_246 : vector<16xi32> to vector<16x1xi32>
      %gather3A_248 = vector.shape_cast %reshape3A_247 : vector<16x1xi32> to vector<16xi32>
      %gather3A_249 = tpu.dynamic_gather %get3A_128[%gather3A_248] in [0] : vector<16xf32>, vector<16xi32> -> vector<16xf32>
      %ge3A_250 = arith.constant 0.000000e+00 : f32
      %ge3A_251 = vector.broadcast %ge3A_250 : f32 to vector<16xf32>
      %ge3A_252 = arith.cmpf oge, %get3A_237, %ge3A_251 : vector<16xf32>
      %min3A_253 = arith.constant 1.000000e+00 : f32
      %min3A_254 = vector.broadcast %min3A_253 : f32 to vector<16xf32>
      %min3A_255 = arith.minimumf %get3A_237, %min3A_254 : vector<16xf32>
      %add3A_256 = arith.constant 9.99999997E-7 : f32
      %add3A_257 = vector.broadcast %add3A_256 : f32 to vector<16xf32>
      %add3A_258 = arith.addf %min3A_255, %add3A_257 : vector<16xf32>
      %select_n3A_259 = arith.select %ge3A_252, %add3A_258, %gather3A_249 : vector<16xi1>, vector<16xf32>
      %get3A_260 = arith.constant 4 : i32
      %get3A_261 = arith.index_cast %get3A_260 : i32 to index
      %get3A_262 = arith.index_cast %mul3A_124 : i32 to index
      %get3A_263 = tpu.vector_load %arg5[%get3A_261, %get3A_262] {strides = array<i32>} : memref<24x512xf32, #tpu.memory_space<vmem>>, vector<1x16xf32>,
      %get3A_264 = vector.shape_cast %get3A_263 : vector<1x16xf32> to vector<16xf32>
      %broadcast_in_dim3A_265 = arith.constant 4 : i32
      %broadcast_in_dim3A_266 = vector.broadcast %broadcast_in_dim3A_265 : i32 to vector<16xi32>
      %lt3A_267 = arith.constant 0 : i32
      %lt3A_268 = vector.broadcast %lt3A_267 : i32 to vector<16xi32>
      %lt3A_269 = arith.cmpi slt, %broadcast_in_dim3A_266, %lt3A_268 : vector<16xi32>
      %add3A_270 = arith.constant 16 : i32
      %add3A_271 = vector.broadcast %add3A_270 : i32 to vector<16xi32>
      %add3A_272 = arith.addi %broadcast_in_dim3A_266, %add3A_271 : vector<16xi32>
      %select_n3A_273 = arith.select %lt3A_269, %add3A_272, %broadcast_in_dim3A_266 : vector<16xi1>, vector<16xi32>
      %reshape3A_274 = vector.shape_cast %select_n3A_273 : vector<16xi32> to vector<16x1xi32>
      %gather3A_275 = vector.shape_cast %reshape3A_274 : vector<16x1xi32> to vector<16xi32>
      %gather3A_276 = tpu.dynamic_gather %get3A_128[%gather3A_275] in [0] : vector<16xf32>, vector<16xi32> -> vector<16xf32>
      %ge3A_277 = arith.constant 0.000000e+00 : f32
      %ge3A_278 = vector.broadcast %ge3A_277 : f32 to vector<16xf32>
      %ge3A_279 = arith.cmpf oge, %get3A_264, %ge3A_278 : vector<16xf32>
      %min3A_280 = arith.constant 1.000000e+00 : f32
      %min3A_281 = vector.broadcast %min3A_280 : f32 to vector<16xf32>
      %min3A_282 = arith.minimumf %get3A_264, %min3A_281 : vector<16xf32>
      %add3A_283 = arith.constant 9.99999997E-7 : f32
      %add3A_284 = vector.broadcast %add3A_283 : f32 to vector<16xf32>
      %add3A_285 = arith.addf %min3A_282, %add3A_284 : vector<16xf32>
      %select_n3A_286 = arith.select %ge3A_279, %add3A_285, %gather3A_276 : vector<16xi1>, vector<16xf32>
      %get3A_287 = arith.constant 5 : i32
      %get3A_288 = arith.index_cast %get3A_287 : i32 to index
      %get3A_289 = arith.index_cast %mul3A_124 : i32 to index
      %get3A_290 = tpu.vector_load %arg5[%get3A_288, %get3A_289] {strides = array<i32>} : memref<24x512xf32, #tpu.memory_space<vmem>>, vector<1x16xf32>,
      %get3A_291 = vector.shape_cast %get3A_290 : vector<1x16xf32> to vector<16xf32>
      %broadcast_in_dim3A_292 = arith.constant 5 : i32
      %broadcast_in_dim3A_293 = vector.broadcast %broadcast_in_dim3A_292 : i32 to vector<16xi32>
      %lt3A_294 = arith.constant 0 : i32
      %lt3A_295 = vector.broadcast %lt3A_294 : i32 to vector<16xi32>
      %lt3A_296 = arith.cmpi slt, %broadcast_in_dim3A_293, %lt3A_295 : vector<16xi32>
      %add3A_297 = arith.constant 16 : i32
      %add3A_298 = vector.broadcast %add3A_297 : i32 to vector<16xi32>
      %add3A_299 = arith.addi %broadcast_in_dim3A_293, %add3A_298 : vector<16xi32>
      %select_n3A_300 = arith.select %lt3A_296, %add3A_299, %broadcast_in_dim3A_293 : vector<16xi1>, vector<16xi32>
      %reshape3A_301 = vector.shape_cast %select_n3A_300 : vector<16xi32> to vector<16x1xi32>
      %gather3A_302 = vector.shape_cast %reshape3A_301 : vector<16x1xi32> to vector<16xi32>
      %gather3A_303 = tpu.dynamic_gather %get3A_128[%gather3A_302] in [0] : vector<16xf32>, vector<16xi32> -> vector<16xf32>
      %ge3A_304 = arith.constant 0.000000e+00 : f32
      %ge3A_305 = vector.broadcast %ge3A_304 : f32 to vector<16xf32>
      %ge3A_306 = arith.cmpf oge, %get3A_291, %ge3A_305 : vector<16xf32>
      %min3A_307 = arith.constant 1.000000e+00 : f32
      %min3A_308 = vector.broadcast %min3A_307 : f32 to vector<16xf32>
      %min3A_309 = arith.minimumf %get3A_291, %min3A_308 : vector<16xf32>
      %add3A_310 = arith.constant 9.99999997E-7 : f32
      %add3A_311 = vector.broadcast %add3A_310 : f32 to vector<16xf32>
      %add3A_312 = arith.addf %min3A_309, %add3A_311 : vector<16xf32>
      %select_n3A_313 = arith.select %ge3A_306, %add3A_312, %gather3A_303 : vector<16xi1>, vector<16xf32>
      %get3A_314 = arith.constant 6 : i32
      %get3A_315 = arith.index_cast %get3A_314 : i32 to index
      %get3A_316 = arith.index_cast %mul3A_124 : i32 to index
      %get3A_317 = tpu.vector_load %arg5[%get3A_315, %get3A_316] {strides = array<i32>} : memref<24x512xf32, #tpu.memory_space<vmem>>, vector<1x16xf32>,
      %get3A_318 = vector.shape_cast %get3A_317 : vector<1x16xf32> to vector<16xf32>
      %broadcast_in_dim3A_319 = arith.constant 6 : i32
      %broadcast_in_dim3A_320 = vector.broadcast %broadcast_in_dim3A_319 : i32 to vector<16xi32>
      %lt3A_321 = arith.constant 0 : i32
      %lt3A_322 = vector.broadcast %lt3A_321 : i32 to vector<16xi32>
      %lt3A_323 = arith.cmpi slt, %broadcast_in_dim3A_320, %lt3A_322 : vector<16xi32>
      %add3A_324 = arith.constant 16 : i32
      %add3A_325 = vector.broadcast %add3A_324 : i32 to vector<16xi32>
      %add3A_326 = arith.addi %broadcast_in_dim3A_320, %add3A_325 : vector<16xi32>
      %select_n3A_327 = arith.select %lt3A_323, %add3A_326, %broadcast_in_dim3A_320 : vector<16xi1>, vector<16xi32>
      %reshape3A_328 = vector.shape_cast %select_n3A_327 : vector<16xi32> to vector<16x1xi32>
      %gather3A_329 = vector.shape_cast %reshape3A_328 : vector<16x1xi32> to vector<16xi32>
      %gather3A_330 = tpu.dynamic_gather %get3A_128[%gather3A_329] in [0] : vector<16xf32>, vector<16xi32> -> vector<16xf32>
      %ge3A_331 = arith.constant 0.000000e+00 : f32
      %ge3A_332 = vector.broadcast %ge3A_331 : f32 to vector<16xf32>
      %ge3A_333 = arith.cmpf oge, %get3A_318, %ge3A_332 : vector<16xf32>
      %min3A_334 = arith.constant 1.000000e+00 : f32
      %min3A_335 = vector.broadcast %min3A_334 : f32 to vector<16xf32>
      %min3A_336 = arith.minimumf %get3A_318, %min3A_335 : vector<16xf32>
      %add3A_337 = arith.constant 9.99999997E-7 : f32
      %add3A_338 = vector.broadcast %add3A_337 : f32 to vector<16xf32>
      %add3A_339 = arith.addf %min3A_336, %add3A_338 : vector<16xf32>
      %select_n3A_340 = arith.select %ge3A_333, %add3A_339, %gather3A_330 : vector<16xi1>, vector<16xf32>
      %get3A_341 = arith.constant 7 : i32
      %get3A_342 = arith.index_cast %get3A_341 : i32 to index
      %get3A_343 = arith.index_cast %mul3A_124 : i32 to index
      %get3A_344 = tpu.vector_load %arg5[%get3A_342, %get3A_343] {strides = array<i32>} : memref<24x512xf32, #tpu.memory_space<vmem>>, vector<1x16xf32>,
      %get3A_345 = vector.shape_cast %get3A_344 : vector<1x16xf32> to vector<16xf32>
      %broadcast_in_dim3A_346 = arith.constant 7 : i32
      %broadcast_in_dim3A_347 = vector.broadcast %broadcast_in_dim3A_346 : i32 to vector<16xi32>
      %lt3A_348 = arith.constant 0 : i32
      %lt3A_349 = vector.broadcast %lt3A_348 : i32 to vector<16xi32>
      %lt3A_350 = arith.cmpi slt, %broadcast_in_dim3A_347, %lt3A_349 : vector<16xi32>
      %add3A_351 = arith.constant 16 : i32
      %add3A_352 = vector.broadcast %add3A_351 : i32 to vector<16xi32>
      %add3A_353 = arith.addi %broadcast_in_dim3A_347, %add3A_352 : vector<16xi32>
      %select_n3A_354 = arith.select %lt3A_350, %add3A_353, %broadcast_in_dim3A_347 : vector<16xi1>, vector<16xi32>
      %reshape3A_355 = vector.shape_cast %select_n3A_354 : vector<16xi32> to vector<16x1xi32>
      %gather3A_356 = vector.shape_cast %reshape3A_355 : vector<16x1xi32> to vector<16xi32>
      %gather3A_357 = tpu.dynamic_gather %get3A_128[%gather3A_356] in [0] : vector<16xf32>, vector<16xi32> -> vector<16xf32>
      %ge3A_358 = arith.constant 0.000000e+00 : f32
      %ge3A_359 = vector.broadcast %ge3A_358 : f32 to vector<16xf32>
      %ge3A_360 = arith.cmpf oge, %get3A_345, %ge3A_359 : vector<16xf32>
      %min3A_361 = arith.constant 1.000000e+00 : f32
      %min3A_362 = vector.broadcast %min3A_361 : f32 to vector<16xf32>
      %min3A_363 = arith.minimumf %get3A_345, %min3A_362 : vector<16xf32>
      %add3A_364 = arith.constant 9.99999997E-7 : f32
      %add3A_365 = vector.broadcast %add3A_364 : f32 to vector<16xf32>
      %add3A_366 = arith.addf %min3A_363, %add3A_365 : vector<16xf32>
      %select_n3A_367 = arith.select %ge3A_360, %add3A_366, %gather3A_357 : vector<16xi1>, vector<16xf32>
      %max3A = arith.constant 9.99999997E-7 : f32
      %max3A_368 = vector.broadcast %max3A : f32 to vector<16xf32>
      %max3A_369 = arith.maximumf %select_n3A_178, %max3A_368 : vector<16xf32>
      %min3A_370 = arith.constant 0.999998986 : f32
      %min3A_371 = vector.broadcast %min3A_370 : f32 to vector<16xf32>
      %min3A_372 = arith.minimumf %max3A_369, %min3A_371 : vector<16xf32>
      %max3A_373 = arith.constant 9.99999997E-7 : f32
      %max3A_374 = vector.broadcast %max3A_373 : f32 to vector<16xf32>
      %max3A_375 = arith.maximumf %select_n3A_205, %max3A_374 : vector<16xf32>
      %min3A_376 = arith.constant 0.999998986 : f32
      %min3A_377 = vector.broadcast %min3A_376 : f32 to vector<16xf32>
      %min3A_378 = arith.minimumf %max3A_375, %min3A_377 : vector<16xf32>
      %max3A_379 = arith.constant 9.99999997E-7 : f32
      %max3A_380 = vector.broadcast %max3A_379 : f32 to vector<16xf32>
      %max3A_381 = arith.maximumf %select_n3A_232, %max3A_380 : vector<16xf32>
      %min3A_382 = arith.constant 0.999998986 : f32
      %min3A_383 = vector.broadcast %min3A_382 : f32 to vector<16xf32>
      %min3A_384 = arith.minimumf %max3A_381, %min3A_383 : vector<16xf32>
      %max3A_385 = arith.constant 9.99999997E-7 : f32
      %max3A_386 = vector.broadcast %max3A_385 : f32 to vector<16xf32>
      %max3A_387 = arith.maximumf %select_n3A_259, %max3A_386 : vector<16xf32>
      %min3A_388 = arith.constant 0.999998986 : f32
      %min3A_389 = vector.broadcast %min3A_388 : f32 to vector<16xf32>
      %min3A_390 = arith.minimumf %max3A_387, %min3A_389 : vector<16xf32>
      %max3A_391 = arith.constant 9.99999997E-7 : f32
      %max3A_392 = vector.broadcast %max3A_391 : f32 to vector<16xf32>
      %max3A_393 = arith.maximumf %select_n3A_286, %max3A_392 : vector<16xf32>
      %min3A_394 = arith.constant 0.999998986 : f32
      %min3A_395 = vector.broadcast %min3A_394 : f32 to vector<16xf32>
      %min3A_396 = arith.minimumf %max3A_393, %min3A_395 : vector<16xf32>
      %max3A_397 = arith.constant 9.99999997E-7 : f32
      %max3A_398 = vector.broadcast %max3A_397 : f32 to vector<16xf32>
      %max3A_399 = arith.maximumf %select_n3A_313, %max3A_398 : vector<16xf32>
      %min3A_400 = arith.constant 0.999998986 : f32
      %min3A_401 = vector.broadcast %min3A_400 : f32 to vector<16xf32>
      %min3A_402 = arith.minimumf %max3A_399, %min3A_401 : vector<16xf32>
      %max3A_403 = arith.constant 9.99999997E-7 : f32
      %max3A_404 = vector.broadcast %max3A_403 : f32 to vector<16xf32>
      %max3A_405 = arith.maximumf %select_n3A_340, %max3A_404 : vector<16xf32>
      %min3A_406 = arith.constant 0.999998986 : f32
      %min3A_407 = vector.broadcast %min3A_406 : f32 to vector<16xf32>
      %min3A_408 = arith.minimumf %max3A_405, %min3A_407 : vector<16xf32>
      %max3A_409 = arith.constant 9.99999997E-7 : f32
      %max3A_410 = vector.broadcast %max3A_409 : f32 to vector<16xf32>
      %max3A_411 = arith.maximumf %select_n3A_367, %max3A_410 : vector<16xf32>
      %min3A_412 = arith.constant 0.999998986 : f32
      %min3A_413 = vector.broadcast %min3A_412 : f32 to vector<16xf32>
      %min3A_414 = arith.minimumf %max3A_411, %min3A_413 : vector<16xf32>
      %broadcast_in_dim3A_415 = arith.constant 8 : i32
      %broadcast_in_dim3A_416 = vector.broadcast %broadcast_in_dim3A_415 : i32 to vector<16xi32>
      %lt3A_417 = arith.constant 0 : i32
      %lt3A_418 = vector.broadcast %lt3A_417 : i32 to vector<16xi32>
      %lt3A_419 = arith.cmpi slt, %broadcast_in_dim3A_416, %lt3A_418 : vector<16xi32>
      %add3A_420 = arith.constant 16 : i32
      %add3A_421 = vector.broadcast %add3A_420 : i32 to vector<16xi32>
      %add3A_422 = arith.addi %broadcast_in_dim3A_416, %add3A_421 : vector<16xi32>
      %select_n3A_423 = arith.select %lt3A_419, %add3A_422, %broadcast_in_dim3A_416 : vector<16xi1>, vector<16xi32>
      %reshape3A_424 = vector.shape_cast %select_n3A_423 : vector<16xi32> to vector<16x1xi32>
      %gather3A_425 = vector.shape_cast %reshape3A_424 : vector<16x1xi32> to vector<16xi32>
      %gather3A_426 = tpu.dynamic_gather %get3A_128[%gather3A_425] in [0] : vector<16xf32>, vector<16xi32> -> vector<16xf32>
      %broadcast_in_dim3A_427 = arith.constant 9 : i32
      %broadcast_in_dim3A_428 = vector.broadcast %broadcast_in_dim3A_427 : i32 to vector<16xi32>
      %lt3A_429 = arith.constant 0 : i32
      %lt3A_430 = vector.broadcast %lt3A_429 : i32 to vector<16xi32>
      %lt3A_431 = arith.cmpi slt, %broadcast_in_dim3A_428, %lt3A_430 : vector<16xi32>
      %add3A_432 = arith.constant 16 : i32
      %add3A_433 = vector.broadcast %add3A_432 : i32 to vector<16xi32>
      %add3A_434 = arith.addi %broadcast_in_dim3A_428, %add3A_433 : vector<16xi32>
      %select_n3A_435 = arith.select %lt3A_431, %add3A_434, %broadcast_in_dim3A_428 : vector<16xi1>, vector<16xi32>
      %reshape3A_436 = vector.shape_cast %select_n3A_435 : vector<16xi32> to vector<16x1xi32>
      %gather3A_437 = vector.shape_cast %reshape3A_436 : vector<16x1xi32> to vector<16xi32>
      %gather3A_438 = tpu.dynamic_gather %get3A_128[%gather3A_437] in [0] : vector<16xf32>, vector<16xi32> -> vector<16xf32>
      %broadcast_in_dim3A_439 = arith.constant 10 : i32
      %broadcast_in_dim3A_440 = vector.broadcast %broadcast_in_dim3A_439 : i32 to vector<16xi32>
      %lt3A_441 = arith.constant 0 : i32
      %lt3A_442 = vector.broadcast %lt3A_441 : i32 to vector<16xi32>
      %lt3A_443 = arith.cmpi slt, %broadcast_in_dim3A_440, %lt3A_442 : vector<16xi32>
      %add3A_444 = arith.constant 16 : i32
      %add3A_445 = vector.broadcast %add3A_444 : i32 to vector<16xi32>
      %add3A_446 = arith.addi %broadcast_in_dim3A_440, %add3A_445 : vector<16xi32>
      %select_n3A_447 = arith.select %lt3A_443, %add3A_446, %broadcast_in_dim3A_440 : vector<16xi1>, vector<16xi32>
      %reshape3A_448 = vector.shape_cast %select_n3A_447 : vector<16xi32> to vector<16x1xi32>
      %gather3A_449 = vector.shape_cast %reshape3A_448 : vector<16x1xi32> to vector<16xi32>
      %gather3A_450 = tpu.dynamic_gather %get3A_128[%gather3A_449] in [0] : vector<16xf32>, vector<16xi32> -> vector<16xf32>
      %broadcast_in_dim3A_451 = arith.constant 11 : i32
      %broadcast_in_dim3A_452 = vector.broadcast %broadcast_in_dim3A_451 : i32 to vector<16xi32>
      %lt3A_453 = arith.constant 0 : i32
      %lt3A_454 = vector.broadcast %lt3A_453 : i32 to vector<16xi32>
      %lt3A_455 = arith.cmpi slt, %broadcast_in_dim3A_452, %lt3A_454 : vector<16xi32>
      %add3A_456 = arith.constant 16 : i32
      %add3A_457 = vector.broadcast %add3A_456 : i32 to vector<16xi32>
      %add3A_458 = arith.addi %broadcast_in_dim3A_452, %add3A_457 : vector<16xi32>
      %select_n3A_459 = arith.select %lt3A_455, %add3A_458, %broadcast_in_dim3A_452 : vector<16xi1>, vector<16xi32>
      %reshape3A_460 = vector.shape_cast %select_n3A_459 : vector<16xi32> to vector<16x1xi32>
      %gather3A_461 = vector.shape_cast %reshape3A_460 : vector<16x1xi32> to vector<16xi32>
      %gather3A_462 = tpu.dynamic_gather %get3A_128[%gather3A_461] in [0] : vector<16xf32>, vector<16xi32> -> vector<16xf32>
      %mul3A_463 = arith.mulf %gather3A_438, %min3A_372 : vector<16xf32>
      %add3A_464 = arith.addf %gather3A_426, %mul3A_463 : vector<16xf32>
      %mul3A_465 = arith.mulf %gather3A_450, %min3A_378 : vector<16xf32>
      %add3A_466 = arith.addf %add3A_464, %mul3A_465 : vector<16xf32>
      %mul3A_467 = arith.mulf %min3A_372, %min3A_378 : vector<16xf32>
      %mul3A_468 = arith.mulf %gather3A_462, %mul3A_467 : vector<16xf32>
      %add3A_469 = arith.addf %add3A_466, %mul3A_468 : vector<16xf32>
      %get3A_470 = arith.constant 8 : i32
      %get3A_471 = arith.index_cast %get3A_470 : i32 to index
      %get3A_472 = arith.index_cast %mul3A_124 : i32 to index
      %get3A_473 = tpu.vector_load %arg5[%get3A_471, %get3A_472] {strides = array<i32>} : memref<24x512xf32, #tpu.memory_space<vmem>>, vector<1x16xf32>,
      %get3A_474 = vector.shape_cast %get3A_473 : vector<1x16xf32> to vector<16xf32>
      %ge3A_475 = arith.constant 0.000000e+00 : f32
      %ge3A_476 = vector.broadcast %ge3A_475 : f32 to vector<16xf32>
      %ge3A_477 = arith.cmpf oge, %get3A_474, %ge3A_476 : vector<16xf32>
      %min3A_478 = arith.constant 1.000000e+00 : f32
      %min3A_479 = vector.broadcast %min3A_478 : f32 to vector<16xf32>
      %min3A_480 = arith.minimumf %get3A_474, %min3A_479 : vector<16xf32>
      %add3A_481 = arith.constant 9.99999997E-7 : f32
      %add3A_482 = vector.broadcast %add3A_481 : f32 to vector<16xf32>
      %add3A_483 = arith.addf %min3A_480, %add3A_482 : vector<16xf32>
      %select_n3A_484 = arith.select %ge3A_477, %add3A_483, %add3A_469 : vector<16xi1>, vector<16xf32>
      %broadcast_in_dim3A_485 = arith.constant 12 : i32
      %broadcast_in_dim3A_486 = vector.broadcast %broadcast_in_dim3A_485 : i32 to vector<16xi32>
      %lt3A_487 = arith.constant 0 : i32
      %lt3A_488 = vector.broadcast %lt3A_487 : i32 to vector<16xi32>
      %lt3A_489 = arith.cmpi slt, %broadcast_in_dim3A_486, %lt3A_488 : vector<16xi32>
      %add3A_490 = arith.constant 16 : i32
      %add3A_491 = vector.broadcast %add3A_490 : i32 to vector<16xi32>
      %add3A_492 = arith.addi %broadcast_in_dim3A_486, %add3A_491 : vector<16xi32>
      %select_n3A_493 = arith.select %lt3A_489, %add3A_492, %broadcast_in_dim3A_486 : vector<16xi1>, vector<16xi32>
      %reshape3A_494 = vector.shape_cast %select_n3A_493 : vector<16xi32> to vector<16x1xi32>
      %gather3A_495 = vector.shape_cast %reshape3A_494 : vector<16x1xi32> to vector<16xi32>
      %gather3A_496 = tpu.dynamic_gather %get3A_128[%gather3A_495] in [0] : vector<16xf32>, vector<16xi32> -> vector<16xf32>
      %broadcast_in_dim3A_497 = arith.constant 13 : i32
      %broadcast_in_dim3A_498 = vector.broadcast %broadcast_in_dim3A_497 : i32 to vector<16xi32>
      %lt3A_499 = arith.constant 0 : i32
      %lt3A_500 = vector.broadcast %lt3A_499 : i32 to vector<16xi32>
      %lt3A_501 = arith.cmpi slt, %broadcast_in_dim3A_498, %lt3A_500 : vector<16xi32>
      %add3A_502 = arith.constant 16 : i32
      %add3A_503 = vector.broadcast %add3A_502 : i32 to vector<16xi32>
      %add3A_504 = arith.addi %broadcast_in_dim3A_498, %add3A_503 : vector<16xi32>
      %select_n3A_505 = arith.select %lt3A_501, %add3A_504, %broadcast_in_dim3A_498 : vector<16xi1>, vector<16xi32>
      %reshape3A_506 = vector.shape_cast %select_n3A_505 : vector<16xi32> to vector<16x1xi32>
      %gather3A_507 = vector.shape_cast %reshape3A_506 : vector<16x1xi32> to vector<16xi32>
      %gather3A_508 = tpu.dynamic_gather %get3A_128[%gather3A_507] in [0] : vector<16xf32>, vector<16xi32> -> vector<16xf32>
      %broadcast_in_dim3A_509 = arith.constant 14 : i32
      %broadcast_in_dim3A_510 = vector.broadcast %broadcast_in_dim3A_509 : i32 to vector<16xi32>
      %lt3A_511 = arith.constant 0 : i32
      %lt3A_512 = vector.broadcast %lt3A_511 : i32 to vector<16xi32>
      %lt3A_513 = arith.cmpi slt, %broadcast_in_dim3A_510, %lt3A_512 : vector<16xi32>
      %add3A_514 = arith.constant 16 : i32
      %add3A_515 = vector.broadcast %add3A_514 : i32 to vector<16xi32>
      %add3A_516 = arith.addi %broadcast_in_dim3A_510, %add3A_515 : vector<16xi32>
      %select_n3A_517 = arith.select %lt3A_513, %add3A_516, %broadcast_in_dim3A_510 : vector<16xi1>, vector<16xi32>
      %reshape3A_518 = vector.shape_cast %select_n3A_517 : vector<16xi32> to vector<16x1xi32>
      %gather3A_519 = vector.shape_cast %reshape3A_518 : vector<16x1xi32> to vector<16xi32>
      %gather3A_520 = tpu.dynamic_gather %get3A_128[%gather3A_519] in [0] : vector<16xf32>, vector<16xi32> -> vector<16xf32>
      %broadcast_in_dim3A_521 = arith.constant 15 : i32
      %broadcast_in_dim3A_522 = vector.broadcast %broadcast_in_dim3A_521 : i32 to vector<16xi32>
      %lt3A_523 = arith.constant 0 : i32
      %lt3A_524 = vector.broadcast %lt3A_523 : i32 to vector<16xi32>
      %lt3A_525 = arith.cmpi slt, %broadcast_in_dim3A_522, %lt3A_524 : vector<16xi32>
      %add3A_526 = arith.constant 16 : i32
      %add3A_527 = vector.broadcast %add3A_526 : i32 to vector<16xi32>
      %add3A_528 = arith.addi %broadcast_in_dim3A_522, %add3A_527 : vector<16xi32>
      %select_n3A_529 = arith.select %lt3A_525, %add3A_528, %broadcast_in_dim3A_522 : vector<16xi1>, vector<16xi32>
      %reshape3A_530 = vector.shape_cast %select_n3A_529 : vector<16xi32> to vector<16x1xi32>
      %gather3A_531 = vector.shape_cast %reshape3A_530 : vector<16x1xi32> to vector<16xi32>
      %gather3A_532 = tpu.dynamic_gather %get3A_128[%gather3A_531] in [0] : vector<16xf32>, vector<16xi32> -> vector<16xf32>
      %mul3A_533 = arith.mulf %gather3A_508, %min3A_378 : vector<16xf32>
      %add3A_534 = arith.addf %gather3A_496, %mul3A_533 : vector<16xf32>
      %mul3A_535 = arith.mulf %gather3A_520, %min3A_384 : vector<16xf32>
      %add3A_536 = arith.addf %add3A_534, %mul3A_535 : vector<16xf32>
      %mul3A_537 = arith.mulf %min3A_378, %min3A_384 : vector<16xf32>
      %mul3A_538 = arith.mulf %gather3A_532, %mul3A_537 : vector<16xf32>
      %add3A_539 = arith.addf %add3A_536, %mul3A_538 : vector<16xf32>
      %get3A_540 = arith.constant 9 : i32
      %get3A_541 = arith.index_cast %get3A_540 : i32 to index
      %get3A_542 = arith.index_cast %mul3A_124 : i32 to index
      %get3A_543 = tpu.vector_load %arg5[%get3A_541, %get3A_542] {strides = array<i32>} : memref<24x512xf32, #tpu.memory_space<vmem>>, vector<1x16xf32>,
      %get3A_544 = vector.shape_cast %get3A_543 : vector<1x16xf32> to vector<16xf32>
      %ge3A_545 = arith.constant 0.000000e+00 : f32
      %ge3A_546 = vector.broadcast %ge3A_545 : f32 to vector<16xf32>
      %ge3A_547 = arith.cmpf oge, %get3A_544, %ge3A_546 : vector<16xf32>
      %min3A_548 = arith.constant 1.000000e+00 : f32
      %min3A_549 = vector.broadcast %min3A_548 : f32 to vector<16xf32>
      %min3A_550 = arith.minimumf %get3A_544, %min3A_549 : vector<16xf32>
      %add3A_551 = arith.constant 9.99999997E-7 : f32
      %add3A_552 = vector.broadcast %add3A_551 : f32 to vector<16xf32>
      %add3A_553 = arith.addf %min3A_550, %add3A_552 : vector<16xf32>
      %select_n3A_554 = arith.select %ge3A_547, %add3A_553, %add3A_539 : vector<16xi1>, vector<16xf32>
      %broadcast_in_dim3A_555 = arith.constant 0 : i32
      %broadcast_in_dim3A_556 = vector.broadcast %broadcast_in_dim3A_555 : i32 to vector<16xi32>
      %lt3A_557 = arith.constant 0 : i32
      %lt3A_558 = vector.broadcast %lt3A_557 : i32 to vector<16xi32>
      %lt3A_559 = arith.cmpi slt, %broadcast_in_dim3A_556, %lt3A_558 : vector<16xi32>
      %add3A_560 = arith.constant 16 : i32
      %add3A_561 = vector.broadcast %add3A_560 : i32 to vector<16xi32>
      %add3A_562 = arith.addi %broadcast_in_dim3A_556, %add3A_561 : vector<16xi32>
      %select_n3A_563 = arith.select %lt3A_559, %add3A_562, %broadcast_in_dim3A_556 : vector<16xi1>, vector<16xi32>
      %reshape3A_564 = vector.shape_cast %select_n3A_563 : vector<16xi32> to vector<16x1xi32>
      %gather3A_565 = vector.shape_cast %reshape3A_564 : vector<16x1xi32> to vector<16xi32>
      %gather3A_566 = tpu.dynamic_gather %get3A_133[%gather3A_565] in [0] : vector<16xf32>, vector<16xi32> -> vector<16xf32>
      %broadcast_in_dim3A_567 = arith.constant 1 : i32
      %broadcast_in_dim3A_568 = vector.broadcast %broadcast_in_dim3A_567 : i32 to vector<16xi32>
      %lt3A_569 = arith.constant 0 : i32
      %lt3A_570 = vector.broadcast %lt3A_569 : i32 to vector<16xi32>
      %lt3A_571 = arith.cmpi slt, %broadcast_in_dim3A_568, %lt3A_570 : vector<16xi32>
      %add3A_572 = arith.constant 16 : i32
      %add3A_573 = vector.broadcast %add3A_572 : i32 to vector<16xi32>
      %add3A_574 = arith.addi %broadcast_in_dim3A_568, %add3A_573 : vector<16xi32>
      %select_n3A_575 = arith.select %lt3A_571, %add3A_574, %broadcast_in_dim3A_568 : vector<16xi1>, vector<16xi32>
      %reshape3A_576 = vector.shape_cast %select_n3A_575 : vector<16xi32> to vector<16x1xi32>
      %gather3A_577 = vector.shape_cast %reshape3A_576 : vector<16x1xi32> to vector<16xi32>
      %gather3A_578 = tpu.dynamic_gather %get3A_133[%gather3A_577] in [0] : vector<16xf32>, vector<16xi32> -> vector<16xf32>
      %broadcast_in_dim3A_579 = arith.constant 2 : i32
      %broadcast_in_dim3A_580 = vector.broadcast %broadcast_in_dim3A_579 : i32 to vector<16xi32>
      %lt3A_581 = arith.constant 0 : i32
      %lt3A_582 = vector.broadcast %lt3A_581 : i32 to vector<16xi32>
      %lt3A_583 = arith.cmpi slt, %broadcast_in_dim3A_580, %lt3A_582 : vector<16xi32>
      %add3A_584 = arith.constant 16 : i32
      %add3A_585 = vector.broadcast %add3A_584 : i32 to vector<16xi32>
      %add3A_586 = arith.addi %broadcast_in_dim3A_580, %add3A_585 : vector<16xi32>
      %select_n3A_587 = arith.select %lt3A_583, %add3A_586, %broadcast_in_dim3A_580 : vector<16xi1>, vector<16xi32>
      %reshape3A_588 = vector.shape_cast %select_n3A_587 : vector<16xi32> to vector<16x1xi32>
      %gather3A_589 = vector.shape_cast %reshape3A_588 : vector<16x1xi32> to vector<16xi32>
      %gather3A_590 = tpu.dynamic_gather %get3A_133[%gather3A_589] in [0] : vector<16xf32>, vector<16xi32> -> vector<16xf32>
      %broadcast_in_dim3A_591 = arith.constant 3 : i32
      %broadcast_in_dim3A_592 = vector.broadcast %broadcast_in_dim3A_591 : i32 to vector<16xi32>
      %lt3A_593 = arith.constant 0 : i32
      %lt3A_594 = vector.broadcast %lt3A_593 : i32 to vector<16xi32>
      %lt3A_595 = arith.cmpi slt, %broadcast_in_dim3A_592, %lt3A_594 : vector<16xi32>
      %add3A_596 = arith.constant 16 : i32
      %add3A_597 = vector.broadcast %add3A_596 : i32 to vector<16xi32>
      %add3A_598 = arith.addi %broadcast_in_dim3A_592, %add3A_597 : vector<16xi32>
      %select_n3A_599 = arith.select %lt3A_595, %add3A_598, %broadcast_in_dim3A_592 : vector<16xi1>, vector<16xi32>
      %reshape3A_600 = vector.shape_cast %select_n3A_599 : vector<16xi32> to vector<16x1xi32>
      %gather3A_601 = vector.shape_cast %reshape3A_600 : vector<16x1xi32> to vector<16xi32>
      %gather3A_602 = tpu.dynamic_gather %get3A_133[%gather3A_601] in [0] : vector<16xf32>, vector<16xi32> -> vector<16xf32>
      %mul3A_603 = arith.mulf %gather3A_578, %min3A_384 : vector<16xf32>
      %add3A_604 = arith.addf %gather3A_566, %mul3A_603 : vector<16xf32>
      %mul3A_605 = arith.mulf %gather3A_590, %min3A_390 : vector<16xf32>
      %add3A_606 = arith.addf %add3A_604, %mul3A_605 : vector<16xf32>
      %mul3A_607 = arith.mulf %min3A_384, %min3A_390 : vector<16xf32>
      %mul3A_608 = arith.mulf %gather3A_602, %mul3A_607 : vector<16xf32>
      %add3A_609 = arith.addf %add3A_606, %mul3A_608 : vector<16xf32>
      %get3A_610 = arith.constant 10 : i32
      %get3A_611 = arith.index_cast %get3A_610 : i32 to index
      %get3A_612 = arith.index_cast %mul3A_124 : i32 to index
      %get3A_613 = tpu.vector_load %arg5[%get3A_611, %get3A_612] {strides = array<i32>} : memref<24x512xf32, #tpu.memory_space<vmem>>, vector<1x16xf32>,
      %get3A_614 = vector.shape_cast %get3A_613 : vector<1x16xf32> to vector<16xf32>
      %ge3A_615 = arith.constant 0.000000e+00 : f32
      %ge3A_616 = vector.broadcast %ge3A_615 : f32 to vector<16xf32>
      %ge3A_617 = arith.cmpf oge, %get3A_614, %ge3A_616 : vector<16xf32>
      %min3A_618 = arith.constant 1.000000e+00 : f32
      %min3A_619 = vector.broadcast %min3A_618 : f32 to vector<16xf32>
      %min3A_620 = arith.minimumf %get3A_614, %min3A_619 : vector<16xf32>
      %add3A_621 = arith.constant 9.99999997E-7 : f32
      %add3A_622 = vector.broadcast %add3A_621 : f32 to vector<16xf32>
      %add3A_623 = arith.addf %min3A_620, %add3A_622 : vector<16xf32>
      %select_n3A_624 = arith.select %ge3A_617, %add3A_623, %add3A_609 : vector<16xi1>, vector<16xf32>
      %broadcast_in_dim3A_625 = arith.constant 4 : i32
      %broadcast_in_dim3A_626 = vector.broadcast %broadcast_in_dim3A_625 : i32 to vector<16xi32>
      %lt3A_627 = arith.constant 0 : i32
      %lt3A_628 = vector.broadcast %lt3A_627 : i32 to vector<16xi32>
      %lt3A_629 = arith.cmpi slt, %broadcast_in_dim3A_626, %lt3A_628 : vector<16xi32>
      %add3A_630 = arith.constant 16 : i32
      %add3A_631 = vector.broadcast %add3A_630 : i32 to vector<16xi32>
      %add3A_632 = arith.addi %broadcast_in_dim3A_626, %add3A_631 : vector<16xi32>
      %select_n3A_633 = arith.select %lt3A_629, %add3A_632, %broadcast_in_dim3A_626 : vector<16xi1>, vector<16xi32>
      %reshape3A_634 = vector.shape_cast %select_n3A_633 : vector<16xi32> to vector<16x1xi32>
      %gather3A_635 = vector.shape_cast %reshape3A_634 : vector<16x1xi32> to vector<16xi32>
      %gather3A_636 = tpu.dynamic_gather %get3A_133[%gather3A_635] in [0] : vector<16xf32>, vector<16xi32> -> vector<16xf32>
      %broadcast_in_dim3A_637 = arith.constant 5 : i32
      %broadcast_in_dim3A_638 = vector.broadcast %broadcast_in_dim3A_637 : i32 to vector<16xi32>
      %lt3A_639 = arith.constant 0 : i32
      %lt3A_640 = vector.broadcast %lt3A_639 : i32 to vector<16xi32>
      %lt3A_641 = arith.cmpi slt, %broadcast_in_dim3A_638, %lt3A_640 : vector<16xi32>
      %add3A_642 = arith.constant 16 : i32
      %add3A_643 = vector.broadcast %add3A_642 : i32 to vector<16xi32>
      %add3A_644 = arith.addi %broadcast_in_dim3A_638, %add3A_643 : vector<16xi32>
      %select_n3A_645 = arith.select %lt3A_641, %add3A_644, %broadcast_in_dim3A_638 : vector<16xi1>, vector<16xi32>
      %reshape3A_646 = vector.shape_cast %select_n3A_645 : vector<16xi32> to vector<16x1xi32>
      %gather3A_647 = vector.shape_cast %reshape3A_646 : vector<16x1xi32> to vector<16xi32>
      %gather3A_648 = tpu.dynamic_gather %get3A_133[%gather3A_647] in [0] : vector<16xf32>, vector<16xi32> -> vector<16xf32>
      %broadcast_in_dim3A_649 = arith.constant 6 : i32
      %broadcast_in_dim3A_650 = vector.broadcast %broadcast_in_dim3A_649 : i32 to vector<16xi32>
      %lt3A_651 = arith.constant 0 : i32
      %lt3A_652 = vector.broadcast %lt3A_651 : i32 to vector<16xi32>
      %lt3A_653 = arith.cmpi slt, %broadcast_in_dim3A_650, %lt3A_652 : vector<16xi32>
      %add3A_654 = arith.constant 16 : i32
      %add3A_655 = vector.broadcast %add3A_654 : i32 to vector<16xi32>
      %add3A_656 = arith.addi %broadcast_in_dim3A_650, %add3A_655 : vector<16xi32>
      %select_n3A_657 = arith.select %lt3A_653, %add3A_656, %broadcast_in_dim3A_650 : vector<16xi1>, vector<16xi32>
      %reshape3A_658 = vector.shape_cast %select_n3A_657 : vector<16xi32> to vector<16x1xi32>
      %gather3A_659 = vector.shape_cast %reshape3A_658 : vector<16x1xi32> to vector<16xi32>
      %gather3A_660 = tpu.dynamic_gather %get3A_133[%gather3A_659] in [0] : vector<16xf32>, vector<16xi32> -> vector<16xf32>
      %broadcast_in_dim3A_661 = arith.constant 7 : i32
      %broadcast_in_dim3A_662 = vector.broadcast %broadcast_in_dim3A_661 : i32 to vector<16xi32>
      %lt3A_663 = arith.constant 0 : i32
      %lt3A_664 = vector.broadcast %lt3A_663 : i32 to vector<16xi32>
      %lt3A_665 = arith.cmpi slt, %broadcast_in_dim3A_662, %lt3A_664 : vector<16xi32>
      %add3A_666 = arith.constant 16 : i32
      %add3A_667 = vector.broadcast %add3A_666 : i32 to vector<16xi32>
      %add3A_668 = arith.addi %broadcast_in_dim3A_662, %add3A_667 : vector<16xi32>
      %select_n3A_669 = arith.select %lt3A_665, %add3A_668, %broadcast_in_dim3A_662 : vector<16xi1>, vector<16xi32>
      %reshape3A_670 = vector.shape_cast %select_n3A_669 : vector<16xi32> to vector<16x1xi32>
      %gather3A_671 = vector.shape_cast %reshape3A_670 : vector<16x1xi32> to vector<16xi32>
      %gather3A_672 = tpu.dynamic_gather %get3A_133[%gather3A_671] in [0] : vector<16xf32>, vector<16xi32> -> vector<16xf32>
      %mul3A_673 = arith.mulf %gather3A_648, %min3A_390 : vector<16xf32>
      %add3A_674 = arith.addf %gather3A_636, %mul3A_673 : vector<16xf32>
      %mul3A_675 = arith.mulf %gather3A_660, %min3A_396 : vector<16xf32>
      %add3A_676 = arith.addf %add3A_674, %mul3A_675 : vector<16xf32>
      %mul3A_677 = arith.mulf %min3A_390, %min3A_396 : vector<16xf32>
      %mul3A_678 = arith.mulf %gather3A_672, %mul3A_677 : vector<16xf32>
      %add3A_679 = arith.addf %add3A_676, %mul3A_678 : vector<16xf32>
      %get3A_680 = arith.constant 11 : i32
      %get3A_681 = arith.index_cast %get3A_680 : i32 to index
      %get3A_682 = arith.index_cast %mul3A_124 : i32 to index
      %get3A_683 = tpu.vector_load %arg5[%get3A_681, %get3A_682] {strides = array<i32>} : memref<24x512xf32, #tpu.memory_space<vmem>>, vector<1x16xf32>,
      %get3A_684 = vector.shape_cast %get3A_683 : vector<1x16xf32> to vector<16xf32>
      %ge3A_685 = arith.constant 0.000000e+00 : f32
      %ge3A_686 = vector.broadcast %ge3A_685 : f32 to vector<16xf32>
      %ge3A_687 = arith.cmpf oge, %get3A_684, %ge3A_686 : vector<16xf32>
      %min3A_688 = arith.constant 1.000000e+00 : f32
      %min3A_689 = vector.broadcast %min3A_688 : f32 to vector<16xf32>
      %min3A_690 = arith.minimumf %get3A_684, %min3A_689 : vector<16xf32>
      %add3A_691 = arith.constant 9.99999997E-7 : f32
      %add3A_692 = vector.broadcast %add3A_691 : f32 to vector<16xf32>
      %add3A_693 = arith.addf %min3A_690, %add3A_692 : vector<16xf32>
      %select_n3A_694 = arith.select %ge3A_687, %add3A_693, %add3A_679 : vector<16xi1>, vector<16xf32>
      %broadcast_in_dim3A_695 = arith.constant 8 : i32
      %broadcast_in_dim3A_696 = vector.broadcast %broadcast_in_dim3A_695 : i32 to vector<16xi32>
      %lt3A_697 = arith.constant 0 : i32
      %lt3A_698 = vector.broadcast %lt3A_697 : i32 to vector<16xi32>
      %lt3A_699 = arith.cmpi slt, %broadcast_in_dim3A_696, %lt3A_698 : vector<16xi32>
      %add3A_700 = arith.constant 16 : i32
      %add3A_701 = vector.broadcast %add3A_700 : i32 to vector<16xi32>
      %add3A_702 = arith.addi %broadcast_in_dim3A_696, %add3A_701 : vector<16xi32>
      %select_n3A_703 = arith.select %lt3A_699, %add3A_702, %broadcast_in_dim3A_696 : vector<16xi1>, vector<16xi32>
      %reshape3A_704 = vector.shape_cast %select_n3A_703 : vector<16xi32> to vector<16x1xi32>
      %gather3A_705 = vector.shape_cast %reshape3A_704 : vector<16x1xi32> to vector<16xi32>
      %gather3A_706 = tpu.dynamic_gather %get3A_133[%gather3A_705] in [0] : vector<16xf32>, vector<16xi32> -> vector<16xf32>
      %broadcast_in_dim3A_707 = arith.constant 9 : i32
      %broadcast_in_dim3A_708 = vector.broadcast %broadcast_in_dim3A_707 : i32 to vector<16xi32>
      %lt3A_709 = arith.constant 0 : i32
      %lt3A_710 = vector.broadcast %lt3A_709 : i32 to vector<16xi32>
      %lt3A_711 = arith.cmpi slt, %broadcast_in_dim3A_708, %lt3A_710 : vector<16xi32>
      %add3A_712 = arith.constant 16 : i32
      %add3A_713 = vector.broadcast %add3A_712 : i32 to vector<16xi32>
      %add3A_714 = arith.addi %broadcast_in_dim3A_708, %add3A_713 : vector<16xi32>
      %select_n3A_715 = arith.select %lt3A_711, %add3A_714, %broadcast_in_dim3A_708 : vector<16xi1>, vector<16xi32>
      %reshape3A_716 = vector.shape_cast %select_n3A_715 : vector<16xi32> to vector<16x1xi32>
      %gather3A_717 = vector.shape_cast %reshape3A_716 : vector<16x1xi32> to vector<16xi32>
      %gather3A_718 = tpu.dynamic_gather %get3A_133[%gather3A_717] in [0] : vector<16xf32>, vector<16xi32> -> vector<16xf32>
      %broadcast_in_dim3A_719 = arith.constant 10 : i32
      %broadcast_in_dim3A_720 = vector.broadcast %broadcast_in_dim3A_719 : i32 to vector<16xi32>
      %lt3A_721 = arith.constant 0 : i32
      %lt3A_722 = vector.broadcast %lt3A_721 : i32 to vector<16xi32>
      %lt3A_723 = arith.cmpi slt, %broadcast_in_dim3A_720, %lt3A_722 : vector<16xi32>
      %add3A_724 = arith.constant 16 : i32
      %add3A_725 = vector.broadcast %add3A_724 : i32 to vector<16xi32>
      %add3A_726 = arith.addi %broadcast_in_dim3A_720, %add3A_725 : vector<16xi32>
      %select_n3A_727 = arith.select %lt3A_723, %add3A_726, %broadcast_in_dim3A_720 : vector<16xi1>, vector<16xi32>
      %reshape3A_728 = vector.shape_cast %select_n3A_727 : vector<16xi32> to vector<16x1xi32>
      %gather3A_729 = vector.shape_cast %reshape3A_728 : vector<16x1xi32> to vector<16xi32>
      %gather3A_730 = tpu.dynamic_gather %get3A_133[%gather3A_729] in [0] : vector<16xf32>, vector<16xi32> -> vector<16xf32>
      %broadcast_in_dim3A_731 = arith.constant 11 : i32
      %broadcast_in_dim3A_732 = vector.broadcast %broadcast_in_dim3A_731 : i32 to vector<16xi32>
      %lt3A_733 = arith.constant 0 : i32
      %lt3A_734 = vector.broadcast %lt3A_733 : i32 to vector<16xi32>
      %lt3A_735 = arith.cmpi slt, %broadcast_in_dim3A_732, %lt3A_734 : vector<16xi32>
      %add3A_736 = arith.constant 16 : i32
      %add3A_737 = vector.broadcast %add3A_736 : i32 to vector<16xi32>
      %add3A_738 = arith.addi %broadcast_in_dim3A_732, %add3A_737 : vector<16xi32>
      %select_n3A_739 = arith.select %lt3A_735, %add3A_738, %broadcast_in_dim3A_732 : vector<16xi1>, vector<16xi32>
      %reshape3A_740 = vector.shape_cast %select_n3A_739 : vector<16xi32> to vector<16x1xi32>
      %gather3A_741 = vector.shape_cast %reshape3A_740 : vector<16x1xi32> to vector<16xi32>
      %gather3A_742 = tpu.dynamic_gather %get3A_133[%gather3A_741] in [0] : vector<16xf32>, vector<16xi32> -> vector<16xf32>
      %mul3A_743 = arith.mulf %gather3A_718, %min3A_396 : vector<16xf32>
      %add3A_744 = arith.addf %gather3A_706, %mul3A_743 : vector<16xf32>
      %mul3A_745 = arith.mulf %gather3A_730, %min3A_402 : vector<16xf32>
      %add3A_746 = arith.addf %add3A_744, %mul3A_745 : vector<16xf32>
      %mul3A_747 = arith.mulf %min3A_396, %min3A_402 : vector<16xf32>
      %mul3A_748 = arith.mulf %gather3A_742, %mul3A_747 : vector<16xf32>
      %add3A_749 = arith.addf %add3A_746, %mul3A_748 : vector<16xf32>
      %get3A_750 = arith.constant 12 : i32
      %get3A_751 = arith.index_cast %get3A_750 : i32 to index
      %get3A_752 = arith.index_cast %mul3A_124 : i32 to index
      %get3A_753 = tpu.vector_load %arg5[%get3A_751, %get3A_752] {strides = array<i32>} : memref<24x512xf32, #tpu.memory_space<vmem>>, vector<1x16xf32>,
      %get3A_754 = vector.shape_cast %get3A_753 : vector<1x16xf32> to vector<16xf32>
      %ge3A_755 = arith.constant 0.000000e+00 : f32
      %ge3A_756 = vector.broadcast %ge3A_755 : f32 to vector<16xf32>
      %ge3A_757 = arith.cmpf oge, %get3A_754, %ge3A_756 : vector<16xf32>
      %min3A_758 = arith.constant 1.000000e+00 : f32
      %min3A_759 = vector.broadcast %min3A_758 : f32 to vector<16xf32>
      %min3A_760 = arith.minimumf %get3A_754, %min3A_759 : vector<16xf32>
      %add3A_761 = arith.constant 9.99999997E-7 : f32
      %add3A_762 = vector.broadcast %add3A_761 : f32 to vector<16xf32>
      %add3A_763 = arith.addf %min3A_760, %add3A_762 : vector<16xf32>
      %select_n3A_764 = arith.select %ge3A_757, %add3A_763, %add3A_749 : vector<16xi1>, vector<16xf32>
      %broadcast_in_dim3A_765 = arith.constant 12 : i32
      %broadcast_in_dim3A_766 = vector.broadcast %broadcast_in_dim3A_765 : i32 to vector<16xi32>
      %lt3A_767 = arith.constant 0 : i32
      %lt3A_768 = vector.broadcast %lt3A_767 : i32 to vector<16xi32>
      %lt3A_769 = arith.cmpi slt, %broadcast_in_dim3A_766, %lt3A_768 : vector<16xi32>
      %add3A_770 = arith.constant 16 : i32
      %add3A_771 = vector.broadcast %add3A_770 : i32 to vector<16xi32>
      %add3A_772 = arith.addi %broadcast_in_dim3A_766, %add3A_771 : vector<16xi32>
      %select_n3A_773 = arith.select %lt3A_769, %add3A_772, %broadcast_in_dim3A_766 : vector<16xi1>, vector<16xi32>
      %reshape3A_774 = vector.shape_cast %select_n3A_773 : vector<16xi32> to vector<16x1xi32>
      %gather3A_775 = vector.shape_cast %reshape3A_774 : vector<16x1xi32> to vector<16xi32>
      %gather3A_776 = tpu.dynamic_gather %get3A_133[%gather3A_775] in [0] : vector<16xf32>, vector<16xi32> -> vector<16xf32>
      %broadcast_in_dim3A_777 = arith.constant 13 : i32
      %broadcast_in_dim3A_778 = vector.broadcast %broadcast_in_dim3A_777 : i32 to vector<16xi32>
      %lt3A_779 = arith.constant 0 : i32
      %lt3A_780 = vector.broadcast %lt3A_779 : i32 to vector<16xi32>
      %lt3A_781 = arith.cmpi slt, %broadcast_in_dim3A_778, %lt3A_780 : vector<16xi32>
      %add3A_782 = arith.constant 16 : i32
      %add3A_783 = vector.broadcast %add3A_782 : i32 to vector<16xi32>
      %add3A_784 = arith.addi %broadcast_in_dim3A_778, %add3A_783 : vector<16xi32>
      %select_n3A_785 = arith.select %lt3A_781, %add3A_784, %broadcast_in_dim3A_778 : vector<16xi1>, vector<16xi32>
      %reshape3A_786 = vector.shape_cast %select_n3A_785 : vector<16xi32> to vector<16x1xi32>
      %gather3A_787 = vector.shape_cast %reshape3A_786 : vector<16x1xi32> to vector<16xi32>
      %gather3A_788 = tpu.dynamic_gather %get3A_133[%gather3A_787] in [0] : vector<16xf32>, vector<16xi32> -> vector<16xf32>
      %broadcast_in_dim3A_789 = arith.constant 14 : i32
      %broadcast_in_dim3A_790 = vector.broadcast %broadcast_in_dim3A_789 : i32 to vector<16xi32>
      %lt3A_791 = arith.constant 0 : i32
      %lt3A_792 = vector.broadcast %lt3A_791 : i32 to vector<16xi32>
      %lt3A_793 = arith.cmpi slt, %broadcast_in_dim3A_790, %lt3A_792 : vector<16xi32>
      %add3A_794 = arith.constant 16 : i32
      %add3A_795 = vector.broadcast %add3A_794 : i32 to vector<16xi32>
      %add3A_796 = arith.addi %broadcast_in_dim3A_790, %add3A_795 : vector<16xi32>
      %select_n3A_797 = arith.select %lt3A_793, %add3A_796, %broadcast_in_dim3A_790 : vector<16xi1>, vector<16xi32>
      %reshape3A_798 = vector.shape_cast %select_n3A_797 : vector<16xi32> to vector<16x1xi32>
      %gather3A_799 = vector.shape_cast %reshape3A_798 : vector<16x1xi32> to vector<16xi32>
      %gather3A_800 = tpu.dynamic_gather %get3A_133[%gather3A_799] in [0] : vector<16xf32>, vector<16xi32> -> vector<16xf32>
      %broadcast_in_dim3A_801 = arith.constant 15 : i32
      %broadcast_in_dim3A_802 = vector.broadcast %broadcast_in_dim3A_801 : i32 to vector<16xi32>
      %lt3A_803 = arith.constant 0 : i32
      %lt3A_804 = vector.broadcast %lt3A_803 : i32 to vector<16xi32>
      %lt3A_805 = arith.cmpi slt, %broadcast_in_dim3A_802, %lt3A_804 : vector<16xi32>
      %add3A_806 = arith.constant 16 : i32
      %add3A_807 = vector.broadcast %add3A_806 : i32 to vector<16xi32>
      %add3A_808 = arith.addi %broadcast_in_dim3A_802, %add3A_807 : vector<16xi32>
      %select_n3A_809 = arith.select %lt3A_805, %add3A_808, %broadcast_in_dim3A_802 : vector<16xi1>, vector<16xi32>
      %reshape3A_810 = vector.shape_cast %select_n3A_809 : vector<16xi32> to vector<16x1xi32>
      %gather3A_811 = vector.shape_cast %reshape3A_810 : vector<16x1xi32> to vector<16xi32>
      %gather3A_812 = tpu.dynamic_gather %get3A_133[%gather3A_811] in [0] : vector<16xf32>, vector<16xi32> -> vector<16xf32>
      %mul3A_813 = arith.mulf %gather3A_788, %min3A_402 : vector<16xf32>
      %add3A_814 = arith.addf %gather3A_776, %mul3A_813 : vector<16xf32>
      %mul3A_815 = arith.mulf %gather3A_800, %min3A_408 : vector<16xf32>
      %add3A_816 = arith.addf %add3A_814, %mul3A_815 : vector<16xf32>
      %mul3A_817 = arith.mulf %min3A_402, %min3A_408 : vector<16xf32>
      %mul3A_818 = arith.mulf %gather3A_812, %mul3A_817 : vector<16xf32>
      %add3A_819 = arith.addf %add3A_816, %mul3A_818 : vector<16xf32>
      %get3A_820 = arith.constant 13 : i32
      %get3A_821 = arith.index_cast %get3A_820 : i32 to index
      %get3A_822 = arith.index_cast %mul3A_124 : i32 to index
      %get3A_823 = tpu.vector_load %arg5[%get3A_821, %get3A_822] {strides = array<i32>} : memref<24x512xf32, #tpu.memory_space<vmem>>, vector<1x16xf32>,
      %get3A_824 = vector.shape_cast %get3A_823 : vector<1x16xf32> to vector<16xf32>
      %ge3A_825 = arith.constant 0.000000e+00 : f32
      %ge3A_826 = vector.broadcast %ge3A_825 : f32 to vector<16xf32>
      %ge3A_827 = arith.cmpf oge, %get3A_824, %ge3A_826 : vector<16xf32>
      %min3A_828 = arith.constant 1.000000e+00 : f32
      %min3A_829 = vector.broadcast %min3A_828 : f32 to vector<16xf32>
      %min3A_830 = arith.minimumf %get3A_824, %min3A_829 : vector<16xf32>
      %add3A_831 = arith.constant 9.99999997E-7 : f32
      %add3A_832 = vector.broadcast %add3A_831 : f32 to vector<16xf32>
      %add3A_833 = arith.addf %min3A_830, %add3A_832 : vector<16xf32>
      %select_n3A_834 = arith.select %ge3A_827, %add3A_833, %add3A_819 : vector<16xi1>, vector<16xf32>
      %broadcast_in_dim3A_835 = arith.constant 0 : i32
      %broadcast_in_dim3A_836 = vector.broadcast %broadcast_in_dim3A_835 : i32 to vector<16xi32>
      %lt3A_837 = arith.constant 0 : i32
      %lt3A_838 = vector.broadcast %lt3A_837 : i32 to vector<16xi32>
      %lt3A_839 = arith.cmpi slt, %broadcast_in_dim3A_836, %lt3A_838 : vector<16xi32>
      %add3A_840 = arith.constant 16 : i32
      %add3A_841 = vector.broadcast %add3A_840 : i32 to vector<16xi32>
      %add3A_842 = arith.addi %broadcast_in_dim3A_836, %add3A_841 : vector<16xi32>
      %select_n3A_843 = arith.select %lt3A_839, %add3A_842, %broadcast_in_dim3A_836 : vector<16xi1>, vector<16xi32>
      %reshape3A_844 = vector.shape_cast %select_n3A_843 : vector<16xi32> to vector<16x1xi32>
      %gather3A_845 = vector.shape_cast %reshape3A_844 : vector<16x1xi32> to vector<16xi32>
      %gather3A_846 = tpu.dynamic_gather %get3A_138[%gather3A_845] in [0] : vector<16xf32>, vector<16xi32> -> vector<16xf32>
      %broadcast_in_dim3A_847 = arith.constant 1 : i32
      %broadcast_in_dim3A_848 = vector.broadcast %broadcast_in_dim3A_847 : i32 to vector<16xi32>
      %lt3A_849 = arith.constant 0 : i32
      %lt3A_850 = vector.broadcast %lt3A_849 : i32 to vector<16xi32>
      %lt3A_851 = arith.cmpi slt, %broadcast_in_dim3A_848, %lt3A_850 : vector<16xi32>
      %add3A_852 = arith.constant 16 : i32
      %add3A_853 = vector.broadcast %add3A_852 : i32 to vector<16xi32>
      %add3A_854 = arith.addi %broadcast_in_dim3A_848, %add3A_853 : vector<16xi32>
      %select_n3A_855 = arith.select %lt3A_851, %add3A_854, %broadcast_in_dim3A_848 : vector<16xi1>, vector<16xi32>
      %reshape3A_856 = vector.shape_cast %select_n3A_855 : vector<16xi32> to vector<16x1xi32>
      %gather3A_857 = vector.shape_cast %reshape3A_856 : vector<16x1xi32> to vector<16xi32>
      %gather3A_858 = tpu.dynamic_gather %get3A_138[%gather3A_857] in [0] : vector<16xf32>, vector<16xi32> -> vector<16xf32>
      %broadcast_in_dim3A_859 = arith.constant 2 : i32
      %broadcast_in_dim3A_860 = vector.broadcast %broadcast_in_dim3A_859 : i32 to vector<16xi32>
      %lt3A_861 = arith.constant 0 : i32
      %lt3A_862 = vector.broadcast %lt3A_861 : i32 to vector<16xi32>
      %lt3A_863 = arith.cmpi slt, %broadcast_in_dim3A_860, %lt3A_862 : vector<16xi32>
      %add3A_864 = arith.constant 16 : i32
      %add3A_865 = vector.broadcast %add3A_864 : i32 to vector<16xi32>
      %add3A_866 = arith.addi %broadcast_in_dim3A_860, %add3A_865 : vector<16xi32>
      %select_n3A_867 = arith.select %lt3A_863, %add3A_866, %broadcast_in_dim3A_860 : vector<16xi1>, vector<16xi32>
      %reshape3A_868 = vector.shape_cast %select_n3A_867 : vector<16xi32> to vector<16x1xi32>
      %gather3A_869 = vector.shape_cast %reshape3A_868 : vector<16x1xi32> to vector<16xi32>
      %gather3A_870 = tpu.dynamic_gather %get3A_138[%gather3A_869] in [0] : vector<16xf32>, vector<16xi32> -> vector<16xf32>
      %broadcast_in_dim3A_871 = arith.constant 3 : i32
      %broadcast_in_dim3A_872 = vector.broadcast %broadcast_in_dim3A_871 : i32 to vector<16xi32>
      %lt3A_873 = arith.constant 0 : i32
      %lt3A_874 = vector.broadcast %lt3A_873 : i32 to vector<16xi32>
      %lt3A_875 = arith.cmpi slt, %broadcast_in_dim3A_872, %lt3A_874 : vector<16xi32>
      %add3A_876 = arith.constant 16 : i32
      %add3A_877 = vector.broadcast %add3A_876 : i32 to vector<16xi32>
      %add3A_878 = arith.addi %broadcast_in_dim3A_872, %add3A_877 : vector<16xi32>
      %select_n3A_879 = arith.select %lt3A_875, %add3A_878, %broadcast_in_dim3A_872 : vector<16xi1>, vector<16xi32>
      %reshape3A_880 = vector.shape_cast %select_n3A_879 : vector<16xi32> to vector<16x1xi32>
      %gather3A_881 = vector.shape_cast %reshape3A_880 : vector<16x1xi32> to vector<16xi32>
      %gather3A_882 = tpu.dynamic_gather %get3A_138[%gather3A_881] in [0] : vector<16xf32>, vector<16xi32> -> vector<16xf32>
      %mul3A_883 = arith.mulf %gather3A_858, %min3A_408 : vector<16xf32>
      %add3A_884 = arith.addf %gather3A_846, %mul3A_883 : vector<16xf32>
      %mul3A_885 = arith.mulf %gather3A_870, %min3A_414 : vector<16xf32>
      %add3A_886 = arith.addf %add3A_884, %mul3A_885 : vector<16xf32>
      %mul3A_887 = arith.mulf %min3A_408, %min3A_414 : vector<16xf32>
      %mul3A_888 = arith.mulf %gather3A_882, %mul3A_887 : vector<16xf32>
      %add3A_889 = arith.addf %add3A_886, %mul3A_888 : vector<16xf32>
      %get3A_890 = arith.constant 14 : i32
      %get3A_891 = arith.index_cast %get3A_890 : i32 to index
      %get3A_892 = arith.index_cast %mul3A_124 : i32 to index
      %get3A_893 = tpu.vector_load %arg5[%get3A_891, %get3A_892] {strides = array<i32>} : memref<24x512xf32, #tpu.memory_space<vmem>>, vector<1x16xf32>,
      %get3A_894 = vector.shape_cast %get3A_893 : vector<1x16xf32> to vector<16xf32>
      %ge3A_895 = arith.constant 0.000000e+00 : f32
      %ge3A_896 = vector.broadcast %ge3A_895 : f32 to vector<16xf32>
      %ge3A_897 = arith.cmpf oge, %get3A_894, %ge3A_896 : vector<16xf32>
      %min3A_898 = arith.constant 1.000000e+00 : f32
      %min3A_899 = vector.broadcast %min3A_898 : f32 to vector<16xf32>
      %min3A_900 = arith.minimumf %get3A_894, %min3A_899 : vector<16xf32>
      %add3A_901 = arith.constant 9.99999997E-7 : f32
      %add3A_902 = vector.broadcast %add3A_901 : f32 to vector<16xf32>
      %add3A_903 = arith.addf %min3A_900, %add3A_902 : vector<16xf32>
      %select_n3A_904 = arith.select %ge3A_897, %add3A_903, %add3A_889 : vector<16xi1>, vector<16xf32>
      %broadcast_in_dim3A_905 = arith.constant 4 : i32
      %broadcast_in_dim3A_906 = vector.broadcast %broadcast_in_dim3A_905 : i32 to vector<16xi32>
      %lt3A_907 = arith.constant 0 : i32
      %lt3A_908 = vector.broadcast %lt3A_907 : i32 to vector<16xi32>
      %lt3A_909 = arith.cmpi slt, %broadcast_in_dim3A_906, %lt3A_908 : vector<16xi32>
      %add3A_910 = arith.constant 16 : i32
      %add3A_911 = vector.broadcast %add3A_910 : i32 to vector<16xi32>
      %add3A_912 = arith.addi %broadcast_in_dim3A_906, %add3A_911 : vector<16xi32>
      %select_n3A_913 = arith.select %lt3A_909, %add3A_912, %broadcast_in_dim3A_906 : vector<16xi1>, vector<16xi32>
      %reshape3A_914 = vector.shape_cast %select_n3A_913 : vector<16xi32> to vector<16x1xi32>
      %gather3A_915 = vector.shape_cast %reshape3A_914 : vector<16x1xi32> to vector<16xi32>
      %gather3A_916 = tpu.dynamic_gather %get3A_138[%gather3A_915] in [0] : vector<16xf32>, vector<16xi32> -> vector<16xf32>
      %broadcast_in_dim3A_917 = arith.constant 5 : i32
      %broadcast_in_dim3A_918 = vector.broadcast %broadcast_in_dim3A_917 : i32 to vector<16xi32>
      %lt3A_919 = arith.constant 0 : i32
      %lt3A_920 = vector.broadcast %lt3A_919 : i32 to vector<16xi32>
      %lt3A_921 = arith.cmpi slt, %broadcast_in_dim3A_918, %lt3A_920 : vector<16xi32>
      %add3A_922 = arith.constant 16 : i32
      %add3A_923 = vector.broadcast %add3A_922 : i32 to vector<16xi32>
      %add3A_924 = arith.addi %broadcast_in_dim3A_918, %add3A_923 : vector<16xi32>
      %select_n3A_925 = arith.select %lt3A_921, %add3A_924, %broadcast_in_dim3A_918 : vector<16xi1>, vector<16xi32>
      %reshape3A_926 = vector.shape_cast %select_n3A_925 : vector<16xi32> to vector<16x1xi32>
      %gather3A_927 = vector.shape_cast %reshape3A_926 : vector<16x1xi32> to vector<16xi32>
      %gather3A_928 = tpu.dynamic_gather %get3A_138[%gather3A_927] in [0] : vector<16xf32>, vector<16xi32> -> vector<16xf32>
      %broadcast_in_dim3A_929 = arith.constant 6 : i32
      %broadcast_in_dim3A_930 = vector.broadcast %broadcast_in_dim3A_929 : i32 to vector<16xi32>
      %lt3A_931 = arith.constant 0 : i32
      %lt3A_932 = vector.broadcast %lt3A_931 : i32 to vector<16xi32>
      %lt3A_933 = arith.cmpi slt, %broadcast_in_dim3A_930, %lt3A_932 : vector<16xi32>
      %add3A_934 = arith.constant 16 : i32
      %add3A_935 = vector.broadcast %add3A_934 : i32 to vector<16xi32>
      %add3A_936 = arith.addi %broadcast_in_dim3A_930, %add3A_935 : vector<16xi32>
      %select_n3A_937 = arith.select %lt3A_933, %add3A_936, %broadcast_in_dim3A_930 : vector<16xi1>, vector<16xi32>
      %reshape3A_938 = vector.shape_cast %select_n3A_937 : vector<16xi32> to vector<16x1xi32>
      %gather3A_939 = vector.shape_cast %reshape3A_938 : vector<16x1xi32> to vector<16xi32>
      %gather3A_940 = tpu.dynamic_gather %get3A_138[%gather3A_939] in [0] : vector<16xf32>, vector<16xi32> -> vector<16xf32>
      %broadcast_in_dim3A_941 = arith.constant 7 : i32
      %broadcast_in_dim3A_942 = vector.broadcast %broadcast_in_dim3A_941 : i32 to vector<16xi32>
      %lt3A_943 = arith.constant 0 : i32
      %lt3A_944 = vector.broadcast %lt3A_943 : i32 to vector<16xi32>
      %lt3A_945 = arith.cmpi slt, %broadcast_in_dim3A_942, %lt3A_944 : vector<16xi32>
      %add3A_946 = arith.constant 16 : i32
      %add3A_947 = vector.broadcast %add3A_946 : i32 to vector<16xi32>
      %add3A_948 = arith.addi %broadcast_in_dim3A_942, %add3A_947 : vector<16xi32>
      %select_n3A_949 = arith.select %lt3A_945, %add3A_948, %broadcast_in_dim3A_942 : vector<16xi1>, vector<16xi32>
      %reshape3A_950 = vector.shape_cast %select_n3A_949 : vector<16xi32> to vector<16x1xi32>
      %gather3A_951 = vector.shape_cast %reshape3A_950 : vector<16x1xi32> to vector<16xi32>
      %gather3A_952 = tpu.dynamic_gather %get3A_138[%gather3A_951] in [0] : vector<16xf32>, vector<16xi32> -> vector<16xf32>
      %mul3A_953 = arith.mulf %gather3A_928, %min3A_414 : vector<16xf32>
      %add3A_954 = arith.addf %gather3A_916, %mul3A_953 : vector<16xf32>
      %mul3A_955 = arith.mulf %gather3A_940, %min3A_372 : vector<16xf32>
      %add3A_956 = arith.addf %add3A_954, %mul3A_955 : vector<16xf32>
      %mul3A_957 = arith.mulf %min3A_414, %min3A_372 : vector<16xf32>
      %mul3A_958 = arith.mulf %gather3A_952, %mul3A_957 : vector<16xf32>
      %add3A_959 = arith.addf %add3A_956, %mul3A_958 : vector<16xf32>
      %get3A_960 = arith.constant 15 : i32
      %get3A_961 = arith.index_cast %get3A_960 : i32 to index
      %get3A_962 = arith.index_cast %mul3A_124 : i32 to index
      %get3A_963 = tpu.vector_load %arg5[%get3A_961, %get3A_962] {strides = array<i32>} : memref<24x512xf32, #tpu.memory_space<vmem>>, vector<1x16xf32>,
      %get3A_964 = vector.shape_cast %get3A_963 : vector<1x16xf32> to vector<16xf32>
      %ge3A_965 = arith.constant 0.000000e+00 : f32
      %ge3A_966 = vector.broadcast %ge3A_965 : f32 to vector<16xf32>
      %ge3A_967 = arith.cmpf oge, %get3A_964, %ge3A_966 : vector<16xf32>
      %min3A_968 = arith.constant 1.000000e+00 : f32
      %min3A_969 = vector.broadcast %min3A_968 : f32 to vector<16xf32>
      %min3A_970 = arith.minimumf %get3A_964, %min3A_969 : vector<16xf32>
      %add3A_971 = arith.constant 9.99999997E-7 : f32
      %add3A_972 = vector.broadcast %add3A_971 : f32 to vector<16xf32>
      %add3A_973 = arith.addf %min3A_970, %add3A_972 : vector<16xf32>
      %select_n3A_974 = arith.select %ge3A_967, %add3A_973, %add3A_959 : vector<16xi1>, vector<16xf32>
      %max3A_975 = arith.constant 9.99999997E-7 : f32
      %max3A_976 = vector.broadcast %max3A_975 : f32 to vector<16xf32>
      %max3A_977 = arith.maximumf %select_n3A_484, %max3A_976 : vector<16xf32>
      %min3A_978 = arith.constant 0.999998986 : f32
      %min3A_979 = vector.broadcast %min3A_978 : f32 to vector<16xf32>
      %min3A_980 = arith.minimumf %max3A_977, %min3A_979 : vector<16xf32>
      %max3A_981 = arith.constant 9.99999997E-7 : f32
      %max3A_982 = vector.broadcast %max3A_981 : f32 to vector<16xf32>
      %max3A_983 = arith.maximumf %select_n3A_554, %max3A_982 : vector<16xf32>
      %min3A_984 = arith.constant 0.999998986 : f32
      %min3A_985 = vector.broadcast %min3A_984 : f32 to vector<16xf32>
      %min3A_986 = arith.minimumf %max3A_983, %min3A_985 : vector<16xf32>
      %max3A_987 = arith.constant 9.99999997E-7 : f32
      %max3A_988 = vector.broadcast %max3A_987 : f32 to vector<16xf32>
      %max3A_989 = arith.maximumf %select_n3A_624, %max3A_988 : vector<16xf32>
      %min3A_990 = arith.constant 0.999998986 : f32
      %min3A_991 = vector.broadcast %min3A_990 : f32 to vector<16xf32>
      %min3A_992 = arith.minimumf %max3A_989, %min3A_991 : vector<16xf32>
      %max3A_993 = arith.constant 9.99999997E-7 : f32
      %max3A_994 = vector.broadcast %max3A_993 : f32 to vector<16xf32>
      %max3A_995 = arith.maximumf %select_n3A_694, %max3A_994 : vector<16xf32>
      %min3A_996 = arith.constant 0.999998986 : f32
      %min3A_997 = vector.broadcast %min3A_996 : f32 to vector<16xf32>
      %min3A_998 = arith.minimumf %max3A_995, %min3A_997 : vector<16xf32>
      %max3A_999 = arith.constant 9.99999997E-7 : f32
      %max3A_1000 = vector.broadcast %max3A_999 : f32 to vector<16xf32>
      %max3A_1001 = arith.maximumf %select_n3A_764, %max3A_1000 : vector<16xf32>
      %min3A_1002 = arith.constant 0.999998986 : f32
      %min3A_1003 = vector.broadcast %min3A_1002 : f32 to vector<16xf32>
      %min3A_1004 = arith.minimumf %max3A_1001, %min3A_1003 : vector<16xf32>
      %max3A_1005 = arith.constant 9.99999997E-7 : f32
      %max3A_1006 = vector.broadcast %max3A_1005 : f32 to vector<16xf32>
      %max3A_1007 = arith.maximumf %select_n3A_834, %max3A_1006 : vector<16xf32>
      %min3A_1008 = arith.constant 0.999998986 : f32
      %min3A_1009 = vector.broadcast %min3A_1008 : f32 to vector<16xf32>
      %min3A_1010 = arith.minimumf %max3A_1007, %min3A_1009 : vector<16xf32>
      %max3A_1011 = arith.constant 9.99999997E-7 : f32
      %max3A_1012 = vector.broadcast %max3A_1011 : f32 to vector<16xf32>
      %max3A_1013 = arith.maximumf %select_n3A_904, %max3A_1012 : vector<16xf32>
      %min3A_1014 = arith.constant 0.999998986 : f32
      %min3A_1015 = vector.broadcast %min3A_1014 : f32 to vector<16xf32>
      %min3A_1016 = arith.minimumf %max3A_1013, %min3A_1015 : vector<16xf32>
      %max3A_1017 = arith.constant 9.99999997E-7 : f32
      %max3A_1018 = vector.broadcast %max3A_1017 : f32 to vector<16xf32>
      %max3A_1019 = arith.maximumf %select_n3A_974, %max3A_1018 : vector<16xf32>
      %min3A_1020 = arith.constant 0.999998986 : f32
      %min3A_1021 = vector.broadcast %min3A_1020 : f32 to vector<16xf32>
      %min3A_1022 = arith.minimumf %max3A_1019, %min3A_1021 : vector<16xf32>
      %broadcast_in_dim3A_1023 = arith.constant 8 : i32
      %broadcast_in_dim3A_1024 = vector.broadcast %broadcast_in_dim3A_1023 : i32 to vector<16xi32>
      %lt3A_1025 = arith.constant 0 : i32
      %lt3A_1026 = vector.broadcast %lt3A_1025 : i32 to vector<16xi32>
      %lt3A_1027 = arith.cmpi slt, %broadcast_in_dim3A_1024, %lt3A_1026 : vector<16xi32>
      %add3A_1028 = arith.constant 16 : i32
      %add3A_1029 = vector.broadcast %add3A_1028 : i32 to vector<16xi32>
      %add3A_1030 = arith.addi %broadcast_in_dim3A_1024, %add3A_1029 : vector<16xi32>
      %select_n3A_1031 = arith.select %lt3A_1027, %add3A_1030, %broadcast_in_dim3A_1024 : vector<16xi1>, vector<16xi32>
      %reshape3A_1032 = vector.shape_cast %select_n3A_1031 : vector<16xi32> to vector<16x1xi32>
      %gather3A_1033 = vector.shape_cast %reshape3A_1032 : vector<16x1xi32> to vector<16xi32>
      %gather3A_1034 = tpu.dynamic_gather %get3A_138[%gather3A_1033] in [0] : vector<16xf32>, vector<16xi32> -> vector<16xf32>
      %broadcast_in_dim3A_1035 = arith.constant 9 : i32
      %broadcast_in_dim3A_1036 = vector.broadcast %broadcast_in_dim3A_1035 : i32 to vector<16xi32>
      %lt3A_1037 = arith.constant 0 : i32
      %lt3A_1038 = vector.broadcast %lt3A_1037 : i32 to vector<16xi32>
      %lt3A_1039 = arith.cmpi slt, %broadcast_in_dim3A_1036, %lt3A_1038 : vector<16xi32>
      %add3A_1040 = arith.constant 16 : i32
      %add3A_1041 = vector.broadcast %add3A_1040 : i32 to vector<16xi32>
      %add3A_1042 = arith.addi %broadcast_in_dim3A_1036, %add3A_1041 : vector<16xi32>
      %select_n3A_1043 = arith.select %lt3A_1039, %add3A_1042, %broadcast_in_dim3A_1036 : vector<16xi1>, vector<16xi32>
      %reshape3A_1044 = vector.shape_cast %select_n3A_1043 : vector<16xi32> to vector<16x1xi32>
      %gather3A_1045 = vector.shape_cast %reshape3A_1044 : vector<16x1xi32> to vector<16xi32>
      %gather3A_1046 = tpu.dynamic_gather %get3A_138[%gather3A_1045] in [0] : vector<16xf32>, vector<16xi32> -> vector<16xf32>
      %broadcast_in_dim3A_1047 = arith.constant 10 : i32
      %broadcast_in_dim3A_1048 = vector.broadcast %broadcast_in_dim3A_1047 : i32 to vector<16xi32>
      %lt3A_1049 = arith.constant 0 : i32
      %lt3A_1050 = vector.broadcast %lt3A_1049 : i32 to vector<16xi32>
      %lt3A_1051 = arith.cmpi slt, %broadcast_in_dim3A_1048, %lt3A_1050 : vector<16xi32>
      %add3A_1052 = arith.constant 16 : i32
      %add3A_1053 = vector.broadcast %add3A_1052 : i32 to vector<16xi32>
      %add3A_1054 = arith.addi %broadcast_in_dim3A_1048, %add3A_1053 : vector<16xi32>
      %select_n3A_1055 = arith.select %lt3A_1051, %add3A_1054, %broadcast_in_dim3A_1048 : vector<16xi1>, vector<16xi32>
      %reshape3A_1056 = vector.shape_cast %select_n3A_1055 : vector<16xi32> to vector<16x1xi32>
      %gather3A_1057 = vector.shape_cast %reshape3A_1056 : vector<16x1xi32> to vector<16xi32>
      %gather3A_1058 = tpu.dynamic_gather %get3A_138[%gather3A_1057] in [0] : vector<16xf32>, vector<16xi32> -> vector<16xf32>
      %broadcast_in_dim3A_1059 = arith.constant 11 : i32
      %broadcast_in_dim3A_1060 = vector.broadcast %broadcast_in_dim3A_1059 : i32 to vector<16xi32>
      %lt3A_1061 = arith.constant 0 : i32
      %lt3A_1062 = vector.broadcast %lt3A_1061 : i32 to vector<16xi32>
      %lt3A_1063 = arith.cmpi slt, %broadcast_in_dim3A_1060, %lt3A_1062 : vector<16xi32>
      %add3A_1064 = arith.constant 16 : i32
      %add3A_1065 = vector.broadcast %add3A_1064 : i32 to vector<16xi32>
      %add3A_1066 = arith.addi %broadcast_in_dim3A_1060, %add3A_1065 : vector<16xi32>
      %select_n3A_1067 = arith.select %lt3A_1063, %add3A_1066, %broadcast_in_dim3A_1060 : vector<16xi1>, vector<16xi32>
      %reshape3A_1068 = vector.shape_cast %select_n3A_1067 : vector<16xi32> to vector<16x1xi32>
      %gather3A_1069 = vector.shape_cast %reshape3A_1068 : vector<16x1xi32> to vector<16xi32>
      %gather3A_1070 = tpu.dynamic_gather %get3A_138[%gather3A_1069] in [0] : vector<16xf32>, vector<16xi32> -> vector<16xf32>
      %broadcast_in_dim3A_1071 = arith.constant 12 : i32
      %broadcast_in_dim3A_1072 = vector.broadcast %broadcast_in_dim3A_1071 : i32 to vector<16xi32>
      %lt3A_1073 = arith.constant 0 : i32
      %lt3A_1074 = vector.broadcast %lt3A_1073 : i32 to vector<16xi32>
      %lt3A_1075 = arith.cmpi slt, %broadcast_in_dim3A_1072, %lt3A_1074 : vector<16xi32>
      %add3A_1076 = arith.constant 16 : i32
      %add3A_1077 = vector.broadcast %add3A_1076 : i32 to vector<16xi32>
      %add3A_1078 = arith.addi %broadcast_in_dim3A_1072, %add3A_1077 : vector<16xi32>
      %select_n3A_1079 = arith.select %lt3A_1075, %add3A_1078, %broadcast_in_dim3A_1072 : vector<16xi1>, vector<16xi32>
      %reshape3A_1080 = vector.shape_cast %select_n3A_1079 : vector<16xi32> to vector<16x1xi32>
      %gather3A_1081 = vector.shape_cast %reshape3A_1080 : vector<16x1xi32> to vector<16xi32>
      %gather3A_1082 = tpu.dynamic_gather %get3A_138[%gather3A_1081] in [0] : vector<16xf32>, vector<16xi32> -> vector<16xf32>
      %broadcast_in_dim3A_1083 = arith.constant 13 : i32
      %broadcast_in_dim3A_1084 = vector.broadcast %broadcast_in_dim3A_1083 : i32 to vector<16xi32>
      %lt3A_1085 = arith.constant 0 : i32
      %lt3A_1086 = vector.broadcast %lt3A_1085 : i32 to vector<16xi32>
      %lt3A_1087 = arith.cmpi slt, %broadcast_in_dim3A_1084, %lt3A_1086 : vector<16xi32>
      %add3A_1088 = arith.constant 16 : i32
      %add3A_1089 = vector.broadcast %add3A_1088 : i32 to vector<16xi32>
      %add3A_1090 = arith.addi %broadcast_in_dim3A_1084, %add3A_1089 : vector<16xi32>
      %select_n3A_1091 = arith.select %lt3A_1087, %add3A_1090, %broadcast_in_dim3A_1084 : vector<16xi1>, vector<16xi32>
      %reshape3A_1092 = vector.shape_cast %select_n3A_1091 : vector<16xi32> to vector<16x1xi32>
      %gather3A_1093 = vector.shape_cast %reshape3A_1092 : vector<16x1xi32> to vector<16xi32>
      %gather3A_1094 = tpu.dynamic_gather %get3A_138[%gather3A_1093] in [0] : vector<16xf32>, vector<16xi32> -> vector<16xf32>
      %broadcast_in_dim3A_1095 = arith.constant 14 : i32
      %broadcast_in_dim3A_1096 = vector.broadcast %broadcast_in_dim3A_1095 : i32 to vector<16xi32>
      %lt3A_1097 = arith.constant 0 : i32
      %lt3A_1098 = vector.broadcast %lt3A_1097 : i32 to vector<16xi32>
      %lt3A_1099 = arith.cmpi slt, %broadcast_in_dim3A_1096, %lt3A_1098 : vector<16xi32>
      %add3A_1100 = arith.constant 16 : i32
      %add3A_1101 = vector.broadcast %add3A_1100 : i32 to vector<16xi32>
      %add3A_1102 = arith.addi %broadcast_in_dim3A_1096, %add3A_1101 : vector<16xi32>
      %select_n3A_1103 = arith.select %lt3A_1099, %add3A_1102, %broadcast_in_dim3A_1096 : vector<16xi1>, vector<16xi32>
      %reshape3A_1104 = vector.shape_cast %select_n3A_1103 : vector<16xi32> to vector<16x1xi32>
      %gather3A_1105 = vector.shape_cast %reshape3A_1104 : vector<16x1xi32> to vector<16xi32>
      %gather3A_1106 = tpu.dynamic_gather %get3A_138[%gather3A_1105] in [0] : vector<16xf32>, vector<16xi32> -> vector<16xf32>
      %broadcast_in_dim3A_1107 = arith.constant 15 : i32
      %broadcast_in_dim3A_1108 = vector.broadcast %broadcast_in_dim3A_1107 : i32 to vector<16xi32>
      %lt3A_1109 = arith.constant 0 : i32
      %lt3A_1110 = vector.broadcast %lt3A_1109 : i32 to vector<16xi32>
      %lt3A_1111 = arith.cmpi slt, %broadcast_in_dim3A_1108, %lt3A_1110 : vector<16xi32>
      %add3A_1112 = arith.constant 16 : i32
      %add3A_1113 = vector.broadcast %add3A_1112 : i32 to vector<16xi32>
      %add3A_1114 = arith.addi %broadcast_in_dim3A_1108, %add3A_1113 : vector<16xi32>
      %select_n3A_1115 = arith.select %lt3A_1111, %add3A_1114, %broadcast_in_dim3A_1108 : vector<16xi1>, vector<16xi32>
      %reshape3A_1116 = vector.shape_cast %select_n3A_1115 : vector<16xi32> to vector<16x1xi32>
      %gather3A_1117 = vector.shape_cast %reshape3A_1116 : vector<16x1xi32> to vector<16xi32>
      %gather3A_1118 = tpu.dynamic_gather %get3A_138[%gather3A_1117] in [0] : vector<16xf32>, vector<16xi32> -> vector<16xf32>
      %mul3A_1119 = arith.mulf %min3A_980, %min3A_986 : vector<16xf32>
      %mul3A_1120 = arith.mulf %gather3A_1046, %min3A_980 : vector<16xf32>
      %add3A_1121 = arith.addf %gather3A_1034, %mul3A_1120 : vector<16xf32>
      %mul3A_1122 = arith.mulf %gather3A_1058, %min3A_986 : vector<16xf32>
      %add3A_1123 = arith.addf %add3A_1121, %mul3A_1122 : vector<16xf32>
      %mul3A_1124 = arith.mulf %gather3A_1082, %mul3A_1119 : vector<16xf32>
      %add3A_1125 = arith.addf %add3A_1123, %mul3A_1124 : vector<16xf32>
      %mul3A_1126 = arith.mulf %gather3A_1094, %min3A_980 : vector<16xf32>
      %add3A_1127 = arith.addf %gather3A_1070, %mul3A_1126 : vector<16xf32>
      %mul3A_1128 = arith.mulf %gather3A_1106, %min3A_986 : vector<16xf32>
      %add3A_1129 = arith.addf %add3A_1127, %mul3A_1128 : vector<16xf32>
      %mul3A_1130 = arith.mulf %gather3A_1118, %mul3A_1119 : vector<16xf32>
      %add3A_1131 = arith.addf %add3A_1129, %mul3A_1130 : vector<16xf32>
      %get3A_1132 = arith.constant 16 : i32
      %get3A_1133 = arith.index_cast %get3A_1132 : i32 to index
      %get3A_1134 = arith.index_cast %mul3A_124 : i32 to index
      %get3A_1135 = tpu.vector_load %arg5[%get3A_1133, %get3A_1134] {strides = array<i32>} : memref<24x512xf32, #tpu.memory_space<vmem>>, vector<1x16xf32>,
      %get3A_1136 = vector.shape_cast %get3A_1135 : vector<1x16xf32> to vector<16xf32>
      %mul3A_1137 = arith.mulf %add3A_1131, %min3A_992 : vector<16xf32>
      %add3A_1138 = arith.addf %add3A_1125, %mul3A_1137 : vector<16xf32>
      %ge3A_1139 = arith.constant 0.000000e+00 : f32
      %ge3A_1140 = vector.broadcast %ge3A_1139 : f32 to vector<16xf32>
      %ge3A_1141 = arith.cmpf oge, %get3A_1136, %ge3A_1140 : vector<16xf32>
      %min3A_1142 = arith.constant 1.000000e+00 : f32
      %min3A_1143 = vector.broadcast %min3A_1142 : f32 to vector<16xf32>
      %min3A_1144 = arith.minimumf %get3A_1136, %min3A_1143 : vector<16xf32>
      %add3A_1145 = arith.constant 9.99999997E-7 : f32
      %add3A_1146 = vector.broadcast %add3A_1145 : f32 to vector<16xf32>
      %add3A_1147 = arith.addf %min3A_1144, %add3A_1146 : vector<16xf32>
      %select_n3A_1148 = arith.select %ge3A_1141, %add3A_1147, %add3A_1138 : vector<16xi1>, vector<16xf32>
      %broadcast_in_dim3A_1149 = arith.constant 0 : i32
      %broadcast_in_dim3A_1150 = vector.broadcast %broadcast_in_dim3A_1149 : i32 to vector<16xi32>
      %lt3A_1151 = arith.constant 0 : i32
      %lt3A_1152 = vector.broadcast %lt3A_1151 : i32 to vector<16xi32>
      %lt3A_1153 = arith.cmpi slt, %broadcast_in_dim3A_1150, %lt3A_1152 : vector<16xi32>
      %add3A_1154 = arith.constant 16 : i32
      %add3A_1155 = vector.broadcast %add3A_1154 : i32 to vector<16xi32>
      %add3A_1156 = arith.addi %broadcast_in_dim3A_1150, %add3A_1155 : vector<16xi32>
      %select_n3A_1157 = arith.select %lt3A_1153, %add3A_1156, %broadcast_in_dim3A_1150 : vector<16xi1>, vector<16xi32>
      %reshape3A_1158 = vector.shape_cast %select_n3A_1157 : vector<16xi32> to vector<16x1xi32>
      %gather3A_1159 = vector.shape_cast %reshape3A_1158 : vector<16x1xi32> to vector<16xi32>
      %gather3A_1160 = tpu.dynamic_gather %get3A_143[%gather3A_1159] in [0] : vector<16xf32>, vector<16xi32> -> vector<16xf32>
      %broadcast_in_dim3A_1161 = arith.constant 1 : i32
      %broadcast_in_dim3A_1162 = vector.broadcast %broadcast_in_dim3A_1161 : i32 to vector<16xi32>
      %lt3A_1163 = arith.constant 0 : i32
      %lt3A_1164 = vector.broadcast %lt3A_1163 : i32 to vector<16xi32>
      %lt3A_1165 = arith.cmpi slt, %broadcast_in_dim3A_1162, %lt3A_1164 : vector<16xi32>
      %add3A_1166 = arith.constant 16 : i32
      %add3A_1167 = vector.broadcast %add3A_1166 : i32 to vector<16xi32>
      %add3A_1168 = arith.addi %broadcast_in_dim3A_1162, %add3A_1167 : vector<16xi32>
      %select_n3A_1169 = arith.select %lt3A_1165, %add3A_1168, %broadcast_in_dim3A_1162 : vector<16xi1>, vector<16xi32>
      %reshape3A_1170 = vector.shape_cast %select_n3A_1169 : vector<16xi32> to vector<16x1xi32>
      %gather3A_1171 = vector.shape_cast %reshape3A_1170 : vector<16x1xi32> to vector<16xi32>
      %gather3A_1172 = tpu.dynamic_gather %get3A_143[%gather3A_1171] in [0] : vector<16xf32>, vector<16xi32> -> vector<16xf32>
      %broadcast_in_dim3A_1173 = arith.constant 2 : i32
      %broadcast_in_dim3A_1174 = vector.broadcast %broadcast_in_dim3A_1173 : i32 to vector<16xi32>
      %lt3A_1175 = arith.constant 0 : i32
      %lt3A_1176 = vector.broadcast %lt3A_1175 : i32 to vector<16xi32>
      %lt3A_1177 = arith.cmpi slt, %broadcast_in_dim3A_1174, %lt3A_1176 : vector<16xi32>
      %add3A_1178 = arith.constant 16 : i32
      %add3A_1179 = vector.broadcast %add3A_1178 : i32 to vector<16xi32>
      %add3A_1180 = arith.addi %broadcast_in_dim3A_1174, %add3A_1179 : vector<16xi32>
      %select_n3A_1181 = arith.select %lt3A_1177, %add3A_1180, %broadcast_in_dim3A_1174 : vector<16xi1>, vector<16xi32>
      %reshape3A_1182 = vector.shape_cast %select_n3A_1181 : vector<16xi32> to vector<16x1xi32>
      %gather3A_1183 = vector.shape_cast %reshape3A_1182 : vector<16x1xi32> to vector<16xi32>
      %gather3A_1184 = tpu.dynamic_gather %get3A_143[%gather3A_1183] in [0] : vector<16xf32>, vector<16xi32> -> vector<16xf32>
      %broadcast_in_dim3A_1185 = arith.constant 3 : i32
      %broadcast_in_dim3A_1186 = vector.broadcast %broadcast_in_dim3A_1185 : i32 to vector<16xi32>
      %lt3A_1187 = arith.constant 0 : i32
      %lt3A_1188 = vector.broadcast %lt3A_1187 : i32 to vector<16xi32>
      %lt3A_1189 = arith.cmpi slt, %broadcast_in_dim3A_1186, %lt3A_1188 : vector<16xi32>
      %add3A_1190 = arith.constant 16 : i32
      %add3A_1191 = vector.broadcast %add3A_1190 : i32 to vector<16xi32>
      %add3A_1192 = arith.addi %broadcast_in_dim3A_1186, %add3A_1191 : vector<16xi32>
      %select_n3A_1193 = arith.select %lt3A_1189, %add3A_1192, %broadcast_in_dim3A_1186 : vector<16xi1>, vector<16xi32>
      %reshape3A_1194 = vector.shape_cast %select_n3A_1193 : vector<16xi32> to vector<16x1xi32>
      %gather3A_1195 = vector.shape_cast %reshape3A_1194 : vector<16x1xi32> to vector<16xi32>
      %gather3A_1196 = tpu.dynamic_gather %get3A_143[%gather3A_1195] in [0] : vector<16xf32>, vector<16xi32> -> vector<16xf32>
      %broadcast_in_dim3A_1197 = arith.constant 4 : i32
      %broadcast_in_dim3A_1198 = vector.broadcast %broadcast_in_dim3A_1197 : i32 to vector<16xi32>
      %lt3A_1199 = arith.constant 0 : i32
      %lt3A_1200 = vector.broadcast %lt3A_1199 : i32 to vector<16xi32>
      %lt3A_1201 = arith.cmpi slt, %broadcast_in_dim3A_1198, %lt3A_1200 : vector<16xi32>
      %add3A_1202 = arith.constant 16 : i32
      %add3A_1203 = vector.broadcast %add3A_1202 : i32 to vector<16xi32>
      %add3A_1204 = arith.addi %broadcast_in_dim3A_1198, %add3A_1203 : vector<16xi32>
      %select_n3A_1205 = arith.select %lt3A_1201, %add3A_1204, %broadcast_in_dim3A_1198 : vector<16xi1>, vector<16xi32>
      %reshape3A_1206 = vector.shape_cast %select_n3A_1205 : vector<16xi32> to vector<16x1xi32>
      %gather3A_1207 = vector.shape_cast %reshape3A_1206 : vector<16x1xi32> to vector<16xi32>
      %gather3A_1208 = tpu.dynamic_gather %get3A_143[%gather3A_1207] in [0] : vector<16xf32>, vector<16xi32> -> vector<16xf32>
      %broadcast_in_dim3A_1209 = arith.constant 5 : i32
      %broadcast_in_dim3A_1210 = vector.broadcast %broadcast_in_dim3A_1209 : i32 to vector<16xi32>
      %lt3A_1211 = arith.constant 0 : i32
      %lt3A_1212 = vector.broadcast %lt3A_1211 : i32 to vector<16xi32>
      %lt3A_1213 = arith.cmpi slt, %broadcast_in_dim3A_1210, %lt3A_1212 : vector<16xi32>
      %add3A_1214 = arith.constant 16 : i32
      %add3A_1215 = vector.broadcast %add3A_1214 : i32 to vector<16xi32>
      %add3A_1216 = arith.addi %broadcast_in_dim3A_1210, %add3A_1215 : vector<16xi32>
      %select_n3A_1217 = arith.select %lt3A_1213, %add3A_1216, %broadcast_in_dim3A_1210 : vector<16xi1>, vector<16xi32>
      %reshape3A_1218 = vector.shape_cast %select_n3A_1217 : vector<16xi32> to vector<16x1xi32>
      %gather3A_1219 = vector.shape_cast %reshape3A_1218 : vector<16x1xi32> to vector<16xi32>
      %gather3A_1220 = tpu.dynamic_gather %get3A_143[%gather3A_1219] in [0] : vector<16xf32>, vector<16xi32> -> vector<16xf32>
      %broadcast_in_dim3A_1221 = arith.constant 6 : i32
      %broadcast_in_dim3A_1222 = vector.broadcast %broadcast_in_dim3A_1221 : i32 to vector<16xi32>
      %lt3A_1223 = arith.constant 0 : i32
      %lt3A_1224 = vector.broadcast %lt3A_1223 : i32 to vector<16xi32>
      %lt3A_1225 = arith.cmpi slt, %broadcast_in_dim3A_1222, %lt3A_1224 : vector<16xi32>
      %add3A_1226 = arith.constant 16 : i32
      %add3A_1227 = vector.broadcast %add3A_1226 : i32 to vector<16xi32>
      %add3A_1228 = arith.addi %broadcast_in_dim3A_1222, %add3A_1227 : vector<16xi32>
      %select_n3A_1229 = arith.select %lt3A_1225, %add3A_1228, %broadcast_in_dim3A_1222 : vector<16xi1>, vector<16xi32>
      %reshape3A_1230 = vector.shape_cast %select_n3A_1229 : vector<16xi32> to vector<16x1xi32>
      %gather3A_1231 = vector.shape_cast %reshape3A_1230 : vector<16x1xi32> to vector<16xi32>
      %gather3A_1232 = tpu.dynamic_gather %get3A_143[%gather3A_1231] in [0] : vector<16xf32>, vector<16xi32> -> vector<16xf32>
      %broadcast_in_dim3A_1233 = arith.constant 7 : i32
      %broadcast_in_dim3A_1234 = vector.broadcast %broadcast_in_dim3A_1233 : i32 to vector<16xi32>
      %lt3A_1235 = arith.constant 0 : i32
      %lt3A_1236 = vector.broadcast %lt3A_1235 : i32 to vector<16xi32>
      %lt3A_1237 = arith.cmpi slt, %broadcast_in_dim3A_1234, %lt3A_1236 : vector<16xi32>
      %add3A_1238 = arith.constant 16 : i32
      %add3A_1239 = vector.broadcast %add3A_1238 : i32 to vector<16xi32>
      %add3A_1240 = arith.addi %broadcast_in_dim3A_1234, %add3A_1239 : vector<16xi32>
      %select_n3A_1241 = arith.select %lt3A_1237, %add3A_1240, %broadcast_in_dim3A_1234 : vector<16xi1>, vector<16xi32>
      %reshape3A_1242 = vector.shape_cast %select_n3A_1241 : vector<16xi32> to vector<16x1xi32>
      %gather3A_1243 = vector.shape_cast %reshape3A_1242 : vector<16x1xi32> to vector<16xi32>
      %gather3A_1244 = tpu.dynamic_gather %get3A_143[%gather3A_1243] in [0] : vector<16xf32>, vector<16xi32> -> vector<16xf32>
      %mul3A_1245 = arith.mulf %min3A_986, %min3A_992 : vector<16xf32>
      %mul3A_1246 = arith.mulf %gather3A_1172, %min3A_986 : vector<16xf32>
      %add3A_1247 = arith.addf %gather3A_1160, %mul3A_1246 : vector<16xf32>
      %mul3A_1248 = arith.mulf %gather3A_1184, %min3A_992 : vector<16xf32>
      %add3A_1249 = arith.addf %add3A_1247, %mul3A_1248 : vector<16xf32>
      %mul3A_1250 = arith.mulf %gather3A_1208, %mul3A_1245 : vector<16xf32>
      %add3A_1251 = arith.addf %add3A_1249, %mul3A_1250 : vector<16xf32>
      %mul3A_1252 = arith.mulf %gather3A_1220, %min3A_986 : vector<16xf32>
      %add3A_1253 = arith.addf %gather3A_1196, %mul3A_1252 : vector<16xf32>
      %mul3A_1254 = arith.mulf %gather3A_1232, %min3A_992 : vector<16xf32>
      %add3A_1255 = arith.addf %add3A_1253, %mul3A_1254 : vector<16xf32>
      %mul3A_1256 = arith.mulf %gather3A_1244, %mul3A_1245 : vector<16xf32>
      %add3A_1257 = arith.addf %add3A_1255, %mul3A_1256 : vector<16xf32>
      %get3A_1258 = arith.constant 17 : i32
      %get3A_1259 = arith.index_cast %get3A_1258 : i32 to index
      %get3A_1260 = arith.index_cast %mul3A_124 : i32 to index
      %get3A_1261 = tpu.vector_load %arg5[%get3A_1259, %get3A_1260] {strides = array<i32>} : memref<24x512xf32, #tpu.memory_space<vmem>>, vector<1x16xf32>,
      %get3A_1262 = vector.shape_cast %get3A_1261 : vector<1x16xf32> to vector<16xf32>
      %mul3A_1263 = arith.mulf %add3A_1257, %min3A_998 : vector<16xf32>
      %add3A_1264 = arith.addf %add3A_1251, %mul3A_1263 : vector<16xf32>
      %ge3A_1265 = arith.constant 0.000000e+00 : f32
      %ge3A_1266 = vector.broadcast %ge3A_1265 : f32 to vector<16xf32>
      %ge3A_1267 = arith.cmpf oge, %get3A_1262, %ge3A_1266 : vector<16xf32>
      %min3A_1268 = arith.constant 1.000000e+00 : f32
      %min3A_1269 = vector.broadcast %min3A_1268 : f32 to vector<16xf32>
      %min3A_1270 = arith.minimumf %get3A_1262, %min3A_1269 : vector<16xf32>
      %add3A_1271 = arith.constant 9.99999997E-7 : f32
      %add3A_1272 = vector.broadcast %add3A_1271 : f32 to vector<16xf32>
      %add3A_1273 = arith.addf %min3A_1270, %add3A_1272 : vector<16xf32>
      %select_n3A_1274 = arith.select %ge3A_1267, %add3A_1273, %add3A_1264 : vector<16xi1>, vector<16xf32>
      %broadcast_in_dim3A_1275 = arith.constant 8 : i32
      %broadcast_in_dim3A_1276 = vector.broadcast %broadcast_in_dim3A_1275 : i32 to vector<16xi32>
      %lt3A_1277 = arith.constant 0 : i32
      %lt3A_1278 = vector.broadcast %lt3A_1277 : i32 to vector<16xi32>
      %lt3A_1279 = arith.cmpi slt, %broadcast_in_dim3A_1276, %lt3A_1278 : vector<16xi32>
      %add3A_1280 = arith.constant 16 : i32
      %add3A_1281 = vector.broadcast %add3A_1280 : i32 to vector<16xi32>
      %add3A_1282 = arith.addi %broadcast_in_dim3A_1276, %add3A_1281 : vector<16xi32>
      %select_n3A_1283 = arith.select %lt3A_1279, %add3A_1282, %broadcast_in_dim3A_1276 : vector<16xi1>, vector<16xi32>
      %reshape3A_1284 = vector.shape_cast %select_n3A_1283 : vector<16xi32> to vector<16x1xi32>
      %gather3A_1285 = vector.shape_cast %reshape3A_1284 : vector<16x1xi32> to vector<16xi32>
      %gather3A_1286 = tpu.dynamic_gather %get3A_143[%gather3A_1285] in [0] : vector<16xf32>, vector<16xi32> -> vector<16xf32>
      %broadcast_in_dim3A_1287 = arith.constant 9 : i32
      %broadcast_in_dim3A_1288 = vector.broadcast %broadcast_in_dim3A_1287 : i32 to vector<16xi32>
      %lt3A_1289 = arith.constant 0 : i32
      %lt3A_1290 = vector.broadcast %lt3A_1289 : i32 to vector<16xi32>
      %lt3A_1291 = arith.cmpi slt, %broadcast_in_dim3A_1288, %lt3A_1290 : vector<16xi32>
      %add3A_1292 = arith.constant 16 : i32
      %add3A_1293 = vector.broadcast %add3A_1292 : i32 to vector<16xi32>
      %add3A_1294 = arith.addi %broadcast_in_dim3A_1288, %add3A_1293 : vector<16xi32>
      %select_n3A_1295 = arith.select %lt3A_1291, %add3A_1294, %broadcast_in_dim3A_1288 : vector<16xi1>, vector<16xi32>
      %reshape3A_1296 = vector.shape_cast %select_n3A_1295 : vector<16xi32> to vector<16x1xi32>
      %gather3A_1297 = vector.shape_cast %reshape3A_1296 : vector<16x1xi32> to vector<16xi32>
      %gather3A_1298 = tpu.dynamic_gather %get3A_143[%gather3A_1297] in [0] : vector<16xf32>, vector<16xi32> -> vector<16xf32>
      %broadcast_in_dim3A_1299 = arith.constant 10 : i32
      %broadcast_in_dim3A_1300 = vector.broadcast %broadcast_in_dim3A_1299 : i32 to vector<16xi32>
      %lt3A_1301 = arith.constant 0 : i32
      %lt3A_1302 = vector.broadcast %lt3A_1301 : i32 to vector<16xi32>
      %lt3A_1303 = arith.cmpi slt, %broadcast_in_dim3A_1300, %lt3A_1302 : vector<16xi32>
      %add3A_1304 = arith.constant 16 : i32
      %add3A_1305 = vector.broadcast %add3A_1304 : i32 to vector<16xi32>
      %add3A_1306 = arith.addi %broadcast_in_dim3A_1300, %add3A_1305 : vector<16xi32>
      %select_n3A_1307 = arith.select %lt3A_1303, %add3A_1306, %broadcast_in_dim3A_1300 : vector<16xi1>, vector<16xi32>
      %reshape3A_1308 = vector.shape_cast %select_n3A_1307 : vector<16xi32> to vector<16x1xi32>
      %gather3A_1309 = vector.shape_cast %reshape3A_1308 : vector<16x1xi32> to vector<16xi32>
      %gather3A_1310 = tpu.dynamic_gather %get3A_143[%gather3A_1309] in [0] : vector<16xf32>, vector<16xi32> -> vector<16xf32>
      %broadcast_in_dim3A_1311 = arith.constant 11 : i32
      %broadcast_in_dim3A_1312 = vector.broadcast %broadcast_in_dim3A_1311 : i32 to vector<16xi32>
      %lt3A_1313 = arith.constant 0 : i32
      %lt3A_1314 = vector.broadcast %lt3A_1313 : i32 to vector<16xi32>
      %lt3A_1315 = arith.cmpi slt, %broadcast_in_dim3A_1312, %lt3A_1314 : vector<16xi32>
      %add3A_1316 = arith.constant 16 : i32
      %add3A_1317 = vector.broadcast %add3A_1316 : i32 to vector<16xi32>
      %add3A_1318 = arith.addi %broadcast_in_dim3A_1312, %add3A_1317 : vector<16xi32>
      %select_n3A_1319 = arith.select %lt3A_1315, %add3A_1318, %broadcast_in_dim3A_1312 : vector<16xi1>, vector<16xi32>
      %reshape3A_1320 = vector.shape_cast %select_n3A_1319 : vector<16xi32> to vector<16x1xi32>
      %gather3A_1321 = vector.shape_cast %reshape3A_1320 : vector<16x1xi32> to vector<16xi32>
      %gather3A_1322 = tpu.dynamic_gather %get3A_143[%gather3A_1321] in [0] : vector<16xf32>, vector<16xi32> -> vector<16xf32>
      %broadcast_in_dim3A_1323 = arith.constant 12 : i32
      %broadcast_in_dim3A_1324 = vector.broadcast %broadcast_in_dim3A_1323 : i32 to vector<16xi32>
      %lt3A_1325 = arith.constant 0 : i32
      %lt3A_1326 = vector.broadcast %lt3A_1325 : i32 to vector<16xi32>
      %lt3A_1327 = arith.cmpi slt, %broadcast_in_dim3A_1324, %lt3A_1326 : vector<16xi32>
      %add3A_1328 = arith.constant 16 : i32
      %add3A_1329 = vector.broadcast %add3A_1328 : i32 to vector<16xi32>
      %add3A_1330 = arith.addi %broadcast_in_dim3A_1324, %add3A_1329 : vector<16xi32>
      %select_n3A_1331 = arith.select %lt3A_1327, %add3A_1330, %broadcast_in_dim3A_1324 : vector<16xi1>, vector<16xi32>
      %reshape3A_1332 = vector.shape_cast %select_n3A_1331 : vector<16xi32> to vector<16x1xi32>
      %gather3A_1333 = vector.shape_cast %reshape3A_1332 : vector<16x1xi32> to vector<16xi32>
      %gather3A_1334 = tpu.dynamic_gather %get3A_143[%gather3A_1333] in [0] : vector<16xf32>, vector<16xi32> -> vector<16xf32>
      %broadcast_in_dim3A_1335 = arith.constant 13 : i32
      %broadcast_in_dim3A_1336 = vector.broadcast %broadcast_in_dim3A_1335 : i32 to vector<16xi32>
      %lt3A_1337 = arith.constant 0 : i32
      %lt3A_1338 = vector.broadcast %lt3A_1337 : i32 to vector<16xi32>
      %lt3A_1339 = arith.cmpi slt, %broadcast_in_dim3A_1336, %lt3A_1338 : vector<16xi32>
      %add3A_1340 = arith.constant 16 : i32
      %add3A_1341 = vector.broadcast %add3A_1340 : i32 to vector<16xi32>
      %add3A_1342 = arith.addi %broadcast_in_dim3A_1336, %add3A_1341 : vector<16xi32>
      %select_n3A_1343 = arith.select %lt3A_1339, %add3A_1342, %broadcast_in_dim3A_1336 : vector<16xi1>, vector<16xi32>
      %reshape3A_1344 = vector.shape_cast %select_n3A_1343 : vector<16xi32> to vector<16x1xi32>
      %gather3A_1345 = vector.shape_cast %reshape3A_1344 : vector<16x1xi32> to vector<16xi32>
      %gather3A_1346 = tpu.dynamic_gather %get3A_143[%gather3A_1345] in [0] : vector<16xf32>, vector<16xi32> -> vector<16xf32>
      %broadcast_in_dim3A_1347 = arith.constant 14 : i32
      %broadcast_in_dim3A_1348 = vector.broadcast %broadcast_in_dim3A_1347 : i32 to vector<16xi32>
      %lt3A_1349 = arith.constant 0 : i32
      %lt3A_1350 = vector.broadcast %lt3A_1349 : i32 to vector<16xi32>
      %lt3A_1351 = arith.cmpi slt, %broadcast_in_dim3A_1348, %lt3A_1350 : vector<16xi32>
      %add3A_1352 = arith.constant 16 : i32
      %add3A_1353 = vector.broadcast %add3A_1352 : i32 to vector<16xi32>
      %add3A_1354 = arith.addi %broadcast_in_dim3A_1348, %add3A_1353 : vector<16xi32>
      %select_n3A_1355 = arith.select %lt3A_1351, %add3A_1354, %broadcast_in_dim3A_1348 : vector<16xi1>, vector<16xi32>
      %reshape3A_1356 = vector.shape_cast %select_n3A_1355 : vector<16xi32> to vector<16x1xi32>
      %gather3A_1357 = vector.shape_cast %reshape3A_1356 : vector<16x1xi32> to vector<16xi32>
      %gather3A_1358 = tpu.dynamic_gather %get3A_143[%gather3A_1357] in [0] : vector<16xf32>, vector<16xi32> -> vector<16xf32>
      %broadcast_in_dim3A_1359 = arith.constant 15 : i32
      %broadcast_in_dim3A_1360 = vector.broadcast %broadcast_in_dim3A_1359 : i32 to vector<16xi32>
      %lt3A_1361 = arith.constant 0 : i32
      %lt3A_1362 = vector.broadcast %lt3A_1361 : i32 to vector<16xi32>
      %lt3A_1363 = arith.cmpi slt, %broadcast_in_dim3A_1360, %lt3A_1362 : vector<16xi32>
      %add3A_1364 = arith.constant 16 : i32
      %add3A_1365 = vector.broadcast %add3A_1364 : i32 to vector<16xi32>
      %add3A_1366 = arith.addi %broadcast_in_dim3A_1360, %add3A_1365 : vector<16xi32>
      %select_n3A_1367 = arith.select %lt3A_1363, %add3A_1366, %broadcast_in_dim3A_1360 : vector<16xi1>, vector<16xi32>
      %reshape3A_1368 = vector.shape_cast %select_n3A_1367 : vector<16xi32> to vector<16x1xi32>
      %gather3A_1369 = vector.shape_cast %reshape3A_1368 : vector<16x1xi32> to vector<16xi32>
      %gather3A_1370 = tpu.dynamic_gather %get3A_143[%gather3A_1369] in [0] : vector<16xf32>, vector<16xi32> -> vector<16xf32>
      %mul3A_1371 = arith.mulf %min3A_992, %min3A_998 : vector<16xf32>
      %mul3A_1372 = arith.mulf %gather3A_1298, %min3A_992 : vector<16xf32>
      %add3A_1373 = arith.addf %gather3A_1286, %mul3A_1372 : vector<16xf32>
      %mul3A_1374 = arith.mulf %gather3A_1310, %min3A_998 : vector<16xf32>
      %add3A_1375 = arith.addf %add3A_1373, %mul3A_1374 : vector<16xf32>
      %mul3A_1376 = arith.mulf %gather3A_1334, %mul3A_1371 : vector<16xf32>
      %add3A_1377 = arith.addf %add3A_1375, %mul3A_1376 : vector<16xf32>
      %mul3A_1378 = arith.mulf %gather3A_1346, %min3A_992 : vector<16xf32>
      %add3A_1379 = arith.addf %gather3A_1322, %mul3A_1378 : vector<16xf32>
      %mul3A_1380 = arith.mulf %gather3A_1358, %min3A_998 : vector<16xf32>
      %add3A_1381 = arith.addf %add3A_1379, %mul3A_1380 : vector<16xf32>
      %mul3A_1382 = arith.mulf %gather3A_1370, %mul3A_1371 : vector<16xf32>
      %add3A_1383 = arith.addf %add3A_1381, %mul3A_1382 : vector<16xf32>
      %get3A_1384 = arith.constant 18 : i32
      %get3A_1385 = arith.index_cast %get3A_1384 : i32 to index
      %get3A_1386 = arith.index_cast %mul3A_124 : i32 to index
      %get3A_1387 = tpu.vector_load %arg5[%get3A_1385, %get3A_1386] {strides = array<i32>} : memref<24x512xf32, #tpu.memory_space<vmem>>, vector<1x16xf32>,
      %get3A_1388 = vector.shape_cast %get3A_1387 : vector<1x16xf32> to vector<16xf32>
      %mul3A_1389 = arith.mulf %add3A_1383, %min3A_1004 : vector<16xf32>
      %add3A_1390 = arith.addf %add3A_1377, %mul3A_1389 : vector<16xf32>
      %ge3A_1391 = arith.constant 0.000000e+00 : f32
      %ge3A_1392 = vector.broadcast %ge3A_1391 : f32 to vector<16xf32>
      %ge3A_1393 = arith.cmpf oge, %get3A_1388, %ge3A_1392 : vector<16xf32>
      %min3A_1394 = arith.constant 1.000000e+00 : f32
      %min3A_1395 = vector.broadcast %min3A_1394 : f32 to vector<16xf32>
      %min3A_1396 = arith.minimumf %get3A_1388, %min3A_1395 : vector<16xf32>
      %add3A_1397 = arith.constant 9.99999997E-7 : f32
      %add3A_1398 = vector.broadcast %add3A_1397 : f32 to vector<16xf32>
      %add3A_1399 = arith.addf %min3A_1396, %add3A_1398 : vector<16xf32>
      %select_n3A_1400 = arith.select %ge3A_1393, %add3A_1399, %add3A_1390 : vector<16xi1>, vector<16xf32>
      %broadcast_in_dim3A_1401 = arith.constant 0 : i32
      %broadcast_in_dim3A_1402 = vector.broadcast %broadcast_in_dim3A_1401 : i32 to vector<16xi32>
      %lt3A_1403 = arith.constant 0 : i32
      %lt3A_1404 = vector.broadcast %lt3A_1403 : i32 to vector<16xi32>
      %lt3A_1405 = arith.cmpi slt, %broadcast_in_dim3A_1402, %lt3A_1404 : vector<16xi32>
      %add3A_1406 = arith.constant 16 : i32
      %add3A_1407 = vector.broadcast %add3A_1406 : i32 to vector<16xi32>
      %add3A_1408 = arith.addi %broadcast_in_dim3A_1402, %add3A_1407 : vector<16xi32>
      %select_n3A_1409 = arith.select %lt3A_1405, %add3A_1408, %broadcast_in_dim3A_1402 : vector<16xi1>, vector<16xi32>
      %reshape3A_1410 = vector.shape_cast %select_n3A_1409 : vector<16xi32> to vector<16x1xi32>
      %gather3A_1411 = vector.shape_cast %reshape3A_1410 : vector<16x1xi32> to vector<16xi32>
      %gather3A_1412 = tpu.dynamic_gather %get3A_148[%gather3A_1411] in [0] : vector<16xf32>, vector<16xi32> -> vector<16xf32>
      %broadcast_in_dim3A_1413 = arith.constant 1 : i32
      %broadcast_in_dim3A_1414 = vector.broadcast %broadcast_in_dim3A_1413 : i32 to vector<16xi32>
      %lt3A_1415 = arith.constant 0 : i32
      %lt3A_1416 = vector.broadcast %lt3A_1415 : i32 to vector<16xi32>
      %lt3A_1417 = arith.cmpi slt, %broadcast_in_dim3A_1414, %lt3A_1416 : vector<16xi32>
      %add3A_1418 = arith.constant 16 : i32
      %add3A_1419 = vector.broadcast %add3A_1418 : i32 to vector<16xi32>
      %add3A_1420 = arith.addi %broadcast_in_dim3A_1414, %add3A_1419 : vector<16xi32>
      %select_n3A_1421 = arith.select %lt3A_1417, %add3A_1420, %broadcast_in_dim3A_1414 : vector<16xi1>, vector<16xi32>
      %reshape3A_1422 = vector.shape_cast %select_n3A_1421 : vector<16xi32> to vector<16x1xi32>
      %gather3A_1423 = vector.shape_cast %reshape3A_1422 : vector<16x1xi32> to vector<16xi32>
      %gather3A_1424 = tpu.dynamic_gather %get3A_148[%gather3A_1423] in [0] : vector<16xf32>, vector<16xi32> -> vector<16xf32>
      %broadcast_in_dim3A_1425 = arith.constant 2 : i32
      %broadcast_in_dim3A_1426 = vector.broadcast %broadcast_in_dim3A_1425 : i32 to vector<16xi32>
      %lt3A_1427 = arith.constant 0 : i32
      %lt3A_1428 = vector.broadcast %lt3A_1427 : i32 to vector<16xi32>
      %lt3A_1429 = arith.cmpi slt, %broadcast_in_dim3A_1426, %lt3A_1428 : vector<16xi32>
      %add3A_1430 = arith.constant 16 : i32
      %add3A_1431 = vector.broadcast %add3A_1430 : i32 to vector<16xi32>
      %add3A_1432 = arith.addi %broadcast_in_dim3A_1426, %add3A_1431 : vector<16xi32>
      %select_n3A_1433 = arith.select %lt3A_1429, %add3A_1432, %broadcast_in_dim3A_1426 : vector<16xi1>, vector<16xi32>
      %reshape3A_1434 = vector.shape_cast %select_n3A_1433 : vector<16xi32> to vector<16x1xi32>
      %gather3A_1435 = vector.shape_cast %reshape3A_1434 : vector<16x1xi32> to vector<16xi32>
      %gather3A_1436 = tpu.dynamic_gather %get3A_148[%gather3A_1435] in [0] : vector<16xf32>, vector<16xi32> -> vector<16xf32>
      %broadcast_in_dim3A_1437 = arith.constant 3 : i32
      %broadcast_in_dim3A_1438 = vector.broadcast %broadcast_in_dim3A_1437 : i32 to vector<16xi32>
      %lt3A_1439 = arith.constant 0 : i32
      %lt3A_1440 = vector.broadcast %lt3A_1439 : i32 to vector<16xi32>
      %lt3A_1441 = arith.cmpi slt, %broadcast_in_dim3A_1438, %lt3A_1440 : vector<16xi32>
      %add3A_1442 = arith.constant 16 : i32
      %add3A_1443 = vector.broadcast %add3A_1442 : i32 to vector<16xi32>
      %add3A_1444 = arith.addi %broadcast_in_dim3A_1438, %add3A_1443 : vector<16xi32>
      %select_n3A_1445 = arith.select %lt3A_1441, %add3A_1444, %broadcast_in_dim3A_1438 : vector<16xi1>, vector<16xi32>
      %reshape3A_1446 = vector.shape_cast %select_n3A_1445 : vector<16xi32> to vector<16x1xi32>
      %gather3A_1447 = vector.shape_cast %reshape3A_1446 : vector<16x1xi32> to vector<16xi32>
      %gather3A_1448 = tpu.dynamic_gather %get3A_148[%gather3A_1447] in [0] : vector<16xf32>, vector<16xi32> -> vector<16xf32>
      %broadcast_in_dim3A_1449 = arith.constant 4 : i32
      %broadcast_in_dim3A_1450 = vector.broadcast %broadcast_in_dim3A_1449 : i32 to vector<16xi32>
      %lt3A_1451 = arith.constant 0 : i32
      %lt3A_1452 = vector.broadcast %lt3A_1451 : i32 to vector<16xi32>
      %lt3A_1453 = arith.cmpi slt, %broadcast_in_dim3A_1450, %lt3A_1452 : vector<16xi32>
      %add3A_1454 = arith.constant 16 : i32
      %add3A_1455 = vector.broadcast %add3A_1454 : i32 to vector<16xi32>
      %add3A_1456 = arith.addi %broadcast_in_dim3A_1450, %add3A_1455 : vector<16xi32>
      %select_n3A_1457 = arith.select %lt3A_1453, %add3A_1456, %broadcast_in_dim3A_1450 : vector<16xi1>, vector<16xi32>
      %reshape3A_1458 = vector.shape_cast %select_n3A_1457 : vector<16xi32> to vector<16x1xi32>
      %gather3A_1459 = vector.shape_cast %reshape3A_1458 : vector<16x1xi32> to vector<16xi32>
      %gather3A_1460 = tpu.dynamic_gather %get3A_148[%gather3A_1459] in [0] : vector<16xf32>, vector<16xi32> -> vector<16xf32>
      %broadcast_in_dim3A_1461 = arith.constant 5 : i32
      %broadcast_in_dim3A_1462 = vector.broadcast %broadcast_in_dim3A_1461 : i32 to vector<16xi32>
      %lt3A_1463 = arith.constant 0 : i32
      %lt3A_1464 = vector.broadcast %lt3A_1463 : i32 to vector<16xi32>
      %lt3A_1465 = arith.cmpi slt, %broadcast_in_dim3A_1462, %lt3A_1464 : vector<16xi32>
      %add3A_1466 = arith.constant 16 : i32
      %add3A_1467 = vector.broadcast %add3A_1466 : i32 to vector<16xi32>
      %add3A_1468 = arith.addi %broadcast_in_dim3A_1462, %add3A_1467 : vector<16xi32>
      %select_n3A_1469 = arith.select %lt3A_1465, %add3A_1468, %broadcast_in_dim3A_1462 : vector<16xi1>, vector<16xi32>
      %reshape3A_1470 = vector.shape_cast %select_n3A_1469 : vector<16xi32> to vector<16x1xi32>
      %gather3A_1471 = vector.shape_cast %reshape3A_1470 : vector<16x1xi32> to vector<16xi32>
      %gather3A_1472 = tpu.dynamic_gather %get3A_148[%gather3A_1471] in [0] : vector<16xf32>, vector<16xi32> -> vector<16xf32>
      %broadcast_in_dim3A_1473 = arith.constant 6 : i32
      %broadcast_in_dim3A_1474 = vector.broadcast %broadcast_in_dim3A_1473 : i32 to vector<16xi32>
      %lt3A_1475 = arith.constant 0 : i32
      %lt3A_1476 = vector.broadcast %lt3A_1475 : i32 to vector<16xi32>
      %lt3A_1477 = arith.cmpi slt, %broadcast_in_dim3A_1474, %lt3A_1476 : vector<16xi32>
      %add3A_1478 = arith.constant 16 : i32
      %add3A_1479 = vector.broadcast %add3A_1478 : i32 to vector<16xi32>
      %add3A_1480 = arith.addi %broadcast_in_dim3A_1474, %add3A_1479 : vector<16xi32>
      %select_n3A_1481 = arith.select %lt3A_1477, %add3A_1480, %broadcast_in_dim3A_1474 : vector<16xi1>, vector<16xi32>
      %reshape3A_1482 = vector.shape_cast %select_n3A_1481 : vector<16xi32> to vector<16x1xi32>
      %gather3A_1483 = vector.shape_cast %reshape3A_1482 : vector<16x1xi32> to vector<16xi32>
      %gather3A_1484 = tpu.dynamic_gather %get3A_148[%gather3A_1483] in [0] : vector<16xf32>, vector<16xi32> -> vector<16xf32>
      %broadcast_in_dim3A_1485 = arith.constant 7 : i32
      %broadcast_in_dim3A_1486 = vector.broadcast %broadcast_in_dim3A_1485 : i32 to vector<16xi32>
      %lt3A_1487 = arith.constant 0 : i32
      %lt3A_1488 = vector.broadcast %lt3A_1487 : i32 to vector<16xi32>
      %lt3A_1489 = arith.cmpi slt, %broadcast_in_dim3A_1486, %lt3A_1488 : vector<16xi32>
      %add3A_1490 = arith.constant 16 : i32
      %add3A_1491 = vector.broadcast %add3A_1490 : i32 to vector<16xi32>
      %add3A_1492 = arith.addi %broadcast_in_dim3A_1486, %add3A_1491 : vector<16xi32>
      %select_n3A_1493 = arith.select %lt3A_1489, %add3A_1492, %broadcast_in_dim3A_1486 : vector<16xi1>, vector<16xi32>
      %reshape3A_1494 = vector.shape_cast %select_n3A_1493 : vector<16xi32> to vector<16x1xi32>
      %gather3A_1495 = vector.shape_cast %reshape3A_1494 : vector<16x1xi32> to vector<16xi32>
      %gather3A_1496 = tpu.dynamic_gather %get3A_148[%gather3A_1495] in [0] : vector<16xf32>, vector<16xi32> -> vector<16xf32>
      %mul3A_1497 = arith.mulf %min3A_998, %min3A_1004 : vector<16xf32>
      %mul3A_1498 = arith.mulf %gather3A_1424, %min3A_998 : vector<16xf32>
      %add3A_1499 = arith.addf %gather3A_1412, %mul3A_1498 : vector<16xf32>
      %mul3A_1500 = arith.mulf %gather3A_1436, %min3A_1004 : vector<16xf32>
      %add3A_1501 = arith.addf %add3A_1499, %mul3A_1500 : vector<16xf32>
      %mul3A_1502 = arith.mulf %gather3A_1460, %mul3A_1497 : vector<16xf32>
      %add3A_1503 = arith.addf %add3A_1501, %mul3A_1502 : vector<16xf32>
      %mul3A_1504 = arith.mulf %gather3A_1472, %min3A_998 : vector<16xf32>
      %add3A_1505 = arith.addf %gather3A_1448, %mul3A_1504 : vector<16xf32>
      %mul3A_1506 = arith.mulf %gather3A_1484, %min3A_1004 : vector<16xf32>
      %add3A_1507 = arith.addf %add3A_1505, %mul3A_1506 : vector<16xf32>
      %mul3A_1508 = arith.mulf %gather3A_1496, %mul3A_1497 : vector<16xf32>
      %add3A_1509 = arith.addf %add3A_1507, %mul3A_1508 : vector<16xf32>
      %get3A_1510 = arith.constant 19 : i32
      %get3A_1511 = arith.index_cast %get3A_1510 : i32 to index
      %get3A_1512 = arith.index_cast %mul3A_124 : i32 to index
      %get3A_1513 = tpu.vector_load %arg5[%get3A_1511, %get3A_1512] {strides = array<i32>} : memref<24x512xf32, #tpu.memory_space<vmem>>, vector<1x16xf32>,
      %get3A_1514 = vector.shape_cast %get3A_1513 : vector<1x16xf32> to vector<16xf32>
      %mul3A_1515 = arith.mulf %add3A_1509, %min3A_1010 : vector<16xf32>
      %add3A_1516 = arith.addf %add3A_1503, %mul3A_1515 : vector<16xf32>
      %ge3A_1517 = arith.constant 0.000000e+00 : f32
      %ge3A_1518 = vector.broadcast %ge3A_1517 : f32 to vector<16xf32>
      %ge3A_1519 = arith.cmpf oge, %get3A_1514, %ge3A_1518 : vector<16xf32>
      %min3A_1520 = arith.constant 1.000000e+00 : f32
      %min3A_1521 = vector.broadcast %min3A_1520 : f32 to vector<16xf32>
      %min3A_1522 = arith.minimumf %get3A_1514, %min3A_1521 : vector<16xf32>
      %add3A_1523 = arith.constant 9.99999997E-7 : f32
      %add3A_1524 = vector.broadcast %add3A_1523 : f32 to vector<16xf32>
      %add3A_1525 = arith.addf %min3A_1522, %add3A_1524 : vector<16xf32>
      %select_n3A_1526 = arith.select %ge3A_1519, %add3A_1525, %add3A_1516 : vector<16xi1>, vector<16xf32>
      %broadcast_in_dim3A_1527 = arith.constant 8 : i32
      %broadcast_in_dim3A_1528 = vector.broadcast %broadcast_in_dim3A_1527 : i32 to vector<16xi32>
      %lt3A_1529 = arith.constant 0 : i32
      %lt3A_1530 = vector.broadcast %lt3A_1529 : i32 to vector<16xi32>
      %lt3A_1531 = arith.cmpi slt, %broadcast_in_dim3A_1528, %lt3A_1530 : vector<16xi32>
      %add3A_1532 = arith.constant 16 : i32
      %add3A_1533 = vector.broadcast %add3A_1532 : i32 to vector<16xi32>
      %add3A_1534 = arith.addi %broadcast_in_dim3A_1528, %add3A_1533 : vector<16xi32>
      %select_n3A_1535 = arith.select %lt3A_1531, %add3A_1534, %broadcast_in_dim3A_1528 : vector<16xi1>, vector<16xi32>
      %reshape3A_1536 = vector.shape_cast %select_n3A_1535 : vector<16xi32> to vector<16x1xi32>
      %gather3A_1537 = vector.shape_cast %reshape3A_1536 : vector<16x1xi32> to vector<16xi32>
      %gather3A_1538 = tpu.dynamic_gather %get3A_148[%gather3A_1537] in [0] : vector<16xf32>, vector<16xi32> -> vector<16xf32>
      %broadcast_in_dim3A_1539 = arith.constant 9 : i32
      %broadcast_in_dim3A_1540 = vector.broadcast %broadcast_in_dim3A_1539 : i32 to vector<16xi32>
      %lt3A_1541 = arith.constant 0 : i32
      %lt3A_1542 = vector.broadcast %lt3A_1541 : i32 to vector<16xi32>
      %lt3A_1543 = arith.cmpi slt, %broadcast_in_dim3A_1540, %lt3A_1542 : vector<16xi32>
      %add3A_1544 = arith.constant 16 : i32
      %add3A_1545 = vector.broadcast %add3A_1544 : i32 to vector<16xi32>
      %add3A_1546 = arith.addi %broadcast_in_dim3A_1540, %add3A_1545 : vector<16xi32>
      %select_n3A_1547 = arith.select %lt3A_1543, %add3A_1546, %broadcast_in_dim3A_1540 : vector<16xi1>, vector<16xi32>
      %reshape3A_1548 = vector.shape_cast %select_n3A_1547 : vector<16xi32> to vector<16x1xi32>
      %gather3A_1549 = vector.shape_cast %reshape3A_1548 : vector<16x1xi32> to vector<16xi32>
      %gather3A_1550 = tpu.dynamic_gather %get3A_148[%gather3A_1549] in [0] : vector<16xf32>, vector<16xi32> -> vector<16xf32>
      %broadcast_in_dim3A_1551 = arith.constant 10 : i32
      %broadcast_in_dim3A_1552 = vector.broadcast %broadcast_in_dim3A_1551 : i32 to vector<16xi32>
      %lt3A_1553 = arith.constant 0 : i32
      %lt3A_1554 = vector.broadcast %lt3A_1553 : i32 to vector<16xi32>
      %lt3A_1555 = arith.cmpi slt, %broadcast_in_dim3A_1552, %lt3A_1554 : vector<16xi32>
      %add3A_1556 = arith.constant 16 : i32
      %add3A_1557 = vector.broadcast %add3A_1556 : i32 to vector<16xi32>
      %add3A_1558 = arith.addi %broadcast_in_dim3A_1552, %add3A_1557 : vector<16xi32>
      %select_n3A_1559 = arith.select %lt3A_1555, %add3A_1558, %broadcast_in_dim3A_1552 : vector<16xi1>, vector<16xi32>
      %reshape3A_1560 = vector.shape_cast %select_n3A_1559 : vector<16xi32> to vector<16x1xi32>
      %gather3A_1561 = vector.shape_cast %reshape3A_1560 : vector<16x1xi32> to vector<16xi32>
      %gather3A_1562 = tpu.dynamic_gather %get3A_148[%gather3A_1561] in [0] : vector<16xf32>, vector<16xi32> -> vector<16xf32>
      %broadcast_in_dim3A_1563 = arith.constant 11 : i32
      %broadcast_in_dim3A_1564 = vector.broadcast %broadcast_in_dim3A_1563 : i32 to vector<16xi32>
      %lt3A_1565 = arith.constant 0 : i32
      %lt3A_1566 = vector.broadcast %lt3A_1565 : i32 to vector<16xi32>
      %lt3A_1567 = arith.cmpi slt, %broadcast_in_dim3A_1564, %lt3A_1566 : vector<16xi32>
      %add3A_1568 = arith.constant 16 : i32
      %add3A_1569 = vector.broadcast %add3A_1568 : i32 to vector<16xi32>
      %add3A_1570 = arith.addi %broadcast_in_dim3A_1564, %add3A_1569 : vector<16xi32>
      %select_n3A_1571 = arith.select %lt3A_1567, %add3A_1570, %broadcast_in_dim3A_1564 : vector<16xi1>, vector<16xi32>
      %reshape3A_1572 = vector.shape_cast %select_n3A_1571 : vector<16xi32> to vector<16x1xi32>
      %gather3A_1573 = vector.shape_cast %reshape3A_1572 : vector<16x1xi32> to vector<16xi32>
      %gather3A_1574 = tpu.dynamic_gather %get3A_148[%gather3A_1573] in [0] : vector<16xf32>, vector<16xi32> -> vector<16xf32>
      %broadcast_in_dim3A_1575 = arith.constant 12 : i32
      %broadcast_in_dim3A_1576 = vector.broadcast %broadcast_in_dim3A_1575 : i32 to vector<16xi32>
      %lt3A_1577 = arith.constant 0 : i32
      %lt3A_1578 = vector.broadcast %lt3A_1577 : i32 to vector<16xi32>
      %lt3A_1579 = arith.cmpi slt, %broadcast_in_dim3A_1576, %lt3A_1578 : vector<16xi32>
      %add3A_1580 = arith.constant 16 : i32
      %add3A_1581 = vector.broadcast %add3A_1580 : i32 to vector<16xi32>
      %add3A_1582 = arith.addi %broadcast_in_dim3A_1576, %add3A_1581 : vector<16xi32>
      %select_n3A_1583 = arith.select %lt3A_1579, %add3A_1582, %broadcast_in_dim3A_1576 : vector<16xi1>, vector<16xi32>
      %reshape3A_1584 = vector.shape_cast %select_n3A_1583 : vector<16xi32> to vector<16x1xi32>
      %gather3A_1585 = vector.shape_cast %reshape3A_1584 : vector<16x1xi32> to vector<16xi32>
      %gather3A_1586 = tpu.dynamic_gather %get3A_148[%gather3A_1585] in [0] : vector<16xf32>, vector<16xi32> -> vector<16xf32>
      %broadcast_in_dim3A_1587 = arith.constant 13 : i32
      %broadcast_in_dim3A_1588 = vector.broadcast %broadcast_in_dim3A_1587 : i32 to vector<16xi32>
      %lt3A_1589 = arith.constant 0 : i32
      %lt3A_1590 = vector.broadcast %lt3A_1589 : i32 to vector<16xi32>
      %lt3A_1591 = arith.cmpi slt, %broadcast_in_dim3A_1588, %lt3A_1590 : vector<16xi32>
      %add3A_1592 = arith.constant 16 : i32
      %add3A_1593 = vector.broadcast %add3A_1592 : i32 to vector<16xi32>
      %add3A_1594 = arith.addi %broadcast_in_dim3A_1588, %add3A_1593 : vector<16xi32>
      %select_n3A_1595 = arith.select %lt3A_1591, %add3A_1594, %broadcast_in_dim3A_1588 : vector<16xi1>, vector<16xi32>
      %reshape3A_1596 = vector.shape_cast %select_n3A_1595 : vector<16xi32> to vector<16x1xi32>
      %gather3A_1597 = vector.shape_cast %reshape3A_1596 : vector<16x1xi32> to vector<16xi32>
      %gather3A_1598 = tpu.dynamic_gather %get3A_148[%gather3A_1597] in [0] : vector<16xf32>, vector<16xi32> -> vector<16xf32>
      %broadcast_in_dim3A_1599 = arith.constant 14 : i32
      %broadcast_in_dim3A_1600 = vector.broadcast %broadcast_in_dim3A_1599 : i32 to vector<16xi32>
      %lt3A_1601 = arith.constant 0 : i32
      %lt3A_1602 = vector.broadcast %lt3A_1601 : i32 to vector<16xi32>
      %lt3A_1603 = arith.cmpi slt, %broadcast_in_dim3A_1600, %lt3A_1602 : vector<16xi32>
      %add3A_1604 = arith.constant 16 : i32
      %add3A_1605 = vector.broadcast %add3A_1604 : i32 to vector<16xi32>
      %add3A_1606 = arith.addi %broadcast_in_dim3A_1600, %add3A_1605 : vector<16xi32>
      %select_n3A_1607 = arith.select %lt3A_1603, %add3A_1606, %broadcast_in_dim3A_1600 : vector<16xi1>, vector<16xi32>
      %reshape3A_1608 = vector.shape_cast %select_n3A_1607 : vector<16xi32> to vector<16x1xi32>
      %gather3A_1609 = vector.shape_cast %reshape3A_1608 : vector<16x1xi32> to vector<16xi32>
      %gather3A_1610 = tpu.dynamic_gather %get3A_148[%gather3A_1609] in [0] : vector<16xf32>, vector<16xi32> -> vector<16xf32>
      %broadcast_in_dim3A_1611 = arith.constant 15 : i32
      %broadcast_in_dim3A_1612 = vector.broadcast %broadcast_in_dim3A_1611 : i32 to vector<16xi32>
      %lt3A_1613 = arith.constant 0 : i32
      %lt3A_1614 = vector.broadcast %lt3A_1613 : i32 to vector<16xi32>
      %lt3A_1615 = arith.cmpi slt, %broadcast_in_dim3A_1612, %lt3A_1614 : vector<16xi32>
      %add3A_1616 = arith.constant 16 : i32
      %add3A_1617 = vector.broadcast %add3A_1616 : i32 to vector<16xi32>
      %add3A_1618 = arith.addi %broadcast_in_dim3A_1612, %add3A_1617 : vector<16xi32>
      %select_n3A_1619 = arith.select %lt3A_1615, %add3A_1618, %broadcast_in_dim3A_1612 : vector<16xi1>, vector<16xi32>
      %reshape3A_1620 = vector.shape_cast %select_n3A_1619 : vector<16xi32> to vector<16x1xi32>
      %gather3A_1621 = vector.shape_cast %reshape3A_1620 : vector<16x1xi32> to vector<16xi32>
      %gather3A_1622 = tpu.dynamic_gather %get3A_148[%gather3A_1621] in [0] : vector<16xf32>, vector<16xi32> -> vector<16xf32>
      %mul3A_1623 = arith.mulf %min3A_1004, %min3A_1010 : vector<16xf32>
      %mul3A_1624 = arith.mulf %gather3A_1550, %min3A_1004 : vector<16xf32>
      %add3A_1625 = arith.addf %gather3A_1538, %mul3A_1624 : vector<16xf32>
      %mul3A_1626 = arith.mulf %gather3A_1562, %min3A_1010 : vector<16xf32>
      %add3A_1627 = arith.addf %add3A_1625, %mul3A_1626 : vector<16xf32>
      %mul3A_1628 = arith.mulf %gather3A_1586, %mul3A_1623 : vector<16xf32>
      %add3A_1629 = arith.addf %add3A_1627, %mul3A_1628 : vector<16xf32>
      %mul3A_1630 = arith.mulf %gather3A_1598, %min3A_1004 : vector<16xf32>
      %add3A_1631 = arith.addf %gather3A_1574, %mul3A_1630 : vector<16xf32>
      %mul3A_1632 = arith.mulf %gather3A_1610, %min3A_1010 : vector<16xf32>
      %add3A_1633 = arith.addf %add3A_1631, %mul3A_1632 : vector<16xf32>
      %mul3A_1634 = arith.mulf %gather3A_1622, %mul3A_1623 : vector<16xf32>
      %add3A_1635 = arith.addf %add3A_1633, %mul3A_1634 : vector<16xf32>
      %get3A_1636 = arith.constant 20 : i32
      %get3A_1637 = arith.index_cast %get3A_1636 : i32 to index
      %get3A_1638 = arith.index_cast %mul3A_124 : i32 to index
      %get3A_1639 = tpu.vector_load %arg5[%get3A_1637, %get3A_1638] {strides = array<i32>} : memref<24x512xf32, #tpu.memory_space<vmem>>, vector<1x16xf32>,
      %get3A_1640 = vector.shape_cast %get3A_1639 : vector<1x16xf32> to vector<16xf32>
      %mul3A_1641 = arith.mulf %add3A_1635, %min3A_1016 : vector<16xf32>
      %add3A_1642 = arith.addf %add3A_1629, %mul3A_1641 : vector<16xf32>
      %ge3A_1643 = arith.constant 0.000000e+00 : f32
      %ge3A_1644 = vector.broadcast %ge3A_1643 : f32 to vector<16xf32>
      %ge3A_1645 = arith.cmpf oge, %get3A_1640, %ge3A_1644 : vector<16xf32>
      %min3A_1646 = arith.constant 1.000000e+00 : f32
      %min3A_1647 = vector.broadcast %min3A_1646 : f32 to vector<16xf32>
      %min3A_1648 = arith.minimumf %get3A_1640, %min3A_1647 : vector<16xf32>
      %add3A_1649 = arith.constant 9.99999997E-7 : f32
      %add3A_1650 = vector.broadcast %add3A_1649 : f32 to vector<16xf32>
      %add3A_1651 = arith.addf %min3A_1648, %add3A_1650 : vector<16xf32>
      %select_n3A_1652 = arith.select %ge3A_1645, %add3A_1651, %add3A_1642 : vector<16xi1>, vector<16xf32>
      %broadcast_in_dim3A_1653 = arith.constant 0 : i32
      %broadcast_in_dim3A_1654 = vector.broadcast %broadcast_in_dim3A_1653 : i32 to vector<16xi32>
      %lt3A_1655 = arith.constant 0 : i32
      %lt3A_1656 = vector.broadcast %lt3A_1655 : i32 to vector<16xi32>
      %lt3A_1657 = arith.cmpi slt, %broadcast_in_dim3A_1654, %lt3A_1656 : vector<16xi32>
      %add3A_1658 = arith.constant 16 : i32
      %add3A_1659 = vector.broadcast %add3A_1658 : i32 to vector<16xi32>
      %add3A_1660 = arith.addi %broadcast_in_dim3A_1654, %add3A_1659 : vector<16xi32>
      %select_n3A_1661 = arith.select %lt3A_1657, %add3A_1660, %broadcast_in_dim3A_1654 : vector<16xi1>, vector<16xi32>
      %reshape3A_1662 = vector.shape_cast %select_n3A_1661 : vector<16xi32> to vector<16x1xi32>
      %gather3A_1663 = vector.shape_cast %reshape3A_1662 : vector<16x1xi32> to vector<16xi32>
      %gather3A_1664 = tpu.dynamic_gather %get3A_153[%gather3A_1663] in [0] : vector<16xf32>, vector<16xi32> -> vector<16xf32>
      %broadcast_in_dim3A_1665 = arith.constant 1 : i32
      %broadcast_in_dim3A_1666 = vector.broadcast %broadcast_in_dim3A_1665 : i32 to vector<16xi32>
      %lt3A_1667 = arith.constant 0 : i32
      %lt3A_1668 = vector.broadcast %lt3A_1667 : i32 to vector<16xi32>
      %lt3A_1669 = arith.cmpi slt, %broadcast_in_dim3A_1666, %lt3A_1668 : vector<16xi32>
      %add3A_1670 = arith.constant 16 : i32
      %add3A_1671 = vector.broadcast %add3A_1670 : i32 to vector<16xi32>
      %add3A_1672 = arith.addi %broadcast_in_dim3A_1666, %add3A_1671 : vector<16xi32>
      %select_n3A_1673 = arith.select %lt3A_1669, %add3A_1672, %broadcast_in_dim3A_1666 : vector<16xi1>, vector<16xi32>
      %reshape3A_1674 = vector.shape_cast %select_n3A_1673 : vector<16xi32> to vector<16x1xi32>
      %gather3A_1675 = vector.shape_cast %reshape3A_1674 : vector<16x1xi32> to vector<16xi32>
      %gather3A_1676 = tpu.dynamic_gather %get3A_153[%gather3A_1675] in [0] : vector<16xf32>, vector<16xi32> -> vector<16xf32>
      %broadcast_in_dim3A_1677 = arith.constant 2 : i32
      %broadcast_in_dim3A_1678 = vector.broadcast %broadcast_in_dim3A_1677 : i32 to vector<16xi32>
      %lt3A_1679 = arith.constant 0 : i32
      %lt3A_1680 = vector.broadcast %lt3A_1679 : i32 to vector<16xi32>
      %lt3A_1681 = arith.cmpi slt, %broadcast_in_dim3A_1678, %lt3A_1680 : vector<16xi32>
      %add3A_1682 = arith.constant 16 : i32
      %add3A_1683 = vector.broadcast %add3A_1682 : i32 to vector<16xi32>
      %add3A_1684 = arith.addi %broadcast_in_dim3A_1678, %add3A_1683 : vector<16xi32>
      %select_n3A_1685 = arith.select %lt3A_1681, %add3A_1684, %broadcast_in_dim3A_1678 : vector<16xi1>, vector<16xi32>
      %reshape3A_1686 = vector.shape_cast %select_n3A_1685 : vector<16xi32> to vector<16x1xi32>
      %gather3A_1687 = vector.shape_cast %reshape3A_1686 : vector<16x1xi32> to vector<16xi32>
      %gather3A_1688 = tpu.dynamic_gather %get3A_153[%gather3A_1687] in [0] : vector<16xf32>, vector<16xi32> -> vector<16xf32>
      %broadcast_in_dim3A_1689 = arith.constant 3 : i32
      %broadcast_in_dim3A_1690 = vector.broadcast %broadcast_in_dim3A_1689 : i32 to vector<16xi32>
      %lt3A_1691 = arith.constant 0 : i32
      %lt3A_1692 = vector.broadcast %lt3A_1691 : i32 to vector<16xi32>
      %lt3A_1693 = arith.cmpi slt, %broadcast_in_dim3A_1690, %lt3A_1692 : vector<16xi32>
      %add3A_1694 = arith.constant 16 : i32
      %add3A_1695 = vector.broadcast %add3A_1694 : i32 to vector<16xi32>
      %add3A_1696 = arith.addi %broadcast_in_dim3A_1690, %add3A_1695 : vector<16xi32>
      %select_n3A_1697 = arith.select %lt3A_1693, %add3A_1696, %broadcast_in_dim3A_1690 : vector<16xi1>, vector<16xi32>
      %reshape3A_1698 = vector.shape_cast %select_n3A_1697 : vector<16xi32> to vector<16x1xi32>
      %gather3A_1699 = vector.shape_cast %reshape3A_1698 : vector<16x1xi32> to vector<16xi32>
      %gather3A_1700 = tpu.dynamic_gather %get3A_153[%gather3A_1699] in [0] : vector<16xf32>, vector<16xi32> -> vector<16xf32>
      %broadcast_in_dim3A_1701 = arith.constant 4 : i32
      %broadcast_in_dim3A_1702 = vector.broadcast %broadcast_in_dim3A_1701 : i32 to vector<16xi32>
      %lt3A_1703 = arith.constant 0 : i32
      %lt3A_1704 = vector.broadcast %lt3A_1703 : i32 to vector<16xi32>
      %lt3A_1705 = arith.cmpi slt, %broadcast_in_dim3A_1702, %lt3A_1704 : vector<16xi32>
      %add3A_1706 = arith.constant 16 : i32
      %add3A_1707 = vector.broadcast %add3A_1706 : i32 to vector<16xi32>
      %add3A_1708 = arith.addi %broadcast_in_dim3A_1702, %add3A_1707 : vector<16xi32>
      %select_n3A_1709 = arith.select %lt3A_1705, %add3A_1708, %broadcast_in_dim3A_1702 : vector<16xi1>, vector<16xi32>
      %reshape3A_1710 = vector.shape_cast %select_n3A_1709 : vector<16xi32> to vector<16x1xi32>
      %gather3A_1711 = vector.shape_cast %reshape3A_1710 : vector<16x1xi32> to vector<16xi32>
      %gather3A_1712 = tpu.dynamic_gather %get3A_153[%gather3A_1711] in [0] : vector<16xf32>, vector<16xi32> -> vector<16xf32>
      %broadcast_in_dim3A_1713 = arith.constant 5 : i32
      %broadcast_in_dim3A_1714 = vector.broadcast %broadcast_in_dim3A_1713 : i32 to vector<16xi32>
      %lt3A_1715 = arith.constant 0 : i32
      %lt3A_1716 = vector.broadcast %lt3A_1715 : i32 to vector<16xi32>
      %lt3A_1717 = arith.cmpi slt, %broadcast_in_dim3A_1714, %lt3A_1716 : vector<16xi32>
      %add3A_1718 = arith.constant 16 : i32
      %add3A_1719 = vector.broadcast %add3A_1718 : i32 to vector<16xi32>
      %add3A_1720 = arith.addi %broadcast_in_dim3A_1714, %add3A_1719 : vector<16xi32>
      %select_n3A_1721 = arith.select %lt3A_1717, %add3A_1720, %broadcast_in_dim3A_1714 : vector<16xi1>, vector<16xi32>
      %reshape3A_1722 = vector.shape_cast %select_n3A_1721 : vector<16xi32> to vector<16x1xi32>
      %gather3A_1723 = vector.shape_cast %reshape3A_1722 : vector<16x1xi32> to vector<16xi32>
      %gather3A_1724 = tpu.dynamic_gather %get3A_153[%gather3A_1723] in [0] : vector<16xf32>, vector<16xi32> -> vector<16xf32>
      %broadcast_in_dim3A_1725 = arith.constant 6 : i32
      %broadcast_in_dim3A_1726 = vector.broadcast %broadcast_in_dim3A_1725 : i32 to vector<16xi32>
      %lt3A_1727 = arith.constant 0 : i32
      %lt3A_1728 = vector.broadcast %lt3A_1727 : i32 to vector<16xi32>
      %lt3A_1729 = arith.cmpi slt, %broadcast_in_dim3A_1726, %lt3A_1728 : vector<16xi32>
      %add3A_1730 = arith.constant 16 : i32
      %add3A_1731 = vector.broadcast %add3A_1730 : i32 to vector<16xi32>
      %add3A_1732 = arith.addi %broadcast_in_dim3A_1726, %add3A_1731 : vector<16xi32>
      %select_n3A_1733 = arith.select %lt3A_1729, %add3A_1732, %broadcast_in_dim3A_1726 : vector<16xi1>, vector<16xi32>
      %reshape3A_1734 = vector.shape_cast %select_n3A_1733 : vector<16xi32> to vector<16x1xi32>
      %gather3A_1735 = vector.shape_cast %reshape3A_1734 : vector<16x1xi32> to vector<16xi32>
      %gather3A_1736 = tpu.dynamic_gather %get3A_153[%gather3A_1735] in [0] : vector<16xf32>, vector<16xi32> -> vector<16xf32>
      %broadcast_in_dim3A_1737 = arith.constant 7 : i32
      %broadcast_in_dim3A_1738 = vector.broadcast %broadcast_in_dim3A_1737 : i32 to vector<16xi32>
      %lt3A_1739 = arith.constant 0 : i32
      %lt3A_1740 = vector.broadcast %lt3A_1739 : i32 to vector<16xi32>
      %lt3A_1741 = arith.cmpi slt, %broadcast_in_dim3A_1738, %lt3A_1740 : vector<16xi32>
      %add3A_1742 = arith.constant 16 : i32
      %add3A_1743 = vector.broadcast %add3A_1742 : i32 to vector<16xi32>
      %add3A_1744 = arith.addi %broadcast_in_dim3A_1738, %add3A_1743 : vector<16xi32>
      %select_n3A_1745 = arith.select %lt3A_1741, %add3A_1744, %broadcast_in_dim3A_1738 : vector<16xi1>, vector<16xi32>
      %reshape3A_1746 = vector.shape_cast %select_n3A_1745 : vector<16xi32> to vector<16x1xi32>
      %gather3A_1747 = vector.shape_cast %reshape3A_1746 : vector<16x1xi32> to vector<16xi32>
      %gather3A_1748 = tpu.dynamic_gather %get3A_153[%gather3A_1747] in [0] : vector<16xf32>, vector<16xi32> -> vector<16xf32>
      %mul3A_1749 = arith.mulf %min3A_1010, %min3A_1016 : vector<16xf32>
      %mul3A_1750 = arith.mulf %gather3A_1676, %min3A_1010 : vector<16xf32>
      %add3A_1751 = arith.addf %gather3A_1664, %mul3A_1750 : vector<16xf32>
      %mul3A_1752 = arith.mulf %gather3A_1688, %min3A_1016 : vector<16xf32>
      %add3A_1753 = arith.addf %add3A_1751, %mul3A_1752 : vector<16xf32>
      %mul3A_1754 = arith.mulf %gather3A_1712, %mul3A_1749 : vector<16xf32>
      %add3A_1755 = arith.addf %add3A_1753, %mul3A_1754 : vector<16xf32>
      %mul3A_1756 = arith.mulf %gather3A_1724, %min3A_1010 : vector<16xf32>
      %add3A_1757 = arith.addf %gather3A_1700, %mul3A_1756 : vector<16xf32>
      %mul3A_1758 = arith.mulf %gather3A_1736, %min3A_1016 : vector<16xf32>
      %add3A_1759 = arith.addf %add3A_1757, %mul3A_1758 : vector<16xf32>
      %mul3A_1760 = arith.mulf %gather3A_1748, %mul3A_1749 : vector<16xf32>
      %add3A_1761 = arith.addf %add3A_1759, %mul3A_1760 : vector<16xf32>
      %get3A_1762 = arith.constant 21 : i32
      %get3A_1763 = arith.index_cast %get3A_1762 : i32 to index
      %get3A_1764 = arith.index_cast %mul3A_124 : i32 to index
      %get3A_1765 = tpu.vector_load %arg5[%get3A_1763, %get3A_1764] {strides = array<i32>} : memref<24x512xf32, #tpu.memory_space<vmem>>, vector<1x16xf32>,
      %get3A_1766 = vector.shape_cast %get3A_1765 : vector<1x16xf32> to vector<16xf32>
      %mul3A_1767 = arith.mulf %add3A_1761, %min3A_1022 : vector<16xf32>
      %add3A_1768 = arith.addf %add3A_1755, %mul3A_1767 : vector<16xf32>
      %ge3A_1769 = arith.constant 0.000000e+00 : f32
      %ge3A_1770 = vector.broadcast %ge3A_1769 : f32 to vector<16xf32>
      %ge3A_1771 = arith.cmpf oge, %get3A_1766, %ge3A_1770 : vector<16xf32>
      %min3A_1772 = arith.constant 1.000000e+00 : f32
      %min3A_1773 = vector.broadcast %min3A_1772 : f32 to vector<16xf32>
      %min3A_1774 = arith.minimumf %get3A_1766, %min3A_1773 : vector<16xf32>
      %add3A_1775 = arith.constant 9.99999997E-7 : f32
      %add3A_1776 = vector.broadcast %add3A_1775 : f32 to vector<16xf32>
      %add3A_1777 = arith.addf %min3A_1774, %add3A_1776 : vector<16xf32>
      %select_n3A_1778 = arith.select %ge3A_1771, %add3A_1777, %add3A_1768 : vector<16xi1>, vector<16xf32>
      %broadcast_in_dim3A_1779 = arith.constant 8 : i32
      %broadcast_in_dim3A_1780 = vector.broadcast %broadcast_in_dim3A_1779 : i32 to vector<16xi32>
      %lt3A_1781 = arith.constant 0 : i32
      %lt3A_1782 = vector.broadcast %lt3A_1781 : i32 to vector<16xi32>
      %lt3A_1783 = arith.cmpi slt, %broadcast_in_dim3A_1780, %lt3A_1782 : vector<16xi32>
      %add3A_1784 = arith.constant 16 : i32
      %add3A_1785 = vector.broadcast %add3A_1784 : i32 to vector<16xi32>
      %add3A_1786 = arith.addi %broadcast_in_dim3A_1780, %add3A_1785 : vector<16xi32>
      %select_n3A_1787 = arith.select %lt3A_1783, %add3A_1786, %broadcast_in_dim3A_1780 : vector<16xi1>, vector<16xi32>
      %reshape3A_1788 = vector.shape_cast %select_n3A_1787 : vector<16xi32> to vector<16x1xi32>
      %gather3A_1789 = vector.shape_cast %reshape3A_1788 : vector<16x1xi32> to vector<16xi32>
      %gather3A_1790 = tpu.dynamic_gather %get3A_153[%gather3A_1789] in [0] : vector<16xf32>, vector<16xi32> -> vector<16xf32>
      %broadcast_in_dim3A_1791 = arith.constant 9 : i32
      %broadcast_in_dim3A_1792 = vector.broadcast %broadcast_in_dim3A_1791 : i32 to vector<16xi32>
      %lt3A_1793 = arith.constant 0 : i32
      %lt3A_1794 = vector.broadcast %lt3A_1793 : i32 to vector<16xi32>
      %lt3A_1795 = arith.cmpi slt, %broadcast_in_dim3A_1792, %lt3A_1794 : vector<16xi32>
      %add3A_1796 = arith.constant 16 : i32
      %add3A_1797 = vector.broadcast %add3A_1796 : i32 to vector<16xi32>
      %add3A_1798 = arith.addi %broadcast_in_dim3A_1792, %add3A_1797 : vector<16xi32>
      %select_n3A_1799 = arith.select %lt3A_1795, %add3A_1798, %broadcast_in_dim3A_1792 : vector<16xi1>, vector<16xi32>
      %reshape3A_1800 = vector.shape_cast %select_n3A_1799 : vector<16xi32> to vector<16x1xi32>
      %gather3A_1801 = vector.shape_cast %reshape3A_1800 : vector<16x1xi32> to vector<16xi32>
      %gather3A_1802 = tpu.dynamic_gather %get3A_153[%gather3A_1801] in [0] : vector<16xf32>, vector<16xi32> -> vector<16xf32>
      %broadcast_in_dim3A_1803 = arith.constant 10 : i32
      %broadcast_in_dim3A_1804 = vector.broadcast %broadcast_in_dim3A_1803 : i32 to vector<16xi32>
      %lt3A_1805 = arith.constant 0 : i32
      %lt3A_1806 = vector.broadcast %lt3A_1805 : i32 to vector<16xi32>
      %lt3A_1807 = arith.cmpi slt, %broadcast_in_dim3A_1804, %lt3A_1806 : vector<16xi32>
      %add3A_1808 = arith.constant 16 : i32
      %add3A_1809 = vector.broadcast %add3A_1808 : i32 to vector<16xi32>
      %add3A_1810 = arith.addi %broadcast_in_dim3A_1804, %add3A_1809 : vector<16xi32>
      %select_n3A_1811 = arith.select %lt3A_1807, %add3A_1810, %broadcast_in_dim3A_1804 : vector<16xi1>, vector<16xi32>
      %reshape3A_1812 = vector.shape_cast %select_n3A_1811 : vector<16xi32> to vector<16x1xi32>
      %gather3A_1813 = vector.shape_cast %reshape3A_1812 : vector<16x1xi32> to vector<16xi32>
      %gather3A_1814 = tpu.dynamic_gather %get3A_153[%gather3A_1813] in [0] : vector<16xf32>, vector<16xi32> -> vector<16xf32>
      %broadcast_in_dim3A_1815 = arith.constant 11 : i32
      %broadcast_in_dim3A_1816 = vector.broadcast %broadcast_in_dim3A_1815 : i32 to vector<16xi32>
      %lt3A_1817 = arith.constant 0 : i32
      %lt3A_1818 = vector.broadcast %lt3A_1817 : i32 to vector<16xi32>
      %lt3A_1819 = arith.cmpi slt, %broadcast_in_dim3A_1816, %lt3A_1818 : vector<16xi32>
      %add3A_1820 = arith.constant 16 : i32
      %add3A_1821 = vector.broadcast %add3A_1820 : i32 to vector<16xi32>
      %add3A_1822 = arith.addi %broadcast_in_dim3A_1816, %add3A_1821 : vector<16xi32>
      %select_n3A_1823 = arith.select %lt3A_1819, %add3A_1822, %broadcast_in_dim3A_1816 : vector<16xi1>, vector<16xi32>
      %reshape3A_1824 = vector.shape_cast %select_n3A_1823 : vector<16xi32> to vector<16x1xi32>
      %gather3A_1825 = vector.shape_cast %reshape3A_1824 : vector<16x1xi32> to vector<16xi32>
      %gather3A_1826 = tpu.dynamic_gather %get3A_153[%gather3A_1825] in [0] : vector<16xf32>, vector<16xi32> -> vector<16xf32>
      %broadcast_in_dim3A_1827 = arith.constant 12 : i32
      %broadcast_in_dim3A_1828 = vector.broadcast %broadcast_in_dim3A_1827 : i32 to vector<16xi32>
      %lt3A_1829 = arith.constant 0 : i32
      %lt3A_1830 = vector.broadcast %lt3A_1829 : i32 to vector<16xi32>
      %lt3A_1831 = arith.cmpi slt, %broadcast_in_dim3A_1828, %lt3A_1830 : vector<16xi32>
      %add3A_1832 = arith.constant 16 : i32
      %add3A_1833 = vector.broadcast %add3A_1832 : i32 to vector<16xi32>
      %add3A_1834 = arith.addi %broadcast_in_dim3A_1828, %add3A_1833 : vector<16xi32>
      %select_n3A_1835 = arith.select %lt3A_1831, %add3A_1834, %broadcast_in_dim3A_1828 : vector<16xi1>, vector<16xi32>
      %reshape3A_1836 = vector.shape_cast %select_n3A_1835 : vector<16xi32> to vector<16x1xi32>
      %gather3A_1837 = vector.shape_cast %reshape3A_1836 : vector<16x1xi32> to vector<16xi32>
      %gather3A_1838 = tpu.dynamic_gather %get3A_153[%gather3A_1837] in [0] : vector<16xf32>, vector<16xi32> -> vector<16xf32>
      %broadcast_in_dim3A_1839 = arith.constant 13 : i32
      %broadcast_in_dim3A_1840 = vector.broadcast %broadcast_in_dim3A_1839 : i32 to vector<16xi32>
      %lt3A_1841 = arith.constant 0 : i32
      %lt3A_1842 = vector.broadcast %lt3A_1841 : i32 to vector<16xi32>
      %lt3A_1843 = arith.cmpi slt, %broadcast_in_dim3A_1840, %lt3A_1842 : vector<16xi32>
      %add3A_1844 = arith.constant 16 : i32
      %add3A_1845 = vector.broadcast %add3A_1844 : i32 to vector<16xi32>
      %add3A_1846 = arith.addi %broadcast_in_dim3A_1840, %add3A_1845 : vector<16xi32>
      %select_n3A_1847 = arith.select %lt3A_1843, %add3A_1846, %broadcast_in_dim3A_1840 : vector<16xi1>, vector<16xi32>
      %reshape3A_1848 = vector.shape_cast %select_n3A_1847 : vector<16xi32> to vector<16x1xi32>
      %gather3A_1849 = vector.shape_cast %reshape3A_1848 : vector<16x1xi32> to vector<16xi32>
      %gather3A_1850 = tpu.dynamic_gather %get3A_153[%gather3A_1849] in [0] : vector<16xf32>, vector<16xi32> -> vector<16xf32>
      %broadcast_in_dim3A_1851 = arith.constant 14 : i32
      %broadcast_in_dim3A_1852 = vector.broadcast %broadcast_in_dim3A_1851 : i32 to vector<16xi32>
      %lt3A_1853 = arith.constant 0 : i32
      %lt3A_1854 = vector.broadcast %lt3A_1853 : i32 to vector<16xi32>
      %lt3A_1855 = arith.cmpi slt, %broadcast_in_dim3A_1852, %lt3A_1854 : vector<16xi32>
      %add3A_1856 = arith.constant 16 : i32
      %add3A_1857 = vector.broadcast %add3A_1856 : i32 to vector<16xi32>
      %add3A_1858 = arith.addi %broadcast_in_dim3A_1852, %add3A_1857 : vector<16xi32>
      %select_n3A_1859 = arith.select %lt3A_1855, %add3A_1858, %broadcast_in_dim3A_1852 : vector<16xi1>, vector<16xi32>
      %reshape3A_1860 = vector.shape_cast %select_n3A_1859 : vector<16xi32> to vector<16x1xi32>
      %gather3A_1861 = vector.shape_cast %reshape3A_1860 : vector<16x1xi32> to vector<16xi32>
      %gather3A_1862 = tpu.dynamic_gather %get3A_153[%gather3A_1861] in [0] : vector<16xf32>, vector<16xi32> -> vector<16xf32>
      %broadcast_in_dim3A_1863 = arith.constant 15 : i32
      %broadcast_in_dim3A_1864 = vector.broadcast %broadcast_in_dim3A_1863 : i32 to vector<16xi32>
      %lt3A_1865 = arith.constant 0 : i32
      %lt3A_1866 = vector.broadcast %lt3A_1865 : i32 to vector<16xi32>
      %lt3A_1867 = arith.cmpi slt, %broadcast_in_dim3A_1864, %lt3A_1866 : vector<16xi32>
      %add3A_1868 = arith.constant 16 : i32
      %add3A_1869 = vector.broadcast %add3A_1868 : i32 to vector<16xi32>
      %add3A_1870 = arith.addi %broadcast_in_dim3A_1864, %add3A_1869 : vector<16xi32>
      %select_n3A_1871 = arith.select %lt3A_1867, %add3A_1870, %broadcast_in_dim3A_1864 : vector<16xi1>, vector<16xi32>
      %reshape3A_1872 = vector.shape_cast %select_n3A_1871 : vector<16xi32> to vector<16x1xi32>
      %gather3A_1873 = vector.shape_cast %reshape3A_1872 : vector<16x1xi32> to vector<16xi32>
      %gather3A_1874 = tpu.dynamic_gather %get3A_153[%gather3A_1873] in [0] : vector<16xf32>, vector<16xi32> -> vector<16xf32>
      %mul3A_1875 = arith.mulf %min3A_1016, %min3A_1022 : vector<16xf32>
      %mul3A_1876 = arith.mulf %gather3A_1802, %min3A_1016 : vector<16xf32>
      %add3A_1877 = arith.addf %gather3A_1790, %mul3A_1876 : vector<16xf32>
      %mul3A_1878 = arith.mulf %gather3A_1814, %min3A_1022 : vector<16xf32>
      %add3A_1879 = arith.addf %add3A_1877, %mul3A_1878 : vector<16xf32>
      %mul3A_1880 = arith.mulf %gather3A_1838, %mul3A_1875 : vector<16xf32>
      %add3A_1881 = arith.addf %add3A_1879, %mul3A_1880 : vector<16xf32>
      %mul3A_1882 = arith.mulf %gather3A_1850, %min3A_1016 : vector<16xf32>
      %add3A_1883 = arith.addf %gather3A_1826, %mul3A_1882 : vector<16xf32>
      %mul3A_1884 = arith.mulf %gather3A_1862, %min3A_1022 : vector<16xf32>
      %add3A_1885 = arith.addf %add3A_1883, %mul3A_1884 : vector<16xf32>
      %mul3A_1886 = arith.mulf %gather3A_1874, %mul3A_1875 : vector<16xf32>
      %add3A_1887 = arith.addf %add3A_1885, %mul3A_1886 : vector<16xf32>
      %get3A_1888 = arith.constant 22 : i32
      %get3A_1889 = arith.index_cast %get3A_1888 : i32 to index
      %get3A_1890 = arith.index_cast %mul3A_124 : i32 to index
      %get3A_1891 = tpu.vector_load %arg5[%get3A_1889, %get3A_1890] {strides = array<i32>} : memref<24x512xf32, #tpu.memory_space<vmem>>, vector<1x16xf32>,
      %get3A_1892 = vector.shape_cast %get3A_1891 : vector<1x16xf32> to vector<16xf32>
      %mul3A_1893 = arith.mulf %add3A_1887, %min3A_980 : vector<16xf32>
      %add3A_1894 = arith.addf %add3A_1881, %mul3A_1893 : vector<16xf32>
      %ge3A_1895 = arith.constant 0.000000e+00 : f32
      %ge3A_1896 = vector.broadcast %ge3A_1895 : f32 to vector<16xf32>
      %ge3A_1897 = arith.cmpf oge, %get3A_1892, %ge3A_1896 : vector<16xf32>
      %min3A_1898 = arith.constant 1.000000e+00 : f32
      %min3A_1899 = vector.broadcast %min3A_1898 : f32 to vector<16xf32>
      %min3A_1900 = arith.minimumf %get3A_1892, %min3A_1899 : vector<16xf32>
      %add3A_1901 = arith.constant 9.99999997E-7 : f32
      %add3A_1902 = vector.broadcast %add3A_1901 : f32 to vector<16xf32>
      %add3A_1903 = arith.addf %min3A_1900, %add3A_1902 : vector<16xf32>
      %select_n3A_1904 = arith.select %ge3A_1897, %add3A_1903, %add3A_1894 : vector<16xi1>, vector<16xf32>
      %broadcast_in_dim3A_1905 = arith.constant 0 : i32
      %broadcast_in_dim3A_1906 = vector.broadcast %broadcast_in_dim3A_1905 : i32 to vector<16xi32>
      %lt3A_1907 = arith.constant 0 : i32
      %lt3A_1908 = vector.broadcast %lt3A_1907 : i32 to vector<16xi32>
      %lt3A_1909 = arith.cmpi slt, %broadcast_in_dim3A_1906, %lt3A_1908 : vector<16xi32>
      %add3A_1910 = arith.constant 16 : i32
      %add3A_1911 = vector.broadcast %add3A_1910 : i32 to vector<16xi32>
      %add3A_1912 = arith.addi %broadcast_in_dim3A_1906, %add3A_1911 : vector<16xi32>
      %select_n3A_1913 = arith.select %lt3A_1909, %add3A_1912, %broadcast_in_dim3A_1906 : vector<16xi1>, vector<16xi32>
      %reshape3A_1914 = vector.shape_cast %select_n3A_1913 : vector<16xi32> to vector<16x1xi32>
      %gather3A_1915 = vector.shape_cast %reshape3A_1914 : vector<16x1xi32> to vector<16xi32>
      %gather3A_1916 = tpu.dynamic_gather %get3A_158[%gather3A_1915] in [0] : vector<16xf32>, vector<16xi32> -> vector<16xf32>
      %broadcast_in_dim3A_1917 = arith.constant 1 : i32
      %broadcast_in_dim3A_1918 = vector.broadcast %broadcast_in_dim3A_1917 : i32 to vector<16xi32>
      %lt3A_1919 = arith.constant 0 : i32
      %lt3A_1920 = vector.broadcast %lt3A_1919 : i32 to vector<16xi32>
      %lt3A_1921 = arith.cmpi slt, %broadcast_in_dim3A_1918, %lt3A_1920 : vector<16xi32>
      %add3A_1922 = arith.constant 16 : i32
      %add3A_1923 = vector.broadcast %add3A_1922 : i32 to vector<16xi32>
      %add3A_1924 = arith.addi %broadcast_in_dim3A_1918, %add3A_1923 : vector<16xi32>
      %select_n3A_1925 = arith.select %lt3A_1921, %add3A_1924, %broadcast_in_dim3A_1918 : vector<16xi1>, vector<16xi32>
      %reshape3A_1926 = vector.shape_cast %select_n3A_1925 : vector<16xi32> to vector<16x1xi32>
      %gather3A_1927 = vector.shape_cast %reshape3A_1926 : vector<16x1xi32> to vector<16xi32>
      %gather3A_1928 = tpu.dynamic_gather %get3A_158[%gather3A_1927] in [0] : vector<16xf32>, vector<16xi32> -> vector<16xf32>
      %broadcast_in_dim3A_1929 = arith.constant 2 : i32
      %broadcast_in_dim3A_1930 = vector.broadcast %broadcast_in_dim3A_1929 : i32 to vector<16xi32>
      %lt3A_1931 = arith.constant 0 : i32
      %lt3A_1932 = vector.broadcast %lt3A_1931 : i32 to vector<16xi32>
      %lt3A_1933 = arith.cmpi slt, %broadcast_in_dim3A_1930, %lt3A_1932 : vector<16xi32>
      %add3A_1934 = arith.constant 16 : i32
      %add3A_1935 = vector.broadcast %add3A_1934 : i32 to vector<16xi32>
      %add3A_1936 = arith.addi %broadcast_in_dim3A_1930, %add3A_1935 : vector<16xi32>
      %select_n3A_1937 = arith.select %lt3A_1933, %add3A_1936, %broadcast_in_dim3A_1930 : vector<16xi1>, vector<16xi32>
      %reshape3A_1938 = vector.shape_cast %select_n3A_1937 : vector<16xi32> to vector<16x1xi32>
      %gather3A_1939 = vector.shape_cast %reshape3A_1938 : vector<16x1xi32> to vector<16xi32>
      %gather3A_1940 = tpu.dynamic_gather %get3A_158[%gather3A_1939] in [0] : vector<16xf32>, vector<16xi32> -> vector<16xf32>
      %broadcast_in_dim3A_1941 = arith.constant 3 : i32
      %broadcast_in_dim3A_1942 = vector.broadcast %broadcast_in_dim3A_1941 : i32 to vector<16xi32>
      %lt3A_1943 = arith.constant 0 : i32
      %lt3A_1944 = vector.broadcast %lt3A_1943 : i32 to vector<16xi32>
      %lt3A_1945 = arith.cmpi slt, %broadcast_in_dim3A_1942, %lt3A_1944 : vector<16xi32>
      %add3A_1946 = arith.constant 16 : i32
      %add3A_1947 = vector.broadcast %add3A_1946 : i32 to vector<16xi32>
      %add3A_1948 = arith.addi %broadcast_in_dim3A_1942, %add3A_1947 : vector<16xi32>
      %select_n3A_1949 = arith.select %lt3A_1945, %add3A_1948, %broadcast_in_dim3A_1942 : vector<16xi1>, vector<16xi32>
      %reshape3A_1950 = vector.shape_cast %select_n3A_1949 : vector<16xi32> to vector<16x1xi32>
      %gather3A_1951 = vector.shape_cast %reshape3A_1950 : vector<16x1xi32> to vector<16xi32>
      %gather3A_1952 = tpu.dynamic_gather %get3A_158[%gather3A_1951] in [0] : vector<16xf32>, vector<16xi32> -> vector<16xf32>
      %broadcast_in_dim3A_1953 = arith.constant 4 : i32
      %broadcast_in_dim3A_1954 = vector.broadcast %broadcast_in_dim3A_1953 : i32 to vector<16xi32>
      %lt3A_1955 = arith.constant 0 : i32
      %lt3A_1956 = vector.broadcast %lt3A_1955 : i32 to vector<16xi32>
      %lt3A_1957 = arith.cmpi slt, %broadcast_in_dim3A_1954, %lt3A_1956 : vector<16xi32>
      %add3A_1958 = arith.constant 16 : i32
      %add3A_1959 = vector.broadcast %add3A_1958 : i32 to vector<16xi32>
      %add3A_1960 = arith.addi %broadcast_in_dim3A_1954, %add3A_1959 : vector<16xi32>
      %select_n3A_1961 = arith.select %lt3A_1957, %add3A_1960, %broadcast_in_dim3A_1954 : vector<16xi1>, vector<16xi32>
      %reshape3A_1962 = vector.shape_cast %select_n3A_1961 : vector<16xi32> to vector<16x1xi32>
      %gather3A_1963 = vector.shape_cast %reshape3A_1962 : vector<16x1xi32> to vector<16xi32>
      %gather3A_1964 = tpu.dynamic_gather %get3A_158[%gather3A_1963] in [0] : vector<16xf32>, vector<16xi32> -> vector<16xf32>
      %broadcast_in_dim3A_1965 = arith.constant 5 : i32
      %broadcast_in_dim3A_1966 = vector.broadcast %broadcast_in_dim3A_1965 : i32 to vector<16xi32>
      %lt3A_1967 = arith.constant 0 : i32
      %lt3A_1968 = vector.broadcast %lt3A_1967 : i32 to vector<16xi32>
      %lt3A_1969 = arith.cmpi slt, %broadcast_in_dim3A_1966, %lt3A_1968 : vector<16xi32>
      %add3A_1970 = arith.constant 16 : i32
      %add3A_1971 = vector.broadcast %add3A_1970 : i32 to vector<16xi32>
      %add3A_1972 = arith.addi %broadcast_in_dim3A_1966, %add3A_1971 : vector<16xi32>
      %select_n3A_1973 = arith.select %lt3A_1969, %add3A_1972, %broadcast_in_dim3A_1966 : vector<16xi1>, vector<16xi32>
      %reshape3A_1974 = vector.shape_cast %select_n3A_1973 : vector<16xi32> to vector<16x1xi32>
      %gather3A_1975 = vector.shape_cast %reshape3A_1974 : vector<16x1xi32> to vector<16xi32>
      %gather3A_1976 = tpu.dynamic_gather %get3A_158[%gather3A_1975] in [0] : vector<16xf32>, vector<16xi32> -> vector<16xf32>
      %broadcast_in_dim3A_1977 = arith.constant 6 : i32
      %broadcast_in_dim3A_1978 = vector.broadcast %broadcast_in_dim3A_1977 : i32 to vector<16xi32>
      %lt3A_1979 = arith.constant 0 : i32
      %lt3A_1980 = vector.broadcast %lt3A_1979 : i32 to vector<16xi32>
      %lt3A_1981 = arith.cmpi slt, %broadcast_in_dim3A_1978, %lt3A_1980 : vector<16xi32>
      %add3A_1982 = arith.constant 16 : i32
      %add3A_1983 = vector.broadcast %add3A_1982 : i32 to vector<16xi32>
      %add3A_1984 = arith.addi %broadcast_in_dim3A_1978, %add3A_1983 : vector<16xi32>
      %select_n3A_1985 = arith.select %lt3A_1981, %add3A_1984, %broadcast_in_dim3A_1978 : vector<16xi1>, vector<16xi32>
      %reshape3A_1986 = vector.shape_cast %select_n3A_1985 : vector<16xi32> to vector<16x1xi32>
      %gather3A_1987 = vector.shape_cast %reshape3A_1986 : vector<16x1xi32> to vector<16xi32>
      %gather3A_1988 = tpu.dynamic_gather %get3A_158[%gather3A_1987] in [0] : vector<16xf32>, vector<16xi32> -> vector<16xf32>
      %broadcast_in_dim3A_1989 = arith.constant 7 : i32
      %broadcast_in_dim3A_1990 = vector.broadcast %broadcast_in_dim3A_1989 : i32 to vector<16xi32>
      %lt3A_1991 = arith.constant 0 : i32
      %lt3A_1992 = vector.broadcast %lt3A_1991 : i32 to vector<16xi32>
      %lt3A_1993 = arith.cmpi slt, %broadcast_in_dim3A_1990, %lt3A_1992 : vector<16xi32>
      %add3A_1994 = arith.constant 16 : i32
      %add3A_1995 = vector.broadcast %add3A_1994 : i32 to vector<16xi32>
      %add3A_1996 = arith.addi %broadcast_in_dim3A_1990, %add3A_1995 : vector<16xi32>
      %select_n3A_1997 = arith.select %lt3A_1993, %add3A_1996, %broadcast_in_dim3A_1990 : vector<16xi1>, vector<16xi32>
      %reshape3A_1998 = vector.shape_cast %select_n3A_1997 : vector<16xi32> to vector<16x1xi32>
      %gather3A_1999 = vector.shape_cast %reshape3A_1998 : vector<16x1xi32> to vector<16xi32>
      %gather3A_2000 = tpu.dynamic_gather %get3A_158[%gather3A_1999] in [0] : vector<16xf32>, vector<16xi32> -> vector<16xf32>
      %mul3A_2001 = arith.mulf %min3A_1022, %min3A_980 : vector<16xf32>
      %mul3A_2002 = arith.mulf %gather3A_1928, %min3A_1022 : vector<16xf32>
      %add3A_2003 = arith.addf %gather3A_1916, %mul3A_2002 : vector<16xf32>
      %mul3A_2004 = arith.mulf %gather3A_1940, %min3A_980 : vector<16xf32>
      %add3A_2005 = arith.addf %add3A_2003, %mul3A_2004 : vector<16xf32>
      %mul3A_2006 = arith.mulf %gather3A_1964, %mul3A_2001 : vector<16xf32>
      %add3A_2007 = arith.addf %add3A_2005, %mul3A_2006 : vector<16xf32>
      %mul3A_2008 = arith.mulf %gather3A_1976, %min3A_1022 : vector<16xf32>
      %add3A_2009 = arith.addf %gather3A_1952, %mul3A_2008 : vector<16xf32>
      %mul3A_2010 = arith.mulf %gather3A_1988, %min3A_980 : vector<16xf32>
      %add3A_2011 = arith.addf %add3A_2009, %mul3A_2010 : vector<16xf32>
      %mul3A_2012 = arith.mulf %gather3A_2000, %mul3A_2001 : vector<16xf32>
      %add3A_2013 = arith.addf %add3A_2011, %mul3A_2012 : vector<16xf32>
      %get3A_2014 = arith.constant 23 : i32
      %get3A_2015 = arith.index_cast %get3A_2014 : i32 to index
      %get3A_2016 = arith.index_cast %mul3A_124 : i32 to index
      %get3A_2017 = tpu.vector_load %arg5[%get3A_2015, %get3A_2016] {strides = array<i32>} : memref<24x512xf32, #tpu.memory_space<vmem>>, vector<1x16xf32>,
      %get3A_2018 = vector.shape_cast %get3A_2017 : vector<1x16xf32> to vector<16xf32>
      %mul3A_2019 = arith.mulf %add3A_2013, %min3A_986 : vector<16xf32>
      %add3A_2020 = arith.addf %add3A_2007, %mul3A_2019 : vector<16xf32>
      %ge3A_2021 = arith.constant 0.000000e+00 : f32
      %ge3A_2022 = vector.broadcast %ge3A_2021 : f32 to vector<16xf32>
      %ge3A_2023 = arith.cmpf oge, %get3A_2018, %ge3A_2022 : vector<16xf32>
      %min3A_2024 = arith.constant 1.000000e+00 : f32
      %min3A_2025 = vector.broadcast %min3A_2024 : f32 to vector<16xf32>
      %min3A_2026 = arith.minimumf %get3A_2018, %min3A_2025 : vector<16xf32>
      %add3A_2027 = arith.constant 9.99999997E-7 : f32
      %add3A_2028 = vector.broadcast %add3A_2027 : f32 to vector<16xf32>
      %add3A_2029 = arith.addf %min3A_2026, %add3A_2028 : vector<16xf32>
      %select_n3A_2030 = arith.select %ge3A_2023, %add3A_2029, %add3A_2020 : vector<16xi1>, vector<16xf32>
      %swap3A = arith.constant 0 : i32
      %swap3A_2031 = arith.index_cast %swap3A : i32 to index
      %swap3A_2032 = arith.index_cast %mul3A_124 : i32 to index
      %swap3A_2033 = tpu.vector_load %arg6[%swap3A_2031, %swap3A_2032] {strides = array<i32>} : memref<24x512xf32, #tpu.memory_space<vmem>>, vector<1x16xf32>,
      %swap3A_2034 = vector.shape_cast %swap3A_2033 : vector<1x16xf32> to vector<16xf32>
      %swap3A_2035 = vector.shape_cast %select_n3A_178 : vector<16xf32> to vector<1x16xf32>
      tpu.vector_store %arg6[%swap3A_2031, %swap3A_2032], %swap3A_2035 {strides = array<i32>} : memref<24x512xf32, #tpu.memory_space<vmem>>, vector<1x16xf32>,
      %swap3A_2036 = arith.constant 1 : i32
      %swap3A_2037 = arith.index_cast %swap3A_2036 : i32 to index
      %swap3A_2038 = arith.index_cast %mul3A_124 : i32 to index
      %swap3A_2039 = tpu.vector_load %arg6[%swap3A_2037, %swap3A_2038] {strides = array<i32>} : memref<24x512xf32, #tpu.memory_space<vmem>>, vector<1x16xf32>,
      %swap3A_2040 = vector.shape_cast %swap3A_2039 : vector<1x16xf32> to vector<16xf32>
      %swap3A_2041 = vector.shape_cast %select_n3A_205 : vector<16xf32> to vector<1x16xf32>
      tpu.vector_store %arg6[%swap3A_2037, %swap3A_2038], %swap3A_2041 {strides = array<i32>} : memref<24x512xf32, #tpu.memory_space<vmem>>, vector<1x16xf32>,
      %swap3A_2042 = arith.constant 2 : i32
      %swap3A_2043 = arith.index_cast %swap3A_2042 : i32 to index
      %swap3A_2044 = arith.index_cast %mul3A_124 : i32 to index
      %swap3A_2045 = tpu.vector_load %arg6[%swap3A_2043, %swap3A_2044] {strides = array<i32>} : memref<24x512xf32, #tpu.memory_space<vmem>>, vector<1x16xf32>,
      %swap3A_2046 = vector.shape_cast %swap3A_2045 : vector<1x16xf32> to vector<16xf32>
      %swap3A_2047 = vector.shape_cast %select_n3A_232 : vector<16xf32> to vector<1x16xf32>
      tpu.vector_store %arg6[%swap3A_2043, %swap3A_2044], %swap3A_2047 {strides = array<i32>} : memref<24x512xf32, #tpu.memory_space<vmem>>, vector<1x16xf32>,
      %swap3A_2048 = arith.constant 3 : i32
      %swap3A_2049 = arith.index_cast %swap3A_2048 : i32 to index
      %swap3A_2050 = arith.index_cast %mul3A_124 : i32 to index
      %swap3A_2051 = tpu.vector_load %arg6[%swap3A_2049, %swap3A_2050] {strides = array<i32>} : memref<24x512xf32, #tpu.memory_space<vmem>>, vector<1x16xf32>,
      %swap3A_2052 = vector.shape_cast %swap3A_2051 : vector<1x16xf32> to vector<16xf32>
      %swap3A_2053 = vector.shape_cast %select_n3A_259 : vector<16xf32> to vector<1x16xf32>
      tpu.vector_store %arg6[%swap3A_2049, %swap3A_2050], %swap3A_2053 {strides = array<i32>} : memref<24x512xf32, #tpu.memory_space<vmem>>, vector<1x16xf32>,
      %swap3A_2054 = arith.constant 4 : i32
      %swap3A_2055 = arith.index_cast %swap3A_2054 : i32 to index
      %swap3A_2056 = arith.index_cast %mul3A_124 : i32 to index
      %swap3A_2057 = tpu.vector_load %arg6[%swap3A_2055, %swap3A_2056] {strides = array<i32>} : memref<24x512xf32, #tpu.memory_space<vmem>>, vector<1x16xf32>,
      %swap3A_2058 = vector.shape_cast %swap3A_2057 : vector<1x16xf32> to vector<16xf32>
      %swap3A_2059 = vector.shape_cast %select_n3A_286 : vector<16xf32> to vector<1x16xf32>
      tpu.vector_store %arg6[%swap3A_2055, %swap3A_2056], %swap3A_2059 {strides = array<i32>} : memref<24x512xf32, #tpu.memory_space<vmem>>, vector<1x16xf32>,
      %swap3A_2060 = arith.constant 5 : i32
      %swap3A_2061 = arith.index_cast %swap3A_2060 : i32 to index
      %swap3A_2062 = arith.index_cast %mul3A_124 : i32 to index
      %swap3A_2063 = tpu.vector_load %arg6[%swap3A_2061, %swap3A_2062] {strides = array<i32>} : memref<24x512xf32, #tpu.memory_space<vmem>>, vector<1x16xf32>,
      %swap3A_2064 = vector.shape_cast %swap3A_2063 : vector<1x16xf32> to vector<16xf32>
      %swap3A_2065 = vector.shape_cast %select_n3A_313 : vector<16xf32> to vector<1x16xf32>
      tpu.vector_store %arg6[%swap3A_2061, %swap3A_2062], %swap3A_2065 {strides = array<i32>} : memref<24x512xf32, #tpu.memory_space<vmem>>, vector<1x16xf32>,
      %swap3A_2066 = arith.constant 6 : i32
      %swap3A_2067 = arith.index_cast %swap3A_2066 : i32 to index
      %swap3A_2068 = arith.index_cast %mul3A_124 : i32 to index
      %swap3A_2069 = tpu.vector_load %arg6[%swap3A_2067, %swap3A_2068] {strides = array<i32>} : memref<24x512xf32, #tpu.memory_space<vmem>>, vector<1x16xf32>,
      %swap3A_2070 = vector.shape_cast %swap3A_2069 : vector<1x16xf32> to vector<16xf32>
      %swap3A_2071 = vector.shape_cast %select_n3A_340 : vector<16xf32> to vector<1x16xf32>
      tpu.vector_store %arg6[%swap3A_2067, %swap3A_2068], %swap3A_2071 {strides = array<i32>} : memref<24x512xf32, #tpu.memory_space<vmem>>, vector<1x16xf32>,
      %swap3A_2072 = arith.constant 7 : i32
      %swap3A_2073 = arith.index_cast %swap3A_2072 : i32 to index
      %swap3A_2074 = arith.index_cast %mul3A_124 : i32 to index
      %swap3A_2075 = tpu.vector_load %arg6[%swap3A_2073, %swap3A_2074] {strides = array<i32>} : memref<24x512xf32, #tpu.memory_space<vmem>>, vector<1x16xf32>,
      %swap3A_2076 = vector.shape_cast %swap3A_2075 : vector<1x16xf32> to vector<16xf32>
      %swap3A_2077 = vector.shape_cast %select_n3A_367 : vector<16xf32> to vector<1x16xf32>
      tpu.vector_store %arg6[%swap3A_2073, %swap3A_2074], %swap3A_2077 {strides = array<i32>} : memref<24x512xf32, #tpu.memory_space<vmem>>, vector<1x16xf32>,
      %swap3A_2078 = arith.constant 8 : i32
      %swap3A_2079 = arith.index_cast %swap3A_2078 : i32 to index
      %swap3A_2080 = arith.index_cast %mul3A_124 : i32 to index
      %swap3A_2081 = tpu.vector_load %arg6[%swap3A_2079, %swap3A_2080] {strides = array<i32>} : memref<24x512xf32, #tpu.memory_space<vmem>>, vector<1x16xf32>,
      %swap3A_2082 = vector.shape_cast %swap3A_2081 : vector<1x16xf32> to vector<16xf32>
      %swap3A_2083 = vector.shape_cast %select_n3A_484 : vector<16xf32> to vector<1x16xf32>
      tpu.vector_store %arg6[%swap3A_2079, %swap3A_2080], %swap3A_2083 {strides = array<i32>} : memref<24x512xf32, #tpu.memory_space<vmem>>, vector<1x16xf32>,
      %swap3A_2084 = arith.constant 9 : i32
      %swap3A_2085 = arith.index_cast %swap3A_2084 : i32 to index
      %swap3A_2086 = arith.index_cast %mul3A_124 : i32 to index
      %swap3A_2087 = tpu.vector_load %arg6[%swap3A_2085, %swap3A_2086] {strides = array<i32>} : memref<24x512xf32, #tpu.memory_space<vmem>>, vector<1x16xf32>,
      %swap3A_2088 = vector.shape_cast %swap3A_2087 : vector<1x16xf32> to vector<16xf32>
      %swap3A_2089 = vector.shape_cast %select_n3A_554 : vector<16xf32> to vector<1x16xf32>
      tpu.vector_store %arg6[%swap3A_2085, %swap3A_2086], %swap3A_2089 {strides = array<i32>} : memref<24x512xf32, #tpu.memory_space<vmem>>, vector<1x16xf32>,
      %swap3A_2090 = arith.constant 10 : i32
      %swap3A_2091 = arith.index_cast %swap3A_2090 : i32 to index
      %swap3A_2092 = arith.index_cast %mul3A_124 : i32 to index
      %swap3A_2093 = tpu.vector_load %arg6[%swap3A_2091, %swap3A_2092] {strides = array<i32>} : memref<24x512xf32, #tpu.memory_space<vmem>>, vector<1x16xf32>,
      %swap3A_2094 = vector.shape_cast %swap3A_2093 : vector<1x16xf32> to vector<16xf32>
      %swap3A_2095 = vector.shape_cast %select_n3A_624 : vector<16xf32> to vector<1x16xf32>
      tpu.vector_store %arg6[%swap3A_2091, %swap3A_2092], %swap3A_2095 {strides = array<i32>} : memref<24x512xf32, #tpu.memory_space<vmem>>, vector<1x16xf32>,
      %swap3A_2096 = arith.constant 11 : i32
      %swap3A_2097 = arith.index_cast %swap3A_2096 : i32 to index
      %swap3A_2098 = arith.index_cast %mul3A_124 : i32 to index
      %swap3A_2099 = tpu.vector_load %arg6[%swap3A_2097, %swap3A_2098] {strides = array<i32>} : memref<24x512xf32, #tpu.memory_space<vmem>>, vector<1x16xf32>,
      %swap3A_2100 = vector.shape_cast %swap3A_2099 : vector<1x16xf32> to vector<16xf32>
      %swap3A_2101 = vector.shape_cast %select_n3A_694 : vector<16xf32> to vector<1x16xf32>
      tpu.vector_store %arg6[%swap3A_2097, %swap3A_2098], %swap3A_2101 {strides = array<i32>} : memref<24x512xf32, #tpu.memory_space<vmem>>, vector<1x16xf32>,
      %swap3A_2102 = arith.constant 12 : i32
      %swap3A_2103 = arith.index_cast %swap3A_2102 : i32 to index
      %swap3A_2104 = arith.index_cast %mul3A_124 : i32 to index
      %swap3A_2105 = tpu.vector_load %arg6[%swap3A_2103, %swap3A_2104] {strides = array<i32>} : memref<24x512xf32, #tpu.memory_space<vmem>>, vector<1x16xf32>,
      %swap3A_2106 = vector.shape_cast %swap3A_2105 : vector<1x16xf32> to vector<16xf32>
      %swap3A_2107 = vector.shape_cast %select_n3A_764 : vector<16xf32> to vector<1x16xf32>
      tpu.vector_store %arg6[%swap3A_2103, %swap3A_2104], %swap3A_2107 {strides = array<i32>} : memref<24x512xf32, #tpu.memory_space<vmem>>, vector<1x16xf32>,
      %swap3A_2108 = arith.constant 13 : i32
      %swap3A_2109 = arith.index_cast %swap3A_2108 : i32 to index
      %swap3A_2110 = arith.index_cast %mul3A_124 : i32 to index
      %swap3A_2111 = tpu.vector_load %arg6[%swap3A_2109, %swap3A_2110] {strides = array<i32>} : memref<24x512xf32, #tpu.memory_space<vmem>>, vector<1x16xf32>,
      %swap3A_2112 = vector.shape_cast %swap3A_2111 : vector<1x16xf32> to vector<16xf32>
      %swap3A_2113 = vector.shape_cast %select_n3A_834 : vector<16xf32> to vector<1x16xf32>
      tpu.vector_store %arg6[%swap3A_2109, %swap3A_2110], %swap3A_2113 {strides = array<i32>} : memref<24x512xf32, #tpu.memory_space<vmem>>, vector<1x16xf32>,
      %swap3A_2114 = arith.constant 14 : i32
      %swap3A_2115 = arith.index_cast %swap3A_2114 : i32 to index
      %swap3A_2116 = arith.index_cast %mul3A_124 : i32 to index
      %swap3A_2117 = tpu.vector_load %arg6[%swap3A_2115, %swap3A_2116] {strides = array<i32>} : memref<24x512xf32, #tpu.memory_space<vmem>>, vector<1x16xf32>,
      %swap3A_2118 = vector.shape_cast %swap3A_2117 : vector<1x16xf32> to vector<16xf32>
      %swap3A_2119 = vector.shape_cast %select_n3A_904 : vector<16xf32> to vector<1x16xf32>
      tpu.vector_store %arg6[%swap3A_2115, %swap3A_2116], %swap3A_2119 {strides = array<i32>} : memref<24x512xf32, #tpu.memory_space<vmem>>, vector<1x16xf32>,
      %swap3A_2120 = arith.constant 15 : i32
      %swap3A_2121 = arith.index_cast %swap3A_2120 : i32 to index
      %swap3A_2122 = arith.index_cast %mul3A_124 : i32 to index
      %swap3A_2123 = tpu.vector_load %arg6[%swap3A_2121, %swap3A_2122] {strides = array<i32>} : memref<24x512xf32, #tpu.memory_space<vmem>>, vector<1x16xf32>,
      %swap3A_2124 = vector.shape_cast %swap3A_2123 : vector<1x16xf32> to vector<16xf32>
      %swap3A_2125 = vector.shape_cast %select_n3A_974 : vector<16xf32> to vector<1x16xf32>
      tpu.vector_store %arg6[%swap3A_2121, %swap3A_2122], %swap3A_2125 {strides = array<i32>} : memref<24x512xf32, #tpu.memory_space<vmem>>, vector<1x16xf32>,
      %swap3A_2126 = arith.constant 16 : i32
      %swap3A_2127 = arith.index_cast %swap3A_2126 : i32 to index
      %swap3A_2128 = arith.index_cast %mul3A_124 : i32 to index
      %swap3A_2129 = tpu.vector_load %arg6[%swap3A_2127, %swap3A_2128] {strides = array<i32>} : memref<24x512xf32, #tpu.memory_space<vmem>>, vector<1x16xf32>,
      %swap3A_2130 = vector.shape_cast %swap3A_2129 : vector<1x16xf32> to vector<16xf32>
      %swap3A_2131 = vector.shape_cast %select_n3A_1148 : vector<16xf32> to vector<1x16xf32>
      tpu.vector_store %arg6[%swap3A_2127, %swap3A_2128], %swap3A_2131 {strides = array<i32>} : memref<24x512xf32, #tpu.memory_space<vmem>>, vector<1x16xf32>,
      %swap3A_2132 = arith.constant 17 : i32
      %swap3A_2133 = arith.index_cast %swap3A_2132 : i32 to index
      %swap3A_2134 = arith.index_cast %mul3A_124 : i32 to index
      %swap3A_2135 = tpu.vector_load %arg6[%swap3A_2133, %swap3A_2134] {strides = array<i32>} : memref<24x512xf32, #tpu.memory_space<vmem>>, vector<1x16xf32>,
      %swap3A_2136 = vector.shape_cast %swap3A_2135 : vector<1x16xf32> to vector<16xf32>
      %swap3A_2137 = vector.shape_cast %select_n3A_1274 : vector<16xf32> to vector<1x16xf32>
      tpu.vector_store %arg6[%swap3A_2133, %swap3A_2134], %swap3A_2137 {strides = array<i32>} : memref<24x512xf32, #tpu.memory_space<vmem>>, vector<1x16xf32>,
      %swap3A_2138 = arith.constant 18 : i32
      %swap3A_2139 = arith.index_cast %swap3A_2138 : i32 to index
      %swap3A_2140 = arith.index_cast %mul3A_124 : i32 to index
      %swap3A_2141 = tpu.vector_load %arg6[%swap3A_2139, %swap3A_2140] {strides = array<i32>} : memref<24x512xf32, #tpu.memory_space<vmem>>, vector<1x16xf32>,
      %swap3A_2142 = vector.shape_cast %swap3A_2141 : vector<1x16xf32> to vector<16xf32>
      %swap3A_2143 = vector.shape_cast %select_n3A_1400 : vector<16xf32> to vector<1x16xf32>
      tpu.vector_store %arg6[%swap3A_2139, %swap3A_2140], %swap3A_2143 {strides = array<i32>} : memref<24x512xf32, #tpu.memory_space<vmem>>, vector<1x16xf32>,
      %swap3A_2144 = arith.constant 19 : i32
      %swap3A_2145 = arith.index_cast %swap3A_2144 : i32 to index
      %swap3A_2146 = arith.index_cast %mul3A_124 : i32 to index
      %swap3A_2147 = tpu.vector_load %arg6[%swap3A_2145, %swap3A_2146] {strides = array<i32>} : memref<24x512xf32, #tpu.memory_space<vmem>>, vector<1x16xf32>,
      %swap3A_2148 = vector.shape_cast %swap3A_2147 : vector<1x16xf32> to vector<16xf32>
      %swap3A_2149 = vector.shape_cast %select_n3A_1526 : vector<16xf32> to vector<1x16xf32>
      tpu.vector_store %arg6[%swap3A_2145, %swap3A_2146], %swap3A_2149 {strides = array<i32>} : memref<24x512xf32, #tpu.memory_space<vmem>>, vector<1x16xf32>,
      %swap3A_2150 = arith.constant 20 : i32
      %swap3A_2151 = arith.index_cast %swap3A_2150 : i32 to index
      %swap3A_2152 = arith.index_cast %mul3A_124 : i32 to index
      %swap3A_2153 = tpu.vector_load %arg6[%swap3A_2151, %swap3A_2152] {strides = array<i32>} : memref<24x512xf32, #tpu.memory_space<vmem>>, vector<1x16xf32>,
      %swap3A_2154 = vector.shape_cast %swap3A_2153 : vector<1x16xf32> to vector<16xf32>
      %swap3A_2155 = vector.shape_cast %select_n3A_1652 : vector<16xf32> to vector<1x16xf32>
      tpu.vector_store %arg6[%swap3A_2151, %swap3A_2152], %swap3A_2155 {strides = array<i32>} : memref<24x512xf32, #tpu.memory_space<vmem>>, vector<1x16xf32>,
      %swap3A_2156 = arith.constant 21 : i32
      %swap3A_2157 = arith.index_cast %swap3A_2156 : i32 to index
      %swap3A_2158 = arith.index_cast %mul3A_124 : i32 to index
      %swap3A_2159 = tpu.vector_load %arg6[%swap3A_2157, %swap3A_2158] {strides = array<i32>} : memref<24x512xf32, #tpu.memory_space<vmem>>, vector<1x16xf32>,
      %swap3A_2160 = vector.shape_cast %swap3A_2159 : vector<1x16xf32> to vector<16xf32>
      %swap3A_2161 = vector.shape_cast %select_n3A_1778 : vector<16xf32> to vector<1x16xf32>
      tpu.vector_store %arg6[%swap3A_2157, %swap3A_2158], %swap3A_2161 {strides = array<i32>} : memref<24x512xf32, #tpu.memory_space<vmem>>, vector<1x16xf32>,
      %swap3A_2162 = arith.constant 22 : i32
      %swap3A_2163 = arith.index_cast %swap3A_2162 : i32 to index
      %swap3A_2164 = arith.index_cast %mul3A_124 : i32 to index
      %swap3A_2165 = tpu.vector_load %arg6[%swap3A_2163, %swap3A_2164] {strides = array<i32>} : memref<24x512xf32, #tpu.memory_space<vmem>>, vector<1x16xf32>,
      %swap3A_2166 = vector.shape_cast %swap3A_2165 : vector<1x16xf32> to vector<16xf32>
      %swap3A_2167 = vector.shape_cast %select_n3A_1904 : vector<16xf32> to vector<1x16xf32>
      tpu.vector_store %arg6[%swap3A_2163, %swap3A_2164], %swap3A_2167 {strides = array<i32>} : memref<24x512xf32, #tpu.memory_space<vmem>>, vector<1x16xf32>,
      %swap3A_2168 = arith.constant 23 : i32
      %swap3A_2169 = arith.index_cast %swap3A_2168 : i32 to index
      %swap3A_2170 = arith.index_cast %mul3A_124 : i32 to index
      %swap3A_2171 = tpu.vector_load %arg6[%swap3A_2169, %swap3A_2170] {strides = array<i32>} : memref<24x512xf32, #tpu.memory_space<vmem>>, vector<1x16xf32>,
      %swap3A_2172 = vector.shape_cast %swap3A_2171 : vector<1x16xf32> to vector<16xf32>
      %swap3A_2173 = vector.shape_cast %select_n3A_2030 : vector<16xf32> to vector<1x16xf32>
      tpu.vector_store %arg6[%swap3A_2169, %swap3A_2170], %swap3A_2173 {strides = array<i32>} : memref<24x512xf32, #tpu.memory_space<vmem>>, vector<1x16xf32>,
    }
    %scan3A_79 = arith.constant 16 : i32
    %dma_start3A_80 = arith.constant 0 : i32
    %dma_start3A_81 = arith.constant 256 : i32
    %dma_start3A_82 = tpu.memref_slice %arg6[%dma_start3A_80, %dma_start3A_81] : memref<24x512xf32, #tpu.memory_space<vmem>> -> memref<24x256xf32, #tpu.memory_space<vmem>>
    %dma_start3A_83 = arith.constant 0 : i32
    %dma_start3A_84 = arith.constant 256 : i32
    %dma_start3A_85 = tpu.memref_slice %arg4[%add3A, %dma_start3A_83, %dma_start3A_84] : memref<32x24x512xf32, #tpu.memory_space<hbm>> -> memref<1x24x256xf32, #tpu.memory_space<hbm>>
    %dma_start3A_86 = tpu.memref_squeeze %dma_start3A_85 : memref<1x24x256xf32, #tpu.memory_space<hbm>> -> memref<24x256xf32, #tpu.memory_space<hbm>>
    %dma_start3A_87 = arith.constant 0 : i32
    %dma_start3A_88 = arith.constant 256 : i32
    %dma_start3A_89 = tpu.memref_slice %arg4[%add3A, %dma_start3A_87, %dma_start3A_88] : memref<32x24x512xf32, #tpu.memory_space<hbm>> -> memref<1x24x256xf32, #tpu.memory_space<hbm>>
    %dma_start3A_90 = tpu.memref_squeeze %dma_start3A_89 : memref<1x24x256xf32, #tpu.memory_space<hbm>> -> memref<24x256xf32, #tpu.memory_space<hbm>>
    %dma_start3A_91 = arith.constant 0 : i32
    %dma_start3A_92 = arith.constant 256 : i32
    %dma_start3A_93 = tpu.memref_slice %arg6[%dma_start3A_91, %dma_start3A_92] : memref<24x512xf32, #tpu.memory_space<vmem>> -> memref<24x256xf32, #tpu.memory_space<vmem>>
    tpu.enqueue_dma source(%dma_start3A_93 : memref<24x256xf32, #tpu.memory_space<vmem>>) target(%dma_start3A_90 : memref<24x256xf32, #tpu.memory_space<hbm>>) target_semaphore(%arg9 : memref<!tpu.dma_semaphore, #tpu.memory_space<semaphore_mem>>)
    %dma_wait3A_94 = arith.constant 0 : i32
    %dma_wait3A_95 = arith.constant 0 : i32
    %dma_wait3A_96 = tpu.memref_slice %arg6[%dma_wait3A_94, %dma_wait3A_95] : memref<24x512xf32, #tpu.memory_space<vmem>> -> memref<24x256xf32, #tpu.memory_space<vmem>>
    %dma_wait3A_97 = arith.constant 0 : i32
    %dma_wait3A_98 = arith.constant 0 : i32
    %dma_wait3A_99 = tpu.memref_slice %arg4[%add3A, %dma_wait3A_97, %dma_wait3A_98] : memref<32x24x512xf32, #tpu.memory_space<hbm>> -> memref<1x24x256xf32, #tpu.memory_space<hbm>>
    %dma_wait3A_100 = tpu.memref_squeeze %dma_wait3A_99 : memref<1x24x256xf32, #tpu.memory_space<hbm>> -> memref<24x256xf32, #tpu.memory_space<hbm>>
    %dma_wait3A_101 = arith.constant 0 : i32
    %dma_wait3A_102 = arith.constant 0 : i32
    %dma_wait3A_103 = tpu.memref_slice %arg4[%add3A, %dma_wait3A_101, %dma_wait3A_102] : memref<32x24x512xf32, #tpu.memory_space<hbm>> -> memref<1x24x256xf32, #tpu.memory_space<hbm>>
    %dma_wait3A_104 = tpu.memref_squeeze %dma_wait3A_103 : memref<1x24x256xf32, #tpu.memory_space<hbm>> -> memref<24x256xf32, #tpu.memory_space<hbm>>
    %dma_wait3A_105 = arith.constant 0 : i32
    %dma_wait3A_106 = arith.constant 0 : i32
    %dma_wait3A_107 = tpu.memref_slice %arg6[%dma_wait3A_105, %dma_wait3A_106] : memref<24x512xf32, #tpu.memory_space<vmem>> -> memref<24x256xf32, #tpu.memory_space<vmem>>
    tpu.wait_dma2 semaphore(%arg9 : memref<!tpu.dma_semaphore, #tpu.memory_space<semaphore_mem>>) src(%dma_wait3A_107 : memref<24x256xf32, #tpu.memory_space<vmem>>) dst(%dma_wait3A_104 : memref<24x256xf32, #tpu.memory_space<hbm>>)
    %dma_wait3A_108 = arith.constant 0 : i32
    %dma_wait3A_109 = arith.constant 256 : i32
    %dma_wait3A_110 = tpu.memref_slice %arg6[%dma_wait3A_108, %dma_wait3A_109] : memref<24x512xf32, #tpu.memory_space<vmem>> -> memref<24x256xf32, #tpu.memory_space<vmem>>
    %dma_wait3A_111 = arith.constant 0 : i32
    %dma_wait3A_112 = arith.constant 256 : i32
    %dma_wait3A_113 = tpu.memref_slice %arg4[%add3A, %dma_wait3A_111, %dma_wait3A_112] : memref<32x24x512xf32, #tpu.memory_space<hbm>> -> memref<1x24x256xf32, #tpu.memory_space<hbm>>
    %dma_wait3A_114 = tpu.memref_squeeze %dma_wait3A_113 : memref<1x24x256xf32, #tpu.memory_space<hbm>> -> memref<24x256xf32, #tpu.memory_space<hbm>>
    %dma_wait3A_115 = arith.constant 0 : i32
    %dma_wait3A_116 = arith.constant 256 : i32
    %dma_wait3A_117 = tpu.memref_slice %arg4[%add3A, %dma_wait3A_115, %dma_wait3A_116] : memref<32x24x512xf32, #tpu.memory_space<hbm>> -> memref<1x24x256xf32, #tpu.memory_space<hbm>>
    %dma_wait3A_118 = tpu.memref_squeeze %dma_wait3A_117 : memref<1x24x256xf32, #tpu.memory_space<hbm>> -> memref<24x256xf32, #tpu.memory_space<hbm>>
    %dma_wait3A_119 = arith.constant 0 : i32
    %dma_wait3A_120 = arith.constant 256 : i32
    %dma_wait3A_121 = tpu.memref_slice %arg6[%dma_wait3A_119, %dma_wait3A_120] : memref<24x512xf32, #tpu.memory_space<vmem>> -> memref<24x256xf32, #tpu.memory_space<vmem>>
    tpu.wait_dma2 semaphore(%arg9 : memref<!tpu.dma_semaphore, #tpu.memory_space<semaphore_mem>>) src(%dma_wait3A_121 : memref<24x256xf32, #tpu.memory_space<vmem>>) dst(%dma_wait3A_118 : memref<24x256xf32, #tpu.memory_space<hbm>>)
    return
  }
}

</mosaic_0001>

<sc_bundles>
// kernel: kernel.3.cloned.1.call-start
scs
__scs_entry_jumppad:
0x0: {  	(pc) =	sbr.rel $0x88, $3  }
0x1: {  	(tag) =	ssettag $0x0;
	lr =	simm.s32 $0x1  }
0x2: {  	[smem:$0x3F9D] =	sst lr;
	_ =	strace $0xD0000000  }
0x3: {  	_ = 	snop  }
0x4: {  	_ = 	snop  }
0x5: {  	_ = 	snop  }
0x6: {  	_ = 	snop  }
0x7: {  	_ = 	snop  }
__scs_overlays_trampoline_lowered:
0x8: {  	[smem:$0x3FAC] =	sst s0  }
0x9: {  	[smem:$0x3FAD] =	sst s1  }
0xa: {  	[smem:$0x3FAE] =	sst s2  }
0xb: {  	[smem:$0x3FAF] =	sst s3  }
0xc: {  	[smem:$0x3FB0] =	sst s4  }
0xd: {  	[smem:$0x3FB1] =	sst s5  }
0xe: {  	[smem:$0x3FB2] =	sst s6  }
0xf: {  	[smem:$0x3FB3] =	sst s7  }
0x10: {  	[smem:$0x3FB4] =	sst s8  }
0x11: {  	[smem:$0x3FB5] =	sst s9;
	s0 =	simm.s32 @!p0 $0x0  }
0x12: {  	s1 =	sld [smem:$0x3F9B];
	s0 =	simm.s32 @p0 $0x1  }
0x13: {  	[smem:$0x3FB6] =	sst s0;
	s0 =	simm.s32 @!p1 $0x0  }
0x14: {  	s2 =	sld [smem:$0x3F9A];
	s0 =	simm.s32 @p1 $0x1  }
0x15: {  	[smem:$0x3FB7] =	sst s0;
	s0 =	simm.s32 @!p2 $0x0  }
0x16: {  	s3 =	sld [smem:$0x3FDB];
	s0 =	simm.s32 @p2 $0x1  }
0x17: {  	s4 =	simm.s32 $0x1BF5;
	[smem:$0x3FB9] =	sst s0  }
0x18: {  	s0 =	sld [smem:$0x3F9C];
	_ =	swait.ge [sflag:s4], $0x0  }
0x19: {  	s7 =	sld [smem:$0x3F9D]  }
0x1a: {  	s8 =	sadd.s32 $0xFFFFE003, lr  }
0x1b: {  	s9 =	sadd.s32 $0xFFFFFEF7, lr;
	s5 =	simm.s32 $0xFFFFFFFF;
	p2 =	slt.u32 s8, $0xFFFFF086  }
0x1c: {  	p1 =	slt.u32 s9, $0xF7A;
	s5 =	simm.s32 @!p2 $0x0  }
0x1d: {  	s5 =	simm.s32 @p1 $0x1;
	p0 =	seq.s32 s7, s2  }
0x1e: {  	s7 =	smul.u32 @!p0 $0xF7A, s2;
	p2 =	seq.s32 @!p0 s5, $0x0  }
0x1f: {  	s9 =	smul.u32 $0xF7A, s1;
	s8 =	simm.s32 @!p0 $0x1BF5;
	p2 =	por !p2, p0  }
0x20: {  	[sflag:s8] =	ssyncset.s32 @!p0 $0xFFFFF086;
	s6 =	sadd.s32 @!p0 s3, s7;
	s7 =	simm.s32 @!p0 $0x108  }
0x21: {  	s3 =	sadd.s32 s3, s9;
	s6 =	sadd.s32 @!p0 $0x88, s6;
	s7 =	simm.s32 @p2 $0x1082  }
0x22: {  	[simem:s7], [sflag:s8] =	dma.local @!p0 [hbm:s6], $0xF7A  }
0x23: {  	s9 =	sor.u32 $0xD0000000, s2;
	s6 =	simm.s32 $0x108;
	_ =	swait.ge @!p0 [sflag:s8], $0x0  }
0x24: {  	s3 =	sadd.s32 $0x88, s3;
	s6 =	simm.s32 @!p1 $0x1082;
	[sflag:s4] =	ssyncset.s32 $0xFFFFF086  }
0x25: {  	[simem:s6], [sflag:s4] =	dma.local [hbm:s3], $0xF7A  }
0x26: {  	[smem:$0x3F9D] =	sst s1;
	(tag) =	ssettag s2;
	_ =	strace s9  }
0x27: {  	s1 =	sld [smem:$0x3FAD]  }
0x28: {  	s2 =	sld [smem:$0x3FAE]  }
0x29: {  	s4 =	sld [smem:$0x3FB0]  }
0x2a: {  	p0 =	seq.s32 s5, $0x0;
	s5 =	sld [smem:$0x3FB1]  }
0x2b: {  	s6 =	sld [smem:$0x3FB2]  }
0x2c: {  	s7 =	sld [smem:$0x3FB3]  }
0x2d: {  	s3 =	simm.s32 $0x108;
	s8 =	sld [smem:$0x3FB4]  }
0x2e: {  	s3 =	simm.s32 @!p0 $0x1082;
	s9 =	sld [smem:$0x3FB5]  }
0x2f: {  	lr =	sadd.s32 s0, s3;
	s0 =	sld [smem:$0x3FAC]  }
0x30: {  	s3 =	sld [smem:$0x3FAF]  }
0x31: {  	[smem:$0x3FB8] =	sst s10  }
0x32: {  	s10 =	sld [smem:$0x3FB6];
	_ =	sdelay $0x3  }
0x33: {  	p0 =	seq.s32 s10, $0x1;
	s10 =	sld [smem:$0x3FB8];
	_ =	sdelay $0x3  }
0x34: {  	[smem:$0x3FB8] =	sst s10  }
0x35: {  	s10 =	sld [smem:$0x3FB7];
	_ =	sdelay $0x3  }
0x36: {  	p1 =	seq.s32 s10, $0x1;
	s10 =	sld [smem:$0x3FB8];
	_ =	sdelay $0x3  }
0x37: {  	[smem:$0x3FB8] =	sst s10  }
0x38: {  	s10 =	sld [smem:$0x3FB9]  }
0x39: {  	_ = 	snop;
	(pc) =	sbr.ind lr, $3  }
0x3a: {  	_ = 	snop  }
0x3b: {  	_ = 	snop  }
0x3c: {  	p2 =	seq.s32 s10, $0x1;
	s10 =	sld [smem:$0x3FB8]  }
0x3d: {  	_ =	shalt  }
0x3e: {  	_ =	shalt  }
0x3f: {  	_ =	shalt  }
0x40: {  	_ =	shalt  }
0x41: {  	_ =	shalt  }
0x42: {  	_ =	shalt  }
0x43: {  	_ =	shalt  }
0x44: {  	_ =	shalt  }
0x45: {  	_ =	shalt  }
0x46: {  	_ =	shalt  }
0x47: {  	_ =	shalt  }
0x48: {  	_ =	shalt  }
0x49: {  	_ =	shalt  }
0x4a: {  	_ =	shalt  }
0x4b: {  	_ =	shalt  }
0x4c: {  	_ =	shalt  }
0x4d: {  	_ =	shalt  }
0x4e: {  	_ =	shalt  }
0x4f: {  	_ =	shalt  }
0x50: {  	_ =	shalt  }
0x51: {  	_ =	shalt  }
0x52: {  	_ =	shalt  }
0x53: {  	_ =	shalt  }
0x54: {  	_ =	shalt  }
0x55: {  	_ =	shalt  }
0x56: {  	_ =	shalt  }
0x57: {  	_ =	shalt  }
0x58: {  	_ =	shalt  }
0x59: {  	_ =	shalt  }
0x5a: {  	_ =	shalt  }
0x5b: {  	_ =	shalt  }
0x5c: {  	_ =	shalt  }
0x5d: {  	_ =	shalt  }
0x5e: {  	_ =	shalt  }
0x5f: {  	_ =	shalt  }
0x60: {  	_ =	shalt  }
0x61: {  	_ =	shalt  }
0x62: {  	_ =	shalt  }
0x63: {  	_ =	shalt  }
0x64: {  	_ =	shalt  }
0x65: {  	_ =	shalt  }
0x66: {  	_ =	shalt  }
0x67: {  	_ =	shalt  }
0x68: {  	_ =	shalt  }
0x69: {  	_ =	shalt  }
0x6a: {  	_ =	shalt  }
0x6b: {  	_ =	shalt  }
0x6c: {  	_ =	shalt  }
0x6d: {  	_ =	shalt  }
0x6e: {  	_ =	shalt  }
0x6f: {  	_ =	shalt  }
0x70: {  	_ =	shalt  }
0x71: {  	_ =	shalt  }
0x72: {  	_ =	shalt  }
0x73: {  	_ =	shalt  }
0x74: {  	_ =	shalt  }
0x75: {  	_ =	shalt  }
0x76: {  	_ =	shalt  }
0x77: {  	_ =	shalt  }
0x78: {  	_ =	shalt  }
0x79: {  	_ =	shalt  }
0x7a: {  	_ =	shalt  }
0x7b: {  	_ =	shalt  }
0x7c: {  	_ =	shalt  }
0x7d: {  	_ =	shalt  }
0x7e: {  	_ =	shalt  }
0x7f: {  	_ =	shalt  }
0x80: {  	_ =	shalt  }
0x81: {  	_ =	shalt  }
0x82: {  	_ =	shalt  }
0x83: {  	_ =	shalt  }
0x84: {  	_ =	shalt  }
0x85: {  	_ =	shalt  }
0x86: {  	_ =	shalt  }
0x87: {  	_ =	shalt  }
.Lfunc_end0:
.L_simem_size_0:
called_computation_lowered:
.L_overlay_start_0:
0x88: {  	s2 =	sld [smem:$0x3FD9]  }
0x89: {  	s3 =	sld [smem:$0x3FFE];
	_ =	sdelay $0x1  }
0x8a: {  	s1 =	srdreg.scid  }
0x8b: {  	s0 =	sand.u32 $0x1, s1  }
0x8c: {  	s17 =	sshll.u32 s0, $0xA;
	s2 =	sadd.s32 s3, s2  }
0x8d: {  	s2 =	sadd.s32 s2, s17  }
0x8e: {  	[smem:$0x3FC4] =	sst s2  }
0x8f: {  	_ = 	snop  }
0x90: {  	s2 =	sld [smem:$0x3FD0];
	(tm) =	ssettm $0x1  }
0x91: {  	s18 =	sld [smem:$0x3FFB];
	_ =	sdelay $0x3  }
0x92: {  	_ =	strace s18  }
0x93: {  	s3 =	sld [smem:$0x3FFC];
	_ =	sdelay $0x3  }
0x94: {  	_ =	strace s3  }
0x95: {  	s3 =	sld [smem:$0x3FFD];
	_ =	sdelay $0x3  }
0x96: {  	_ =	strace s3  }
0x97: {  	_ =	strace $0x8FFFFFFF  }
0x98: {  	s19 =	sld [smem:$0x3FDB];
	_ =	sdelay $0x1  }
0x99: {  	s4 =	simm.s32 $_scs_section_size  }
0x9a: {  	s5 =	simm.s32 $_size__tile_overlayer_lowered;
	s6 =	simm.s32 $_tile_overlayer_lowered  }
0x9b: {  	s22 =	simm.s32 $0x1BFF;
	s21 =	sshll.u32 s6, $0x1;
	s3 =	sadd.s32 s4, s19  }
0x9c: {  	s7 =	simm.s32 $0x0;
	s20 =	sshll.u32 s5, $0x1;
	s5 =	sadd.s32 s21, s3  }
0x9d: {  	[timem:s7], [sflag:s22] =	dma.local [hbm:s5], s20  }
0x9e: {  	_ =	swait.ge [sflag:s22], s20  }
0x9f: {  	s4 =	ssub.s32 $0x0, s20;
	[sflag:s22] =	ssyncset.done $0x0  }
0xa0: {  	[sflag:s22] =	ssyncadd.s32 s4;
	_ =	sdelay $0x1  }
0xa1: {  	s23 =	simm.s32 $0x1B8B  }
0xa2: {  	_ =	swait.ge [sflag:s23], $0x1  }
0xa3: {  	[sflag:s23] =	ssyncset.done $0x0  }
0xa4: {  	s25 =	simm.s32 $0x1B8E;
	s24 =	sld [smem:$0x3FFE];
	[sflag:s23] =	ssyncadd.s32 $0xFFFFFFFF  }
0xa5: {  	s26 =	simm.s32 $execute0_lowered;
	[smem:$0x3FD2] =	sst s25  }
0xa6: {  	s5 =	sshll.u32 s26, $0x1;
	_ =	strace $0x80000046;
	[dreg:$0x1] =	wrdreg $0xFFFFFFFF  }
0xa7: {  	s28 =	simm.s32 $_size_execute0_lowered;
	s3 =	sadd.s32 s3, s5;
	[dreg:$0x0] =	wrdreg $0x0  }
0xa8: {  	s5 =	sshll.u32 s28, $0x1;
	[dreg:$0x2] =	wrdreg s3  }
0xa9: {  	[dreg:$0x3] =	wrdreg s5  }
0xaa: {  	[dreg:$0x4] =	wrdreg $0xC0  }
0xab: {  	_ =	task [dreg:s7], $0x5FFFF  }
0xac: {  	[dreg:$0x1] =	wrdreg $0xFFFFFFFF  }
0xad: {  	[dreg:$0x0] =	wrdreg $0x60  }
0xae: {  	[dreg:$0x2] =	wrdreg s2  }
0xaf: {  	[dreg:$0x3] =	wrdreg s24  }
0xb0: {  	[dreg:$0x4] =	wrdreg $0x9  }
0xb1: {  	_ =	task.clear_ibuf [dreg:s7], $0x5FFFF;
	_ =	strace $0x90000046  }
0xb2: {  	s29 =	simm.s32 $0x9;
	_ =	strace $0x80000048  }
0xb3: {  	_ =	swait.ge [sflag:s29], $0x1  }
0xb4: {  	[sflag:s29] =	ssyncadd.s32 $0xFFFFFFFF  }
0xb5: {  	_ =	strace $0x90000048  }
0xb6: {  	_ =	sfence  }
0xb7: {  	s30 =	sld [smem:$0x0];
	_ =	sdelay $0x2  }
0xb8: {  	s31 =	sshll.u32 s1, $0xD;
	s1 =	sshrl.u32 s1, $0x2  }
0xb9: {  	s3 =	sand.u32 $0x4000, s31;
	s1 =	sadd.s32 s1, s30  }
0xba: {  	s0 =	sor.u32 s3, s0;
	s1 =	sshll.u32 s1, $0x11  }
0xbb: {  	s0 =	sor.u32 s1, s0  }
0xbc: {  	s0 =	sadd.s32 $0x8F2B, s0  }
0xbd: {  	[sflag:s0] =	ssyncadd.remote.s32 $0x1  }
0xbe: {  	_ =	sfence.sel $0xFFFF  }
0xbf: {  	[dreg:$0x0] =	wrdreg $0xFFFFFFFF;
	(pc) =	sbr.abs _section_cstart, $3  }
0xc0: {  	[dreg:$0x1] =	wrdreg $0xFFFFFFFF  }
0xc1: {  	_ =	task.clear_ibuf [dreg:s7], $0x2FFFF;
	_ =	strace $0x9FFFFFFF  }
0xc2: {  	(tm) =	ssettm $0x7FFFFFFF  }
0xc3: {  	_ =	shalt  }
tec
execute0_lowered:
.L_overlay_start_1:
0x0: {  	(tag) =	ssettag $0x1  }
0x1: {  	s0 =	rddreg [dreg:$0x0]  }
0x2: {  	s1 =	rddreg [dreg:$0x1]  }
0x3: {  	s3 =	srdreg.scid;
	s4 =	stileid.u32  }
0x4: {  	s2 =	simm.s32 $0x0;
	s19 =	simm.s32 $0x3;
	s20 =	simm.s32 $0x1  }
0x5: {  	s26 =	simm.s32 $0x5800;
	s3 =	sand.u32 $0x1, s3;
	s4 =	sshll.u32 s4, $0x1  }
0x6: {  	s28 =	simm.s32 $0x2;
	s29 =	simm.s32 $0x0;
	s4 =	sor.u32 s3, s4  }
0x7: {  	v0 =	vimm.s32 $0x0;
	[smem:$0x7FF] =	sst s2;
	s5 =	ssub.s32 $0x2, s3;
	s6 =	smul.u32 $0x600, s4  }
0x8: {  	v1 =	vimm.s32 $0x1;
	v2 =	vimm.s32 $0x2;
	v3 =	vimm.s32 $0x3;
	_ =	strace $0x80000047;
	s3 =	sadd.s32 $0xA00, s1;
	s31 =	sshrl.u32 s5, $0x1  }
0x9: {  	v4 =	vimm.s32 $0x4;
	v5 =	vimm.s32 $0x5;
	v6 =	vimm.s32 $0x6;
	s1 =	sadd.s32 $0xC00, s1;
	s8 =	ssub.s32 s5, s31;
	s4 =	sadd.s32 s0, s6  }
0xa: {  	v7 =	vimm.s32 $0x7;
	v8 =	vimm.s32 $0x8;
	v9 =	vimm.s32 $0x9;
	s7 =	sor.u32 $0x100, s6;
	s6 =	sadd.s32 s1, s6;
	s8 =	smax.u32 s8, $0x1  }
0xb: {  	v10 =	vimm.s32 $0xA;
	v11 =	vimm.s32 $0xB;
	v12 =	vimm.s32 $0xC;
	s5 =	sadd.s32 s0, s7;
	s7 =	sadd.s32 s1, s7;
	s9 =	sadd.s32 $0x200, s4  }
0xc: {  	v13 =	vimm.s32 $0xD;
	v14 =	vimm.s32 $0xE;
	v15 =	vimm.s32 $0xF;
	s10 =	sadd.s32 $0x400, s4;
	s11 =	sadd.s32 $0x200, s5;
	s12 =	sadd.s32 $0x400, s5  }
.LBB2_1:
0xd: {  	[tilespmem:s2], [sflag:$0x1] =	stream.linear.gather [hbm4b:s4+s2], $0x800, $0x38;
	[tilespmem:$0x6400] =	vst v63  }
0xe: {  	s0 =	simm.s32 $0x1000  }
0xf: {  	[tilespmem:s0], [sflag:$0x1] =	stream.linear.gather [hbm4b:s9+s2], $0x800, $0x38;
	[tilespmem:$0x6400] =	vst v63  }
0x10: {  	s21 =	simm.s32 $0x2000  }
0x11: {  	[tilespmem:s21], [sflag:$0x1] =	stream.linear.gather [hbm4b:s10+s2], $0x800, $0x38;
	[tilespmem:$0x6400] =	vst v63  }
0x12: {  	s22 =	simm.s32 $0x800  }
0x13: {  	[tilespmem:s22], [sflag:$0x1] =	stream.linear.gather [hbm4b:s5+s2], $0x800, $0x38;
	[tilespmem:$0x6400] =	vst v63  }
0x14: {  	s23 =	simm.s32 $0x1800  }
0x15: {  	[tilespmem:s23], [sflag:$0x1] =	stream.linear.gather [hbm4b:s11+s2], $0x800, $0x38;
	[tilespmem:$0x6400] =	vst v63  }
0x16: {  	s24 =	simm.s32 $0x2800  }
0x17: {  	[tilespmem:s24], [sflag:$0x1] =	stream.linear.gather [hbm4b:s12+s2], $0x800, $0x38;
	[tilespmem:$0x6400] =	vst v63  }
0x18: {  	s25 =	simm.s32 $0x6000  }
0x19: {  	[tilespmem:s25], [sflag:$0x3] =	stream.linear.gather [hbm4b:s3+s2], $0x380, $0x38;
	[tilespmem:$0x6400] =	vst v63  }
0x1a: {  	_ =	swait.ge [sflag:s19], $0x380  }
0x1b: {  	[sflag:s19] =	ssyncset.done $0x0  }
0x1c: {  	[sflag:s19] =	ssyncadd.s32 $0xFFFFFC80  }
0x1d: {  	_ =	swait.ge [sflag:s20], $0x1800  }
0x1e: {  	[sflag:s20] =	ssyncset.done $0x0  }
0x1f: {  	s30 =	simm.s32 $0x0;
	s31 =	simm.s32 $0x0;
	[sflag:s20] =	ssyncadd.s32 $0xFFFFE800  }
.LBB2_2:
0x20: {  	v24 =	vld [tilespmem:$0x6000]  }
0x21: {  	s0 =	sand.u32 $0x70, s31;
	s1 =	sand.u32 $0x400, s30  }
0x22: {  	s0 =	sor.u32 s0, s1  }
0x23: {  	v16 =	vld [tilespmem:s0+$0x0]  }
0x24: {  	v18 =	vld [tilespmem:s0+$0x100]  }
0x25: {  	s17 =	sor.u32 s31, s30;
	v22 =	vld [tilespmem:s0+$0x200];
	v20 =	vperm.xlane v24, v0;
	v23 =	vperm.xlane v24, v1  }
0x26: {  	s25 =	sand.u32 $0xFFFFFC00, s30;
	s15 =	sor.u32 $0x380, s17;
	v34 =	vld [tilespmem:s0+$0x300];
	v26 =	vperm.xlane v24, v2;
	v35 =	vperm.xlane v24, v3  }
0x27: {  	s16 =	sadd.s32 s25, s31;
	v36 =	vld [tilespmem:s15+$0x0];
	v27 =	vperm.xlane v24, v4;
	v30 =	vperm.xlane v24, v5  }
0x28: {  	s14 =	sor.u32 $0x80, s16;
	v56 =	vld [tilespmem:s0+$0x1100];
	v37 =	vperm.xlane v24, v6;
	v40 =	vperm.xlane v24, v7  }
0x29: {  	s13 =	sor.u32 $0x180, s16;
	v17 =	vld [tilespmem:s14+$0x0];
	v31 =	vperm.xlane v24, v9;
	v32 =	vperm.xlane v24, v8  }
0x2a: {  	s1 =	sor.u32 $0x280, s16;
	v21 =	vld [tilespmem:s13+$0x0];
	v47 =	vperm.xlane v24, v13;
	v48 =	vperm.xlane v24, v14  }
0x2b: {  	s18 =	sor.u32 $0x1080, s16;
	v63 =	vld [tilespmem:s1+$0x0];
	v19 =	vmin.f32 v16, $1.000000000e+00;
	vm0 =	vge.f32 v16, $0.0e+00;
	v25 =	vmin.f32 v18, $1.000000000e+00  }
0x2c: {  	s21 =	sor.u32 $0x1180, s16;
	v50 =	vld [tilespmem:s18+$0x0];
	vm8 =	vge.f32 v18, $0.0e+00;
	v28 =	vmin.f32 v22, $1.000000000e+00;
	vm1 =	vge.f32 v22, $0.0e+00  }
0x2d: {  	v61 =	vld [tilespmem:s21+$0x0];
	v38 =	vmin.f32 v34, $1.000000000e+00;
	v39 =	vmin.f32 v36, $1.000000000e+00;
	vm10 =	vge.f32 v34, $0.0e+00  }
0x2e: {  	vm11 =	vge.f32 v36, $0.0e+00;
	v34 =	vperm.xlane v24, v10;
	vm14 =	vge.f32 v56, $0.0e+00  }
0x2f: {  	v19 =	vadd.f32 $9.999999970e-07, v19;
	v62 =	vmin.f32 v17, $1.000000000e+00;
	vm7 =	vge.f32 v17, $0.0e+00  }
0x30: {  	v25 =	vadd.f32 $9.999999970e-07, v25;
	v33 =	vmin.f32 v21, $1.000000000e+00;
	v29 =	vmin.f32 v63, $1.000000000e+00  }
0x31: {  	v28 =	vadd.f32 $9.999999970e-07, v28;
	vm9 =	vge.f32 v21, $0.0e+00;
	vm2 =	vge.f32 v63, $0.0e+00  }
0x32: {  	vm13 =	vge.f32 v50, $0.0e+00;
	vm15 =	vge.f32 v61, $0.0e+00;
	v29 =	vadd.f32 $9.999999970e-07, v29  }
0x33: {  	v16 =	vsel vm0, v19, v20;
	v19 =	vadd.f32 $9.999999970e-07, v62;
	v18 =	vsel vm8, v25, v26  }
0x34: {  	v20 =	vsel vm1, v28, v27;
	v25 =	vadd.f32 $9.999999970e-07, v38;
	v27 =	vadd.f32 $9.999999970e-07, v39  }
0x35: {  	v62 =	vmin.f32 v56, $1.000000000e+00;
	v41 =	vmax.f32 v16, $9.999999970e-07;
	v43 =	vmax.f32 v18, $9.999999970e-07  }
0x36: {  	v45 =	vmax.f32 v20, $9.999999970e-07;
	v63 =	vadd.f32 $9.999999970e-07, v62;
	v17 =	vsel vm7, v19, v23  }
0x37: {  	v19 =	vadd.f32 $9.999999970e-07, v33;
	v23 =	vsel vm10, v25, v37;
	v21 =	vsel vm11, v27, v40  }
0x38: {  	v26 =	vmin.f32 v43, $9.999989860e-01;
	v28 =	vmin.f32 v45, $9.999989860e-01;
	v37 =	vperm.xlane v24, v11  }
0x39: {  	v38 =	vld [tilespmem:$0x6080];
	v40 =	vperm.xlane v24, v12;
	v24 =	vperm.xlane v24, v15;
	v42 =	vmax.f32 v17, $9.999999970e-07  }
0x3a: {  	v22 =	vsel vm9, v19, v35;
	v19 =	vsel vm2, v29, v30;
	v29 =	vmin.f32 v41, $9.999989860e-01  }
0x3b: {  	v45 =	vmin.f32 v61, $1.000000000e+00;
	v25 =	vmin.f32 v42, $9.999989860e-01;
	v31 =	vmul.f32 v31, v29  }
0x3c: {  	v33 =	vmax.f32 v23, $9.999999970e-07;
	v46 =	vmul.f32 v34, v25;
	v39 =	vmul.f32 v25, v29  }
0x3d: {  	v36 =	vmax.f32 v21, $9.999999970e-07;
	v34 =	vmul.f32 v47, v25;
	v25 =	vmul.f32 v26, v25  }
0x3e: {  	v33 =	vmin.f32 v33, $9.999989860e-01;
	v52 =	vperm.xlane v38, v1;
	v53 =	vperm.xlane v38, v0  }
0x3f: {  	v36 =	vmin.f32 v36, $9.999989860e-01;
	v54 =	vperm.xlane v38, v2;
	v55 =	vperm.xlane v38, v3  }
0x40: {  	v44 =	vmax.f32 v22, $9.999999970e-07;
	v57 =	vperm.xlane v38, v5;
	v58 =	vperm.xlane v38, v4  }
0x41: {  	v30 =	vmax.f32 v19, $9.999999970e-07;
	v41 =	vperm.xlane v38, v6;
	v59 =	vperm.xlane v38, v7  }
0x42: {  	v35 =	vld [tilespmem:s0+$0x1000];
	v43 =	vperm.xlane v38, v9;
	v27 =	vmin.f32 v44, $9.999989860e-01;
	v30 =	vmin.f32 v30, $9.999989860e-01  }
0x43: {  	v44 =	vperm.xlane v38, v8;
	v31 =	vadd.f32 v31, v32;
	v37 =	vmul.f32 v37, v39  }
0x44: {  	s23 =	sor.u32 $0x1380, s17;
	v34 =	vadd.f32 v34, v40;
	v32 =	vmul.f32 v48, v26;
	v25 =	vmul.f32 v24, v25  }
0x45: {  	v42 =	vld [tilespmem:s23+$0x0];
	v40 =	vmin.f32 v50, $1.000000000e+00;
	v39 =	vmul.f32 v57, v27;
	v60 =	vmul.f32 v41, v28  }
0x46: {  	v47 =	vld [tilespmem:s0+$0x1200];
	v48 =	vperm.xlane v38, v11;
	v50 =	vperm.xlane v38, v13;
	v40 =	vadd.f32 $9.999999970e-07, v40  }
0x47: {  	v49 =	vmin.f32 v35, $1.000000000e+00;
	v32 =	vadd.f32 v32, v34;
	v34 =	vmul.f32 v52, v26  }
0x48: {  	vm12 =	vge.f32 v35, $0.0e+00;
	v35 =	vmul.f32 v54, v27;
	v26 =	vmul.f32 v27, v26  }
0x49: {  	v31 =	vadd.f32 v46, v31;
	v27 =	vmul.f32 v28, v27;
	v46 =	vperm.xlane v38, v10  }
0x4a: {  	v52 =	vperm.xlane v38, v14;
	vm7 =	vge.f32 v42, $0.0e+00;
	v51 =	vadd.f32 $9.999999970e-07, v49  }
0x4b: {  	s22 =	sor.u32 $0x1280, s16;
	vm4 =	vge.f32 v47, $0.0e+00;
	v31 =	vadd.f32 v37, v31;
	v26 =	vmul.f32 v55, v26  }
0x4c: {  	v54 =	vld [tilespmem:s22+$0x0];
	v25 =	vadd.f32 v25, v32;
	v27 =	vmul.f32 v59, v27;
	v32 =	vmul.f32 v43, v28  }
0x4d: {  	v49 =	vmul.f32 v46, v30;
	v28 =	vmul.f32 v30, v28;
	v24 =	vsel vm12, v51, v31  }
0x4e: {  	v31 =	vadd.f32 v34, v53;
	v34 =	vadd.f32 v39, v58;
	v51 =	vperm.xlane v38, v12  }
0x4f: {  	v28 =	vmul.f32 v48, v28;
	v53 =	vmin.f32 v47, $1.000000000e+00;
	v38 =	vperm.xlane v38, v15  }
0x50: {  	v47 =	vmin.f32 v42, $1.000000000e+00;
	v55 =	vadd.f32 $9.999999970e-07, v53;
	v31 =	vadd.f32 v35, v31  }
0x51: {  	vm5 =	vge.f32 v54, $0.0e+00;
	v48 =	vmax.f32 v24, $9.999999970e-07;
	v34 =	vadd.f32 v60, v34;
	v60 =	vld [tilespmem:s0+$0x1300]  }
0x52: {  	v42 =	vld [tilespmem:$0x6180];
	v35 =	vmul.f32 v50, v30;
	v30 =	vmul.f32 v33, v30;
	v31 =	vadd.f32 v26, v31  }
0x53: {  	v26 =	vsel vm13, v40, v25;
	v27 =	vadd.f32 v27, v34;
	v34 =	vadd.f32 $9.999999970e-07, v45;
	v40 =	vld [tilespmem:$0x6100]  }
0x54: {  	v30 =	vmul.f32 v38, v30;
	v25 =	vsel vm14, v63, v31;
	v31 =	vadd.f32 v32, v44  }
0x55: {  	v27 =	vsel vm15, v34, v27;
	v34 =	vadd.f32 v35, v51;
	v35 =	vmin.f32 v54, $1.000000000e+00  }
0x56: {  	v32 =	vmul.f32 v52, v33;
	v35 =	vadd.f32 $9.999999970e-07, v35;
	v45 =	vmin.f32 v60, $1.000000000e+00  }
0x57: {  	vm6 =	vge.f32 v60, $0.0e+00;
	v50 =	vmax.f32 v25, $9.999999970e-07;
	v60 =	vperm.xlane v42, v3  }
0x58: {  	v51 =	vmax.f32 v27, $9.999999970e-07;
	v56 =	vperm.xlane v40, v1;
	v57 =	vperm.xlane v40, v0  }
0x59: {  	v31 =	vadd.f32 v49, v31;
	v58 =	vperm.xlane v40, v2;
	v59 =	vperm.xlane v40, v3  }
0x5a: {  	v32 =	vadd.f32 v32, v34;
	v61 =	vperm.xlane v40, v5;
	v62 =	vperm.xlane v40, v4  }
0x5b: {  	v46 =	vadd.f32 $9.999999970e-07, v45;
	v63 =	vperm.xlane v40, v6;
	v43 =	vperm.xlane v40, v7  }
0x5c: {  	v49 =	vmax.f32 v26, $9.999999970e-07;
	v54 =	vperm.xlane v40, v8;
	v45 =	vperm.xlane v40, v11  }
0x5d: {  	v41 =	vmin.f32 v51, $9.999989860e-01;
	v34 =	vmul.f32 v56, v33;
	v37 =	vmul.f32 v58, v36  }
0x5e: {  	v28 =	vadd.f32 v28, v31;
	v33 =	vmul.f32 v36, v33;
	v39 =	vmul.f32 v61, v36  }
0x5f: {  	v30 =	vadd.f32 v30, v32;
	v44 =	vmul.f32 v63, v29;
	v29 =	vmul.f32 v36, v29  }
0x60: {  	v61 =	vperm.xlane v42, v6;
	v28 =	vsel vm4, v55, v28;
	v55 =	vperm.xlane v40, v9  }
0x61: {  	v31 =	vadd.f32 v34, v57;
	v32 =	vmul.f32 v59, v33;
	v34 =	vadd.f32 v39, v62  }
0x62: {  	v63 =	vld [tilespmem:s0+$0x2000];
	v29 =	vmul.f32 v43, v29;
	v52 =	vmax.f32 v28, $9.999999970e-07;
	v39 =	vmin.f32 v50, $9.999989860e-01  }
0x63: {  	v43 =	vperm.xlane v40, v10;
	v59 =	vperm.xlane v42, v5;
	v31 =	vadd.f32 v37, v31  }
0x64: {  	v62 =	vperm.xlane v42, v7;
	v50 =	vperm.xlane v42, v0;
	v34 =	vadd.f32 v44, v34  }
0x65: {  	v38 =	vmin.f32 v52, $9.999989860e-01;
	v44 =	vperm.xlane v40, v13;
	v31 =	vadd.f32 v32, v31  }
0x66: {  	v32 =	vsel vm5, v35, v30;
	v29 =	vadd.f32 v29, v34;
	v30 =	vadd.f32 $9.999999970e-07, v47  }
0x67: {  	vm8 =	vge.f32 v63, $0.0e+00;
	v47 =	vperm.xlane v40, v14;
	v31 =	vsel vm6, v46, v31  }
0x68: {  	v33 =	vsel vm7, v30, v29;
	v30 =	vmin.f32 v48, $9.999989860e-01;
	v46 =	vperm.xlane v40, v12  }
0x69: {  	v29 =	vmin.f32 v49, $9.999989860e-01;
	v40 =	vperm.xlane v40, v15;
	v44 =	vmul.f32 v44, v30  }
0x6a: {  	v53 =	vmax.f32 v32, $9.999999970e-07;
	v36 =	vmul.f32 v55, v30;
	v49 =	vmul.f32 v29, v30  }
0x6b: {  	v37 =	vmin.f32 v53, $9.999989860e-01;
	v57 =	vmul.f32 v47, v29;
	v58 =	vmul.f32 v43, v29  }
0x6c: {  	v56 =	vmax.f32 v31, $9.999999970e-07;
	v43 =	vmul.f32 v59, v29;
	v52 =	vmul.f32 v39, v29  }
0x6d: {  	v59 =	vmin.f32 v63, $1.000000000e+00;
	v63 =	vperm.xlane v42, v9;
	v34 =	vmin.f32 v56, $9.999989860e-01  }
0x6e: {  	v56 =	vperm.xlane v42, v2;
	v44 =	vadd.f32 v44, v45;
	v35 =	vadd.f32 v36, v54  }
0x6f: {  	v40 =	vmul.f32 v40, v49;
	v46 =	vmul.f32 v46, v49;
	v43 =	vadd.f32 v43, v60  }
0x70: {  	v36 =	vmul.f32 v61, v39;
	v54 =	vperm.xlane v42, v1;
	v44 =	vadd.f32 v57, v44  }
0x71: {  	v51 =	vld [tilespmem:$0x6200];
	v55 =	vmul.f32 v62, v52;
	v62 =	vperm.xlane v42, v8;
	v35 =	vadd.f32 v58, v35  }
0x72: {  	s24 =	sor.u32 $0x2080, s16;
	v36 =	vadd.f32 v36, v43;
	v57 =	vperm.xlane v42, v4;
	v40 =	vadd.f32 v40, v44  }
0x73: {  	v43 =	vld [tilespmem:s24+$0x0];
	v53 =	vadd.f32 v46, v35;
	v46 =	vmul.f32 v54, v29;
	v44 =	vmul.f32 v56, v39  }
0x74: {  	v48 =	vmax.f32 v33, $9.999999970e-07;
	v45 =	vmul.f32 v57, v52;
	v56 =	vperm.xlane v42, v10  }
0x75: {  	v36 =	vadd.f32 v55, v36;
	v57 =	vperm.xlane v42, v11;
	v52 =	vperm.xlane v42, v12  }
0x76: {  	v35 =	vmin.f32 v48, $9.999989860e-01;
	v54 =	vperm.xlane v51, v14;
	v40 =	vmul.f32 v40, v39  }
0x77: {  	v58 =	vadd.f32 v46, v50;
	v60 =	vmul.f32 v36, v41;
	v46 =	vadd.f32 $9.999999970e-07, v59  }
0x78: {  	s25 =	sor.u32 $0x2180, s16;
	v59 =	vmul.f32 v41, v39;
	vm9 =	vge.f32 v43, $0.0e+00;
	v40 =	vadd.f32 v40, v53  }
0x79: {  	v55 =	vld [tilespmem:s25+$0x0];
	v61 =	vadd.f32 v44, v58;
	v53 =	vperm.xlane v42, v13;
	v58 =	vperm.xlane v42, v14  }
0x7a: {  	v43 =	vmin.f32 v43, $1.000000000e+00;
	v42 =	vperm.xlane v42, v15;
	v49 =	vmul.f32 v52, v59  }
0x7b: {  	v43 =	vadd.f32 $9.999999970e-07, v43;
	v45 =	vadd.f32 v45, v61;
	v61 =	vmul.f32 v56, v41  }
0x7c: {  	v36 =	vsel vm8, v46, v40;
	v40 =	vmul.f32 v58, v41;
	v42 =	vmul.f32 v42, v59  }
0x7d: {  	v59 =	vperm.xlane v51, v2;
	v45 =	vadd.f32 v60, v45;
	v60 =	vmul.f32 v53, v39  }
0x7e: {  	vm11 =	vge.f32 v55, $0.0e+00;
	v56 =	vperm.xlane v51, v1;
	v58 =	vld [tilespmem:s0+$0x2100];
	v39 =	vmul.f32 v63, v39  }
0x7f: {  	v63 =	vperm.xlane v51, v0;
	v50 =	vmul.f32 v59, v38;
	v47 =	vadd.f32 v60, v57  }
0x80: {  	v59 =	vperm.xlane v51, v9;
	v39 =	vadd.f32 v39, v62;
	v62 =	vperm.xlane v51, v5  }
0x81: {  	v57 =	vperm.xlane v51, v3;
	v60 =	vperm.xlane v51, v6;
	v40 =	vadd.f32 v40, v47  }
0x82: {  	v39 =	vadd.f32 v61, v39;
	v44 =	vmul.f32 v62, v41;
	v61 =	vperm.xlane v51, v7  }
0x83: {  	vm10 =	vge.f32 v58, $0.0e+00;
	v47 =	vmul.f32 v56, v41;
	v41 =	vmul.f32 v38, v41  }
0x84: {  	v52 =	vmul.f32 v60, v38;
	v62 =	vperm.xlane v51, v4;
	v40 =	vadd.f32 v42, v40  }
0x85: {  	v60 =	vperm.xlane v51, v10;
	v44 =	vadd.f32 v44, v57;
	v46 =	vadd.f32 v47, v63  }
0x86: {  	v48 =	vmul.f32 v61, v41;
	v49 =	vadd.f32 v49, v39;
	v63 =	vmin.f32 v58, $1.000000000e+00  }
0x87: {  	v41 =	vmul.f32 v62, v41;
	v39 =	vsel vm9, v43, v45;
	v58 =	vperm.xlane v51, v8  }
0x88: {  	v45 =	vld [tilespmem:$0x6280];
	v61 =	vperm.xlane v51, v13;
	v62 =	vperm.xlane v51, v11;
	v47 =	vmin.f32 v55, $1.000000000e+00  }
0x89: {  	v55 =	vmul.f32 v54, v37;
	v42 =	vmul.f32 v60, v37;
	v56 =	vadd.f32 $9.999999970e-07, v63  }
0x8a: {  	v63 =	vperm.xlane v51, v12;
	v44 =	vadd.f32 v52, v44;
	v46 =	vadd.f32 v50, v46  }
0x8b: {  	v51 =	vperm.xlane v51, v15;
	v40 =	vmul.f32 v40, v38  }
0x8c: {  	v44 =	vadd.f32 v48, v44;
	v41 =	vadd.f32 v41, v46;
	v46 =	vmul.f32 v61, v38  }
0x8d: {  	v40 =	vadd.f32 v40, v49;
	v60 =	vperm.xlane v45, v7;
	v52 =	vperm.xlane v45, v1  }
0x8e: {  	v53 =	vperm.xlane v45, v0;
	v57 =	vmul.f32 v44, v37  }
0x8f: {  	v40 =	vsel vm10, v56, v40;
	v44 =	vmul.f32 v59, v38;
	v38 =	vmul.f32 v37, v38  }
0x90: {  	v46 =	vadd.f32 v46, v62;
	v56 =	vperm.xlane v45, v5;
	v59 =	vperm.xlane v45, v6  }
0x91: {  	v61 =	vld [tilespmem:s0+$0x2200];
	v62 =	vmul.f32 v34, v37;
	v41 =	vadd.f32 v57, v41;
	v57 =	vmul.f32 v51, v38  }
0x92: {  	v43 =	vadd.f32 v44, v58;
	v58 =	vperm.xlane v45, v3;
	v44 =	vmul.f32 v56, v37  }
0x93: {  	v38 =	vmul.f32 v63, v38;
	v54 =	vmul.f32 v60, v62  }
0x94: {  	v46 =	vadd.f32 v55, v46;
	v55 =	vperm.xlane v45, v2;
	v37 =	vmul.f32 v52, v37  }
0x95: {  	v47 =	vadd.f32 $9.999999970e-07, v47;
	v48 =	vld [tilespmem:$0x6300];
	v56 =	vperm.xlane v45, v4;
	v60 =	vperm.xlane v45, v10  }
0x96: {  	v52 =	vperm.xlane v45, v15;
	vm12 =	vge.f32 v61, $0.0e+00;
	v49 =	vmin.f32 v61, $1.000000000e+00  }
0x97: {  	v50 =	vld [tilespmem:s0+$0x2300];
	v61 =	vperm.xlane v45, v11;
	v42 =	vadd.f32 v42, v43;
	v46 =	vadd.f32 v57, v46  }
0x98: {  	s16 =	sor.u32 $0x2280, s16;
	v44 =	vadd.f32 v44, v58;
	v43 =	vmul.f32 v59, v34;
	v41 =	vsel vm11, v47, v41  }
0x99: {  	s17 =	sor.u32 $0x2380, s17;
	v57 =	vld [tilespmem:s16+$0x0];
	v37 =	vadd.f32 v37, v53;
	v58 =	vmul.f32 v55, v34;
	v59 =	vperm.xlane v45, v9  }
0x9a: {  	v47 =	vld [tilespmem:s17+$0x0];
	[tilespmem:s0+$0x3000] =	vst v16;
	v55 =	vperm.xlane v48, v0;
	v38 =	vadd.f32 v38, v42;
	v63 =	vmul.f32 v46, v34  }
0x9b: {  	[tilespmem:s14+$0x3000] =	vst v17;
	v42 =	vmul.f32 v56, v62;
	v16 =	vadd.f32 v58, v37;
	v37 =	vperm.xlane v45, v8  }
0x9c: {  	vm14 =	vge.f32 v50, $0.0e+00;
	[tilespmem:s0+$0x3100] =	vst v18;
	v18 =	vperm.xlane v45, v12;
	v62 =	vperm.xlane v45, v13  }
0x9d: {  	v43 =	vadd.f32 v43, v44;
	v53 =	vmul.f32 v59, v34;
	v56 =	vperm.xlane v48, v1;
	[tilespmem:s13+$0x3000] =	vst v22  }
0x9e: {  	v17 =	vadd.f32 $9.999999970e-07, v49;
	v59 =	vperm.xlane v48, v2;
	v44 =	vperm.xlane v48, v7;
	[tilespmem:s0+$0x3200] =	vst v20  }
0x9f: {  	v46 =	vmul.f32 v35, v30;
	v38 =	vadd.f32 v63, v38;
	v43 =	vadd.f32 v54, v43;
	[tilespmem:s1+$0x3000] =	vst v19  }
0xa0: {  	v16 =	vadd.f32 v42, v16;
	v63 =	vperm.xlane v45, v14;
	v20 =	vmul.f32 v35, v34;
	[tilespmem:s0+$0x3300] =	vst v23  }
0xa1: {  	v34 =	vmul.f32 v62, v34;
	v62 =	vperm.xlane v48, v6;
	vm13 =	vge.f32 v57, $0.0e+00;
	[tilespmem:s15+$0x3000] =	vst v21  }
0xa2: {  	v19 =	vmul.f32 v60, v35;
	v54 =	vmin.f32 v57, $1.000000000e+00;
	v57 =	vperm.xlane v48, v5;
	[tilespmem:s0+$0x4000] =	vst v24  }
0xa3: {  	v60 =	vperm.xlane v48, v3;
	v43 =	vmul.f32 v43, v35;
	v17 =	vsel vm12, v17, v38;
	[tilespmem:s18+$0x3000] =	vst v26  }
0xa4: {  	v22 =	vmul.f32 v63, v35;
	v58 =	vadd.f32 v34, v61;
	v63 =	vmul.f32 v57, v35;
	[tilespmem:s0+$0x4100] =	vst v25  }
0xa5: {  	v61 =	vadd.f32 v53, v37;
	v23 =	vmul.f32 v56, v35;
	v51 =	vmul.f32 v62, v30;
	[tilespmem:s21+$0x3000] =	vst v27  }
0xa6: {  	v52 =	vmul.f32 v52, v20;
	v53 =	vperm.xlane v48, v4;
	v49 =	vadd.f32 v63, v60;
	[tilespmem:s0+$0x4200] =	vst v28  }
0xa7: {  	v21 =	vadd.f32 $9.999999970e-07, v54;
	v54 =	vmul.f32 v59, v30;
	v22 =	vadd.f32 v22, v58;
	[tilespmem:s22+$0x3000] =	vst v32  }
0xa8: {  	v23 =	vadd.f32 v23, v55;
	v24 =	vmul.f32 v44, v46;
	v27 =	vadd.f32 v51, v49;
	[tilespmem:s0+$0x4300] =	vst v31  }
0xa9: {  	v18 =	vmul.f32 v18, v20;
	v19 =	vadd.f32 v19, v61;
	v55 =	vadd.f32 v52, v22;
	[tilespmem:s23+$0x3000] =	vst v33  }
0xaa: {  	v57 =	vmul.f32 v53, v46;
	v56 =	vadd.f32 v54, v23;
	v24 =	vadd.f32 v24, v27;
	[tilespmem:s0+$0x5000] =	vst v36  }
0xab: {  	v59 =	vmin.f32 v50, $1.000000000e+00;
	v18 =	vadd.f32 v18, v19;
	v58 =	vmul.f32 v55, v30;
	[tilespmem:s24+$0x3000] =	vst v39  }
0xac: {  	p0 =	sne.s32 s31, $0xF0;
	v16 =	vadd.f32 v43, v16;
	v60 =	vadd.f32 v57, v56;
	v61 =	vmul.f32 v24, v29;
	[tilespmem:s0+$0x5100] =	vst v40  }
.Ltmp0:
0xad: {  	v62 =	vadd.f32 $9.999999970e-07, v59;
	v63 =	vmin.f32 v47, $1.000000000e+00;
	v18 =	vadd.f32 v58, v18;
	[tilespmem:s25+$0x3000] =	vst v41;
	(pc) =	sbr.rel @p0 .LBB2_2-.Ltmp0, $4  }
0xae: {  	v16 =	vsel vm13, v21, v16;
	v20 =	vadd.f32 $9.999999970e-07, v63;
	v21 =	vadd.f32 v61, v60;
	[tilespmem:s0+$0x5200] =	vst v17  }
0xaf: {  	vm15 =	vge.f32 v47, $0.0e+00;
	v17 =	vsel vm14, v62, v18;
	[tilespmem:s16+$0x3000] =	vst v16  }
0xb0: {  	v16 =	vsel vm15, v20, v21;
	[tilespmem:s0+$0x5300] =	vst v17  }
0xb1: {  	s30 =	sadd.s32 $0x80, s30;
	s31 =	sadd.s32 $0x10, s31;
	[tilespmem:s17+$0x3000] =	vst v16  }
0xb2: {  	s0 =	simm.s32 $0x3000  }
0xb3: {  	[hbm4b:s6+s2] =	stream.linear.scatter [tilespmem:s0], [sflag:$0x2], $0x800, $0x38;
	[tilespmem:$0x6400] =	vst v63  }
0xb4: {  	s23 =	sadd.s32 $0x200, s6;
	s1 =	simm.s32 $0x4000  }
0xb5: {  	[hbm4b:s23+s2] =	stream.linear.scatter [tilespmem:s1], [sflag:$0x2], $0x800, $0x38;
	[tilespmem:$0x6400] =	vst v63  }
0xb6: {  	s24 =	sadd.s32 $0x400, s6;
	s25 =	simm.s32 $0x5000  }
0xb7: {  	[hbm4b:s24+s2] =	stream.linear.scatter [tilespmem:s25], [sflag:$0x2], $0x800, $0x38;
	[tilespmem:$0x6400] =	vst v63  }
0xb8: {  	_ =	swait.ge [sflag:s20], $0x1800  }
0xb9: {  	[sflag:s20] =	ssyncset.done $0x0  }
0xba: {  	s30 =	simm.s32 $0x100;
	s31 =	simm.s32 $0x800;
	[sflag:s20] =	ssyncadd.s32 $0xFFFFE800  }
.LBB2_4:
0xbb: {  	v24 =	vld [tilespmem:$0x6000]  }
0xbc: {  	s0 =	sand.u32 $0x70, s30;
	s1 =	sand.u32 $0xC00, s31  }
0xbd: {  	s0 =	sor.u32 s0, s1  }
0xbe: {  	v16 =	vld [tilespmem:s0+$0x0]  }
0xbf: {  	v17 =	vld [tilespmem:s0+$0x80]  }
0xc0: {  	v18 =	vld [tilespmem:s0+$0x100];
	v20 =	vperm.xlane v24, v0;
	v23 =	vperm.xlane v24, v1  }
0xc1: {  	v22 =	vld [tilespmem:s0+$0x200];
	v26 =	vperm.xlane v24, v2;
	v35 =	vperm.xlane v24, v3  }
0xc2: {  	s14 =	sor.u32 s30, s31;
	v63 =	vld [tilespmem:s0+$0x280];
	v27 =	vperm.xlane v24, v4;
	v30 =	vperm.xlane v24, v5  }
0xc3: {  	s13 =	sor.u32 $0x380, s14;
	v34 =	vld [tilespmem:s0+$0x300];
	v37 =	vperm.xlane v24, v6;
	v40 =	vperm.xlane v24, v7  }
0xc4: {  	s25 =	sand.u32 $0xFFFFFC00, s31;
	v36 =	vld [tilespmem:s13+$0x0];
	v31 =	vperm.xlane v24, v9;
	v32 =	vperm.xlane v24, v8  }
0xc5: {  	s15 =	sadd.s32 s30, s25;
	v50 =	vld [tilespmem:s0+$0x1080];
	v47 =	vperm.xlane v24, v13;
	v48 =	vperm.xlane v24, v14  }
0xc6: {  	s1 =	sor.u32 $0x180, s15;
	v56 =	vld [tilespmem:s0+$0x1100];
	v19 =	vmin.f32 v16, $1.000000000e+00;
	vm0 =	vge.f32 v16, $0.0e+00;
	v62 =	vmin.f32 v17, $1.000000000e+00  }
0xc7: {  	s16 =	sor.u32 $0x1180, s15;
	v21 =	vld [tilespmem:s1+$0x0];
	v25 =	vmin.f32 v18, $1.000000000e+00;
	vm7 =	vge.f32 v17, $0.0e+00;
	vm8 =	vge.f32 v18, $0.0e+00  }
0xc8: {  	v61 =	vld [tilespmem:s16+$0x0];
	v28 =	vmin.f32 v22, $1.000000000e+00;
	v29 =	vmin.f32 v63, $1.000000000e+00;
	vm1 =	vge.f32 v22, $0.0e+00  }
0xc9: {  	vm2 =	vge.f32 v63, $0.0e+00;
	v38 =	vmin.f32 v34, $1.000000000e+00;
	v39 =	vmin.f32 v36, $1.000000000e+00  }
0xca: {  	vm10 =	vge.f32 v34, $0.0e+00;
	vm11 =	vge.f32 v36, $0.0e+00;
	v34 =	vperm.xlane v24, v10  }
0xcb: {  	vm13 =	vge.f32 v50, $0.0e+00;
	vm14 =	vge.f32 v56, $0.0e+00;
	v19 =	vadd.f32 $9.999999970e-07, v19  }
0xcc: {  	v25 =	vadd.f32 $9.999999970e-07, v25;
	v33 =	vmin.f32 v21, $1.000000000e+00;
	v28 =	vadd.f32 $9.999999970e-07, v28  }
0xcd: {  	v29 =	vadd.f32 $9.999999970e-07, v29;
	vm9 =	vge.f32 v21, $0.0e+00;
	vm15 =	vge.f32 v61, $0.0e+00  }
0xce: {  	v16 =	vsel vm0, v19, v20;
	v19 =	vadd.f32 $9.999999970e-07, v62;
	v18 =	vsel vm8, v25, v26  }
0xcf: {  	v20 =	vsel vm1, v28, v27;
	v25 =	vadd.f32 $9.999999970e-07, v38;
	v27 =	vadd.f32 $9.999999970e-07, v39  }
0xd0: {  	v62 =	vmin.f32 v56, $1.000000000e+00;
	v41 =	vmax.f32 v16, $9.999999970e-07;
	v43 =	vmax.f32 v18, $9.999999970e-07  }
0xd1: {  	v45 =	vmax.f32 v20, $9.999999970e-07;
	v63 =	vadd.f32 $9.999999970e-07, v62;
	v17 =	vsel vm7, v19, v23  }
0xd2: {  	v19 =	vadd.f32 $9.999999970e-07, v33;
	v23 =	vsel vm10, v25, v37;
	v21 =	vsel vm11, v27, v40  }
0xd3: {  	v26 =	vmin.f32 v43, $9.999989860e-01;
	v28 =	vmin.f32 v45, $9.999989860e-01;
	v37 =	vperm.xlane v24, v11  }
0xd4: {  	v38 =	vld [tilespmem:$0x6080];
	v40 =	vperm.xlane v24, v12;
	v24 =	vperm.xlane v24, v15;
	v42 =	vmax.f32 v17, $9.999999970e-07  }
0xd5: {  	v22 =	vsel vm9, v19, v35;
	v19 =	vsel vm2, v29, v30;
	v29 =	vmin.f32 v41, $9.999989860e-01  }
0xd6: {  	v45 =	vmin.f32 v61, $1.000000000e+00;
	v25 =	vmin.f32 v42, $9.999989860e-01;
	v31 =	vmul.f32 v31, v29  }
0xd7: {  	v33 =	vmax.f32 v23, $9.999999970e-07;
	v46 =	vmul.f32 v34, v25;
	v39 =	vmul.f32 v25, v29  }
0xd8: {  	v36 =	vmax.f32 v21, $9.999999970e-07;
	v34 =	vmul.f32 v47, v25;
	v25 =	vmul.f32 v26, v25  }
0xd9: {  	v33 =	vmin.f32 v33, $9.999989860e-01;
	v52 =	vperm.xlane v38, v1;
	v53 =	vperm.xlane v38, v0  }
0xda: {  	v36 =	vmin.f32 v36, $9.999989860e-01;
	v54 =	vperm.xlane v38, v2;
	v55 =	vperm.xlane v38, v3  }
0xdb: {  	v44 =	vmax.f32 v22, $9.999999970e-07;
	v57 =	vperm.xlane v38, v5;
	v58 =	vperm.xlane v38, v4  }
0xdc: {  	v30 =	vmax.f32 v19, $9.999999970e-07;
	v41 =	vperm.xlane v38, v6;
	v59 =	vperm.xlane v38, v7  }
0xdd: {  	v35 =	vld [tilespmem:s0+$0x1000];
	v43 =	vperm.xlane v38, v9;
	v27 =	vmin.f32 v44, $9.999989860e-01;
	v30 =	vmin.f32 v30, $9.999989860e-01  }
0xde: {  	v44 =	vperm.xlane v38, v8;
	v31 =	vadd.f32 v31, v32;
	v37 =	vmul.f32 v37, v39  }
0xdf: {  	s17 =	sor.u32 $0x1380, s14;
	v34 =	vadd.f32 v34, v40;
	v32 =	vmul.f32 v48, v26;
	v25 =	vmul.f32 v24, v25  }
0xe0: {  	v42 =	vld [tilespmem:s17+$0x0];
	v40 =	vmin.f32 v50, $1.000000000e+00;
	v39 =	vmul.f32 v57, v27;
	v60 =	vmul.f32 v41, v28  }
0xe1: {  	v47 =	vld [tilespmem:s0+$0x1200];
	v48 =	vperm.xlane v38, v11;
	v50 =	vperm.xlane v38, v13;
	v40 =	vadd.f32 $9.999999970e-07, v40  }
0xe2: {  	v49 =	vmin.f32 v35, $1.000000000e+00;
	v32 =	vadd.f32 v32, v34;
	v34 =	vmul.f32 v52, v26  }
0xe3: {  	vm12 =	vge.f32 v35, $0.0e+00;
	v35 =	vmul.f32 v54, v27;
	v26 =	vmul.f32 v27, v26  }
0xe4: {  	v31 =	vadd.f32 v46, v31;
	v27 =	vmul.f32 v28, v27;
	v46 =	vperm.xlane v38, v10  }
0xe5: {  	v52 =	vperm.xlane v38, v14;
	vm7 =	vge.f32 v42, $0.0e+00;
	v51 =	vadd.f32 $9.999999970e-07, v49  }
0xe6: {  	vm4 =	vge.f32 v47, $0.0e+00;
	v31 =	vadd.f32 v37, v31;
	v26 =	vmul.f32 v55, v26  }
0xe7: {  	v54 =	vld [tilespmem:s0+$0x1280];
	v25 =	vadd.f32 v25, v32;
	v27 =	vmul.f32 v59, v27;
	v32 =	vmul.f32 v43, v28  }
0xe8: {  	v49 =	vmul.f32 v46, v30;
	v28 =	vmul.f32 v30, v28;
	v24 =	vsel vm12, v51, v31  }
0xe9: {  	v31 =	vadd.f32 v34, v53;
	v34 =	vadd.f32 v39, v58;
	v51 =	vperm.xlane v38, v12  }
0xea: {  	v28 =	vmul.f32 v48, v28;
	v53 =	vmin.f32 v47, $1.000000000e+00;
	v38 =	vperm.xlane v38, v15  }
0xeb: {  	v47 =	vmin.f32 v42, $1.000000000e+00;
	v55 =	vadd.f32 $9.999999970e-07, v53;
	v31 =	vadd.f32 v35, v31  }
0xec: {  	vm5 =	vge.f32 v54, $0.0e+00;
	v48 =	vmax.f32 v24, $9.999999970e-07;
	v34 =	vadd.f32 v60, v34;
	v60 =	vld [tilespmem:s0+$0x1300]  }
0xed: {  	v42 =	vld [tilespmem:$0x6180];
	v35 =	vmul.f32 v50, v30;
	v30 =	vmul.f32 v33, v30;
	v31 =	vadd.f32 v26, v31  }
0xee: {  	v26 =	vsel vm13, v40, v25;
	v27 =	vadd.f32 v27, v34;
	v34 =	vadd.f32 $9.999999970e-07, v45;
	v40 =	vld [tilespmem:$0x6100]  }
0xef: {  	v30 =	vmul.f32 v38, v30;
	v25 =	vsel vm14, v63, v31;
	v31 =	vadd.f32 v32, v44  }
0xf0: {  	v27 =	vsel vm15, v34, v27;
	v34 =	vadd.f32 v35, v51;
	v35 =	vmin.f32 v54, $1.000000000e+00  }
0xf1: {  	v32 =	vmul.f32 v52, v33;
	v35 =	vadd.f32 $9.999999970e-07, v35;
	v45 =	vmin.f32 v60, $1.000000000e+00  }
0xf2: {  	vm6 =	vge.f32 v60, $0.0e+00;
	v50 =	vmax.f32 v25, $9.999999970e-07;
	v60 =	vperm.xlane v42, v3  }
0xf3: {  	v51 =	vmax.f32 v27, $9.999999970e-07;
	v56 =	vperm.xlane v40, v1;
	v57 =	vperm.xlane v40, v0  }
0xf4: {  	v31 =	vadd.f32 v49, v31;
	v58 =	vperm.xlane v40, v2;
	v59 =	vperm.xlane v40, v3  }
0xf5: {  	v32 =	vadd.f32 v32, v34;
	v61 =	vperm.xlane v40, v5;
	v62 =	vperm.xlane v40, v4  }
0xf6: {  	v46 =	vadd.f32 $9.999999970e-07, v45;
	v63 =	vperm.xlane v40, v6;
	v43 =	vperm.xlane v40, v7  }
0xf7: {  	v49 =	vmax.f32 v26, $9.999999970e-07;
	v54 =	vperm.xlane v40, v8;
	v45 =	vperm.xlane v40, v11  }
0xf8: {  	v41 =	vmin.f32 v51, $9.999989860e-01;
	v34 =	vmul.f32 v56, v33;
	v37 =	vmul.f32 v58, v36  }
0xf9: {  	v28 =	vadd.f32 v28, v31;
	v33 =	vmul.f32 v36, v33;
	v39 =	vmul.f32 v61, v36  }
0xfa: {  	v30 =	vadd.f32 v30, v32;
	v44 =	vmul.f32 v63, v29;
	v29 =	vmul.f32 v36, v29  }
0xfb: {  	v61 =	vperm.xlane v42, v6;
	v28 =	vsel vm4, v55, v28;
	v55 =	vperm.xlane v40, v9  }
0xfc: {  	v31 =	vadd.f32 v34, v57;
	v32 =	vmul.f32 v59, v33;
	v34 =	vadd.f32 v39, v62  }
0xfd: {  	v63 =	vld [tilespmem:s0+$0x2000];
	v29 =	vmul.f32 v43, v29;
	v52 =	vmax.f32 v28, $9.999999970e-07;
	v39 =	vmin.f32 v50, $9.999989860e-01  }
0xfe: {  	v43 =	vperm.xlane v40, v10;
	v59 =	vperm.xlane v42, v5;
	v31 =	vadd.f32 v37, v31  }
0xff: {  	v62 =	vperm.xlane v42, v7;
	v50 =	vperm.xlane v42, v0;
	v34 =	vadd.f32 v44, v34  }
0x100: {  	v38 =	vmin.f32 v52, $9.999989860e-01;
	v44 =	vperm.xlane v40, v13;
	v31 =	vadd.f32 v32, v31  }
0x101: {  	v32 =	vsel vm5, v35, v30;
	v29 =	vadd.f32 v29, v34;
	v30 =	vadd.f32 $9.999999970e-07, v47  }
0x102: {  	vm8 =	vge.f32 v63, $0.0e+00;
	v47 =	vperm.xlane v40, v14;
	v31 =	vsel vm6, v46, v31  }
0x103: {  	v33 =	vsel vm7, v30, v29;
	v30 =	vmin.f32 v48, $9.999989860e-01;
	v46 =	vperm.xlane v40, v12  }
0x104: {  	v29 =	vmin.f32 v49, $9.999989860e-01;
	v40 =	vperm.xlane v40, v15;
	v44 =	vmul.f32 v44, v30  }
0x105: {  	v53 =	vmax.f32 v32, $9.999999970e-07;
	v36 =	vmul.f32 v55, v30;
	v49 =	vmul.f32 v29, v30  }
0x106: {  	v37 =	vmin.f32 v53, $9.999989860e-01;
	v57 =	vmul.f32 v47, v29;
	v58 =	vmul.f32 v43, v29  }
0x107: {  	v56 =	vmax.f32 v31, $9.999999970e-07;
	v43 =	vmul.f32 v59, v29;
	v52 =	vmul.f32 v39, v29  }
0x108: {  	v59 =	vmin.f32 v63, $1.000000000e+00;
	v63 =	vperm.xlane v42, v9;
	v34 =	vmin.f32 v56, $9.999989860e-01  }
0x109: {  	v56 =	vperm.xlane v42, v2;
	v44 =	vadd.f32 v44, v45;
	v35 =	vadd.f32 v36, v54  }
0x10a: {  	v40 =	vmul.f32 v40, v49;
	v46 =	vmul.f32 v46, v49;
	v43 =	vadd.f32 v43, v60  }
0x10b: {  	v36 =	vmul.f32 v61, v39;
	v54 =	vperm.xlane v42, v1;
	v44 =	vadd.f32 v57, v44  }
0x10c: {  	v51 =	vld [tilespmem:$0x6200];
	v55 =	vmul.f32 v62, v52;
	v62 =	vperm.xlane v42, v8;
	v35 =	vadd.f32 v58, v35  }
0x10d: {  	v36 =	vadd.f32 v36, v43;
	v57 =	vperm.xlane v42, v4;
	v40 =	vadd.f32 v40, v44  }
0x10e: {  	v43 =	vld [tilespmem:s0+$0x2080];
	v53 =	vadd.f32 v46, v35;
	v46 =	vmul.f32 v54, v29;
	v44 =	vmul.f32 v56, v39  }
0x10f: {  	v48 =	vmax.f32 v33, $9.999999970e-07;
	v45 =	vmul.f32 v57, v52;
	v56 =	vperm.xlane v42, v10  }
0x110: {  	v36 =	vadd.f32 v55, v36;
	v57 =	vperm.xlane v42, v11;
	v52 =	vperm.xlane v42, v12  }
0x111: {  	v35 =	vmin.f32 v48, $9.999989860e-01;
	v54 =	vperm.xlane v51, v14;
	v40 =	vmul.f32 v40, v39  }
0x112: {  	v58 =	vadd.f32 v46, v50;
	v60 =	vmul.f32 v36, v41;
	v46 =	vadd.f32 $9.999999970e-07, v59  }
0x113: {  	s15 =	sor.u32 $0x2180, s15;
	v59 =	vmul.f32 v41, v39;
	vm9 =	vge.f32 v43, $0.0e+00;
	v40 =	vadd.f32 v40, v53  }
0x114: {  	v55 =	vld [tilespmem:s15+$0x0];
	v61 =	vadd.f32 v44, v58;
	v53 =	vperm.xlane v42, v13;
	v58 =	vperm.xlane v42, v14  }
0x115: {  	v43 =	vmin.f32 v43, $1.000000000e+00;
	v42 =	vperm.xlane v42, v15;
	v49 =	vmul.f32 v52, v59  }
0x116: {  	v43 =	vadd.f32 $9.999999970e-07, v43;
	v45 =	vadd.f32 v45, v61;
	v61 =	vmul.f32 v56, v41  }
0x117: {  	v36 =	vsel vm8, v46, v40;
	v40 =	vmul.f32 v58, v41;
	v42 =	vmul.f32 v42, v59  }
0x118: {  	v59 =	vperm.xlane v51, v2;
	v45 =	vadd.f32 v60, v45;
	v60 =	vmul.f32 v53, v39  }
0x119: {  	vm11 =	vge.f32 v55, $0.0e+00;
	v56 =	vperm.xlane v51, v1;
	v58 =	vld [tilespmem:s0+$0x2100];
	v39 =	vmul.f32 v63, v39  }
0x11a: {  	v63 =	vperm.xlane v51, v0;
	v50 =	vmul.f32 v59, v38;
	v47 =	vadd.f32 v60, v57  }
0x11b: {  	v59 =	vperm.xlane v51, v9;
	v39 =	vadd.f32 v39, v62;
	v62 =	vperm.xlane v51, v5  }
0x11c: {  	v57 =	vperm.xlane v51, v3;
	v60 =	vperm.xlane v51, v6;
	v40 =	vadd.f32 v40, v47  }
0x11d: {  	v39 =	vadd.f32 v61, v39;
	v44 =	vmul.f32 v62, v41;
	v61 =	vperm.xlane v51, v7  }
0x11e: {  	vm10 =	vge.f32 v58, $0.0e+00;
	v47 =	vmul.f32 v56, v41;
	v41 =	vmul.f32 v38, v41  }
0x11f: {  	v52 =	vmul.f32 v60, v38;
	v62 =	vperm.xlane v51, v4;
	v40 =	vadd.f32 v42, v40  }
0x120: {  	v60 =	vperm.xlane v51, v10;
	v44 =	vadd.f32 v44, v57;
	v46 =	vadd.f32 v47, v63  }
0x121: {  	v48 =	vmul.f32 v61, v41;
	v49 =	vadd.f32 v49, v39;
	v63 =	vmin.f32 v58, $1.000000000e+00  }
0x122: {  	v41 =	vmul.f32 v62, v41;
	v39 =	vsel vm9, v43, v45;
	v58 =	vperm.xlane v51, v8  }
0x123: {  	v45 =	vld [tilespmem:$0x6280];
	v61 =	vperm.xlane v51, v13;
	v62 =	vperm.xlane v51, v11;
	v47 =	vmin.f32 v55, $1.000000000e+00  }
0x124: {  	v55 =	vmul.f32 v54, v37;
	v42 =	vmul.f32 v60, v37;
	v56 =	vadd.f32 $9.999999970e-07, v63  }
0x125: {  	v63 =	vperm.xlane v51, v12;
	v44 =	vadd.f32 v52, v44;
	v46 =	vadd.f32 v50, v46  }
0x126: {  	v51 =	vperm.xlane v51, v15;
	v40 =	vmul.f32 v40, v38  }
0x127: {  	v44 =	vadd.f32 v48, v44;
	v41 =	vadd.f32 v41, v46;
	v46 =	vmul.f32 v61, v38  }
0x128: {  	v40 =	vadd.f32 v40, v49;
	v48 =	vmul.f32 v35, v30;
	v60 =	vperm.xlane v45, v7  }
0x129: {  	v52 =	vperm.xlane v45, v1;
	v53 =	vperm.xlane v45, v0  }
0x12a: {  	v57 =	vmul.f32 v44, v37;
	v40 =	vsel vm10, v56, v40;
	v44 =	vmul.f32 v59, v38  }
0x12b: {  	v38 =	vmul.f32 v37, v38;
	v46 =	vadd.f32 v46, v62;
	v56 =	vperm.xlane v45, v5  }
0x12c: {  	v59 =	vperm.xlane v45, v6;
	v62 =	vmul.f32 v34, v37;
	v41 =	vadd.f32 v57, v41  }
0x12d: {  	v61 =	vld [tilespmem:s0+$0x2200];
	v43 =	vadd.f32 v44, v58;
	v57 =	vmul.f32 v51, v38;
	v58 =	vperm.xlane v45, v3  }
0x12e: {  	v44 =	vmul.f32 v56, v37;
	v38 =	vmul.f32 v63, v38  }
0x12f: {  	v46 =	vadd.f32 v55, v46;
	v54 =	vmul.f32 v60, v62;
	v55 =	vperm.xlane v45, v2  }
0x130: {  	v47 =	vadd.f32 $9.999999970e-07, v47;
	v37 =	vmul.f32 v52, v37;
	v56 =	vperm.xlane v45, v4  }
0x131: {  	v60 =	vperm.xlane v45, v9;
	v52 =	vperm.xlane v45, v14;
	v42 =	vadd.f32 v42, v43  }
0x132: {  	vm12 =	vge.f32 v61, $0.0e+00;
	v46 =	vadd.f32 v57, v46;
	v44 =	vadd.f32 v44, v58  }
0x133: {  	s14 =	sor.u32 $0x2380, s14;
	v51 =	vld [tilespmem:s0+$0x2300];
	v43 =	vmul.f32 v59, v34;
	v41 =	vsel vm11, v47, v41;
	v37 =	vadd.f32 v37, v53  }
0x134: {  	v57 =	vmul.f32 v55, v34;
	v47 =	vld [tilespmem:s14+$0x0];
	v58 =	vmin.f32 v61, $1.000000000e+00;
	v61 =	vperm.xlane v45, v10  }
0x135: {  	v53 =	vperm.xlane v45, v15;
	v38 =	vadd.f32 v38, v42;
	v63 =	vmul.f32 v46, v34;
	v46 =	vld [tilespmem:$0x6300];
	[tilespmem:s0+$0x3000] =	vst v16  }
0x136: {  	v43 =	vadd.f32 v43, v44;
	v42 =	vmul.f32 v56, v62;
	v16 =	vadd.f32 v57, v37;
	[tilespmem:s0+$0x3080] =	vst v17  }
0x137: {  	v59 =	vld [tilespmem:s0+$0x2280];
	v44 =	vperm.xlane v45, v8;
	v17 =	vadd.f32 $9.999999970e-07, v58;
	v62 =	vperm.xlane v45, v11;
	[tilespmem:s0+$0x3100] =	vst v18  }
0x138: {  	v18 =	vperm.xlane v45, v12;
	[tilespmem:s1+$0x3000] =	vst v22;
	v22 =	vmul.f32 v52, v35;
	v38 =	vadd.f32 v63, v38  }
0x139: {  	v43 =	vadd.f32 v54, v43;
	v63 =	vperm.xlane v45, v13;
	[tilespmem:s0+$0x3200] =	vst v20;
	v20 =	vmul.f32 v35, v34  }
0x13a: {  	vm14 =	vge.f32 v51, $0.0e+00;
	v54 =	vmul.f32 v60, v34;
	[tilespmem:s0+$0x3280] =	vst v19;
	v19 =	vmul.f32 v61, v35  }
0x13b: {  	v16 =	vadd.f32 v42, v16;
	[tilespmem:s0+$0x3300] =	vst v23;
	v43 =	vmul.f32 v43, v35;
	v34 =	vmul.f32 v63, v34  }
0x13c: {  	vm13 =	vge.f32 v59, $0.0e+00;
	[tilespmem:s13+$0x3000] =	vst v21;
	v52 =	vmul.f32 v53, v20;
	v56 =	vperm.xlane v46, v0  }
0x13d: {  	v55 =	vmin.f32 v59, $1.000000000e+00;
	[tilespmem:s0+$0x4000] =	vst v24;
	v57 =	vperm.xlane v46, v1;
	v58 =	vperm.xlane v46, v5  }
0x13e: {  	v17 =	vsel vm12, v17, v38;
	[tilespmem:s0+$0x4080] =	vst v26;
	v60 =	vperm.xlane v46, v2;
	v61 =	vperm.xlane v46, v3  }
0x13f: {  	v21 =	vadd.f32 $9.999999970e-07, v55;
	[tilespmem:s0+$0x4100] =	vst v25;
	v63 =	vperm.xlane v46, v6;
	v42 =	vmul.f32 v58, v35  }
0x140: {  	[tilespmem:s16+$0x3000] =	vst v27;
	v59 =	vadd.f32 v34, v62;
	v62 =	vadd.f32 v54, v44;
	v44 =	vperm.xlane v46, v7  }
0x141: {  	[tilespmem:s0+$0x4200] =	vst v28;
	v23 =	vmul.f32 v57, v35;
	v50 =	vmul.f32 v63, v30;
	v49 =	vadd.f32 v42, v61  }
0x142: {  	v53 =	vperm.xlane v46, v4;
	[tilespmem:s0+$0x4280] =	vst v32;
	v54 =	vmul.f32 v60, v30;
	v22 =	vadd.f32 v22, v59  }
0x143: {  	[tilespmem:s0+$0x4300] =	vst v31;
	v24 =	vmul.f32 v44, v48;
	v23 =	vadd.f32 v23, v56;
	v27 =	vadd.f32 v50, v49  }
0x144: {  	v18 =	vmul.f32 v18, v20;
	[tilespmem:s17+$0x3000] =	vst v33;
	v19 =	vadd.f32 v19, v62;
	v55 =	vadd.f32 v52, v22  }
0x145: {  	v57 =	vmul.f32 v53, v48;
	[tilespmem:s0+$0x5000] =	vst v36;
	v56 =	vadd.f32 v54, v23;
	v24 =	vadd.f32 v24, v27  }
0x146: {  	v16 =	vadd.f32 v43, v16;
	[tilespmem:s0+$0x5080] =	vst v39;
	v18 =	vadd.f32 v18, v19;
	v58 =	vmul.f32 v55, v30  }
0x147: {  	p0 =	sne.s32 s30, $0x1F0;
	v59 =	vmin.f32 v51, $1.000000000e+00;
	[tilespmem:s0+$0x5100] =	vst v40;
	v60 =	vadd.f32 v57, v56;
	v61 =	vmul.f32 v24, v29  }
.Ltmp1:
0x148: {  	v63 =	vmin.f32 v47, $1.000000000e+00;
	v62 =	vadd.f32 $9.999999970e-07, v59;
	[tilespmem:s15+$0x3000] =	vst v41;
	v18 =	vadd.f32 v58, v18;
	(pc) =	sbr.rel @p0 .LBB2_4-.Ltmp1, $4  }
0x149: {  	v16 =	vsel vm13, v21, v16;
	v20 =	vadd.f32 $9.999999970e-07, v63;
	[tilespmem:s0+$0x5200] =	vst v17;
	v21 =	vadd.f32 v61, v60  }
0x14a: {  	vm15 =	vge.f32 v47, $0.0e+00;
	[tilespmem:s0+$0x5280] =	vst v16;
	v17 =	vsel vm14, v62, v18  }
0x14b: {  	[tilespmem:s0+$0x5300] =	vst v17;
	v16 =	vsel vm15, v20, v21  }
0x14c: {  	s31 =	sadd.s32 $0x80, s31;
	s30 =	sadd.s32 $0x10, s30;
	[tilespmem:s14+$0x3000] =	vst v16  }
0x14d: {  	s0 =	simm.s32 $0x3800  }
0x14e: {  	[hbm4b:s7+s2] =	stream.linear.scatter [tilespmem:s0], [sflag:$0x2], $0x800, $0x38;
	[tilespmem:$0x6400] =	vst v63  }
0x14f: {  	s30 =	sadd.s32 $0x200, s7;
	s1 =	simm.s32 $0x4800  }
0x150: {  	[hbm4b:s30+s2] =	stream.linear.scatter [tilespmem:s1], [sflag:$0x2], $0x800, $0x38;
	[tilespmem:$0x6400] =	vst v63  }
0x151: {  	s31 =	sadd.s32 $0x400, s7;
	s29 =	sadd.s32 $0x1, s29  }
0x152: {  	[hbm4b:s31+s2] =	stream.linear.scatter [tilespmem:s26], [sflag:$0x2], $0x800, $0x38;
	[tilespmem:$0x6400] =	vst v63  }
0x153: {  	p0 =	sne.s32 s29, s8;
	_ =	swait.ge [sflag:s28], $0x1800  }
.Ltmp2:
0x154: {  	[sflag:s28] =	ssyncset.done $0x0;
	(pc) =	sbr.rel @p0 .LBB2_1-.Ltmp2, $4  }
0x155: {  	[sflag:s28] =	ssyncadd.s32 $0xFFFFE800  }
0x156: {  	_ =	swait.ge [sflag:s28], $0x1800  }
0x157: {  	[sflag:s28] =	ssyncset.done $0x0  }
0x158: {  	[sflag:s28] =	ssyncadd.s32 $0xFFFFE800  }
0x159: {  	_ =	sfence.sel $0x180000  }
0x15a: {  	[bflag:$0x0] =	sbarrier.arrive $0xFFFF  }
0x15b: {  	_ =	strace $0x90000047  }
0x15c: {  	s0 =	stileid.u32;
	[bflag:$0x2] =	sbarrier.arrive $0xFFFF  }
0x15d: {  	p0 =	sne.s32 s0, $0x0;
	s0 =	rddreg [dreg:$0x2]  }
0x15e: {  	s0 =	sadd.s32 @!p0 $0x100000, s0  }
0x15f: {  	[sflag:s0] =	ssyncadd.tile.s32 @!p0 $0x1;
	_ =	shalt  }
.Lfunc_end2:
_tile_overlayer_lowered:
.L_overlay_start_2:
0x160: {  	(tag) =	ssettag $0x2  }
0x161: {  	s0 =	rddreg [dreg:$0x0];
	s2 =	stileid.u32  }
0x162: {  	s1 =	rddreg [dreg:$0x1];
	p0 =	sne.s32 s2, $0x0  }
0x163: {  	s3 =	rddreg [dreg:$0x2];
	[bflag:$0x3] =	sbarrier.arrive $0xFFFF;
	s2 =	simm.s32 @!p0 $0x1C03  }
0x164: {  	[timem:s3], [sflag:s2] =	dma.local @!p0 [hbm:s0], s1  }
0x165: {  	s0 =	simm.s32 @!p0 $0x3  }
0x166: {  	_ =	swait.ge @!p0 [sflag:s0], s1  }
0x167: {  	s1 =	ssub.s32 @!p0 $0x0, s1;
	[sflag:s0] =	ssyncset.done @!p0 $0x0  }
0x168: {  	[sflag:s0] =	ssyncadd.s32 @!p0 s1  }
0x169: {  	[bflag:$0x3] =	sbarrier.arrive $0xFFFF  }
0x16a: {  	_ =	shalt  }

</sc_bundles>
